<compile_context>
chip_gen: v7x
topology: tpu7x:2x2x1
jax: 0.10.2.dev20260603
libtpu: 0.0.44.dev20260713+nightly
codegen_flags: <defaults>
</compile_context>

<pallas_src>
import functools

import jax
import jax.numpy as jnp
from jax import lax
from jax.experimental import pallas as pl
from jax.experimental.pallas import tpu as pltpu
from jax.experimental.pallas import tpu_sc as plsc

N_NODES = 10000
N_EDGES = 320000
C_IN = 128
NW = 32
EPT = N_EDGES // NW
K = 32
NCHUNK = 312
KT = 16
ZROWS = 80
NZ = N_NODES // ZROWS
CSTG = 80
CPAD = 10240


def _tables_body(x_ref, w1_ref, w2_ref, bnn_ref, a_ref, b_ref):
    x1 = x_ref[:, :C_IN]
    w2 = w2_ref[...]
    a_ref[...] = (
        jnp.dot(x1, w1_ref[...] - w2, preferred_element_type=jnp.float32)
        + bnn_ref[...]
    )
    b_ref[...] = jnp.dot(x1, w2, preferred_element_type=jnp.float32)


def _cmat_body(attr_ref, w3_ref, c_ref):
    at = attr_ref[...]
    w3 = w3_ref[...]
    c_ref[...] = lax.dot_general(
        at, w3, (((0,), (0,)), ((), ())),
        preferred_element_type=jnp.float32)


def _sc_edges_body(a_hbm, b_hbm, c_hbm, dst_hbm, src_hbm, w_hbm, z_hbm,
                   out_hbm, cnt_hbm,
                   d0, d1, d2, s0, s1, s2, w0, w1, w2,
                   ga0, ga1, ga2, gb0, gb1, gb2, gc0, gc1, gc2,
                   didx_t, sidx_t, cnt_t, acc,
                   sem_i, sem_g, sem_s):
    cid = lax.axis_index("c")
    sid = lax.axis_index("s")
    wid = sid * 2 + cid
    didx = (d0, d1, d2)
    sidx = (s0, s1, s2)
    wbuf = (w0, w1, w2)
    ga = (ga0, ga1, ga2)
    gb = (gb0, gb1, gb2)
    gc = (gc0, gc1, gc2)

    zv = jnp.zeros((16,), jnp.float32)
    ov = jnp.ones((16,), jnp.float32)

    for t in range((NZ + 15) // 16):
        c = sid + 16 * t

        @pl.when(c < NZ)
        def _zero_chunk():
            row0 = pl.multiple_of(c * ZROWS, 8)
            pltpu.sync_copy(z_hbm, acc.at[pl.ds(row0, ZROWS)])

    def _zcnt(r, carry):
        cnt_t[pl.ds(16 * r, 16)] = zv
        return carry

    lax.fori_loop(0, CPAD // 16, _zcnt, 0)

    plsc.subcore_barrier()

    ebase = wid * EPT

    def _issue_idx(k, m):
        e0 = ebase + k * K
        pltpu.async_copy(dst_hbm.at[pl.ds(e0, K)], didx[m], sem_i)
        pltpu.async_copy(src_hbm.at[pl.ds(e0, K)], sidx[m], sem_i)
        pltpu.async_copy(w_hbm.at[pl.ds(e0, K)], wbuf[m].at[pl.ds(0, K)], sem_i)

    def _wait_idx(m):
        pltpu.make_async_copy(dst_hbm.at[pl.ds(0, K)], didx[m], sem_i).wait()
        pltpu.make_async_copy(src_hbm.at[pl.ds(0, K)], sidx[m], sem_i).wait()
        pltpu.make_async_copy(
            w_hbm.at[pl.ds(0, K)], wbuf[m].at[pl.ds(0, K)], sem_i).wait()

    def _issue_gath(k, m):
        e0 = ebase + k * K
        pltpu.async_copy(a_hbm.at[didx[m]], ga[m], sem_g)
        pltpu.async_copy(b_hbm.at[sidx[m]], gb[m], sem_g)
        pltpu.async_copy(c_hbm.at[pl.ds(e0, K)], gc[m], sem_g)

    def _wait_gath(m):
        pltpu.make_async_copy(a_hbm.at[didx[m]], ga[m], sem_g).wait()
        pltpu.make_async_copy(b_hbm.at[sidx[m]], gb[m], sem_g).wait()
        pltpu.make_async_copy(c_hbm.at[pl.ds(0, K)], gc[m], sem_g).wait()

    def _compute(m):
        def _hgrp(q, carry2):
            iv = didx[m][pl.ds(16 * q, 16)]
            plsc.addupdate_scatter(cnt_t, [iv], ov)
            return carry2

        lax.fori_loop(0, K // 16, _hgrp, 0)

        def _e8(q, carry2):
            wv = wbuf[m][pl.ds(4 * q, 16)]
            for i in range(4):
                e = 4 * q + i
                w = wv[i]
                for j in range(C_IN // 16):
                    sl = pl.ds(16 * j, 16)
                    pre = ga[m][e, sl] + gb[m][e, sl] + gc[m][e, sl]
                    ga[m][e, sl] = jnp.maximum(pre, 0.0) * w
            return carry2

        lax.fori_loop(0, K // 4, _e8, 0)

    _issue_idx(0, 0)
    _wait_idx(0)
    _issue_gath(0, 0)
    _issue_idx(1, 1)

    NRING = NCHUNK // 3

    def _ring(kk, carry):
        for m in range(3):
            k = 3 * kk + m
            _wait_gath(m)
            if m == 0:
                @pl.when(kk > 0)
                def _ws0():
                    pltpu.make_async_copy(
                        ga[2], acc.at[didx[2]], sem_s).wait()
            else:
                pltpu.make_async_copy(
                    ga[m - 1], acc.at[didx[m - 1]], sem_s).wait()
            if m == 2:
                @pl.when(kk < NRING - 1)
                def _wi2():
                    _wait_idx(0)
                    _issue_gath(k + 1, 0)
            else:
                _wait_idx(m + 1)
                _issue_gath(k + 1, m + 1)
            _compute(m)
            pltpu.async_copy(ga[m], acc.at[didx[m]], sem_s, add=True)
            if m == 2:
                @pl.when(kk < NRING - 1)
                def _ii2():
                    _issue_idx(k + 2, 1)
            elif m == 1:
                @pl.when(kk < NRING - 1)
                def _ii1():
                    _issue_idx(k + 2, 0)
            else:
                _issue_idx(k + 2, 2)
        return carry

    lax.fori_loop(0, NRING, _ring, 0)

    pltpu.make_async_copy(ga[2], acc.at[didx[2]], sem_s).wait()

    e0t = ebase + NCHUNK * K
    pltpu.sync_copy(dst_hbm.at[pl.ds(e0t, KT)], didx_t)
    pltpu.sync_copy(src_hbm.at[pl.ds(e0t, KT)], sidx_t)
    pltpu.sync_copy(w_hbm.at[pl.ds(e0t, KT)], w1.at[pl.ds(0, KT)])
    pltpu.sync_copy(a_hbm.at[didx_t], ga1.at[pl.ds(0, KT)])
    pltpu.sync_copy(b_hbm.at[sidx_t], gb1.at[pl.ds(0, KT)])
    pltpu.sync_copy(c_hbm.at[pl.ds(e0t, KT)], gc1.at[pl.ds(0, KT)])
    iv_t = didx_t[pl.ds(0, 16)]
    plsc.addupdate_scatter(cnt_t, [iv_t], ov)

    def _t8(q, carry2):
        wv = w1[pl.ds(4 * q, 16)]
        for i in range(4):
            e = 4 * q + i
            w = wv[i]
            for j in range(C_IN // 16):
                sl = pl.ds(16 * j, 16)
                pre = ga1[e, sl] + gb1[e, sl] + gc1[e, sl]
                ga1[e, sl] = jnp.maximum(pre, 0.0) * w
        return carry2

    lax.fori_loop(0, KT // 4, _t8, 0)
    pltpu.sync_copy(ga1.at[pl.ds(0, KT)], acc.at[didx_t], add=True)

    plsc.subcore_barrier()

    for t in range((NZ + 15) // 16):
        c = sid + 16 * t

        @pl.when(c < NZ)
        def _dump_chunk():
            row0 = pl.multiple_of(c * ZROWS, 8)
            pltpu.sync_copy(acc.at[pl.ds(row0, ZROWS)],
                            out_hbm.at[cid, pl.ds(row0, ZROWS)])

    for d in range(3):
        rows = K if d < 2 else CSTG - 2 * K

        def _ccp(r, carry, d=d):
            for j in range(8):
                ga0[r, pl.ds(16 * j, 16)] = cnt_t[
                    pl.ds(d * K * 128 + r * 128 + 16 * j, 16)]
            return carry

        lax.fori_loop(0, rows, _ccp, 0)
        if rows == K:
            pltpu.sync_copy(ga0, cnt_hbm.at[wid, pl.ds(d * K, K)])
        else:
            pltpu.sync_copy(ga0.at[pl.ds(0, rows)],
                            cnt_hbm.at[wid, pl.ds(d * K, rows)])


def _combine_body(p_ref, cnt_ref, x_ref, wr_ref, br_ref, wm_ref, bm_ref, o_ref):
    s = p_ref[0] + p_ref[1]
    cnt = jnp.sum(cnt_ref[...], axis=1, keepdims=True)
    m = s / jnp.maximum(cnt, 1.0)
    x1 = x_ref[:, :C_IN]
    x2 = x_ref[:, C_IN:]
    m = m + jnp.dot(x1, wr_ref[...], preferred_element_type=jnp.float32) + br_ref[...]
    m = m + jnp.maximum(
        jnp.dot(x2, wm_ref[...], preferred_element_type=jnp.float32) + bm_ref[...],
        0.0,
    )
    o_ref[...] = m


def kernel(x, edge_index, edge_weight, edge_attr, W_nn, b_nn, W_r, b_r, W_m, b_m):
    f32 = jnp.float32
    x = x.astype(f32)
    w1 = W_nn[:C_IN].astype(f32)
    w2 = W_nn[C_IN : 2 * C_IN].astype(f32)
    w3 = W_nn[2 * C_IN :].astype(f32)
    bnn = b_nn.reshape(1, C_IN).astype(f32)
    br = b_r.reshape(1, C_IN).astype(f32)
    bm = b_m.reshape(1, C_IN).astype(f32)
    src = edge_index[0].astype(jnp.int32)
    dst = edge_index[1].astype(jnp.int32)
    ew = edge_weight.astype(f32)
    attr = edge_attr.astype(f32)
    zeros = jnp.zeros((ZROWS, C_IN), f32)

    R = 2000
    tables = pl.pallas_call(
        _tables_body,
        grid=(N_NODES // R,),
        in_specs=[
            pl.BlockSpec((R, 2 * C_IN), lambda i: (i, 0)),
            pl.BlockSpec((C_IN, C_IN), lambda i: (0, 0)),
            pl.BlockSpec((C_IN, C_IN), lambda i: (0, 0)),
            pl.BlockSpec((1, C_IN), lambda i: (0, 0)),
        ],
        out_specs=[
            pl.BlockSpec((R, C_IN), lambda i: (i, 0)),
            pl.BlockSpec((R, C_IN), lambda i: (i, 0)),
        ],
        out_shape=[
            jax.ShapeDtypeStruct((N_NODES, C_IN), f32),
            jax.ShapeDtypeStruct((N_NODES, C_IN), f32),
        ],
    )
    A, B = tables(x, w1, w2, bnn)

    EB = 16000
    cmat = pl.pallas_call(
        _cmat_body,
        grid=(N_EDGES // EB,),
        in_specs=[
            pl.BlockSpec((4, EB), lambda i: (0, i)),
            pl.BlockSpec((4, C_IN), lambda i: (0, 0)),
        ],
        out_specs=pl.BlockSpec((EB, C_IN), lambda i: (i, 0)),
        out_shape=jax.ShapeDtypeStruct((N_EDGES, C_IN), f32),
    )
    C = cmat(attr.T, w3)

    sc_edges = functools.partial(
        pl.kernel,
        out_type=(
            jax.ShapeDtypeStruct((2, N_NODES, C_IN), f32),
            jax.ShapeDtypeStruct((NW, CSTG, C_IN), f32),
        ),
        mesh=plsc.VectorSubcoreMesh(core_axis_name="c", subcore_axis_name="s"),
        compiler_params=pltpu.CompilerParams(needs_layout_passes=False),
        scratch_types=(
            [pltpu.VMEM((K,), jnp.int32) for _ in range(3)]
            + [pltpu.VMEM((K,), jnp.int32) for _ in range(3)]
            + [pltpu.VMEM((K + 16,), f32) for _ in range(3)]
            + [pltpu.VMEM((K, C_IN), f32) for _ in range(3)]
            + [pltpu.VMEM((K, C_IN), f32) for _ in range(3)]
            + [pltpu.VMEM((K, C_IN), f32) for _ in range(3)]
            + [
                pltpu.VMEM((KT,), jnp.int32),
                pltpu.VMEM((KT,), jnp.int32),
                pltpu.VMEM((CPAD,), f32),
                pltpu.VMEM_SHARED((N_NODES, C_IN), f32),
                pltpu.SemaphoreType.DMA,
                pltpu.SemaphoreType.DMA,
                pltpu.SemaphoreType.DMA,
            ]
        ),
    )(_sc_edges_body)
    P, CNT = sc_edges(A, B, C, dst, src, ew, zeros)
    CNTT = CNT.reshape(NW, CPAD)[:, :N_NODES].T

    combine = pl.pallas_call(
        _combine_body,
        grid=(N_NODES // R,),
        in_specs=[
            pl.BlockSpec((2, R, C_IN), lambda i: (0, i, 0)),
            pl.BlockSpec((R, NW), lambda i: (i, 0)),
            pl.BlockSpec((R, 2 * C_IN), lambda i: (i, 0)),
            pl.BlockSpec((C_IN, C_IN), lambda i: (0, 0)),
            pl.BlockSpec((1, C_IN), lambda i: (0, 0)),
            pl.BlockSpec((C_IN, C_IN), lambda i: (0, 0)),
            pl.BlockSpec((1, C_IN), lambda i: (0, 0)),
        ],
        out_specs=pl.BlockSpec((R, C_IN), lambda i: (i, 0)),
        out_shape=jax.ShapeDtypeStruct((N_NODES, C_IN), f32),
    )
    return combine(P, CNTT, x, W_r.astype(f32), br, W_m.astype(f32), bm)

# --- scband reference (transcript-rebuilt; emitter-appended) ---
"""Pipeline reference for scband-graph-conv-14783277432834 (READ-ONLY COPY).

The authoritative reference and input builder live on the scoring server;
editing this copy changes nothing except your own understanding.
"""

import jax, jax.numpy as jnp
import numpy as np

IN_C = 128
OUT_C = 128
N_NODES = 10000
N_EDGES = 320000
D_EDGE = 4


def setup_inputs(seed: int = 0) -> dict:
    key = jax.random.key(seed)
    ks = jax.random.split(key, 12)
    x = jax.random.normal(ks[0], (N_NODES, 2 * IN_C), dtype=jnp.float32)
    edge_index = jax.random.randint(ks[1], (2, N_EDGES), 0, N_NODES, dtype=jnp.int64)
    edge_weight = jax.random.uniform(ks[2], (N_EDGES,), dtype=jnp.float32)
    edge_attr = jax.random.normal(ks[3], (N_EDGES, D_EDGE), dtype=jnp.float32)
    # message MLP: Linear(2*IN_C + 4 -> OUT_C) + ReLU
    W_nn = jax.random.normal(ks[4], (2 * IN_C + D_EDGE, OUT_C), dtype=jnp.float32) * (1.0 / np.sqrt(2 * IN_C + D_EDGE))
    b_nn = jnp.zeros((OUT_C,), dtype=jnp.float32)
    # lin_r: Linear(IN_C -> OUT_C)
    W_r = jax.random.normal(ks[5], (IN_C, OUT_C), dtype=jnp.float32) * (1.0 / np.sqrt(IN_C))
    b_r = jnp.zeros((OUT_C,), dtype=jnp.float32)
    # mlp (global-pool branch on x[:, IN_C:]): Linear(IN_C -> OUT_C) + ReLU
    W_m = jax.random.normal(ks[6], (IN_C, OUT_C), dtype=jnp.float32) * (1.0 / np.sqrt(IN_C))
    b_m = jnp.zeros((OUT_C,), dtype=jnp.float32)
    return {"x": x, "edge_index": edge_index, "edge_weight": edge_weight,
            "edge_attr": edge_attr, "W_nn": W_nn, "b_nn": b_nn,
            "W_r": W_r, "b_r": b_r, "W_m": W_m, "b_m": b_m}


def reference(x, edge_index, edge_weight, edge_attr, W_nn, b_nn, W_r, b_r, W_m, b_m):
    src = edge_index[0]
    dst = edge_index[1]
    # message: uses only first IN_C channels of node features
    x_i = jnp.take(x, dst, axis=0)[:, :IN_C]   # target node features
    x_j = jnp.take(x, src, axis=0)[:, :IN_C]   # source node features
    f = jnp.concatenate([x_i, x_j - x_i, edge_attr], axis=1)  # [E, 2*IN_C+4]
    msg = jax.nn.relu(f @ W_nn + b_nn)         # MLP([2*IN_C+4, OUT_C], relu)
    msg = edge_weight[:, None] * msg           # norm.view(-1,1) * nn(f)
    # aggr='mean' over incoming edges at dst; zero-degree nodes -> 0
    s = jax.ops.segment_sum(msg, dst, num_segments=N_NODES)
    cnt = jax.ops.segment_sum(jnp.ones((msg.shape[0],), msg.dtype), dst, num_segments=N_NODES)
    out = s / jnp.clip(cnt, 1.0, None)[:, None]
    # out += lin_r(x[:, :IN_C])
    out = out + (x[:, :IN_C] @ W_r + b_r)
    # out += MLP([IN_C, OUT_C], relu)(x[:, IN_C:])
    out = out + jax.nn.relu(x[:, IN_C:] @ W_m + b_m)
    return out

if __name__ == "__main__":
    import jax
    _d = setup_inputs()
    print(jax.jit(kernel)(*tuple(_d.values())))

</pallas_src>

<mosaic_0001>
#map = affine_map<(d0, d1) -> (0, 0)>
#map1 = affine_map<(d0, d1) -> (0)>
#map2 = affine_map<(d0, d1) -> (0, 0, 0)>
module attributes {stable_mosaic.version = 14 : i64} {
  func.func @_sc_edges_body(%arg0: i32, %arg1: i32, %arg2: memref<10000x128xf32, #tpu.memory_space<hbm>>, %arg3: memref<10000x128xf32, #tpu.memory_space<hbm>>, %arg4: memref<320000x128xf32, #tpu.memory_space<hbm>>, %arg5: memref<320000xi32, #tpu.memory_space<hbm>>, %arg6: memref<320000xi32, #tpu.memory_space<hbm>>, %arg7: memref<320000xf32, #tpu.memory_space<hbm>>, %arg8: memref<80x128xf32, #tpu.memory_space<hbm>>, %arg9: memref<2x10000x128xf32, #tpu.memory_space<hbm>>, %arg10: memref<32x80x128xf32, #tpu.memory_space<hbm>>, %arg11: memref<32xi32, #tpu.memory_space<vmem>>, %arg12: memref<32xi32, #tpu.memory_space<vmem>>, %arg13: memref<32xi32, #tpu.memory_space<vmem>>, %arg14: memref<32xi32, #tpu.memory_space<vmem>>, %arg15: memref<32xi32, #tpu.memory_space<vmem>>, %arg16: memref<32xi32, #tpu.memory_space<vmem>>, %arg17: memref<48xf32, #tpu.memory_space<vmem>>, %arg18: memref<48xf32, #tpu.memory_space<vmem>>, %arg19: memref<48xf32, #tpu.memory_space<vmem>>, %arg20: memref<32x128xf32, #tpu.memory_space<vmem>>, %arg21: memref<32x128xf32, #tpu.memory_space<vmem>>, %arg22: memref<32x128xf32, #tpu.memory_space<vmem>>, %arg23: memref<32x128xf32, #tpu.memory_space<vmem>>, %arg24: memref<32x128xf32, #tpu.memory_space<vmem>>, %arg25: memref<32x128xf32, #tpu.memory_space<vmem>>, %arg26: memref<32x128xf32, #tpu.memory_space<vmem>>, %arg27: memref<32x128xf32, #tpu.memory_space<vmem>>, %arg28: memref<32x128xf32, #tpu.memory_space<vmem>>, %arg29: memref<16xi32, #tpu.memory_space<vmem>>, %arg30: memref<16xi32, #tpu.memory_space<vmem>>, %arg31: memref<10240xf32, #tpu.memory_space<vmem>>, %arg32: memref<10000x128xf32, #tpu.memory_space<vmem_shared>>, %arg33: memref<!tpu.dma_semaphore, #tpu.memory_space<semaphore_mem>>, %arg34: memref<!tpu.dma_semaphore, #tpu.memory_space<semaphore_mem>>, %arg35: memref<!tpu.dma_semaphore, #tpu.memory_space<semaphore_mem>>) attributes {dimension_semantics = [#tpu.dimension_semantics<core_parallel>, #tpu.dimension_semantics<subcore_parallel>], iteration_bounds = array<i64: 2, 16>, scalar_prefetch = 0 : i64, scratch_operands = 25 : i64, tpu.core_type = #tpu.core_type<sc_vector_subcore>, window_params = [{transform_indices = #map}, {transform_indices = #map}, {transform_indices = #map}, {transform_indices = #map1}, {transform_indices = #map1}, {transform_indices = #map1}, {transform_indices = #map}, {transform_indices = #map2}, {transform_indices = #map2}]} {
    %mul3A = arith.constant 2 : i32
    %mul3A_0 = arith.muli %arg1, %mul3A : i32
    %add3A = arith.addi %mul3A_0, %arg0 : i32
    %broadcast_in_dim3A = arith.constant 0.000000e+00 : f32
    %broadcast_in_dim3A_1 = vector.broadcast %broadcast_in_dim3A : f32 to vector<16xf32>
    %broadcast_in_dim3A_2 = arith.constant 1.000000e+00 : f32
    %broadcast_in_dim3A_3 = vector.broadcast %broadcast_in_dim3A_2 : f32 to vector<16xf32>
    %add3A_4 = arith.constant 0 : i32
    %add3A_5 = arith.addi %arg1, %add3A_4 : i32
    %lt3A = arith.constant 125 : i32
    %lt3A_6 = arith.cmpi slt, %add3A_5, %lt3A : i32
    %convert_element_type3A = arith.extui %lt3A_6 : i1 to i32
    %cond3A = arith.constant 0 : i32
    %cond3A_7 = arith.cmpi ne, %convert_element_type3A, %cond3A : i32
    scf.if %cond3A_7 {
      %mul3A_207 = arith.constant 80 : i32
      %mul3A_208 = arith.muli %add3A_5, %mul3A_207 : i32
      %multiple_of3A = tpu.assume_multiple %mul3A_208, 8 : i32
      "tpu.region"() ({
        %run_scoped3A = tpu.sem_alloc : memref<!tpu.dma_semaphore, #tpu.memory_space<semaphore_mem>>
        %dma_start3A_209 = arith.constant 0 : i32
        %dma_start3A_210 = tpu.memref_slice %arg32[%multiple_of3A, %dma_start3A_209] : memref<10000x128xf32, #tpu.memory_space<vmem_shared>> -> memref<80x128xf32, #tpu.memory_space<vmem_shared>>
        tpu.enqueue_dma source(%arg8 : memref<80x128xf32, #tpu.memory_space<hbm>>) target(%dma_start3A_210 : memref<80x128xf32, #tpu.memory_space<vmem_shared>>) target_semaphore(%run_scoped3A : memref<!tpu.dma_semaphore, #tpu.memory_space<semaphore_mem>>)
        %dma_wait3A_211 = arith.constant 0 : i32
        %dma_wait3A_212 = tpu.memref_slice %arg32[%multiple_of3A, %dma_wait3A_211] : memref<10000x128xf32, #tpu.memory_space<vmem_shared>> -> memref<80x128xf32, #tpu.memory_space<vmem_shared>>
        tpu.wait_dma2 semaphore(%run_scoped3A : memref<!tpu.dma_semaphore, #tpu.memory_space<semaphore_mem>>) src(%arg8 : memref<80x128xf32, #tpu.memory_space<hbm>>) dst(%dma_wait3A_212 : memref<80x128xf32, #tpu.memory_space<vmem_shared>>)
        tpu.yield
      }) : () -> ()
    } else {
    }
    %add3A_8 = arith.constant 16 : i32
    %add3A_9 = arith.addi %arg1, %add3A_8 : i32
    %lt3A_10 = arith.constant 125 : i32
    %lt3A_11 = arith.cmpi slt, %add3A_9, %lt3A_10 : i32
    %convert_element_type3A_12 = arith.extui %lt3A_11 : i1 to i32
    %cond3A_13 = arith.constant 0 : i32
    %cond3A_14 = arith.cmpi ne, %convert_element_type3A_12, %cond3A_13 : i32
    scf.if %cond3A_14 {
      %mul3A_207 = arith.constant 80 : i32
      %mul3A_208 = arith.muli %add3A_9, %mul3A_207 : i32
      %multiple_of3A = tpu.assume_multiple %mul3A_208, 8 : i32
      "tpu.region"() ({
        %run_scoped3A = tpu.sem_alloc : memref<!tpu.dma_semaphore, #tpu.memory_space<semaphore_mem>>
        %dma_start3A_209 = arith.constant 0 : i32
        %dma_start3A_210 = tpu.memref_slice %arg32[%multiple_of3A, %dma_start3A_209] : memref<10000x128xf32, #tpu.memory_space<vmem_shared>> -> memref<80x128xf32, #tpu.memory_space<vmem_shared>>
        tpu.enqueue_dma source(%arg8 : memref<80x128xf32, #tpu.memory_space<hbm>>) target(%dma_start3A_210 : memref<80x128xf32, #tpu.memory_space<vmem_shared>>) target_semaphore(%run_scoped3A : memref<!tpu.dma_semaphore, #tpu.memory_space<semaphore_mem>>)
        %dma_wait3A_211 = arith.constant 0 : i32
        %dma_wait3A_212 = tpu.memref_slice %arg32[%multiple_of3A, %dma_wait3A_211] : memref<10000x128xf32, #tpu.memory_space<vmem_shared>> -> memref<80x128xf32, #tpu.memory_space<vmem_shared>>
        tpu.wait_dma2 semaphore(%run_scoped3A : memref<!tpu.dma_semaphore, #tpu.memory_space<semaphore_mem>>) src(%arg8 : memref<80x128xf32, #tpu.memory_space<hbm>>) dst(%dma_wait3A_212 : memref<80x128xf32, #tpu.memory_space<vmem_shared>>)
        tpu.yield
      }) : () -> ()
    } else {
    }
    %add3A_15 = arith.constant 32 : i32
    %add3A_16 = arith.addi %arg1, %add3A_15 : i32
    %lt3A_17 = arith.constant 125 : i32
    %lt3A_18 = arith.cmpi slt, %add3A_16, %lt3A_17 : i32
    %convert_element_type3A_19 = arith.extui %lt3A_18 : i1 to i32
    %cond3A_20 = arith.constant 0 : i32
    %cond3A_21 = arith.cmpi ne, %convert_element_type3A_19, %cond3A_20 : i32
    scf.if %cond3A_21 {
      %mul3A_207 = arith.constant 80 : i32
      %mul3A_208 = arith.muli %add3A_16, %mul3A_207 : i32
      %multiple_of3A = tpu.assume_multiple %mul3A_208, 8 : i32
      "tpu.region"() ({
        %run_scoped3A = tpu.sem_alloc : memref<!tpu.dma_semaphore, #tpu.memory_space<semaphore_mem>>
        %dma_start3A_209 = arith.constant 0 : i32
        %dma_start3A_210 = tpu.memref_slice %arg32[%multiple_of3A, %dma_start3A_209] : memref<10000x128xf32, #tpu.memory_space<vmem_shared>> -> memref<80x128xf32, #tpu.memory_space<vmem_shared>>
        tpu.enqueue_dma source(%arg8 : memref<80x128xf32, #tpu.memory_space<hbm>>) target(%dma_start3A_210 : memref<80x128xf32, #tpu.memory_space<vmem_shared>>) target_semaphore(%run_scoped3A : memref<!tpu.dma_semaphore, #tpu.memory_space<semaphore_mem>>)
        %dma_wait3A_211 = arith.constant 0 : i32
        %dma_wait3A_212 = tpu.memref_slice %arg32[%multiple_of3A, %dma_wait3A_211] : memref<10000x128xf32, #tpu.memory_space<vmem_shared>> -> memref<80x128xf32, #tpu.memory_space<vmem_shared>>
        tpu.wait_dma2 semaphore(%run_scoped3A : memref<!tpu.dma_semaphore, #tpu.memory_space<semaphore_mem>>) src(%arg8 : memref<80x128xf32, #tpu.memory_space<hbm>>) dst(%dma_wait3A_212 : memref<80x128xf32, #tpu.memory_space<vmem_shared>>)
        tpu.yield
      }) : () -> ()
    } else {
    }
    %add3A_22 = arith.constant 48 : i32
    %add3A_23 = arith.addi %arg1, %add3A_22 : i32
    %lt3A_24 = arith.constant 125 : i32
    %lt3A_25 = arith.cmpi slt, %add3A_23, %lt3A_24 : i32
    %convert_element_type3A_26 = arith.extui %lt3A_25 : i1 to i32
    %cond3A_27 = arith.constant 0 : i32
    %cond3A_28 = arith.cmpi ne, %convert_element_type3A_26, %cond3A_27 : i32
    scf.if %cond3A_28 {
      %mul3A_207 = arith.constant 80 : i32
      %mul3A_208 = arith.muli %add3A_23, %mul3A_207 : i32
      %multiple_of3A = tpu.assume_multiple %mul3A_208, 8 : i32
      "tpu.region"() ({
        %run_scoped3A = tpu.sem_alloc : memref<!tpu.dma_semaphore, #tpu.memory_space<semaphore_mem>>
        %dma_start3A_209 = arith.constant 0 : i32
        %dma_start3A_210 = tpu.memref_slice %arg32[%multiple_of3A, %dma_start3A_209] : memref<10000x128xf32, #tpu.memory_space<vmem_shared>> -> memref<80x128xf32, #tpu.memory_space<vmem_shared>>
        tpu.enqueue_dma source(%arg8 : memref<80x128xf32, #tpu.memory_space<hbm>>) target(%dma_start3A_210 : memref<80x128xf32, #tpu.memory_space<vmem_shared>>) target_semaphore(%run_scoped3A : memref<!tpu.dma_semaphore, #tpu.memory_space<semaphore_mem>>)
        %dma_wait3A_211 = arith.constant 0 : i32
        %dma_wait3A_212 = tpu.memref_slice %arg32[%multiple_of3A, %dma_wait3A_211] : memref<10000x128xf32, #tpu.memory_space<vmem_shared>> -> memref<80x128xf32, #tpu.memory_space<vmem_shared>>
        tpu.wait_dma2 semaphore(%run_scoped3A : memref<!tpu.dma_semaphore, #tpu.memory_space<semaphore_mem>>) src(%arg8 : memref<80x128xf32, #tpu.memory_space<hbm>>) dst(%dma_wait3A_212 : memref<80x128xf32, #tpu.memory_space<vmem_shared>>)
        tpu.yield
      }) : () -> ()
    } else {
    }
    %add3A_29 = arith.constant 64 : i32
    %add3A_30 = arith.addi %arg1, %add3A_29 : i32
    %lt3A_31 = arith.constant 125 : i32
    %lt3A_32 = arith.cmpi slt, %add3A_30, %lt3A_31 : i32
    %convert_element_type3A_33 = arith.extui %lt3A_32 : i1 to i32
    %cond3A_34 = arith.constant 0 : i32
    %cond3A_35 = arith.cmpi ne, %convert_element_type3A_33, %cond3A_34 : i32
    scf.if %cond3A_35 {
      %mul3A_207 = arith.constant 80 : i32
      %mul3A_208 = arith.muli %add3A_30, %mul3A_207 : i32
      %multiple_of3A = tpu.assume_multiple %mul3A_208, 8 : i32
      "tpu.region"() ({
        %run_scoped3A = tpu.sem_alloc : memref<!tpu.dma_semaphore, #tpu.memory_space<semaphore_mem>>
        %dma_start3A_209 = arith.constant 0 : i32
        %dma_start3A_210 = tpu.memref_slice %arg32[%multiple_of3A, %dma_start3A_209] : memref<10000x128xf32, #tpu.memory_space<vmem_shared>> -> memref<80x128xf32, #tpu.memory_space<vmem_shared>>
        tpu.enqueue_dma source(%arg8 : memref<80x128xf32, #tpu.memory_space<hbm>>) target(%dma_start3A_210 : memref<80x128xf32, #tpu.memory_space<vmem_shared>>) target_semaphore(%run_scoped3A : memref<!tpu.dma_semaphore, #tpu.memory_space<semaphore_mem>>)
        %dma_wait3A_211 = arith.constant 0 : i32
        %dma_wait3A_212 = tpu.memref_slice %arg32[%multiple_of3A, %dma_wait3A_211] : memref<10000x128xf32, #tpu.memory_space<vmem_shared>> -> memref<80x128xf32, #tpu.memory_space<vmem_shared>>
        tpu.wait_dma2 semaphore(%run_scoped3A : memref<!tpu.dma_semaphore, #tpu.memory_space<semaphore_mem>>) src(%arg8 : memref<80x128xf32, #tpu.memory_space<hbm>>) dst(%dma_wait3A_212 : memref<80x128xf32, #tpu.memory_space<vmem_shared>>)
        tpu.yield
      }) : () -> ()
    } else {
    }
    %add3A_36 = arith.constant 80 : i32
    %add3A_37 = arith.addi %arg1, %add3A_36 : i32
    %lt3A_38 = arith.constant 125 : i32
    %lt3A_39 = arith.cmpi slt, %add3A_37, %lt3A_38 : i32
    %convert_element_type3A_40 = arith.extui %lt3A_39 : i1 to i32
    %cond3A_41 = arith.constant 0 : i32
    %cond3A_42 = arith.cmpi ne, %convert_element_type3A_40, %cond3A_41 : i32
    scf.if %cond3A_42 {
      %mul3A_207 = arith.constant 80 : i32
      %mul3A_208 = arith.muli %add3A_37, %mul3A_207 : i32
      %multiple_of3A = tpu.assume_multiple %mul3A_208, 8 : i32
      "tpu.region"() ({
        %run_scoped3A = tpu.sem_alloc : memref<!tpu.dma_semaphore, #tpu.memory_space<semaphore_mem>>
        %dma_start3A_209 = arith.constant 0 : i32
        %dma_start3A_210 = tpu.memref_slice %arg32[%multiple_of3A, %dma_start3A_209] : memref<10000x128xf32, #tpu.memory_space<vmem_shared>> -> memref<80x128xf32, #tpu.memory_space<vmem_shared>>
        tpu.enqueue_dma source(%arg8 : memref<80x128xf32, #tpu.memory_space<hbm>>) target(%dma_start3A_210 : memref<80x128xf32, #tpu.memory_space<vmem_shared>>) target_semaphore(%run_scoped3A : memref<!tpu.dma_semaphore, #tpu.memory_space<semaphore_mem>>)
        %dma_wait3A_211 = arith.constant 0 : i32
        %dma_wait3A_212 = tpu.memref_slice %arg32[%multiple_of3A, %dma_wait3A_211] : memref<10000x128xf32, #tpu.memory_space<vmem_shared>> -> memref<80x128xf32, #tpu.memory_space<vmem_shared>>
        tpu.wait_dma2 semaphore(%run_scoped3A : memref<!tpu.dma_semaphore, #tpu.memory_space<semaphore_mem>>) src(%arg8 : memref<80x128xf32, #tpu.memory_space<hbm>>) dst(%dma_wait3A_212 : memref<80x128xf32, #tpu.memory_space<vmem_shared>>)
        tpu.yield
      }) : () -> ()
    } else {
    }
    %add3A_43 = arith.constant 96 : i32
    %add3A_44 = arith.addi %arg1, %add3A_43 : i32
    %lt3A_45 = arith.constant 125 : i32
    %lt3A_46 = arith.cmpi slt, %add3A_44, %lt3A_45 : i32
    %convert_element_type3A_47 = arith.extui %lt3A_46 : i1 to i32
    %cond3A_48 = arith.constant 0 : i32
    %cond3A_49 = arith.cmpi ne, %convert_element_type3A_47, %cond3A_48 : i32
    scf.if %cond3A_49 {
      %mul3A_207 = arith.constant 80 : i32
      %mul3A_208 = arith.muli %add3A_44, %mul3A_207 : i32
      %multiple_of3A = tpu.assume_multiple %mul3A_208, 8 : i32
      "tpu.region"() ({
        %run_scoped3A = tpu.sem_alloc : memref<!tpu.dma_semaphore, #tpu.memory_space<semaphore_mem>>
        %dma_start3A_209 = arith.constant 0 : i32
        %dma_start3A_210 = tpu.memref_slice %arg32[%multiple_of3A, %dma_start3A_209] : memref<10000x128xf32, #tpu.memory_space<vmem_shared>> -> memref<80x128xf32, #tpu.memory_space<vmem_shared>>
        tpu.enqueue_dma source(%arg8 : memref<80x128xf32, #tpu.memory_space<hbm>>) target(%dma_start3A_210 : memref<80x128xf32, #tpu.memory_space<vmem_shared>>) target_semaphore(%run_scoped3A : memref<!tpu.dma_semaphore, #tpu.memory_space<semaphore_mem>>)
        %dma_wait3A_211 = arith.constant 0 : i32
        %dma_wait3A_212 = tpu.memref_slice %arg32[%multiple_of3A, %dma_wait3A_211] : memref<10000x128xf32, #tpu.memory_space<vmem_shared>> -> memref<80x128xf32, #tpu.memory_space<vmem_shared>>
        tpu.wait_dma2 semaphore(%run_scoped3A : memref<!tpu.dma_semaphore, #tpu.memory_space<semaphore_mem>>) src(%arg8 : memref<80x128xf32, #tpu.memory_space<hbm>>) dst(%dma_wait3A_212 : memref<80x128xf32, #tpu.memory_space<vmem_shared>>)
        tpu.yield
      }) : () -> ()
    } else {
    }
    %add3A_50 = arith.constant 112 : i32
    %add3A_51 = arith.addi %arg1, %add3A_50 : i32
    %lt3A_52 = arith.constant 125 : i32
    %lt3A_53 = arith.cmpi slt, %add3A_51, %lt3A_52 : i32
    %convert_element_type3A_54 = arith.extui %lt3A_53 : i1 to i32
    %cond3A_55 = arith.constant 0 : i32
    %cond3A_56 = arith.cmpi ne, %convert_element_type3A_54, %cond3A_55 : i32
    scf.if %cond3A_56 {
      %mul3A_207 = arith.constant 80 : i32
      %mul3A_208 = arith.muli %add3A_51, %mul3A_207 : i32
      %multiple_of3A = tpu.assume_multiple %mul3A_208, 8 : i32
      "tpu.region"() ({
        %run_scoped3A = tpu.sem_alloc : memref<!tpu.dma_semaphore, #tpu.memory_space<semaphore_mem>>
        %dma_start3A_209 = arith.constant 0 : i32
        %dma_start3A_210 = tpu.memref_slice %arg32[%multiple_of3A, %dma_start3A_209] : memref<10000x128xf32, #tpu.memory_space<vmem_shared>> -> memref<80x128xf32, #tpu.memory_space<vmem_shared>>
        tpu.enqueue_dma source(%arg8 : memref<80x128xf32, #tpu.memory_space<hbm>>) target(%dma_start3A_210 : memref<80x128xf32, #tpu.memory_space<vmem_shared>>) target_semaphore(%run_scoped3A : memref<!tpu.dma_semaphore, #tpu.memory_space<semaphore_mem>>)
        %dma_wait3A_211 = arith.constant 0 : i32
        %dma_wait3A_212 = tpu.memref_slice %arg32[%multiple_of3A, %dma_wait3A_211] : memref<10000x128xf32, #tpu.memory_space<vmem_shared>> -> memref<80x128xf32, #tpu.memory_space<vmem_shared>>
        tpu.wait_dma2 semaphore(%run_scoped3A : memref<!tpu.dma_semaphore, #tpu.memory_space<semaphore_mem>>) src(%arg8 : memref<80x128xf32, #tpu.memory_space<hbm>>) dst(%dma_wait3A_212 : memref<80x128xf32, #tpu.memory_space<vmem_shared>>)
        tpu.yield
      }) : () -> ()
    } else {
    }
    %scan3A = arith.constant 0 : i32
    %scan3A_57 = arith.constant 0 : i32
    %scan3A_58 = arith.constant 640 : i32
    %scan3A_59 = arith.addi %scan3A_57, %scan3A_58 : i32
    %scan3A_60 = arith.constant 1 : i32
    scf.for %scan3A_207 = %scan3A_57 to %scan3A_59 step %scan3A_60  : i32 {
      %mul3A_208 = arith.constant 16 : i32
      %mul3A_209 = arith.muli %mul3A_208, %scan3A_207 : i32
      %swap3A = arith.index_cast %mul3A_209 : i32 to index
      %swap3A_210 = tpu.vector_load %arg31[%swap3A] {strides = array<i32>} : memref<10240xf32, #tpu.memory_space<vmem>>, vector<16xf32>,
      tpu.vector_store %arg31[%swap3A], %broadcast_in_dim3A_1 {strides = array<i32>} : memref<10240xf32, #tpu.memory_space<vmem>>, vector<16xf32>,
    }
    %scan3A_61 = arith.constant 640 : i32
    %barrier3A = arith.constant 0 : index
    tpu.barrier barrier_id(%barrier3A)
    %mul3A_62 = arith.constant 10000 : i32
    %mul3A_63 = arith.muli %add3A, %mul3A_62 : i32
    %add3A_64 = arith.constant 0 : i32
    %add3A_65 = arith.addi %mul3A_63, %add3A_64 : i32
    %dma_start3A = tpu.memref_slice %arg5[%add3A_65] : memref<320000xi32, #tpu.memory_space<hbm>> -> memref<32xi32, #tpu.memory_space<hbm>>
    %dma_start3A_66 = tpu.memref_slice %arg5[%add3A_65] : memref<320000xi32, #tpu.memory_space<hbm>> -> memref<32xi32, #tpu.memory_space<hbm>>
    tpu.enqueue_dma source(%dma_start3A_66 : memref<32xi32, #tpu.memory_space<hbm>>) target(%arg11 : memref<32xi32, #tpu.memory_space<vmem>>) target_semaphore(%arg33 : memref<!tpu.dma_semaphore, #tpu.memory_space<semaphore_mem>>)
    %dma_start3A_67 = tpu.memref_slice %arg6[%add3A_65] : memref<320000xi32, #tpu.memory_space<hbm>> -> memref<32xi32, #tpu.memory_space<hbm>>
    %dma_start3A_68 = tpu.memref_slice %arg6[%add3A_65] : memref<320000xi32, #tpu.memory_space<hbm>> -> memref<32xi32, #tpu.memory_space<hbm>>
    tpu.enqueue_dma source(%dma_start3A_68 : memref<32xi32, #tpu.memory_space<hbm>>) target(%arg14 : memref<32xi32, #tpu.memory_space<vmem>>) target_semaphore(%arg33 : memref<!tpu.dma_semaphore, #tpu.memory_space<semaphore_mem>>)
    %dma_start3A_69 = arith.constant 0 : i32
    %dma_start3A_70 = tpu.memref_slice %arg17[%dma_start3A_69] : memref<48xf32, #tpu.memory_space<vmem>> -> memref<32xf32, #tpu.memory_space<vmem>>
    %dma_start3A_71 = tpu.memref_slice %arg7[%add3A_65] : memref<320000xf32, #tpu.memory_space<hbm>> -> memref<32xf32, #tpu.memory_space<hbm>>
    %dma_start3A_72 = arith.constant 0 : i32
    %dma_start3A_73 = tpu.memref_slice %arg17[%dma_start3A_72] : memref<48xf32, #tpu.memory_space<vmem>> -> memref<32xf32, #tpu.memory_space<vmem>>
    %dma_start3A_74 = tpu.memref_slice %arg7[%add3A_65] : memref<320000xf32, #tpu.memory_space<hbm>> -> memref<32xf32, #tpu.memory_space<hbm>>
    tpu.enqueue_dma source(%dma_start3A_74 : memref<32xf32, #tpu.memory_space<hbm>>) target(%dma_start3A_73 : memref<32xf32, #tpu.memory_space<vmem>>) target_semaphore(%arg33 : memref<!tpu.dma_semaphore, #tpu.memory_space<semaphore_mem>>)
    %dma_wait3A = arith.constant 0 : i32
    %dma_wait3A_75 = tpu.memref_slice %arg5[%dma_wait3A] : memref<320000xi32, #tpu.memory_space<hbm>> -> memref<32xi32, #tpu.memory_space<hbm>>
    %dma_wait3A_76 = arith.constant 0 : i32
    %dma_wait3A_77 = tpu.memref_slice %arg5[%dma_wait3A_76] : memref<320000xi32, #tpu.memory_space<hbm>> -> memref<32xi32, #tpu.memory_space<hbm>>
    tpu.wait_dma2 semaphore(%arg33 : memref<!tpu.dma_semaphore, #tpu.memory_space<semaphore_mem>>) src(%dma_wait3A_77 : memref<32xi32, #tpu.memory_space<hbm>>) dst(%arg11 : memref<32xi32, #tpu.memory_space<vmem>>)
    %dma_wait3A_78 = arith.constant 0 : i32
    %dma_wait3A_79 = tpu.memref_slice %arg6[%dma_wait3A_78] : memref<320000xi32, #tpu.memory_space<hbm>> -> memref<32xi32, #tpu.memory_space<hbm>>
    %dma_wait3A_80 = arith.constant 0 : i32
    %dma_wait3A_81 = tpu.memref_slice %arg6[%dma_wait3A_80] : memref<320000xi32, #tpu.memory_space<hbm>> -> memref<32xi32, #tpu.memory_space<hbm>>
    tpu.wait_dma2 semaphore(%arg33 : memref<!tpu.dma_semaphore, #tpu.memory_space<semaphore_mem>>) src(%dma_wait3A_81 : memref<32xi32, #tpu.memory_space<hbm>>) dst(%arg14 : memref<32xi32, #tpu.memory_space<vmem>>)
    %dma_wait3A_82 = arith.constant 0 : i32
    %dma_wait3A_83 = tpu.memref_slice %arg17[%dma_wait3A_82] : memref<48xf32, #tpu.memory_space<vmem>> -> memref<32xf32, #tpu.memory_space<vmem>>
    %dma_wait3A_84 = arith.constant 0 : i32
    %dma_wait3A_85 = tpu.memref_slice %arg7[%dma_wait3A_84] : memref<320000xf32, #tpu.memory_space<hbm>> -> memref<32xf32, #tpu.memory_space<hbm>>
    %dma_wait3A_86 = arith.constant 0 : i32
    %dma_wait3A_87 = tpu.memref_slice %arg17[%dma_wait3A_86] : memref<48xf32, #tpu.memory_space<vmem>> -> memref<32xf32, #tpu.memory_space<vmem>>
    %dma_wait3A_88 = arith.constant 0 : i32
    %dma_wait3A_89 = tpu.memref_slice %arg7[%dma_wait3A_88] : memref<320000xf32, #tpu.memory_space<hbm>> -> memref<32xf32, #tpu.memory_space<hbm>>
    tpu.wait_dma2 semaphore(%arg33 : memref<!tpu.dma_semaphore, #tpu.memory_space<semaphore_mem>>) src(%dma_wait3A_89 : memref<32xf32, #tpu.memory_space<hbm>>) dst(%dma_wait3A_87 : memref<32xf32, #tpu.memory_space<vmem>>)
    %add3A_90 = arith.constant 0 : i32
    %add3A_91 = arith.addi %mul3A_63, %add3A_90 : i32
    %dma_start3A_92 = arith.constant 0 : i32
    %dma_start3A_93 = arith.constant 0 : i32
    %dma_start3A_94 = tpu.memref_slice %arg2[%dma_start3A_92, %dma_start3A_93] : memref<10000x128xf32, #tpu.memory_space<hbm>> -> memref<10000x128xf32, #tpu.memory_space<hbm>>
    tpu.enqueue_indirect_dma source(%dma_start3A_94 : memref<10000x128xf32, #tpu.memory_space<hbm>>) target(%arg20 : memref<32x128xf32, #tpu.memory_space<vmem>>) offsets(%arg11 : memref<32xi32, #tpu.memory_space<vmem>>) semaphore(%arg34 : memref<!tpu.dma_semaphore, #tpu.memory_space<semaphore_mem>>)
    %dma_start3A_95 = arith.constant 0 : i32
    %dma_start3A_96 = arith.constant 0 : i32
    %dma_start3A_97 = tpu.memref_slice %arg3[%dma_start3A_95, %dma_start3A_96] : memref<10000x128xf32, #tpu.memory_space<hbm>> -> memref<10000x128xf32, #tpu.memory_space<hbm>>
    tpu.enqueue_indirect_dma source(%dma_start3A_97 : memref<10000x128xf32, #tpu.memory_space<hbm>>) target(%arg23 : memref<32x128xf32, #tpu.memory_space<vmem>>) offsets(%arg14 : memref<32xi32, #tpu.memory_space<vmem>>) semaphore(%arg34 : memref<!tpu.dma_semaphore, #tpu.memory_space<semaphore_mem>>)
    %dma_start3A_98 = arith.constant 0 : i32
    %dma_start3A_99 = tpu.memref_slice %arg4[%add3A_91, %dma_start3A_98] : memref<320000x128xf32, #tpu.memory_space<hbm>> -> memref<32x128xf32, #tpu.memory_space<hbm>>
    %dma_start3A_100 = arith.constant 0 : i32
    %dma_start3A_101 = tpu.memref_slice %arg4[%add3A_91, %dma_start3A_100] : memref<320000x128xf32, #tpu.memory_space<hbm>> -> memref<32x128xf32, #tpu.memory_space<hbm>>
    tpu.enqueue_dma source(%dma_start3A_101 : memref<32x128xf32, #tpu.memory_space<hbm>>) target(%arg26 : memref<32x128xf32, #tpu.memory_space<vmem>>) target_semaphore(%arg34 : memref<!tpu.dma_semaphore, #tpu.memory_space<semaphore_mem>>)
    %add3A_102 = arith.constant 32 : i32
    %add3A_103 = arith.addi %mul3A_63, %add3A_102 : i32
    %dma_start3A_104 = tpu.memref_slice %arg5[%add3A_103] : memref<320000xi32, #tpu.memory_space<hbm>> -> memref<32xi32, #tpu.memory_space<hbm>>
    %dma_start3A_105 = tpu.memref_slice %arg5[%add3A_103] : memref<320000xi32, #tpu.memory_space<hbm>> -> memref<32xi32, #tpu.memory_space<hbm>>
    tpu.enqueue_dma source(%dma_start3A_105 : memref<32xi32, #tpu.memory_space<hbm>>) target(%arg12 : memref<32xi32, #tpu.memory_space<vmem>>) target_semaphore(%arg33 : memref<!tpu.dma_semaphore, #tpu.memory_space<semaphore_mem>>)
    %dma_start3A_106 = tpu.memref_slice %arg6[%add3A_103] : memref<320000xi32, #tpu.memory_space<hbm>> -> memref<32xi32, #tpu.memory_space<hbm>>
    %dma_start3A_107 = tpu.memref_slice %arg6[%add3A_103] : memref<320000xi32, #tpu.memory_space<hbm>> -> memref<32xi32, #tpu.memory_space<hbm>>
    tpu.enqueue_dma source(%dma_start3A_107 : memref<32xi32, #tpu.memory_space<hbm>>) target(%arg15 : memref<32xi32, #tpu.memory_space<vmem>>) target_semaphore(%arg33 : memref<!tpu.dma_semaphore, #tpu.memory_space<semaphore_mem>>)
    %dma_start3A_108 = arith.constant 0 : i32
    %dma_start3A_109 = tpu.memref_slice %arg18[%dma_start3A_108] : memref<48xf32, #tpu.memory_space<vmem>> -> memref<32xf32, #tpu.memory_space<vmem>>
    %dma_start3A_110 = tpu.memref_slice %arg7[%add3A_103] : memref<320000xf32, #tpu.memory_space<hbm>> -> memref<32xf32, #tpu.memory_space<hbm>>
    %dma_start3A_111 = arith.constant 0 : i32
    %dma_start3A_112 = tpu.memref_slice %arg18[%dma_start3A_111] : memref<48xf32, #tpu.memory_space<vmem>> -> memref<32xf32, #tpu.memory_space<vmem>>
    %dma_start3A_113 = tpu.memref_slice %arg7[%add3A_103] : memref<320000xf32, #tpu.memory_space<hbm>> -> memref<32xf32, #tpu.memory_space<hbm>>
    tpu.enqueue_dma source(%dma_start3A_113 : memref<32xf32, #tpu.memory_space<hbm>>) target(%dma_start3A_112 : memref<32xf32, #tpu.memory_space<vmem>>) target_semaphore(%arg33 : memref<!tpu.dma_semaphore, #tpu.memory_space<semaphore_mem>>)
    %scan3A_114 = arith.constant 0 : i32
    %scan3A_115 = arith.constant 0 : i32
    %scan3A_116 = arith.constant 104 : i32
    %scan3A_117 = arith.addi %scan3A_115, %scan3A_116 : i32
    %scan3A_118 = arith.constant 1 : i32
    scf.for %scan3A_207 = %scan3A_115 to %scan3A_117 step %scan3A_118  : i32 {
      %mul3A_208 = arith.constant 3 : i32
      %mul3A_209 = arith.muli %mul3A_208, %scan3A_207 : i32
      %add3A_210 = arith.constant 0 : i32
      %add3A_211 = arith.addi %mul3A_209, %add3A_210 : i32
      %dma_wait3A_212 = arith.constant 0 : i32
      %dma_wait3A_213 = arith.constant 0 : i32
      %dma_wait3A_214 = tpu.memref_slice %arg2[%dma_wait3A_212, %dma_wait3A_213] : memref<10000x128xf32, #tpu.memory_space<hbm>> -> memref<10000x128xf32, #tpu.memory_space<hbm>>
      tpu.wait_indirect_dma semaphore(%arg34 : memref<!tpu.dma_semaphore, #tpu.memory_space<semaphore_mem>>) src(%dma_wait3A_214 : memref<10000x128xf32, #tpu.memory_space<hbm>>) dst(%arg20 : memref<32x128xf32, #tpu.memory_space<vmem>>)
      %dma_wait3A_215 = arith.constant 0 : i32
      %dma_wait3A_216 = arith.constant 0 : i32
      %dma_wait3A_217 = tpu.memref_slice %arg3[%dma_wait3A_215, %dma_wait3A_216] : memref<10000x128xf32, #tpu.memory_space<hbm>> -> memref<10000x128xf32, #tpu.memory_space<hbm>>
      tpu.wait_indirect_dma semaphore(%arg34 : memref<!tpu.dma_semaphore, #tpu.memory_space<semaphore_mem>>) src(%dma_wait3A_217 : memref<10000x128xf32, #tpu.memory_space<hbm>>) dst(%arg23 : memref<32x128xf32, #tpu.memory_space<vmem>>)
      %dma_wait3A_218 = arith.constant 0 : i32
      %dma_wait3A_219 = arith.constant 0 : i32
      %dma_wait3A_220 = tpu.memref_slice %arg4[%dma_wait3A_218, %dma_wait3A_219] : memref<320000x128xf32, #tpu.memory_space<hbm>> -> memref<32x128xf32, #tpu.memory_space<hbm>>
      %dma_wait3A_221 = arith.constant 0 : i32
      %dma_wait3A_222 = arith.constant 0 : i32
      %dma_wait3A_223 = tpu.memref_slice %arg4[%dma_wait3A_221, %dma_wait3A_222] : memref<320000x128xf32, #tpu.memory_space<hbm>> -> memref<32x128xf32, #tpu.memory_space<hbm>>
      tpu.wait_dma2 semaphore(%arg34 : memref<!tpu.dma_semaphore, #tpu.memory_space<semaphore_mem>>) src(%dma_wait3A_223 : memref<32x128xf32, #tpu.memory_space<hbm>>) dst(%arg26 : memref<32x128xf32, #tpu.memory_space<vmem>>)
      %gt3A = arith.constant 0 : i32
      %gt3A_224 = arith.cmpi sgt, %scan3A_207, %gt3A : i32
      %convert_element_type3A_225 = arith.extui %gt3A_224 : i1 to i32
      %cond3A_226 = arith.constant 0 : i32
      %cond3A_227 = arith.cmpi ne, %convert_element_type3A_225, %cond3A_226 : i32
      scf.if %cond3A_227 {
        %dma_wait3A_403 = arith.constant 0 : i32
        %dma_wait3A_404 = arith.constant 0 : i32
        %dma_wait3A_405 = tpu.memref_slice %arg32[%dma_wait3A_403, %dma_wait3A_404] : memref<10000x128xf32, #tpu.memory_space<vmem_shared>> -> memref<10000x128xf32, #tpu.memory_space<vmem_shared>>
        tpu.wait_indirect_dma semaphore(%arg35 : memref<!tpu.dma_semaphore, #tpu.memory_space<semaphore_mem>>) src(%arg22 : memref<32x128xf32, #tpu.memory_space<vmem>>) dst(%dma_wait3A_405 : memref<10000x128xf32, #tpu.memory_space<vmem_shared>>)
      } else {
      }
      %dma_wait3A_228 = arith.constant 0 : i32
      %dma_wait3A_229 = tpu.memref_slice %arg5[%dma_wait3A_228] : memref<320000xi32, #tpu.memory_space<hbm>> -> memref<32xi32, #tpu.memory_space<hbm>>
      %dma_wait3A_230 = arith.constant 0 : i32
      %dma_wait3A_231 = tpu.memref_slice %arg5[%dma_wait3A_230] : memref<320000xi32, #tpu.memory_space<hbm>> -> memref<32xi32, #tpu.memory_space<hbm>>
      tpu.wait_dma2 semaphore(%arg33 : memref<!tpu.dma_semaphore, #tpu.memory_space<semaphore_mem>>) src(%dma_wait3A_231 : memref<32xi32, #tpu.memory_space<hbm>>) dst(%arg12 : memref<32xi32, #tpu.memory_space<vmem>>)
      %dma_wait3A_232 = arith.constant 0 : i32
      %dma_wait3A_233 = tpu.memref_slice %arg6[%dma_wait3A_232] : memref<320000xi32, #tpu.memory_space<hbm>> -> memref<32xi32, #tpu.memory_space<hbm>>
      %dma_wait3A_234 = arith.constant 0 : i32
      %dma_wait3A_235 = tpu.memref_slice %arg6[%dma_wait3A_234] : memref<320000xi32, #tpu.memory_space<hbm>> -> memref<32xi32, #tpu.memory_space<hbm>>
      tpu.wait_dma2 semaphore(%arg33 : memref<!tpu.dma_semaphore, #tpu.memory_space<semaphore_mem>>) src(%dma_wait3A_235 : memref<32xi32, #tpu.memory_space<hbm>>) dst(%arg15 : memref<32xi32, #tpu.memory_space<vmem>>)
      %dma_wait3A_236 = arith.constant 0 : i32
      %dma_wait3A_237 = tpu.memref_slice %arg18[%dma_wait3A_236] : memref<48xf32, #tpu.memory_space<vmem>> -> memref<32xf32, #tpu.memory_space<vmem>>
      %dma_wait3A_238 = arith.constant 0 : i32
      %dma_wait3A_239 = tpu.memref_slice %arg7[%dma_wait3A_238] : memref<320000xf32, #tpu.memory_space<hbm>> -> memref<32xf32, #tpu.memory_space<hbm>>
      %dma_wait3A_240 = arith.constant 0 : i32
      %dma_wait3A_241 = tpu.memref_slice %arg18[%dma_wait3A_240] : memref<48xf32, #tpu.memory_space<vmem>> -> memref<32xf32, #tpu.memory_space<vmem>>
      %dma_wait3A_242 = arith.constant 0 : i32
      %dma_wait3A_243 = tpu.memref_slice %arg7[%dma_wait3A_242] : memref<320000xf32, #tpu.memory_space<hbm>> -> memref<32xf32, #tpu.memory_space<hbm>>
      tpu.wait_dma2 semaphore(%arg33 : memref<!tpu.dma_semaphore, #tpu.memory_space<semaphore_mem>>) src(%dma_wait3A_243 : memref<32xf32, #tpu.memory_space<hbm>>) dst(%dma_wait3A_241 : memref<32xf32, #tpu.memory_space<vmem>>)
      %add3A_244 = arith.constant 1 : i32
      %add3A_245 = arith.addi %add3A_211, %add3A_244 : i32
      %mul3A_246 = arith.constant 32 : i32
      %mul3A_247 = arith.muli %add3A_245, %mul3A_246 : i32
      %add3A_248 = arith.addi %mul3A_63, %mul3A_247 : i32
      %dma_start3A_249 = arith.constant 0 : i32
      %dma_start3A_250 = arith.constant 0 : i32
      %dma_start3A_251 = tpu.memref_slice %arg2[%dma_start3A_249, %dma_start3A_250] : memref<10000x128xf32, #tpu.memory_space<hbm>> -> memref<10000x128xf32, #tpu.memory_space<hbm>>
      tpu.enqueue_indirect_dma source(%dma_start3A_251 : memref<10000x128xf32, #tpu.memory_space<hbm>>) target(%arg21 : memref<32x128xf32, #tpu.memory_space<vmem>>) offsets(%arg12 : memref<32xi32, #tpu.memory_space<vmem>>) semaphore(%arg34 : memref<!tpu.dma_semaphore, #tpu.memory_space<semaphore_mem>>)
      %dma_start3A_252 = arith.constant 0 : i32
      %dma_start3A_253 = arith.constant 0 : i32
      %dma_start3A_254 = tpu.memref_slice %arg3[%dma_start3A_252, %dma_start3A_253] : memref<10000x128xf32, #tpu.memory_space<hbm>> -> memref<10000x128xf32, #tpu.memory_space<hbm>>
      tpu.enqueue_indirect_dma source(%dma_start3A_254 : memref<10000x128xf32, #tpu.memory_space<hbm>>) target(%arg24 : memref<32x128xf32, #tpu.memory_space<vmem>>) offsets(%arg15 : memref<32xi32, #tpu.memory_space<vmem>>) semaphore(%arg34 : memref<!tpu.dma_semaphore, #tpu.memory_space<semaphore_mem>>)
      %dma_start3A_255 = arith.constant 0 : i32
      %dma_start3A_256 = tpu.memref_slice %arg4[%add3A_248, %dma_start3A_255] : memref<320000x128xf32, #tpu.memory_space<hbm>> -> memref<32x128xf32, #tpu.memory_space<hbm>>
      %dma_start3A_257 = arith.constant 0 : i32
      %dma_start3A_258 = tpu.memref_slice %arg4[%add3A_248, %dma_start3A_257] : memref<320000x128xf32, #tpu.memory_space<hbm>> -> memref<32x128xf32, #tpu.memory_space<hbm>>
      tpu.enqueue_dma source(%dma_start3A_258 : memref<32x128xf32, #tpu.memory_space<hbm>>) target(%arg27 : memref<32x128xf32, #tpu.memory_space<vmem>>) target_semaphore(%arg34 : memref<!tpu.dma_semaphore, #tpu.memory_space<semaphore_mem>>)
      %scan3A_259 = arith.constant 0 : i32
      %scan3A_260 = arith.constant 0 : i32
      %scan3A_261 = arith.constant 2 : i32
      %scan3A_262 = arith.addi %scan3A_260, %scan3A_261 : i32
      %scan3A_263 = arith.constant 1 : i32
      scf.for %scan3A_403 = %scan3A_260 to %scan3A_262 step %scan3A_263  : i32 {
        %mul3A_404 = arith.constant 16 : i32
        %mul3A_405 = arith.muli %mul3A_404, %scan3A_403 : i32
        %get3A_406 = arith.index_cast %mul3A_405 : i32 to index
        %get3A_407 = tpu.vector_load %arg11[%get3A_406] {strides = array<i32>} : memref<32xi32, #tpu.memory_space<vmem>>, vector<16xi32>,
        tpu.vector_store_idx %arg31[%get3A_407], %broadcast_in_dim3A_3 {add = true} : memref<10240xf32, #tpu.memory_space<vmem>>[vector<16xi32>], vector<16xf32>,
      }
      %scan3A_264 = arith.constant 2 : i32
      %scan3A_265 = arith.constant 0 : i32
      %scan3A_266 = arith.constant 0 : i32
      %scan3A_267 = arith.constant 8 : i32
      %scan3A_268 = arith.addi %scan3A_266, %scan3A_267 : i32
      %scan3A_269 = arith.constant 1 : i32
      scf.for %scan3A_403 = %scan3A_266 to %scan3A_268 step %scan3A_269  : i32 {
        %mul3A_404 = arith.constant 4 : i32
        %mul3A_405 = arith.muli %mul3A_404, %scan3A_403 : i32
        %get3A_406 = arith.index_cast %mul3A_405 : i32 to index
        %get3A_407 = tpu.vector_load %arg17[%get3A_406] {strides = array<i32>} : memref<48xf32, #tpu.memory_space<vmem>>, vector<16xf32>,
        %mul3A_408 = arith.constant 4 : i32
        %mul3A_409 = arith.muli %mul3A_408, %scan3A_403 : i32
        %add3A_410 = arith.constant 0 : i32
        %add3A_411 = arith.addi %mul3A_409, %add3A_410 : i32
        %slice3A = vector.extract_strided_slice %get3A_407 {offsets = [0], sizes = [1], strides = [1]} : vector<16xf32> to vector<1xf32>
        %squeeze3A = vector.extract %slice3A[0] : f32 from vector<1xf32>
        %get3A_412 = arith.index_cast %add3A_411 : i32 to index
        %get3A_413 = arith.constant 0 : index
        %get3A_414 = tpu.vector_load %arg20[%get3A_412, %get3A_413] {strides = array<i32>} : memref<32x128xf32, #tpu.memory_space<vmem>>, vector<16xf32>,
        %get3A_415 = arith.index_cast %add3A_411 : i32 to index
        %get3A_416 = arith.constant 0 : index
        %get3A_417 = tpu.vector_load %arg23[%get3A_415, %get3A_416] {strides = array<i32>} : memref<32x128xf32, #tpu.memory_space<vmem>>, vector<16xf32>,
        %add3A_418 = arith.addf %get3A_414, %get3A_417 : vector<16xf32>
        %get3A_419 = arith.index_cast %add3A_411 : i32 to index
        %get3A_420 = arith.constant 0 : index
        %get3A_421 = tpu.vector_load %arg26[%get3A_419, %get3A_420] {strides = array<i32>} : memref<32x128xf32, #tpu.memory_space<vmem>>, vector<16xf32>,
        %add3A_422 = arith.addf %add3A_418, %get3A_421 : vector<16xf32>
        %max3A = arith.constant 0.000000e+00 : f32
        %max3A_423 = vector.broadcast %max3A : f32 to vector<16xf32>
        %max3A_424 = arith.maximumf %add3A_422, %max3A_423 : vector<16xf32>
        %mul3A_425 = vector.broadcast %squeeze3A : f32 to vector<16xf32>
        %mul3A_426 = arith.mulf %max3A_424, %mul3A_425 : vector<16xf32>
        %swap3A = arith.index_cast %add3A_411 : i32 to index
        %swap3A_427 = arith.constant 0 : index
        %swap3A_428 = tpu.vector_load %arg20[%swap3A, %swap3A_427] {strides = array<i32>} : memref<32x128xf32, #tpu.memory_space<vmem>>, vector<16xf32>,
        tpu.vector_store %arg20[%swap3A, %swap3A_427], %mul3A_426 {strides = array<i32>} : memref<32x128xf32, #tpu.memory_space<vmem>>, vector<16xf32>,
        %get3A_429 = arith.index_cast %add3A_411 : i32 to index
        %get3A_430 = arith.constant 16 : index
        %get3A_431 = tpu.vector_load %arg20[%get3A_429, %get3A_430] {strides = array<i32>} : memref<32x128xf32, #tpu.memory_space<vmem>>, vector<16xf32>,
        %get3A_432 = arith.index_cast %add3A_411 : i32 to index
        %get3A_433 = arith.constant 16 : index
        %get3A_434 = tpu.vector_load %arg23[%get3A_432, %get3A_433] {strides = array<i32>} : memref<32x128xf32, #tpu.memory_space<vmem>>, vector<16xf32>,
        %add3A_435 = arith.addf %get3A_431, %get3A_434 : vector<16xf32>
        %get3A_436 = arith.index_cast %add3A_411 : i32 to index
        %get3A_437 = arith.constant 16 : index
        %get3A_438 = tpu.vector_load %arg26[%get3A_436, %get3A_437] {strides = array<i32>} : memref<32x128xf32, #tpu.memory_space<vmem>>, vector<16xf32>,
        %add3A_439 = arith.addf %add3A_435, %get3A_438 : vector<16xf32>
        %max3A_440 = arith.constant 0.000000e+00 : f32
        %max3A_441 = vector.broadcast %max3A_440 : f32 to vector<16xf32>
        %max3A_442 = arith.maximumf %add3A_439, %max3A_441 : vector<16xf32>
        %mul3A_443 = vector.broadcast %squeeze3A : f32 to vector<16xf32>
        %mul3A_444 = arith.mulf %max3A_442, %mul3A_443 : vector<16xf32>
        %swap3A_445 = arith.index_cast %add3A_411 : i32 to index
        %swap3A_446 = arith.constant 16 : index
        %swap3A_447 = tpu.vector_load %arg20[%swap3A_445, %swap3A_446] {strides = array<i32>} : memref<32x128xf32, #tpu.memory_space<vmem>>, vector<16xf32>,
        tpu.vector_store %arg20[%swap3A_445, %swap3A_446], %mul3A_444 {strides = array<i32>} : memref<32x128xf32, #tpu.memory_space<vmem>>, vector<16xf32>,
        %get3A_448 = arith.index_cast %add3A_411 : i32 to index
        %get3A_449 = arith.constant 32 : index
        %get3A_450 = tpu.vector_load %arg20[%get3A_448, %get3A_449] {strides = array<i32>} : memref<32x128xf32, #tpu.memory_space<vmem>>, vector<16xf32>,
        %get3A_451 = arith.index_cast %add3A_411 : i32 to index
        %get3A_452 = arith.constant 32 : index
        %get3A_453 = tpu.vector_load %arg23[%get3A_451, %get3A_452] {strides = array<i32>} : memref<32x128xf32, #tpu.memory_space<vmem>>, vector<16xf32>,
        %add3A_454 = arith.addf %get3A_450, %get3A_453 : vector<16xf32>
        %get3A_455 = arith.index_cast %add3A_411 : i32 to index
        %get3A_456 = arith.constant 32 : index
        %get3A_457 = tpu.vector_load %arg26[%get3A_455, %get3A_456] {strides = array<i32>} : memref<32x128xf32, #tpu.memory_space<vmem>>, vector<16xf32>,
        %add3A_458 = arith.addf %add3A_454, %get3A_457 : vector<16xf32>
        %max3A_459 = arith.constant 0.000000e+00 : f32
        %max3A_460 = vector.broadcast %max3A_459 : f32 to vector<16xf32>
        %max3A_461 = arith.maximumf %add3A_458, %max3A_460 : vector<16xf32>
        %mul3A_462 = vector.broadcast %squeeze3A : f32 to vector<16xf32>
        %mul3A_463 = arith.mulf %max3A_461, %mul3A_462 : vector<16xf32>
        %swap3A_464 = arith.index_cast %add3A_411 : i32 to index
        %swap3A_465 = arith.constant 32 : index
        %swap3A_466 = tpu.vector_load %arg20[%swap3A_464, %swap3A_465] {strides = array<i32>} : memref<32x128xf32, #tpu.memory_space<vmem>>, vector<16xf32>,
        tpu.vector_store %arg20[%swap3A_464, %swap3A_465], %mul3A_463 {strides = array<i32>} : memref<32x128xf32, #tpu.memory_space<vmem>>, vector<16xf32>,
        %get3A_467 = arith.index_cast %add3A_411 : i32 to index
        %get3A_468 = arith.constant 48 : index
        %get3A_469 = tpu.vector_load %arg20[%get3A_467, %get3A_468] {strides = array<i32>} : memref<32x128xf32, #tpu.memory_space<vmem>>, vector<16xf32>,
        %get3A_470 = arith.index_cast %add3A_411 : i32 to index
        %get3A_471 = arith.constant 48 : index
        %get3A_472 = tpu.vector_load %arg23[%get3A_470, %get3A_471] {strides = array<i32>} : memref<32x128xf32, #tpu.memory_space<vmem>>, vector<16xf32>,
        %add3A_473 = arith.addf %get3A_469, %get3A_472 : vector<16xf32>
        %get3A_474 = arith.index_cast %add3A_411 : i32 to index
        %get3A_475 = arith.constant 48 : index
        %get3A_476 = tpu.vector_load %arg26[%get3A_474, %get3A_475] {strides = array<i32>} : memref<32x128xf32, #tpu.memory_space<vmem>>, vector<16xf32>,
        %add3A_477 = arith.addf %add3A_473, %get3A_476 : vector<16xf32>
        %max3A_478 = arith.constant 0.000000e+00 : f32
        %max3A_479 = vector.broadcast %max3A_478 : f32 to vector<16xf32>
        %max3A_480 = arith.maximumf %add3A_477, %max3A_479 : vector<16xf32>
        %mul3A_481 = vector.broadcast %squeeze3A : f32 to vector<16xf32>
        %mul3A_482 = arith.mulf %max3A_480, %mul3A_481 : vector<16xf32>
        %swap3A_483 = arith.index_cast %add3A_411 : i32 to index
        %swap3A_484 = arith.constant 48 : index
        %swap3A_485 = tpu.vector_load %arg20[%swap3A_483, %swap3A_484] {strides = array<i32>} : memref<32x128xf32, #tpu.memory_space<vmem>>, vector<16xf32>,
        tpu.vector_store %arg20[%swap3A_483, %swap3A_484], %mul3A_482 {strides = array<i32>} : memref<32x128xf32, #tpu.memory_space<vmem>>, vector<16xf32>,
        %get3A_486 = arith.index_cast %add3A_411 : i32 to index
        %get3A_487 = arith.constant 64 : index
        %get3A_488 = tpu.vector_load %arg20[%get3A_486, %get3A_487] {strides = array<i32>} : memref<32x128xf32, #tpu.memory_space<vmem>>, vector<16xf32>,
        %get3A_489 = arith.index_cast %add3A_411 : i32 to index
        %get3A_490 = arith.constant 64 : index
        %get3A_491 = tpu.vector_load %arg23[%get3A_489, %get3A_490] {strides = array<i32>} : memref<32x128xf32, #tpu.memory_space<vmem>>, vector<16xf32>,
        %add3A_492 = arith.addf %get3A_488, %get3A_491 : vector<16xf32>
        %get3A_493 = arith.index_cast %add3A_411 : i32 to index
        %get3A_494 = arith.constant 64 : index
        %get3A_495 = tpu.vector_load %arg26[%get3A_493, %get3A_494] {strides = array<i32>} : memref<32x128xf32, #tpu.memory_space<vmem>>, vector<16xf32>,
        %add3A_496 = arith.addf %add3A_492, %get3A_495 : vector<16xf32>
        %max3A_497 = arith.constant 0.000000e+00 : f32
        %max3A_498 = vector.broadcast %max3A_497 : f32 to vector<16xf32>
        %max3A_499 = arith.maximumf %add3A_496, %max3A_498 : vector<16xf32>
        %mul3A_500 = vector.broadcast %squeeze3A : f32 to vector<16xf32>
        %mul3A_501 = arith.mulf %max3A_499, %mul3A_500 : vector<16xf32>
        %swap3A_502 = arith.index_cast %add3A_411 : i32 to index
        %swap3A_503 = arith.constant 64 : index
        %swap3A_504 = tpu.vector_load %arg20[%swap3A_502, %swap3A_503] {strides = array<i32>} : memref<32x128xf32, #tpu.memory_space<vmem>>, vector<16xf32>,
        tpu.vector_store %arg20[%swap3A_502, %swap3A_503], %mul3A_501 {strides = array<i32>} : memref<32x128xf32, #tpu.memory_space<vmem>>, vector<16xf32>,
        %get3A_505 = arith.index_cast %add3A_411 : i32 to index
        %get3A_506 = arith.constant 80 : index
        %get3A_507 = tpu.vector_load %arg20[%get3A_505, %get3A_506] {strides = array<i32>} : memref<32x128xf32, #tpu.memory_space<vmem>>, vector<16xf32>,
        %get3A_508 = arith.index_cast %add3A_411 : i32 to index
        %get3A_509 = arith.constant 80 : index
        %get3A_510 = tpu.vector_load %arg23[%get3A_508, %get3A_509] {strides = array<i32>} : memref<32x128xf32, #tpu.memory_space<vmem>>, vector<16xf32>,
        %add3A_511 = arith.addf %get3A_507, %get3A_510 : vector<16xf32>
        %get3A_512 = arith.index_cast %add3A_411 : i32 to index
        %get3A_513 = arith.constant 80 : index
        %get3A_514 = tpu.vector_load %arg26[%get3A_512, %get3A_513] {strides = array<i32>} : memref<32x128xf32, #tpu.memory_space<vmem>>, vector<16xf32>,
        %add3A_515 = arith.addf %add3A_511, %get3A_514 : vector<16xf32>
        %max3A_516 = arith.constant 0.000000e+00 : f32
        %max3A_517 = vector.broadcast %max3A_516 : f32 to vector<16xf32>
        %max3A_518 = arith.maximumf %add3A_515, %max3A_517 : vector<16xf32>
        %mul3A_519 = vector.broadcast %squeeze3A : f32 to vector<16xf32>
        %mul3A_520 = arith.mulf %max3A_518, %mul3A_519 : vector<16xf32>
        %swap3A_521 = arith.index_cast %add3A_411 : i32 to index
        %swap3A_522 = arith.constant 80 : index
        %swap3A_523 = tpu.vector_load %arg20[%swap3A_521, %swap3A_522] {strides = array<i32>} : memref<32x128xf32, #tpu.memory_space<vmem>>, vector<16xf32>,
        tpu.vector_store %arg20[%swap3A_521, %swap3A_522], %mul3A_520 {strides = array<i32>} : memref<32x128xf32, #tpu.memory_space<vmem>>, vector<16xf32>,
        %get3A_524 = arith.index_cast %add3A_411 : i32 to index
        %get3A_525 = arith.constant 96 : index
        %get3A_526 = tpu.vector_load %arg20[%get3A_524, %get3A_525] {strides = array<i32>} : memref<32x128xf32, #tpu.memory_space<vmem>>, vector<16xf32>,
        %get3A_527 = arith.index_cast %add3A_411 : i32 to index
        %get3A_528 = arith.constant 96 : index
        %get3A_529 = tpu.vector_load %arg23[%get3A_527, %get3A_528] {strides = array<i32>} : memref<32x128xf32, #tpu.memory_space<vmem>>, vector<16xf32>,
        %add3A_530 = arith.addf %get3A_526, %get3A_529 : vector<16xf32>
        %get3A_531 = arith.index_cast %add3A_411 : i32 to index
        %get3A_532 = arith.constant 96 : index
        %get3A_533 = tpu.vector_load %arg26[%get3A_531, %get3A_532] {strides = array<i32>} : memref<32x128xf32, #tpu.memory_space<vmem>>, vector<16xf32>,
        %add3A_534 = arith.addf %add3A_530, %get3A_533 : vector<16xf32>
        %max3A_535 = arith.constant 0.000000e+00 : f32
        %max3A_536 = vector.broadcast %max3A_535 : f32 to vector<16xf32>
        %max3A_537 = arith.maximumf %add3A_534, %max3A_536 : vector<16xf32>
        %mul3A_538 = vector.broadcast %squeeze3A : f32 to vector<16xf32>
        %mul3A_539 = arith.mulf %max3A_537, %mul3A_538 : vector<16xf32>
        %swap3A_540 = arith.index_cast %add3A_411 : i32 to index
        %swap3A_541 = arith.constant 96 : index
        %swap3A_542 = tpu.vector_load %arg20[%swap3A_540, %swap3A_541] {strides = array<i32>} : memref<32x128xf32, #tpu.memory_space<vmem>>, vector<16xf32>,
        tpu.vector_store %arg20[%swap3A_540, %swap3A_541], %mul3A_539 {strides = array<i32>} : memref<32x128xf32, #tpu.memory_space<vmem>>, vector<16xf32>,
        %get3A_543 = arith.index_cast %add3A_411 : i32 to index
        %get3A_544 = arith.constant 112 : index
        %get3A_545 = tpu.vector_load %arg20[%get3A_543, %get3A_544] {strides = array<i32>} : memref<32x128xf32, #tpu.memory_space<vmem>>, vector<16xf32>,
        %get3A_546 = arith.index_cast %add3A_411 : i32 to index
        %get3A_547 = arith.constant 112 : index
        %get3A_548 = tpu.vector_load %arg23[%get3A_546, %get3A_547] {strides = array<i32>} : memref<32x128xf32, #tpu.memory_space<vmem>>, vector<16xf32>,
        %add3A_549 = arith.addf %get3A_545, %get3A_548 : vector<16xf32>
        %get3A_550 = arith.index_cast %add3A_411 : i32 to index
        %get3A_551 = arith.constant 112 : index
        %get3A_552 = tpu.vector_load %arg26[%get3A_550, %get3A_551] {strides = array<i32>} : memref<32x128xf32, #tpu.memory_space<vmem>>, vector<16xf32>,
        %add3A_553 = arith.addf %add3A_549, %get3A_552 : vector<16xf32>
        %max3A_554 = arith.constant 0.000000e+00 : f32
        %max3A_555 = vector.broadcast %max3A_554 : f32 to vector<16xf32>
        %max3A_556 = arith.maximumf %add3A_553, %max3A_555 : vector<16xf32>
        %mul3A_557 = vector.broadcast %squeeze3A : f32 to vector<16xf32>
        %mul3A_558 = arith.mulf %max3A_556, %mul3A_557 : vector<16xf32>
        %swap3A_559 = arith.index_cast %add3A_411 : i32 to index
        %swap3A_560 = arith.constant 112 : index
        %swap3A_561 = tpu.vector_load %arg20[%swap3A_559, %swap3A_560] {strides = array<i32>} : memref<32x128xf32, #tpu.memory_space<vmem>>, vector<16xf32>,
        tpu.vector_store %arg20[%swap3A_559, %swap3A_560], %mul3A_558 {strides = array<i32>} : memref<32x128xf32, #tpu.memory_space<vmem>>, vector<16xf32>,
        %mul3A_562 = arith.constant 4 : i32
        %mul3A_563 = arith.muli %mul3A_562, %scan3A_403 : i32
        %add3A_564 = arith.constant 1 : i32
        %add3A_565 = arith.addi %mul3A_563, %add3A_564 : i32
        %slice3A_566 = vector.extract_strided_slice %get3A_407 {offsets = [1], sizes = [1], strides = [1]} : vector<16xf32> to vector<1xf32>
        %squeeze3A_567 = vector.extract %slice3A_566[0] : f32 from vector<1xf32>
        %get3A_568 = arith.index_cast %add3A_565 : i32 to index
        %get3A_569 = arith.constant 0 : index
        %get3A_570 = tpu.vector_load %arg20[%get3A_568, %get3A_569] {strides = array<i32>} : memref<32x128xf32, #tpu.memory_space<vmem>>, vector<16xf32>,
        %get3A_571 = arith.index_cast %add3A_565 : i32 to index
        %get3A_572 = arith.constant 0 : index
        %get3A_573 = tpu.vector_load %arg23[%get3A_571, %get3A_572] {strides = array<i32>} : memref<32x128xf32, #tpu.memory_space<vmem>>, vector<16xf32>,
        %add3A_574 = arith.addf %get3A_570, %get3A_573 : vector<16xf32>
        %get3A_575 = arith.index_cast %add3A_565 : i32 to index
        %get3A_576 = arith.constant 0 : index
        %get3A_577 = tpu.vector_load %arg26[%get3A_575, %get3A_576] {strides = array<i32>} : memref<32x128xf32, #tpu.memory_space<vmem>>, vector<16xf32>,
        %add3A_578 = arith.addf %add3A_574, %get3A_577 : vector<16xf32>
        %max3A_579 = arith.constant 0.000000e+00 : f32
        %max3A_580 = vector.broadcast %max3A_579 : f32 to vector<16xf32>
        %max3A_581 = arith.maximumf %add3A_578, %max3A_580 : vector<16xf32>
        %mul3A_582 = vector.broadcast %squeeze3A_567 : f32 to vector<16xf32>
        %mul3A_583 = arith.mulf %max3A_581, %mul3A_582 : vector<16xf32>
        %swap3A_584 = arith.index_cast %add3A_565 : i32 to index
        %swap3A_585 = arith.constant 0 : index
        %swap3A_586 = tpu.vector_load %arg20[%swap3A_584, %swap3A_585] {strides = array<i32>} : memref<32x128xf32, #tpu.memory_space<vmem>>, vector<16xf32>,
        tpu.vector_store %arg20[%swap3A_584, %swap3A_585], %mul3A_583 {strides = array<i32>} : memref<32x128xf32, #tpu.memory_space<vmem>>, vector<16xf32>,
        %get3A_587 = arith.index_cast %add3A_565 : i32 to index
        %get3A_588 = arith.constant 16 : index
        %get3A_589 = tpu.vector_load %arg20[%get3A_587, %get3A_588] {strides = array<i32>} : memref<32x128xf32, #tpu.memory_space<vmem>>, vector<16xf32>,
        %get3A_590 = arith.index_cast %add3A_565 : i32 to index
        %get3A_591 = arith.constant 16 : index
        %get3A_592 = tpu.vector_load %arg23[%get3A_590, %get3A_591] {strides = array<i32>} : memref<32x128xf32, #tpu.memory_space<vmem>>, vector<16xf32>,
        %add3A_593 = arith.addf %get3A_589, %get3A_592 : vector<16xf32>
        %get3A_594 = arith.index_cast %add3A_565 : i32 to index
        %get3A_595 = arith.constant 16 : index
        %get3A_596 = tpu.vector_load %arg26[%get3A_594, %get3A_595] {strides = array<i32>} : memref<32x128xf32, #tpu.memory_space<vmem>>, vector<16xf32>,
        %add3A_597 = arith.addf %add3A_593, %get3A_596 : vector<16xf32>
        %max3A_598 = arith.constant 0.000000e+00 : f32
        %max3A_599 = vector.broadcast %max3A_598 : f32 to vector<16xf32>
        %max3A_600 = arith.maximumf %add3A_597, %max3A_599 : vector<16xf32>
        %mul3A_601 = vector.broadcast %squeeze3A_567 : f32 to vector<16xf32>
        %mul3A_602 = arith.mulf %max3A_600, %mul3A_601 : vector<16xf32>
        %swap3A_603 = arith.index_cast %add3A_565 : i32 to index
        %swap3A_604 = arith.constant 16 : index
        %swap3A_605 = tpu.vector_load %arg20[%swap3A_603, %swap3A_604] {strides = array<i32>} : memref<32x128xf32, #tpu.memory_space<vmem>>, vector<16xf32>,
        tpu.vector_store %arg20[%swap3A_603, %swap3A_604], %mul3A_602 {strides = array<i32>} : memref<32x128xf32, #tpu.memory_space<vmem>>, vector<16xf32>,
        %get3A_606 = arith.index_cast %add3A_565 : i32 to index
        %get3A_607 = arith.constant 32 : index
        %get3A_608 = tpu.vector_load %arg20[%get3A_606, %get3A_607] {strides = array<i32>} : memref<32x128xf32, #tpu.memory_space<vmem>>, vector<16xf32>,
        %get3A_609 = arith.index_cast %add3A_565 : i32 to index
        %get3A_610 = arith.constant 32 : index
        %get3A_611 = tpu.vector_load %arg23[%get3A_609, %get3A_610] {strides = array<i32>} : memref<32x128xf32, #tpu.memory_space<vmem>>, vector<16xf32>,
        %add3A_612 = arith.addf %get3A_608, %get3A_611 : vector<16xf32>
        %get3A_613 = arith.index_cast %add3A_565 : i32 to index
        %get3A_614 = arith.constant 32 : index
        %get3A_615 = tpu.vector_load %arg26[%get3A_613, %get3A_614] {strides = array<i32>} : memref<32x128xf32, #tpu.memory_space<vmem>>, vector<16xf32>,
        %add3A_616 = arith.addf %add3A_612, %get3A_615 : vector<16xf32>
        %max3A_617 = arith.constant 0.000000e+00 : f32
        %max3A_618 = vector.broadcast %max3A_617 : f32 to vector<16xf32>
        %max3A_619 = arith.maximumf %add3A_616, %max3A_618 : vector<16xf32>
        %mul3A_620 = vector.broadcast %squeeze3A_567 : f32 to vector<16xf32>
        %mul3A_621 = arith.mulf %max3A_619, %mul3A_620 : vector<16xf32>
        %swap3A_622 = arith.index_cast %add3A_565 : i32 to index
        %swap3A_623 = arith.constant 32 : index
        %swap3A_624 = tpu.vector_load %arg20[%swap3A_622, %swap3A_623] {strides = array<i32>} : memref<32x128xf32, #tpu.memory_space<vmem>>, vector<16xf32>,
        tpu.vector_store %arg20[%swap3A_622, %swap3A_623], %mul3A_621 {strides = array<i32>} : memref<32x128xf32, #tpu.memory_space<vmem>>, vector<16xf32>,
        %get3A_625 = arith.index_cast %add3A_565 : i32 to index
        %get3A_626 = arith.constant 48 : index
        %get3A_627 = tpu.vector_load %arg20[%get3A_625, %get3A_626] {strides = array<i32>} : memref<32x128xf32, #tpu.memory_space<vmem>>, vector<16xf32>,
        %get3A_628 = arith.index_cast %add3A_565 : i32 to index
        %get3A_629 = arith.constant 48 : index
        %get3A_630 = tpu.vector_load %arg23[%get3A_628, %get3A_629] {strides = array<i32>} : memref<32x128xf32, #tpu.memory_space<vmem>>, vector<16xf32>,
        %add3A_631 = arith.addf %get3A_627, %get3A_630 : vector<16xf32>
        %get3A_632 = arith.index_cast %add3A_565 : i32 to index
        %get3A_633 = arith.constant 48 : index
        %get3A_634 = tpu.vector_load %arg26[%get3A_632, %get3A_633] {strides = array<i32>} : memref<32x128xf32, #tpu.memory_space<vmem>>, vector<16xf32>,
        %add3A_635 = arith.addf %add3A_631, %get3A_634 : vector<16xf32>
        %max3A_636 = arith.constant 0.000000e+00 : f32
        %max3A_637 = vector.broadcast %max3A_636 : f32 to vector<16xf32>
        %max3A_638 = arith.maximumf %add3A_635, %max3A_637 : vector<16xf32>
        %mul3A_639 = vector.broadcast %squeeze3A_567 : f32 to vector<16xf32>
        %mul3A_640 = arith.mulf %max3A_638, %mul3A_639 : vector<16xf32>
        %swap3A_641 = arith.index_cast %add3A_565 : i32 to index
        %swap3A_642 = arith.constant 48 : index
        %swap3A_643 = tpu.vector_load %arg20[%swap3A_641, %swap3A_642] {strides = array<i32>} : memref<32x128xf32, #tpu.memory_space<vmem>>, vector<16xf32>,
        tpu.vector_store %arg20[%swap3A_641, %swap3A_642], %mul3A_640 {strides = array<i32>} : memref<32x128xf32, #tpu.memory_space<vmem>>, vector<16xf32>,
        %get3A_644 = arith.index_cast %add3A_565 : i32 to index
        %get3A_645 = arith.constant 64 : index
        %get3A_646 = tpu.vector_load %arg20[%get3A_644, %get3A_645] {strides = array<i32>} : memref<32x128xf32, #tpu.memory_space<vmem>>, vector<16xf32>,
        %get3A_647 = arith.index_cast %add3A_565 : i32 to index
        %get3A_648 = arith.constant 64 : index
        %get3A_649 = tpu.vector_load %arg23[%get3A_647, %get3A_648] {strides = array<i32>} : memref<32x128xf32, #tpu.memory_space<vmem>>, vector<16xf32>,
        %add3A_650 = arith.addf %get3A_646, %get3A_649 : vector<16xf32>
        %get3A_651 = arith.index_cast %add3A_565 : i32 to index
        %get3A_652 = arith.constant 64 : index
        %get3A_653 = tpu.vector_load %arg26[%get3A_651, %get3A_652] {strides = array<i32>} : memref<32x128xf32, #tpu.memory_space<vmem>>, vector<16xf32>,
        %add3A_654 = arith.addf %add3A_650, %get3A_653 : vector<16xf32>
        %max3A_655 = arith.constant 0.000000e+00 : f32
        %max3A_656 = vector.broadcast %max3A_655 : f32 to vector<16xf32>
        %max3A_657 = arith.maximumf %add3A_654, %max3A_656 : vector<16xf32>
        %mul3A_658 = vector.broadcast %squeeze3A_567 : f32 to vector<16xf32>
        %mul3A_659 = arith.mulf %max3A_657, %mul3A_658 : vector<16xf32>
        %swap3A_660 = arith.index_cast %add3A_565 : i32 to index
        %swap3A_661 = arith.constant 64 : index
        %swap3A_662 = tpu.vector_load %arg20[%swap3A_660, %swap3A_661] {strides = array<i32>} : memref<32x128xf32, #tpu.memory_space<vmem>>, vector<16xf32>,
        tpu.vector_store %arg20[%swap3A_660, %swap3A_661], %mul3A_659 {strides = array<i32>} : memref<32x128xf32, #tpu.memory_space<vmem>>, vector<16xf32>,
        %get3A_663 = arith.index_cast %add3A_565 : i32 to index
        %get3A_664 = arith.constant 80 : index
        %get3A_665 = tpu.vector_load %arg20[%get3A_663, %get3A_664] {strides = array<i32>} : memref<32x128xf32, #tpu.memory_space<vmem>>, vector<16xf32>,
        %get3A_666 = arith.index_cast %add3A_565 : i32 to index
        %get3A_667 = arith.constant 80 : index
        %get3A_668 = tpu.vector_load %arg23[%get3A_666, %get3A_667] {strides = array<i32>} : memref<32x128xf32, #tpu.memory_space<vmem>>, vector<16xf32>,
        %add3A_669 = arith.addf %get3A_665, %get3A_668 : vector<16xf32>
        %get3A_670 = arith.index_cast %add3A_565 : i32 to index
        %get3A_671 = arith.constant 80 : index
        %get3A_672 = tpu.vector_load %arg26[%get3A_670, %get3A_671] {strides = array<i32>} : memref<32x128xf32, #tpu.memory_space<vmem>>, vector<16xf32>,
        %add3A_673 = arith.addf %add3A_669, %get3A_672 : vector<16xf32>
        %max3A_674 = arith.constant 0.000000e+00 : f32
        %max3A_675 = vector.broadcast %max3A_674 : f32 to vector<16xf32>
        %max3A_676 = arith.maximumf %add3A_673, %max3A_675 : vector<16xf32>
        %mul3A_677 = vector.broadcast %squeeze3A_567 : f32 to vector<16xf32>
        %mul3A_678 = arith.mulf %max3A_676, %mul3A_677 : vector<16xf32>
        %swap3A_679 = arith.index_cast %add3A_565 : i32 to index
        %swap3A_680 = arith.constant 80 : index
        %swap3A_681 = tpu.vector_load %arg20[%swap3A_679, %swap3A_680] {strides = array<i32>} : memref<32x128xf32, #tpu.memory_space<vmem>>, vector<16xf32>,
        tpu.vector_store %arg20[%swap3A_679, %swap3A_680], %mul3A_678 {strides = array<i32>} : memref<32x128xf32, #tpu.memory_space<vmem>>, vector<16xf32>,
        %get3A_682 = arith.index_cast %add3A_565 : i32 to index
        %get3A_683 = arith.constant 96 : index
        %get3A_684 = tpu.vector_load %arg20[%get3A_682, %get3A_683] {strides = array<i32>} : memref<32x128xf32, #tpu.memory_space<vmem>>, vector<16xf32>,
        %get3A_685 = arith.index_cast %add3A_565 : i32 to index
        %get3A_686 = arith.constant 96 : index
        %get3A_687 = tpu.vector_load %arg23[%get3A_685, %get3A_686] {strides = array<i32>} : memref<32x128xf32, #tpu.memory_space<vmem>>, vector<16xf32>,
        %add3A_688 = arith.addf %get3A_684, %get3A_687 : vector<16xf32>
        %get3A_689 = arith.index_cast %add3A_565 : i32 to index
        %get3A_690 = arith.constant 96 : index
        %get3A_691 = tpu.vector_load %arg26[%get3A_689, %get3A_690] {strides = array<i32>} : memref<32x128xf32, #tpu.memory_space<vmem>>, vector<16xf32>,
        %add3A_692 = arith.addf %add3A_688, %get3A_691 : vector<16xf32>
        %max3A_693 = arith.constant 0.000000e+00 : f32
        %max3A_694 = vector.broadcast %max3A_693 : f32 to vector<16xf32>
        %max3A_695 = arith.maximumf %add3A_692, %max3A_694 : vector<16xf32>
        %mul3A_696 = vector.broadcast %squeeze3A_567 : f32 to vector<16xf32>
        %mul3A_697 = arith.mulf %max3A_695, %mul3A_696 : vector<16xf32>
        %swap3A_698 = arith.index_cast %add3A_565 : i32 to index
        %swap3A_699 = arith.constant 96 : index
        %swap3A_700 = tpu.vector_load %arg20[%swap3A_698, %swap3A_699] {strides = array<i32>} : memref<32x128xf32, #tpu.memory_space<vmem>>, vector<16xf32>,
        tpu.vector_store %arg20[%swap3A_698, %swap3A_699], %mul3A_697 {strides = array<i32>} : memref<32x128xf32, #tpu.memory_space<vmem>>, vector<16xf32>,
        %get3A_701 = arith.index_cast %add3A_565 : i32 to index
        %get3A_702 = arith.constant 112 : index
        %get3A_703 = tpu.vector_load %arg20[%get3A_701, %get3A_702] {strides = array<i32>} : memref<32x128xf32, #tpu.memory_space<vmem>>, vector<16xf32>,
        %get3A_704 = arith.index_cast %add3A_565 : i32 to index
        %get3A_705 = arith.constant 112 : index
        %get3A_706 = tpu.vector_load %arg23[%get3A_704, %get3A_705] {strides = array<i32>} : memref<32x128xf32, #tpu.memory_space<vmem>>, vector<16xf32>,
        %add3A_707 = arith.addf %get3A_703, %get3A_706 : vector<16xf32>
        %get3A_708 = arith.index_cast %add3A_565 : i32 to index
        %get3A_709 = arith.constant 112 : index
        %get3A_710 = tpu.vector_load %arg26[%get3A_708, %get3A_709] {strides = array<i32>} : memref<32x128xf32, #tpu.memory_space<vmem>>, vector<16xf32>,
        %add3A_711 = arith.addf %add3A_707, %get3A_710 : vector<16xf32>
        %max3A_712 = arith.constant 0.000000e+00 : f32
        %max3A_713 = vector.broadcast %max3A_712 : f32 to vector<16xf32>
        %max3A_714 = arith.maximumf %add3A_711, %max3A_713 : vector<16xf32>
        %mul3A_715 = vector.broadcast %squeeze3A_567 : f32 to vector<16xf32>
        %mul3A_716 = arith.mulf %max3A_714, %mul3A_715 : vector<16xf32>
        %swap3A_717 = arith.index_cast %add3A_565 : i32 to index
        %swap3A_718 = arith.constant 112 : index
        %swap3A_719 = tpu.vector_load %arg20[%swap3A_717, %swap3A_718] {strides = array<i32>} : memref<32x128xf32, #tpu.memory_space<vmem>>, vector<16xf32>,
        tpu.vector_store %arg20[%swap3A_717, %swap3A_718], %mul3A_716 {strides = array<i32>} : memref<32x128xf32, #tpu.memory_space<vmem>>, vector<16xf32>,
        %mul3A_720 = arith.constant 4 : i32
        %mul3A_721 = arith.muli %mul3A_720, %scan3A_403 : i32
        %add3A_722 = arith.constant 2 : i32
        %add3A_723 = arith.addi %mul3A_721, %add3A_722 : i32
        %slice3A_724 = vector.extract_strided_slice %get3A_407 {offsets = [2], sizes = [1], strides = [1]} : vector<16xf32> to vector<1xf32>
        %squeeze3A_725 = vector.extract %slice3A_724[0] : f32 from vector<1xf32>
        %get3A_726 = arith.index_cast %add3A_723 : i32 to index
        %get3A_727 = arith.constant 0 : index
        %get3A_728 = tpu.vector_load %arg20[%get3A_726, %get3A_727] {strides = array<i32>} : memref<32x128xf32, #tpu.memory_space<vmem>>, vector<16xf32>,
        %get3A_729 = arith.index_cast %add3A_723 : i32 to index
        %get3A_730 = arith.constant 0 : index
        %get3A_731 = tpu.vector_load %arg23[%get3A_729, %get3A_730] {strides = array<i32>} : memref<32x128xf32, #tpu.memory_space<vmem>>, vector<16xf32>,
        %add3A_732 = arith.addf %get3A_728, %get3A_731 : vector<16xf32>
        %get3A_733 = arith.index_cast %add3A_723 : i32 to index
        %get3A_734 = arith.constant 0 : index
        %get3A_735 = tpu.vector_load %arg26[%get3A_733, %get3A_734] {strides = array<i32>} : memref<32x128xf32, #tpu.memory_space<vmem>>, vector<16xf32>,
        %add3A_736 = arith.addf %add3A_732, %get3A_735 : vector<16xf32>
        %max3A_737 = arith.constant 0.000000e+00 : f32
        %max3A_738 = vector.broadcast %max3A_737 : f32 to vector<16xf32>
        %max3A_739 = arith.maximumf %add3A_736, %max3A_738 : vector<16xf32>
        %mul3A_740 = vector.broadcast %squeeze3A_725 : f32 to vector<16xf32>
        %mul3A_741 = arith.mulf %max3A_739, %mul3A_740 : vector<16xf32>
        %swap3A_742 = arith.index_cast %add3A_723 : i32 to index
        %swap3A_743 = arith.constant 0 : index
        %swap3A_744 = tpu.vector_load %arg20[%swap3A_742, %swap3A_743] {strides = array<i32>} : memref<32x128xf32, #tpu.memory_space<vmem>>, vector<16xf32>,
        tpu.vector_store %arg20[%swap3A_742, %swap3A_743], %mul3A_741 {strides = array<i32>} : memref<32x128xf32, #tpu.memory_space<vmem>>, vector<16xf32>,
        %get3A_745 = arith.index_cast %add3A_723 : i32 to index
        %get3A_746 = arith.constant 16 : index
        %get3A_747 = tpu.vector_load %arg20[%get3A_745, %get3A_746] {strides = array<i32>} : memref<32x128xf32, #tpu.memory_space<vmem>>, vector<16xf32>,
        %get3A_748 = arith.index_cast %add3A_723 : i32 to index
        %get3A_749 = arith.constant 16 : index
        %get3A_750 = tpu.vector_load %arg23[%get3A_748, %get3A_749] {strides = array<i32>} : memref<32x128xf32, #tpu.memory_space<vmem>>, vector<16xf32>,
        %add3A_751 = arith.addf %get3A_747, %get3A_750 : vector<16xf32>
        %get3A_752 = arith.index_cast %add3A_723 : i32 to index
        %get3A_753 = arith.constant 16 : index
        %get3A_754 = tpu.vector_load %arg26[%get3A_752, %get3A_753] {strides = array<i32>} : memref<32x128xf32, #tpu.memory_space<vmem>>, vector<16xf32>,
        %add3A_755 = arith.addf %add3A_751, %get3A_754 : vector<16xf32>
        %max3A_756 = arith.constant 0.000000e+00 : f32
        %max3A_757 = vector.broadcast %max3A_756 : f32 to vector<16xf32>
        %max3A_758 = arith.maximumf %add3A_755, %max3A_757 : vector<16xf32>
        %mul3A_759 = vector.broadcast %squeeze3A_725 : f32 to vector<16xf32>
        %mul3A_760 = arith.mulf %max3A_758, %mul3A_759 : vector<16xf32>
        %swap3A_761 = arith.index_cast %add3A_723 : i32 to index
        %swap3A_762 = arith.constant 16 : index
        %swap3A_763 = tpu.vector_load %arg20[%swap3A_761, %swap3A_762] {strides = array<i32>} : memref<32x128xf32, #tpu.memory_space<vmem>>, vector<16xf32>,
        tpu.vector_store %arg20[%swap3A_761, %swap3A_762], %mul3A_760 {strides = array<i32>} : memref<32x128xf32, #tpu.memory_space<vmem>>, vector<16xf32>,
        %get3A_764 = arith.index_cast %add3A_723 : i32 to index
        %get3A_765 = arith.constant 32 : index
        %get3A_766 = tpu.vector_load %arg20[%get3A_764, %get3A_765] {strides = array<i32>} : memref<32x128xf32, #tpu.memory_space<vmem>>, vector<16xf32>,
        %get3A_767 = arith.index_cast %add3A_723 : i32 to index
        %get3A_768 = arith.constant 32 : index
        %get3A_769 = tpu.vector_load %arg23[%get3A_767, %get3A_768] {strides = array<i32>} : memref<32x128xf32, #tpu.memory_space<vmem>>, vector<16xf32>,
        %add3A_770 = arith.addf %get3A_766, %get3A_769 : vector<16xf32>
        %get3A_771 = arith.index_cast %add3A_723 : i32 to index
        %get3A_772 = arith.constant 32 : index
        %get3A_773 = tpu.vector_load %arg26[%get3A_771, %get3A_772] {strides = array<i32>} : memref<32x128xf32, #tpu.memory_space<vmem>>, vector<16xf32>,
        %add3A_774 = arith.addf %add3A_770, %get3A_773 : vector<16xf32>
        %max3A_775 = arith.constant 0.000000e+00 : f32
        %max3A_776 = vector.broadcast %max3A_775 : f32 to vector<16xf32>
        %max3A_777 = arith.maximumf %add3A_774, %max3A_776 : vector<16xf32>
        %mul3A_778 = vector.broadcast %squeeze3A_725 : f32 to vector<16xf32>
        %mul3A_779 = arith.mulf %max3A_777, %mul3A_778 : vector<16xf32>
        %swap3A_780 = arith.index_cast %add3A_723 : i32 to index
        %swap3A_781 = arith.constant 32 : index
        %swap3A_782 = tpu.vector_load %arg20[%swap3A_780, %swap3A_781] {strides = array<i32>} : memref<32x128xf32, #tpu.memory_space<vmem>>, vector<16xf32>,
        tpu.vector_store %arg20[%swap3A_780, %swap3A_781], %mul3A_779 {strides = array<i32>} : memref<32x128xf32, #tpu.memory_space<vmem>>, vector<16xf32>,
        %get3A_783 = arith.index_cast %add3A_723 : i32 to index
        %get3A_784 = arith.constant 48 : index
        %get3A_785 = tpu.vector_load %arg20[%get3A_783, %get3A_784] {strides = array<i32>} : memref<32x128xf32, #tpu.memory_space<vmem>>, vector<16xf32>,
        %get3A_786 = arith.index_cast %add3A_723 : i32 to index
        %get3A_787 = arith.constant 48 : index
        %get3A_788 = tpu.vector_load %arg23[%get3A_786, %get3A_787] {strides = array<i32>} : memref<32x128xf32, #tpu.memory_space<vmem>>, vector<16xf32>,
        %add3A_789 = arith.addf %get3A_785, %get3A_788 : vector<16xf32>
        %get3A_790 = arith.index_cast %add3A_723 : i32 to index
        %get3A_791 = arith.constant 48 : index
        %get3A_792 = tpu.vector_load %arg26[%get3A_790, %get3A_791] {strides = array<i32>} : memref<32x128xf32, #tpu.memory_space<vmem>>, vector<16xf32>,
        %add3A_793 = arith.addf %add3A_789, %get3A_792 : vector<16xf32>
        %max3A_794 = arith.constant 0.000000e+00 : f32
        %max3A_795 = vector.broadcast %max3A_794 : f32 to vector<16xf32>
        %max3A_796 = arith.maximumf %add3A_793, %max3A_795 : vector<16xf32>
        %mul3A_797 = vector.broadcast %squeeze3A_725 : f32 to vector<16xf32>
        %mul3A_798 = arith.mulf %max3A_796, %mul3A_797 : vector<16xf32>
        %swap3A_799 = arith.index_cast %add3A_723 : i32 to index
        %swap3A_800 = arith.constant 48 : index
        %swap3A_801 = tpu.vector_load %arg20[%swap3A_799, %swap3A_800] {strides = array<i32>} : memref<32x128xf32, #tpu.memory_space<vmem>>, vector<16xf32>,
        tpu.vector_store %arg20[%swap3A_799, %swap3A_800], %mul3A_798 {strides = array<i32>} : memref<32x128xf32, #tpu.memory_space<vmem>>, vector<16xf32>,
        %get3A_802 = arith.index_cast %add3A_723 : i32 to index
        %get3A_803 = arith.constant 64 : index
        %get3A_804 = tpu.vector_load %arg20[%get3A_802, %get3A_803] {strides = array<i32>} : memref<32x128xf32, #tpu.memory_space<vmem>>, vector<16xf32>,
        %get3A_805 = arith.index_cast %add3A_723 : i32 to index
        %get3A_806 = arith.constant 64 : index
        %get3A_807 = tpu.vector_load %arg23[%get3A_805, %get3A_806] {strides = array<i32>} : memref<32x128xf32, #tpu.memory_space<vmem>>, vector<16xf32>,
        %add3A_808 = arith.addf %get3A_804, %get3A_807 : vector<16xf32>
        %get3A_809 = arith.index_cast %add3A_723 : i32 to index
        %get3A_810 = arith.constant 64 : index
        %get3A_811 = tpu.vector_load %arg26[%get3A_809, %get3A_810] {strides = array<i32>} : memref<32x128xf32, #tpu.memory_space<vmem>>, vector<16xf32>,
        %add3A_812 = arith.addf %add3A_808, %get3A_811 : vector<16xf32>
        %max3A_813 = arith.constant 0.000000e+00 : f32
        %max3A_814 = vector.broadcast %max3A_813 : f32 to vector<16xf32>
        %max3A_815 = arith.maximumf %add3A_812, %max3A_814 : vector<16xf32>
        %mul3A_816 = vector.broadcast %squeeze3A_725 : f32 to vector<16xf32>
        %mul3A_817 = arith.mulf %max3A_815, %mul3A_816 : vector<16xf32>
        %swap3A_818 = arith.index_cast %add3A_723 : i32 to index
        %swap3A_819 = arith.constant 64 : index
        %swap3A_820 = tpu.vector_load %arg20[%swap3A_818, %swap3A_819] {strides = array<i32>} : memref<32x128xf32, #tpu.memory_space<vmem>>, vector<16xf32>,
        tpu.vector_store %arg20[%swap3A_818, %swap3A_819], %mul3A_817 {strides = array<i32>} : memref<32x128xf32, #tpu.memory_space<vmem>>, vector<16xf32>,
        %get3A_821 = arith.index_cast %add3A_723 : i32 to index
        %get3A_822 = arith.constant 80 : index
        %get3A_823 = tpu.vector_load %arg20[%get3A_821, %get3A_822] {strides = array<i32>} : memref<32x128xf32, #tpu.memory_space<vmem>>, vector<16xf32>,
        %get3A_824 = arith.index_cast %add3A_723 : i32 to index
        %get3A_825 = arith.constant 80 : index
        %get3A_826 = tpu.vector_load %arg23[%get3A_824, %get3A_825] {strides = array<i32>} : memref<32x128xf32, #tpu.memory_space<vmem>>, vector<16xf32>,
        %add3A_827 = arith.addf %get3A_823, %get3A_826 : vector<16xf32>
        %get3A_828 = arith.index_cast %add3A_723 : i32 to index
        %get3A_829 = arith.constant 80 : index
        %get3A_830 = tpu.vector_load %arg26[%get3A_828, %get3A_829] {strides = array<i32>} : memref<32x128xf32, #tpu.memory_space<vmem>>, vector<16xf32>,
        %add3A_831 = arith.addf %add3A_827, %get3A_830 : vector<16xf32>
        %max3A_832 = arith.constant 0.000000e+00 : f32
        %max3A_833 = vector.broadcast %max3A_832 : f32 to vector<16xf32>
        %max3A_834 = arith.maximumf %add3A_831, %max3A_833 : vector<16xf32>
        %mul3A_835 = vector.broadcast %squeeze3A_725 : f32 to vector<16xf32>
        %mul3A_836 = arith.mulf %max3A_834, %mul3A_835 : vector<16xf32>
        %swap3A_837 = arith.index_cast %add3A_723 : i32 to index
        %swap3A_838 = arith.constant 80 : index
        %swap3A_839 = tpu.vector_load %arg20[%swap3A_837, %swap3A_838] {strides = array<i32>} : memref<32x128xf32, #tpu.memory_space<vmem>>, vector<16xf32>,
        tpu.vector_store %arg20[%swap3A_837, %swap3A_838], %mul3A_836 {strides = array<i32>} : memref<32x128xf32, #tpu.memory_space<vmem>>, vector<16xf32>,
        %get3A_840 = arith.index_cast %add3A_723 : i32 to index
        %get3A_841 = arith.constant 96 : index
        %get3A_842 = tpu.vector_load %arg20[%get3A_840, %get3A_841] {strides = array<i32>} : memref<32x128xf32, #tpu.memory_space<vmem>>, vector<16xf32>,
        %get3A_843 = arith.index_cast %add3A_723 : i32 to index
        %get3A_844 = arith.constant 96 : index
        %get3A_845 = tpu.vector_load %arg23[%get3A_843, %get3A_844] {strides = array<i32>} : memref<32x128xf32, #tpu.memory_space<vmem>>, vector<16xf32>,
        %add3A_846 = arith.addf %get3A_842, %get3A_845 : vector<16xf32>
        %get3A_847 = arith.index_cast %add3A_723 : i32 to index
        %get3A_848 = arith.constant 96 : index
        %get3A_849 = tpu.vector_load %arg26[%get3A_847, %get3A_848] {strides = array<i32>} : memref<32x128xf32, #tpu.memory_space<vmem>>, vector<16xf32>,
        %add3A_850 = arith.addf %add3A_846, %get3A_849 : vector<16xf32>
        %max3A_851 = arith.constant 0.000000e+00 : f32
        %max3A_852 = vector.broadcast %max3A_851 : f32 to vector<16xf32>
        %max3A_853 = arith.maximumf %add3A_850, %max3A_852 : vector<16xf32>
        %mul3A_854 = vector.broadcast %squeeze3A_725 : f32 to vector<16xf32>
        %mul3A_855 = arith.mulf %max3A_853, %mul3A_854 : vector<16xf32>
        %swap3A_856 = arith.index_cast %add3A_723 : i32 to index
        %swap3A_857 = arith.constant 96 : index
        %swap3A_858 = tpu.vector_load %arg20[%swap3A_856, %swap3A_857] {strides = array<i32>} : memref<32x128xf32, #tpu.memory_space<vmem>>, vector<16xf32>,
        tpu.vector_store %arg20[%swap3A_856, %swap3A_857], %mul3A_855 {strides = array<i32>} : memref<32x128xf32, #tpu.memory_space<vmem>>, vector<16xf32>,
        %get3A_859 = arith.index_cast %add3A_723 : i32 to index
        %get3A_860 = arith.constant 112 : index
        %get3A_861 = tpu.vector_load %arg20[%get3A_859, %get3A_860] {strides = array<i32>} : memref<32x128xf32, #tpu.memory_space<vmem>>, vector<16xf32>,
        %get3A_862 = arith.index_cast %add3A_723 : i32 to index
        %get3A_863 = arith.constant 112 : index
        %get3A_864 = tpu.vector_load %arg23[%get3A_862, %get3A_863] {strides = array<i32>} : memref<32x128xf32, #tpu.memory_space<vmem>>, vector<16xf32>,
        %add3A_865 = arith.addf %get3A_861, %get3A_864 : vector<16xf32>
        %get3A_866 = arith.index_cast %add3A_723 : i32 to index
        %get3A_867 = arith.constant 112 : index
        %get3A_868 = tpu.vector_load %arg26[%get3A_866, %get3A_867] {strides = array<i32>} : memref<32x128xf32, #tpu.memory_space<vmem>>, vector<16xf32>,
        %add3A_869 = arith.addf %add3A_865, %get3A_868 : vector<16xf32>
        %max3A_870 = arith.constant 0.000000e+00 : f32
        %max3A_871 = vector.broadcast %max3A_870 : f32 to vector<16xf32>
        %max3A_872 = arith.maximumf %add3A_869, %max3A_871 : vector<16xf32>
        %mul3A_873 = vector.broadcast %squeeze3A_725 : f32 to vector<16xf32>
        %mul3A_874 = arith.mulf %max3A_872, %mul3A_873 : vector<16xf32>
        %swap3A_875 = arith.index_cast %add3A_723 : i32 to index
        %swap3A_876 = arith.constant 112 : index
        %swap3A_877 = tpu.vector_load %arg20[%swap3A_875, %swap3A_876] {strides = array<i32>} : memref<32x128xf32, #tpu.memory_space<vmem>>, vector<16xf32>,
        tpu.vector_store %arg20[%swap3A_875, %swap3A_876], %mul3A_874 {strides = array<i32>} : memref<32x128xf32, #tpu.memory_space<vmem>>, vector<16xf32>,
        %mul3A_878 = arith.constant 4 : i32
        %mul3A_879 = arith.muli %mul3A_878, %scan3A_403 : i32
        %add3A_880 = arith.constant 3 : i32
        %add3A_881 = arith.addi %mul3A_879, %add3A_880 : i32
        %slice3A_882 = vector.extract_strided_slice %get3A_407 {offsets = [3], sizes = [1], strides = [1]} : vector<16xf32> to vector<1xf32>
        %squeeze3A_883 = vector.extract %slice3A_882[0] : f32 from vector<1xf32>
        %get3A_884 = arith.index_cast %add3A_881 : i32 to index
        %get3A_885 = arith.constant 0 : index
        %get3A_886 = tpu.vector_load %arg20[%get3A_884, %get3A_885] {strides = array<i32>} : memref<32x128xf32, #tpu.memory_space<vmem>>, vector<16xf32>,
        %get3A_887 = arith.index_cast %add3A_881 : i32 to index
        %get3A_888 = arith.constant 0 : index
        %get3A_889 = tpu.vector_load %arg23[%get3A_887, %get3A_888] {strides = array<i32>} : memref<32x128xf32, #tpu.memory_space<vmem>>, vector<16xf32>,
        %add3A_890 = arith.addf %get3A_886, %get3A_889 : vector<16xf32>
        %get3A_891 = arith.index_cast %add3A_881 : i32 to index
        %get3A_892 = arith.constant 0 : index
        %get3A_893 = tpu.vector_load %arg26[%get3A_891, %get3A_892] {strides = array<i32>} : memref<32x128xf32, #tpu.memory_space<vmem>>, vector<16xf32>,
        %add3A_894 = arith.addf %add3A_890, %get3A_893 : vector<16xf32>
        %max3A_895 = arith.constant 0.000000e+00 : f32
        %max3A_896 = vector.broadcast %max3A_895 : f32 to vector<16xf32>
        %max3A_897 = arith.maximumf %add3A_894, %max3A_896 : vector<16xf32>
        %mul3A_898 = vector.broadcast %squeeze3A_883 : f32 to vector<16xf32>
        %mul3A_899 = arith.mulf %max3A_897, %mul3A_898 : vector<16xf32>
        %swap3A_900 = arith.index_cast %add3A_881 : i32 to index
        %swap3A_901 = arith.constant 0 : index
        %swap3A_902 = tpu.vector_load %arg20[%swap3A_900, %swap3A_901] {strides = array<i32>} : memref<32x128xf32, #tpu.memory_space<vmem>>, vector<16xf32>,
        tpu.vector_store %arg20[%swap3A_900, %swap3A_901], %mul3A_899 {strides = array<i32>} : memref<32x128xf32, #tpu.memory_space<vmem>>, vector<16xf32>,
        %get3A_903 = arith.index_cast %add3A_881 : i32 to index
        %get3A_904 = arith.constant 16 : index
        %get3A_905 = tpu.vector_load %arg20[%get3A_903, %get3A_904] {strides = array<i32>} : memref<32x128xf32, #tpu.memory_space<vmem>>, vector<16xf32>,
        %get3A_906 = arith.index_cast %add3A_881 : i32 to index
        %get3A_907 = arith.constant 16 : index
        %get3A_908 = tpu.vector_load %arg23[%get3A_906, %get3A_907] {strides = array<i32>} : memref<32x128xf32, #tpu.memory_space<vmem>>, vector<16xf32>,
        %add3A_909 = arith.addf %get3A_905, %get3A_908 : vector<16xf32>
        %get3A_910 = arith.index_cast %add3A_881 : i32 to index
        %get3A_911 = arith.constant 16 : index
        %get3A_912 = tpu.vector_load %arg26[%get3A_910, %get3A_911] {strides = array<i32>} : memref<32x128xf32, #tpu.memory_space<vmem>>, vector<16xf32>,
        %add3A_913 = arith.addf %add3A_909, %get3A_912 : vector<16xf32>
        %max3A_914 = arith.constant 0.000000e+00 : f32
        %max3A_915 = vector.broadcast %max3A_914 : f32 to vector<16xf32>
        %max3A_916 = arith.maximumf %add3A_913, %max3A_915 : vector<16xf32>
        %mul3A_917 = vector.broadcast %squeeze3A_883 : f32 to vector<16xf32>
        %mul3A_918 = arith.mulf %max3A_916, %mul3A_917 : vector<16xf32>
        %swap3A_919 = arith.index_cast %add3A_881 : i32 to index
        %swap3A_920 = arith.constant 16 : index
        %swap3A_921 = tpu.vector_load %arg20[%swap3A_919, %swap3A_920] {strides = array<i32>} : memref<32x128xf32, #tpu.memory_space<vmem>>, vector<16xf32>,
        tpu.vector_store %arg20[%swap3A_919, %swap3A_920], %mul3A_918 {strides = array<i32>} : memref<32x128xf32, #tpu.memory_space<vmem>>, vector<16xf32>,
        %get3A_922 = arith.index_cast %add3A_881 : i32 to index
        %get3A_923 = arith.constant 32 : index
        %get3A_924 = tpu.vector_load %arg20[%get3A_922, %get3A_923] {strides = array<i32>} : memref<32x128xf32, #tpu.memory_space<vmem>>, vector<16xf32>,
        %get3A_925 = arith.index_cast %add3A_881 : i32 to index
        %get3A_926 = arith.constant 32 : index
        %get3A_927 = tpu.vector_load %arg23[%get3A_925, %get3A_926] {strides = array<i32>} : memref<32x128xf32, #tpu.memory_space<vmem>>, vector<16xf32>,
        %add3A_928 = arith.addf %get3A_924, %get3A_927 : vector<16xf32>
        %get3A_929 = arith.index_cast %add3A_881 : i32 to index
        %get3A_930 = arith.constant 32 : index
        %get3A_931 = tpu.vector_load %arg26[%get3A_929, %get3A_930] {strides = array<i32>} : memref<32x128xf32, #tpu.memory_space<vmem>>, vector<16xf32>,
        %add3A_932 = arith.addf %add3A_928, %get3A_931 : vector<16xf32>
        %max3A_933 = arith.constant 0.000000e+00 : f32
        %max3A_934 = vector.broadcast %max3A_933 : f32 to vector<16xf32>
        %max3A_935 = arith.maximumf %add3A_932, %max3A_934 : vector<16xf32>
        %mul3A_936 = vector.broadcast %squeeze3A_883 : f32 to vector<16xf32>
        %mul3A_937 = arith.mulf %max3A_935, %mul3A_936 : vector<16xf32>
        %swap3A_938 = arith.index_cast %add3A_881 : i32 to index
        %swap3A_939 = arith.constant 32 : index
        %swap3A_940 = tpu.vector_load %arg20[%swap3A_938, %swap3A_939] {strides = array<i32>} : memref<32x128xf32, #tpu.memory_space<vmem>>, vector<16xf32>,
        tpu.vector_store %arg20[%swap3A_938, %swap3A_939], %mul3A_937 {strides = array<i32>} : memref<32x128xf32, #tpu.memory_space<vmem>>, vector<16xf32>,
        %get3A_941 = arith.index_cast %add3A_881 : i32 to index
        %get3A_942 = arith.constant 48 : index
        %get3A_943 = tpu.vector_load %arg20[%get3A_941, %get3A_942] {strides = array<i32>} : memref<32x128xf32, #tpu.memory_space<vmem>>, vector<16xf32>,
        %get3A_944 = arith.index_cast %add3A_881 : i32 to index
        %get3A_945 = arith.constant 48 : index
        %get3A_946 = tpu.vector_load %arg23[%get3A_944, %get3A_945] {strides = array<i32>} : memref<32x128xf32, #tpu.memory_space<vmem>>, vector<16xf32>,
        %add3A_947 = arith.addf %get3A_943, %get3A_946 : vector<16xf32>
        %get3A_948 = arith.index_cast %add3A_881 : i32 to index
        %get3A_949 = arith.constant 48 : index
        %get3A_950 = tpu.vector_load %arg26[%get3A_948, %get3A_949] {strides = array<i32>} : memref<32x128xf32, #tpu.memory_space<vmem>>, vector<16xf32>,
        %add3A_951 = arith.addf %add3A_947, %get3A_950 : vector<16xf32>
        %max3A_952 = arith.constant 0.000000e+00 : f32
        %max3A_953 = vector.broadcast %max3A_952 : f32 to vector<16xf32>
        %max3A_954 = arith.maximumf %add3A_951, %max3A_953 : vector<16xf32>
        %mul3A_955 = vector.broadcast %squeeze3A_883 : f32 to vector<16xf32>
        %mul3A_956 = arith.mulf %max3A_954, %mul3A_955 : vector<16xf32>
        %swap3A_957 = arith.index_cast %add3A_881 : i32 to index
        %swap3A_958 = arith.constant 48 : index
        %swap3A_959 = tpu.vector_load %arg20[%swap3A_957, %swap3A_958] {strides = array<i32>} : memref<32x128xf32, #tpu.memory_space<vmem>>, vector<16xf32>,
        tpu.vector_store %arg20[%swap3A_957, %swap3A_958], %mul3A_956 {strides = array<i32>} : memref<32x128xf32, #tpu.memory_space<vmem>>, vector<16xf32>,
        %get3A_960 = arith.index_cast %add3A_881 : i32 to index
        %get3A_961 = arith.constant 64 : index
        %get3A_962 = tpu.vector_load %arg20[%get3A_960, %get3A_961] {strides = array<i32>} : memref<32x128xf32, #tpu.memory_space<vmem>>, vector<16xf32>,
        %get3A_963 = arith.index_cast %add3A_881 : i32 to index
        %get3A_964 = arith.constant 64 : index
        %get3A_965 = tpu.vector_load %arg23[%get3A_963, %get3A_964] {strides = array<i32>} : memref<32x128xf32, #tpu.memory_space<vmem>>, vector<16xf32>,
        %add3A_966 = arith.addf %get3A_962, %get3A_965 : vector<16xf32>
        %get3A_967 = arith.index_cast %add3A_881 : i32 to index
        %get3A_968 = arith.constant 64 : index
        %get3A_969 = tpu.vector_load %arg26[%get3A_967, %get3A_968] {strides = array<i32>} : memref<32x128xf32, #tpu.memory_space<vmem>>, vector<16xf32>,
        %add3A_970 = arith.addf %add3A_966, %get3A_969 : vector<16xf32>
        %max3A_971 = arith.constant 0.000000e+00 : f32
        %max3A_972 = vector.broadcast %max3A_971 : f32 to vector<16xf32>
        %max3A_973 = arith.maximumf %add3A_970, %max3A_972 : vector<16xf32>
        %mul3A_974 = vector.broadcast %squeeze3A_883 : f32 to vector<16xf32>
        %mul3A_975 = arith.mulf %max3A_973, %mul3A_974 : vector<16xf32>
        %swap3A_976 = arith.index_cast %add3A_881 : i32 to index
        %swap3A_977 = arith.constant 64 : index
        %swap3A_978 = tpu.vector_load %arg20[%swap3A_976, %swap3A_977] {strides = array<i32>} : memref<32x128xf32, #tpu.memory_space<vmem>>, vector<16xf32>,
        tpu.vector_store %arg20[%swap3A_976, %swap3A_977], %mul3A_975 {strides = array<i32>} : memref<32x128xf32, #tpu.memory_space<vmem>>, vector<16xf32>,
        %get3A_979 = arith.index_cast %add3A_881 : i32 to index
        %get3A_980 = arith.constant 80 : index
        %get3A_981 = tpu.vector_load %arg20[%get3A_979, %get3A_980] {strides = array<i32>} : memref<32x128xf32, #tpu.memory_space<vmem>>, vector<16xf32>,
        %get3A_982 = arith.index_cast %add3A_881 : i32 to index
        %get3A_983 = arith.constant 80 : index
        %get3A_984 = tpu.vector_load %arg23[%get3A_982, %get3A_983] {strides = array<i32>} : memref<32x128xf32, #tpu.memory_space<vmem>>, vector<16xf32>,
        %add3A_985 = arith.addf %get3A_981, %get3A_984 : vector<16xf32>
        %get3A_986 = arith.index_cast %add3A_881 : i32 to index
        %get3A_987 = arith.constant 80 : index
        %get3A_988 = tpu.vector_load %arg26[%get3A_986, %get3A_987] {strides = array<i32>} : memref<32x128xf32, #tpu.memory_space<vmem>>, vector<16xf32>,
        %add3A_989 = arith.addf %add3A_985, %get3A_988 : vector<16xf32>
        %max3A_990 = arith.constant 0.000000e+00 : f32
        %max3A_991 = vector.broadcast %max3A_990 : f32 to vector<16xf32>
        %max3A_992 = arith.maximumf %add3A_989, %max3A_991 : vector<16xf32>
        %mul3A_993 = vector.broadcast %squeeze3A_883 : f32 to vector<16xf32>
        %mul3A_994 = arith.mulf %max3A_992, %mul3A_993 : vector<16xf32>
        %swap3A_995 = arith.index_cast %add3A_881 : i32 to index
        %swap3A_996 = arith.constant 80 : index
        %swap3A_997 = tpu.vector_load %arg20[%swap3A_995, %swap3A_996] {strides = array<i32>} : memref<32x128xf32, #tpu.memory_space<vmem>>, vector<16xf32>,
        tpu.vector_store %arg20[%swap3A_995, %swap3A_996], %mul3A_994 {strides = array<i32>} : memref<32x128xf32, #tpu.memory_space<vmem>>, vector<16xf32>,
        %get3A_998 = arith.index_cast %add3A_881 : i32 to index
        %get3A_999 = arith.constant 96 : index
        %get3A_1000 = tpu.vector_load %arg20[%get3A_998, %get3A_999] {strides = array<i32>} : memref<32x128xf32, #tpu.memory_space<vmem>>, vector<16xf32>,
        %get3A_1001 = arith.index_cast %add3A_881 : i32 to index
        %get3A_1002 = arith.constant 96 : index
        %get3A_1003 = tpu.vector_load %arg23[%get3A_1001, %get3A_1002] {strides = array<i32>} : memref<32x128xf32, #tpu.memory_space<vmem>>, vector<16xf32>,
        %add3A_1004 = arith.addf %get3A_1000, %get3A_1003 : vector<16xf32>
        %get3A_1005 = arith.index_cast %add3A_881 : i32 to index
        %get3A_1006 = arith.constant 96 : index
        %get3A_1007 = tpu.vector_load %arg26[%get3A_1005, %get3A_1006] {strides = array<i32>} : memref<32x128xf32, #tpu.memory_space<vmem>>, vector<16xf32>,
        %add3A_1008 = arith.addf %add3A_1004, %get3A_1007 : vector<16xf32>
        %max3A_1009 = arith.constant 0.000000e+00 : f32
        %max3A_1010 = vector.broadcast %max3A_1009 : f32 to vector<16xf32>
        %max3A_1011 = arith.maximumf %add3A_1008, %max3A_1010 : vector<16xf32>
        %mul3A_1012 = vector.broadcast %squeeze3A_883 : f32 to vector<16xf32>
        %mul3A_1013 = arith.mulf %max3A_1011, %mul3A_1012 : vector<16xf32>
        %swap3A_1014 = arith.index_cast %add3A_881 : i32 to index
        %swap3A_1015 = arith.constant 96 : index
        %swap3A_1016 = tpu.vector_load %arg20[%swap3A_1014, %swap3A_1015] {strides = array<i32>} : memref<32x128xf32, #tpu.memory_space<vmem>>, vector<16xf32>,
        tpu.vector_store %arg20[%swap3A_1014, %swap3A_1015], %mul3A_1013 {strides = array<i32>} : memref<32x128xf32, #tpu.memory_space<vmem>>, vector<16xf32>,
        %get3A_1017 = arith.index_cast %add3A_881 : i32 to index
        %get3A_1018 = arith.constant 112 : index
        %get3A_1019 = tpu.vector_load %arg20[%get3A_1017, %get3A_1018] {strides = array<i32>} : memref<32x128xf32, #tpu.memory_space<vmem>>, vector<16xf32>,
        %get3A_1020 = arith.index_cast %add3A_881 : i32 to index
        %get3A_1021 = arith.constant 112 : index
        %get3A_1022 = tpu.vector_load %arg23[%get3A_1020, %get3A_1021] {strides = array<i32>} : memref<32x128xf32, #tpu.memory_space<vmem>>, vector<16xf32>,
        %add3A_1023 = arith.addf %get3A_1019, %get3A_1022 : vector<16xf32>
        %get3A_1024 = arith.index_cast %add3A_881 : i32 to index
        %get3A_1025 = arith.constant 112 : index
        %get3A_1026 = tpu.vector_load %arg26[%get3A_1024, %get3A_1025] {strides = array<i32>} : memref<32x128xf32, #tpu.memory_space<vmem>>, vector<16xf32>,
        %add3A_1027 = arith.addf %add3A_1023, %get3A_1026 : vector<16xf32>
        %max3A_1028 = arith.constant 0.000000e+00 : f32
        %max3A_1029 = vector.broadcast %max3A_1028 : f32 to vector<16xf32>
        %max3A_1030 = arith.maximumf %add3A_1027, %max3A_1029 : vector<16xf32>
        %mul3A_1031 = vector.broadcast %squeeze3A_883 : f32 to vector<16xf32>
        %mul3A_1032 = arith.mulf %max3A_1030, %mul3A_1031 : vector<16xf32>
        %swap3A_1033 = arith.index_cast %add3A_881 : i32 to index
        %swap3A_1034 = arith.constant 112 : index
        %swap3A_1035 = tpu.vector_load %arg20[%swap3A_1033, %swap3A_1034] {strides = array<i32>} : memref<32x128xf32, #tpu.memory_space<vmem>>, vector<16xf32>,
        tpu.vector_store %arg20[%swap3A_1033, %swap3A_1034], %mul3A_1032 {strides = array<i32>} : memref<32x128xf32, #tpu.memory_space<vmem>>, vector<16xf32>,
      }
      %scan3A_270 = arith.constant 8 : i32
      %dma_start3A_271 = arith.constant 0 : i32
      %dma_start3A_272 = arith.constant 0 : i32
      %dma_start3A_273 = tpu.memref_slice %arg32[%dma_start3A_271, %dma_start3A_272] : memref<10000x128xf32, #tpu.memory_space<vmem_shared>> -> memref<10000x128xf32, #tpu.memory_space<vmem_shared>>
      tpu.enqueue_indirect_dma source(%arg20 : memref<32x128xf32, #tpu.memory_space<vmem>>) target(%dma_start3A_273 : memref<10000x128xf32, #tpu.memory_space<vmem_shared>>) offsets(%arg11 : memref<32xi32, #tpu.memory_space<vmem>>) semaphore(%arg35 : memref<!tpu.dma_semaphore, #tpu.memory_space<semaphore_mem>>) {add = true}
      %add3A_274 = arith.constant 2 : i32
      %add3A_275 = arith.addi %add3A_211, %add3A_274 : i32
      %mul3A_276 = arith.constant 32 : i32
      %mul3A_277 = arith.muli %add3A_275, %mul3A_276 : i32
      %add3A_278 = arith.addi %mul3A_63, %mul3A_277 : i32
      %dma_start3A_279 = tpu.memref_slice %arg5[%add3A_278] : memref<320000xi32, #tpu.memory_space<hbm>> -> memref<32xi32, #tpu.memory_space<hbm>>
      %dma_start3A_280 = tpu.memref_slice %arg5[%add3A_278] : memref<320000xi32, #tpu.memory_space<hbm>> -> memref<32xi32, #tpu.memory_space<hbm>>
      tpu.enqueue_dma source(%dma_start3A_280 : memref<32xi32, #tpu.memory_space<hbm>>) target(%arg13 : memref<32xi32, #tpu.memory_space<vmem>>) target_semaphore(%arg33 : memref<!tpu.dma_semaphore, #tpu.memory_space<semaphore_mem>>)
      %dma_start3A_281 = tpu.memref_slice %arg6[%add3A_278] : memref<320000xi32, #tpu.memory_space<hbm>> -> memref<32xi32, #tpu.memory_space<hbm>>
      %dma_start3A_282 = tpu.memref_slice %arg6[%add3A_278] : memref<320000xi32, #tpu.memory_space<hbm>> -> memref<32xi32, #tpu.memory_space<hbm>>
      tpu.enqueue_dma source(%dma_start3A_282 : memref<32xi32, #tpu.memory_space<hbm>>) target(%arg16 : memref<32xi32, #tpu.memory_space<vmem>>) target_semaphore(%arg33 : memref<!tpu.dma_semaphore, #tpu.memory_space<semaphore_mem>>)
      %dma_start3A_283 = arith.constant 0 : i32
      %dma_start3A_284 = tpu.memref_slice %arg19[%dma_start3A_283] : memref<48xf32, #tpu.memory_space<vmem>> -> memref<32xf32, #tpu.memory_space<vmem>>
      %dma_start3A_285 = tpu.memref_slice %arg7[%add3A_278] : memref<320000xf32, #tpu.memory_space<hbm>> -> memref<32xf32, #tpu.memory_space<hbm>>
      %dma_start3A_286 = arith.constant 0 : i32
      %dma_start3A_287 = tpu.memref_slice %arg19[%dma_start3A_286] : memref<48xf32, #tpu.memory_space<vmem>> -> memref<32xf32, #tpu.memory_space<vmem>>
      %dma_start3A_288 = tpu.memref_slice %arg7[%add3A_278] : memref<320000xf32, #tpu.memory_space<hbm>> -> memref<32xf32, #tpu.memory_space<hbm>>
      tpu.enqueue_dma source(%dma_start3A_288 : memref<32xf32, #tpu.memory_space<hbm>>) target(%dma_start3A_287 : memref<32xf32, #tpu.memory_space<vmem>>) target_semaphore(%arg33 : memref<!tpu.dma_semaphore, #tpu.memory_space<semaphore_mem>>)
      %mul3A_289 = arith.constant 3 : i32
      %mul3A_290 = arith.muli %mul3A_289, %scan3A_207 : i32
      %add3A_291 = arith.constant 1 : i32
      %add3A_292 = arith.addi %mul3A_290, %add3A_291 : i32
      %dma_wait3A_293 = arith.constant 0 : i32
      %dma_wait3A_294 = arith.constant 0 : i32
      %dma_wait3A_295 = tpu.memref_slice %arg2[%dma_wait3A_293, %dma_wait3A_294] : memref<10000x128xf32, #tpu.memory_space<hbm>> -> memref<10000x128xf32, #tpu.memory_space<hbm>>
      tpu.wait_indirect_dma semaphore(%arg34 : memref<!tpu.dma_semaphore, #tpu.memory_space<semaphore_mem>>) src(%dma_wait3A_295 : memref<10000x128xf32, #tpu.memory_space<hbm>>) dst(%arg21 : memref<32x128xf32, #tpu.memory_space<vmem>>)
      %dma_wait3A_296 = arith.constant 0 : i32
      %dma_wait3A_297 = arith.constant 0 : i32
      %dma_wait3A_298 = tpu.memref_slice %arg3[%dma_wait3A_296, %dma_wait3A_297] : memref<10000x128xf32, #tpu.memory_space<hbm>> -> memref<10000x128xf32, #tpu.memory_space<hbm>>
      tpu.wait_indirect_dma semaphore(%arg34 : memref<!tpu.dma_semaphore, #tpu.memory_space<semaphore_mem>>) src(%dma_wait3A_298 : memref<10000x128xf32, #tpu.memory_space<hbm>>) dst(%arg24 : memref<32x128xf32, #tpu.memory_space<vmem>>)
      %dma_wait3A_299 = arith.constant 0 : i32
      %dma_wait3A_300 = arith.constant 0 : i32
      %dma_wait3A_301 = tpu.memref_slice %arg4[%dma_wait3A_299, %dma_wait3A_300] : memref<320000x128xf32, #tpu.memory_space<hbm>> -> memref<32x128xf32, #tpu.memory_space<hbm>>
      %dma_wait3A_302 = arith.constant 0 : i32
      %dma_wait3A_303 = arith.constant 0 : i32
      %dma_wait3A_304 = tpu.memref_slice %arg4[%dma_wait3A_302, %dma_wait3A_303] : memref<320000x128xf32, #tpu.memory_space<hbm>> -> memref<32x128xf32, #tpu.memory_space<hbm>>
      tpu.wait_dma2 semaphore(%arg34 : memref<!tpu.dma_semaphore, #tpu.memory_space<semaphore_mem>>) src(%dma_wait3A_304 : memref<32x128xf32, #tpu.memory_space<hbm>>) dst(%arg27 : memref<32x128xf32, #tpu.memory_space<vmem>>)
      %dma_wait3A_305 = arith.constant 0 : i32
      %dma_wait3A_306 = arith.constant 0 : i32
      %dma_wait3A_307 = tpu.memref_slice %arg32[%dma_wait3A_305, %dma_wait3A_306] : memref<10000x128xf32, #tpu.memory_space<vmem_shared>> -> memref<10000x128xf32, #tpu.memory_space<vmem_shared>>
      tpu.wait_indirect_dma semaphore(%arg35 : memref<!tpu.dma_semaphore, #tpu.memory_space<semaphore_mem>>) src(%arg20 : memref<32x128xf32, #tpu.memory_space<vmem>>) dst(%dma_wait3A_307 : memref<10000x128xf32, #tpu.memory_space<vmem_shared>>)
      %dma_wait3A_308 = arith.constant 0 : i32
      %dma_wait3A_309 = tpu.memref_slice %arg5[%dma_wait3A_308] : memref<320000xi32, #tpu.memory_space<hbm>> -> memref<32xi32, #tpu.memory_space<hbm>>
      %dma_wait3A_310 = arith.constant 0 : i32
      %dma_wait3A_311 = tpu.memref_slice %arg5[%dma_wait3A_310] : memref<320000xi32, #tpu.memory_space<hbm>> -> memref<32xi32, #tpu.memory_space<hbm>>
      tpu.wait_dma2 semaphore(%arg33 : memref<!tpu.dma_semaphore, #tpu.memory_space<semaphore_mem>>) src(%dma_wait3A_311 : memref<32xi32, #tpu.memory_space<hbm>>) dst(%arg13 : memref<32xi32, #tpu.memory_space<vmem>>)
      %dma_wait3A_312 = arith.constant 0 : i32
      %dma_wait3A_313 = tpu.memref_slice %arg6[%dma_wait3A_312] : memref<320000xi32, #tpu.memory_space<hbm>> -> memref<32xi32, #tpu.memory_space<hbm>>
      %dma_wait3A_314 = arith.constant 0 : i32
      %dma_wait3A_315 = tpu.memref_slice %arg6[%dma_wait3A_314] : memref<320000xi32, #tpu.memory_space<hbm>> -> memref<32xi32, #tpu.memory_space<hbm>>
      tpu.wait_dma2 semaphore(%arg33 : memref<!tpu.dma_semaphore, #tpu.memory_space<semaphore_mem>>) src(%dma_wait3A_315 : memref<32xi32, #tpu.memory_space<hbm>>) dst(%arg16 : memref<32xi32, #tpu.memory_space<vmem>>)
      %dma_wait3A_316 = arith.constant 0 : i32
      %dma_wait3A_317 = tpu.memref_slice %arg19[%dma_wait3A_316] : memref<48xf32, #tpu.memory_space<vmem>> -> memref<32xf32, #tpu.memory_space<vmem>>
      %dma_wait3A_318 = arith.constant 0 : i32
      %dma_wait3A_319 = tpu.memref_slice %arg7[%dma_wait3A_318] : memref<320000xf32, #tpu.memory_space<hbm>> -> memref<32xf32, #tpu.memory_space<hbm>>
      %dma_wait3A_320 = arith.constant 0 : i32
      %dma_wait3A_321 = tpu.memref_slice %arg19[%dma_wait3A_320] : memref<48xf32, #tpu.memory_space<vmem>> -> memref<32xf32, #tpu.memory_space<vmem>>
      %dma_wait3A_322 = arith.constant 0 : i32
      %dma_wait3A_323 = tpu.memref_slice %arg7[%dma_wait3A_322] : memref<320000xf32, #tpu.memory_space<hbm>> -> memref<32xf32, #tpu.memory_space<hbm>>
      tpu.wait_dma2 semaphore(%arg33 : memref<!tpu.dma_semaphore, #tpu.memory_space<semaphore_mem>>) src(%dma_wait3A_323 : memref<32xf32, #tpu.memory_space<hbm>>) dst(%dma_wait3A_321 : memref<32xf32, #tpu.memory_space<vmem>>)
      %add3A_324 = arith.constant 1 : i32
      %add3A_325 = arith.addi %add3A_292, %add3A_324 : i32
      %mul3A_326 = arith.constant 32 : i32
      %mul3A_327 = arith.muli %add3A_325, %mul3A_326 : i32
      %add3A_328 = arith.addi %mul3A_63, %mul3A_327 : i32
      %dma_start3A_329 = arith.constant 0 : i32
      %dma_start3A_330 = arith.constant 0 : i32
      %dma_start3A_331 = tpu.memref_slice %arg2[%dma_start3A_329, %dma_start3A_330] : memref<10000x128xf32, #tpu.memory_space<hbm>> -> memref<10000x128xf32, #tpu.memory_space<hbm>>
      tpu.enqueue_indirect_dma source(%dma_start3A_331 : memref<10000x128xf32, #tpu.memory_space<hbm>>) target(%arg22 : memref<32x128xf32, #tpu.memory_space<vmem>>) offsets(%arg13 : memref<32xi32, #tpu.memory_space<vmem>>) semaphore(%arg34 : memref<!tpu.dma_semaphore, #tpu.memory_space<semaphore_mem>>)
      %dma_start3A_332 = arith.constant 0 : i32
      %dma_start3A_333 = arith.constant 0 : i32
      %dma_start3A_334 = tpu.memref_slice %arg3[%dma_start3A_332, %dma_start3A_333] : memref<10000x128xf32, #tpu.memory_space<hbm>> -> memref<10000x128xf32, #tpu.memory_space<hbm>>
      tpu.enqueue_indirect_dma source(%dma_start3A_334 : memref<10000x128xf32, #tpu.memory_space<hbm>>) target(%arg25 : memref<32x128xf32, #tpu.memory_space<vmem>>) offsets(%arg16 : memref<32xi32, #tpu.memory_space<vmem>>) semaphore(%arg34 : memref<!tpu.dma_semaphore, #tpu.memory_space<semaphore_mem>>)
      %dma_start3A_335 = arith.constant 0 : i32
      %dma_start3A_336 = tpu.memref_slice %arg4[%add3A_328, %dma_start3A_335] : memref<320000x128xf32, #tpu.memory_space<hbm>> -> memref<32x128xf32, #tpu.memory_space<hbm>>
      %dma_start3A_337 = arith.constant 0 : i32
      %dma_start3A_338 = tpu.memref_slice %arg4[%add3A_328, %dma_start3A_337] : memref<320000x128xf32, #tpu.memory_space<hbm>> -> memref<32x128xf32, #tpu.memory_space<hbm>>
      tpu.enqueue_dma source(%dma_start3A_338 : memref<32x128xf32, #tpu.memory_space<hbm>>) target(%arg28 : memref<32x128xf32, #tpu.memory_space<vmem>>) target_semaphore(%arg34 : memref<!tpu.dma_semaphore, #tpu.memory_space<semaphore_mem>>)
      %scan3A_339 = arith.constant 0 : i32
      %scan3A_340 = arith.constant 0 : i32
      %scan3A_341 = arith.constant 2 : i32
      %scan3A_342 = arith.addi %scan3A_340, %scan3A_341 : i32
      %scan3A_343 = arith.constant 1 : i32
      scf.for %scan3A_403 = %scan3A_340 to %scan3A_342 step %scan3A_343  : i32 {
        %mul3A_404 = arith.constant 16 : i32
        %mul3A_405 = arith.muli %mul3A_404, %scan3A_403 : i32
        %get3A_406 = arith.index_cast %mul3A_405 : i32 to index
        %get3A_407 = tpu.vector_load %arg12[%get3A_406] {strides = array<i32>} : memref<32xi32, #tpu.memory_space<vmem>>, vector<16xi32>,
        tpu.vector_store_idx %arg31[%get3A_407], %broadcast_in_dim3A_3 {add = true} : memref<10240xf32, #tpu.memory_space<vmem>>[vector<16xi32>], vector<16xf32>,
      }
      %scan3A_344 = arith.constant 2 : i32
      %scan3A_345 = arith.constant 0 : i32
      %scan3A_346 = arith.constant 0 : i32
      %scan3A_347 = arith.constant 8 : i32
      %scan3A_348 = arith.addi %scan3A_346, %scan3A_347 : i32
      %scan3A_349 = arith.constant 1 : i32
      scf.for %scan3A_403 = %scan3A_346 to %scan3A_348 step %scan3A_349  : i32 {
        %mul3A_404 = arith.constant 4 : i32
        %mul3A_405 = arith.muli %mul3A_404, %scan3A_403 : i32
        %get3A_406 = arith.index_cast %mul3A_405 : i32 to index
        %get3A_407 = tpu.vector_load %arg18[%get3A_406] {strides = array<i32>} : memref<48xf32, #tpu.memory_space<vmem>>, vector<16xf32>,
        %mul3A_408 = arith.constant 4 : i32
        %mul3A_409 = arith.muli %mul3A_408, %scan3A_403 : i32
        %add3A_410 = arith.constant 0 : i32
        %add3A_411 = arith.addi %mul3A_409, %add3A_410 : i32
        %slice3A = vector.extract_strided_slice %get3A_407 {offsets = [0], sizes = [1], strides = [1]} : vector<16xf32> to vector<1xf32>
        %squeeze3A = vector.extract %slice3A[0] : f32 from vector<1xf32>
        %get3A_412 = arith.index_cast %add3A_411 : i32 to index
        %get3A_413 = arith.constant 0 : index
        %get3A_414 = tpu.vector_load %arg21[%get3A_412, %get3A_413] {strides = array<i32>} : memref<32x128xf32, #tpu.memory_space<vmem>>, vector<16xf32>,
        %get3A_415 = arith.index_cast %add3A_411 : i32 to index
        %get3A_416 = arith.constant 0 : index
        %get3A_417 = tpu.vector_load %arg24[%get3A_415, %get3A_416] {strides = array<i32>} : memref<32x128xf32, #tpu.memory_space<vmem>>, vector<16xf32>,
        %add3A_418 = arith.addf %get3A_414, %get3A_417 : vector<16xf32>
        %get3A_419 = arith.index_cast %add3A_411 : i32 to index
        %get3A_420 = arith.constant 0 : index
        %get3A_421 = tpu.vector_load %arg27[%get3A_419, %get3A_420] {strides = array<i32>} : memref<32x128xf32, #tpu.memory_space<vmem>>, vector<16xf32>,
        %add3A_422 = arith.addf %add3A_418, %get3A_421 : vector<16xf32>
        %max3A = arith.constant 0.000000e+00 : f32
        %max3A_423 = vector.broadcast %max3A : f32 to vector<16xf32>
        %max3A_424 = arith.maximumf %add3A_422, %max3A_423 : vector<16xf32>
        %mul3A_425 = vector.broadcast %squeeze3A : f32 to vector<16xf32>
        %mul3A_426 = arith.mulf %max3A_424, %mul3A_425 : vector<16xf32>
        %swap3A = arith.index_cast %add3A_411 : i32 to index
        %swap3A_427 = arith.constant 0 : index
        %swap3A_428 = tpu.vector_load %arg21[%swap3A, %swap3A_427] {strides = array<i32>} : memref<32x128xf32, #tpu.memory_space<vmem>>, vector<16xf32>,
        tpu.vector_store %arg21[%swap3A, %swap3A_427], %mul3A_426 {strides = array<i32>} : memref<32x128xf32, #tpu.memory_space<vmem>>, vector<16xf32>,
        %get3A_429 = arith.index_cast %add3A_411 : i32 to index
        %get3A_430 = arith.constant 16 : index
        %get3A_431 = tpu.vector_load %arg21[%get3A_429, %get3A_430] {strides = array<i32>} : memref<32x128xf32, #tpu.memory_space<vmem>>, vector<16xf32>,
        %get3A_432 = arith.index_cast %add3A_411 : i32 to index
        %get3A_433 = arith.constant 16 : index
        %get3A_434 = tpu.vector_load %arg24[%get3A_432, %get3A_433] {strides = array<i32>} : memref<32x128xf32, #tpu.memory_space<vmem>>, vector<16xf32>,
        %add3A_435 = arith.addf %get3A_431, %get3A_434 : vector<16xf32>
        %get3A_436 = arith.index_cast %add3A_411 : i32 to index
        %get3A_437 = arith.constant 16 : index
        %get3A_438 = tpu.vector_load %arg27[%get3A_436, %get3A_437] {strides = array<i32>} : memref<32x128xf32, #tpu.memory_space<vmem>>, vector<16xf32>,
        %add3A_439 = arith.addf %add3A_435, %get3A_438 : vector<16xf32>
        %max3A_440 = arith.constant 0.000000e+00 : f32
        %max3A_441 = vector.broadcast %max3A_440 : f32 to vector<16xf32>
        %max3A_442 = arith.maximumf %add3A_439, %max3A_441 : vector<16xf32>
        %mul3A_443 = vector.broadcast %squeeze3A : f32 to vector<16xf32>
        %mul3A_444 = arith.mulf %max3A_442, %mul3A_443 : vector<16xf32>
        %swap3A_445 = arith.index_cast %add3A_411 : i32 to index
        %swap3A_446 = arith.constant 16 : index
        %swap3A_447 = tpu.vector_load %arg21[%swap3A_445, %swap3A_446] {strides = array<i32>} : memref<32x128xf32, #tpu.memory_space<vmem>>, vector<16xf32>,
        tpu.vector_store %arg21[%swap3A_445, %swap3A_446], %mul3A_444 {strides = array<i32>} : memref<32x128xf32, #tpu.memory_space<vmem>>, vector<16xf32>,
        %get3A_448 = arith.index_cast %add3A_411 : i32 to index
        %get3A_449 = arith.constant 32 : index
        %get3A_450 = tpu.vector_load %arg21[%get3A_448, %get3A_449] {strides = array<i32>} : memref<32x128xf32, #tpu.memory_space<vmem>>, vector<16xf32>,
        %get3A_451 = arith.index_cast %add3A_411 : i32 to index
        %get3A_452 = arith.constant 32 : index
        %get3A_453 = tpu.vector_load %arg24[%get3A_451, %get3A_452] {strides = array<i32>} : memref<32x128xf32, #tpu.memory_space<vmem>>, vector<16xf32>,
        %add3A_454 = arith.addf %get3A_450, %get3A_453 : vector<16xf32>
        %get3A_455 = arith.index_cast %add3A_411 : i32 to index
        %get3A_456 = arith.constant 32 : index
        %get3A_457 = tpu.vector_load %arg27[%get3A_455, %get3A_456] {strides = array<i32>} : memref<32x128xf32, #tpu.memory_space<vmem>>, vector<16xf32>,
        %add3A_458 = arith.addf %add3A_454, %get3A_457 : vector<16xf32>
        %max3A_459 = arith.constant 0.000000e+00 : f32
        %max3A_460 = vector.broadcast %max3A_459 : f32 to vector<16xf32>
        %max3A_461 = arith.maximumf %add3A_458, %max3A_460 : vector<16xf32>
        %mul3A_462 = vector.broadcast %squeeze3A : f32 to vector<16xf32>
        %mul3A_463 = arith.mulf %max3A_461, %mul3A_462 : vector<16xf32>
        %swap3A_464 = arith.index_cast %add3A_411 : i32 to index
        %swap3A_465 = arith.constant 32 : index
        %swap3A_466 = tpu.vector_load %arg21[%swap3A_464, %swap3A_465] {strides = array<i32>} : memref<32x128xf32, #tpu.memory_space<vmem>>, vector<16xf32>,
        tpu.vector_store %arg21[%swap3A_464, %swap3A_465], %mul3A_463 {strides = array<i32>} : memref<32x128xf32, #tpu.memory_space<vmem>>, vector<16xf32>,
        %get3A_467 = arith.index_cast %add3A_411 : i32 to index
        %get3A_468 = arith.constant 48 : index
        %get3A_469 = tpu.vector_load %arg21[%get3A_467, %get3A_468] {strides = array<i32>} : memref<32x128xf32, #tpu.memory_space<vmem>>, vector<16xf32>,
        %get3A_470 = arith.index_cast %add3A_411 : i32 to index
        %get3A_471 = arith.constant 48 : index
        %get3A_472 = tpu.vector_load %arg24[%get3A_470, %get3A_471] {strides = array<i32>} : memref<32x128xf32, #tpu.memory_space<vmem>>, vector<16xf32>,
        %add3A_473 = arith.addf %get3A_469, %get3A_472 : vector<16xf32>
        %get3A_474 = arith.index_cast %add3A_411 : i32 to index
        %get3A_475 = arith.constant 48 : index
        %get3A_476 = tpu.vector_load %arg27[%get3A_474, %get3A_475] {strides = array<i32>} : memref<32x128xf32, #tpu.memory_space<vmem>>, vector<16xf32>,
        %add3A_477 = arith.addf %add3A_473, %get3A_476 : vector<16xf32>
        %max3A_478 = arith.constant 0.000000e+00 : f32
        %max3A_479 = vector.broadcast %max3A_478 : f32 to vector<16xf32>
        %max3A_480 = arith.maximumf %add3A_477, %max3A_479 : vector<16xf32>
        %mul3A_481 = vector.broadcast %squeeze3A : f32 to vector<16xf32>
        %mul3A_482 = arith.mulf %max3A_480, %mul3A_481 : vector<16xf32>
        %swap3A_483 = arith.index_cast %add3A_411 : i32 to index
        %swap3A_484 = arith.constant 48 : index
        %swap3A_485 = tpu.vector_load %arg21[%swap3A_483, %swap3A_484] {strides = array<i32>} : memref<32x128xf32, #tpu.memory_space<vmem>>, vector<16xf32>,
        tpu.vector_store %arg21[%swap3A_483, %swap3A_484], %mul3A_482 {strides = array<i32>} : memref<32x128xf32, #tpu.memory_space<vmem>>, vector<16xf32>,
        %get3A_486 = arith.index_cast %add3A_411 : i32 to index
        %get3A_487 = arith.constant 64 : index
        %get3A_488 = tpu.vector_load %arg21[%get3A_486, %get3A_487] {strides = array<i32>} : memref<32x128xf32, #tpu.memory_space<vmem>>, vector<16xf32>,
        %get3A_489 = arith.index_cast %add3A_411 : i32 to index
        %get3A_490 = arith.constant 64 : index
        %get3A_491 = tpu.vector_load %arg24[%get3A_489, %get3A_490] {strides = array<i32>} : memref<32x128xf32, #tpu.memory_space<vmem>>, vector<16xf32>,
        %add3A_492 = arith.addf %get3A_488, %get3A_491 : vector<16xf32>
        %get3A_493 = arith.index_cast %add3A_411 : i32 to index
        %get3A_494 = arith.constant 64 : index
        %get3A_495 = tpu.vector_load %arg27[%get3A_493, %get3A_494] {strides = array<i32>} : memref<32x128xf32, #tpu.memory_space<vmem>>, vector<16xf32>,
        %add3A_496 = arith.addf %add3A_492, %get3A_495 : vector<16xf32>
        %max3A_497 = arith.constant 0.000000e+00 : f32
        %max3A_498 = vector.broadcast %max3A_497 : f32 to vector<16xf32>
        %max3A_499 = arith.maximumf %add3A_496, %max3A_498 : vector<16xf32>
        %mul3A_500 = vector.broadcast %squeeze3A : f32 to vector<16xf32>
        %mul3A_501 = arith.mulf %max3A_499, %mul3A_500 : vector<16xf32>
        %swap3A_502 = arith.index_cast %add3A_411 : i32 to index
        %swap3A_503 = arith.constant 64 : index
        %swap3A_504 = tpu.vector_load %arg21[%swap3A_502, %swap3A_503] {strides = array<i32>} : memref<32x128xf32, #tpu.memory_space<vmem>>, vector<16xf32>,
        tpu.vector_store %arg21[%swap3A_502, %swap3A_503], %mul3A_501 {strides = array<i32>} : memref<32x128xf32, #tpu.memory_space<vmem>>, vector<16xf32>,
        %get3A_505 = arith.index_cast %add3A_411 : i32 to index
        %get3A_506 = arith.constant 80 : index
        %get3A_507 = tpu.vector_load %arg21[%get3A_505, %get3A_506] {strides = array<i32>} : memref<32x128xf32, #tpu.memory_space<vmem>>, vector<16xf32>,
        %get3A_508 = arith.index_cast %add3A_411 : i32 to index
        %get3A_509 = arith.constant 80 : index
        %get3A_510 = tpu.vector_load %arg24[%get3A_508, %get3A_509] {strides = array<i32>} : memref<32x128xf32, #tpu.memory_space<vmem>>, vector<16xf32>,
        %add3A_511 = arith.addf %get3A_507, %get3A_510 : vector<16xf32>
        %get3A_512 = arith.index_cast %add3A_411 : i32 to index
        %get3A_513 = arith.constant 80 : index
        %get3A_514 = tpu.vector_load %arg27[%get3A_512, %get3A_513] {strides = array<i32>} : memref<32x128xf32, #tpu.memory_space<vmem>>, vector<16xf32>,
        %add3A_515 = arith.addf %add3A_511, %get3A_514 : vector<16xf32>
        %max3A_516 = arith.constant 0.000000e+00 : f32
        %max3A_517 = vector.broadcast %max3A_516 : f32 to vector<16xf32>
        %max3A_518 = arith.maximumf %add3A_515, %max3A_517 : vector<16xf32>
        %mul3A_519 = vector.broadcast %squeeze3A : f32 to vector<16xf32>
        %mul3A_520 = arith.mulf %max3A_518, %mul3A_519 : vector<16xf32>
        %swap3A_521 = arith.index_cast %add3A_411 : i32 to index
        %swap3A_522 = arith.constant 80 : index
        %swap3A_523 = tpu.vector_load %arg21[%swap3A_521, %swap3A_522] {strides = array<i32>} : memref<32x128xf32, #tpu.memory_space<vmem>>, vector<16xf32>,
        tpu.vector_store %arg21[%swap3A_521, %swap3A_522], %mul3A_520 {strides = array<i32>} : memref<32x128xf32, #tpu.memory_space<vmem>>, vector<16xf32>,
        %get3A_524 = arith.index_cast %add3A_411 : i32 to index
        %get3A_525 = arith.constant 96 : index
        %get3A_526 = tpu.vector_load %arg21[%get3A_524, %get3A_525] {strides = array<i32>} : memref<32x128xf32, #tpu.memory_space<vmem>>, vector<16xf32>,
        %get3A_527 = arith.index_cast %add3A_411 : i32 to index
        %get3A_528 = arith.constant 96 : index
        %get3A_529 = tpu.vector_load %arg24[%get3A_527, %get3A_528] {strides = array<i32>} : memref<32x128xf32, #tpu.memory_space<vmem>>, vector<16xf32>,
        %add3A_530 = arith.addf %get3A_526, %get3A_529 : vector<16xf32>
        %get3A_531 = arith.index_cast %add3A_411 : i32 to index
        %get3A_532 = arith.constant 96 : index
        %get3A_533 = tpu.vector_load %arg27[%get3A_531, %get3A_532] {strides = array<i32>} : memref<32x128xf32, #tpu.memory_space<vmem>>, vector<16xf32>,
        %add3A_534 = arith.addf %add3A_530, %get3A_533 : vector<16xf32>
        %max3A_535 = arith.constant 0.000000e+00 : f32
        %max3A_536 = vector.broadcast %max3A_535 : f32 to vector<16xf32>
        %max3A_537 = arith.maximumf %add3A_534, %max3A_536 : vector<16xf32>
        %mul3A_538 = vector.broadcast %squeeze3A : f32 to vector<16xf32>
        %mul3A_539 = arith.mulf %max3A_537, %mul3A_538 : vector<16xf32>
        %swap3A_540 = arith.index_cast %add3A_411 : i32 to index
        %swap3A_541 = arith.constant 96 : index
        %swap3A_542 = tpu.vector_load %arg21[%swap3A_540, %swap3A_541] {strides = array<i32>} : memref<32x128xf32, #tpu.memory_space<vmem>>, vector<16xf32>,
        tpu.vector_store %arg21[%swap3A_540, %swap3A_541], %mul3A_539 {strides = array<i32>} : memref<32x128xf32, #tpu.memory_space<vmem>>, vector<16xf32>,
        %get3A_543 = arith.index_cast %add3A_411 : i32 to index
        %get3A_544 = arith.constant 112 : index
        %get3A_545 = tpu.vector_load %arg21[%get3A_543, %get3A_544] {strides = array<i32>} : memref<32x128xf32, #tpu.memory_space<vmem>>, vector<16xf32>,
        %get3A_546 = arith.index_cast %add3A_411 : i32 to index
        %get3A_547 = arith.constant 112 : index
        %get3A_548 = tpu.vector_load %arg24[%get3A_546, %get3A_547] {strides = array<i32>} : memref<32x128xf32, #tpu.memory_space<vmem>>, vector<16xf32>,
        %add3A_549 = arith.addf %get3A_545, %get3A_548 : vector<16xf32>
        %get3A_550 = arith.index_cast %add3A_411 : i32 to index
        %get3A_551 = arith.constant 112 : index
        %get3A_552 = tpu.vector_load %arg27[%get3A_550, %get3A_551] {strides = array<i32>} : memref<32x128xf32, #tpu.memory_space<vmem>>, vector<16xf32>,
        %add3A_553 = arith.addf %add3A_549, %get3A_552 : vector<16xf32>
        %max3A_554 = arith.constant 0.000000e+00 : f32
        %max3A_555 = vector.broadcast %max3A_554 : f32 to vector<16xf32>
        %max3A_556 = arith.maximumf %add3A_553, %max3A_555 : vector<16xf32>
        %mul3A_557 = vector.broadcast %squeeze3A : f32 to vector<16xf32>
        %mul3A_558 = arith.mulf %max3A_556, %mul3A_557 : vector<16xf32>
        %swap3A_559 = arith.index_cast %add3A_411 : i32 to index
        %swap3A_560 = arith.constant 112 : index
        %swap3A_561 = tpu.vector_load %arg21[%swap3A_559, %swap3A_560] {strides = array<i32>} : memref<32x128xf32, #tpu.memory_space<vmem>>, vector<16xf32>,
        tpu.vector_store %arg21[%swap3A_559, %swap3A_560], %mul3A_558 {strides = array<i32>} : memref<32x128xf32, #tpu.memory_space<vmem>>, vector<16xf32>,
        %mul3A_562 = arith.constant 4 : i32
        %mul3A_563 = arith.muli %mul3A_562, %scan3A_403 : i32
        %add3A_564 = arith.constant 1 : i32
        %add3A_565 = arith.addi %mul3A_563, %add3A_564 : i32
        %slice3A_566 = vector.extract_strided_slice %get3A_407 {offsets = [1], sizes = [1], strides = [1]} : vector<16xf32> to vector<1xf32>
        %squeeze3A_567 = vector.extract %slice3A_566[0] : f32 from vector<1xf32>
        %get3A_568 = arith.index_cast %add3A_565 : i32 to index
        %get3A_569 = arith.constant 0 : index
        %get3A_570 = tpu.vector_load %arg21[%get3A_568, %get3A_569] {strides = array<i32>} : memref<32x128xf32, #tpu.memory_space<vmem>>, vector<16xf32>,
        %get3A_571 = arith.index_cast %add3A_565 : i32 to index
        %get3A_572 = arith.constant 0 : index
        %get3A_573 = tpu.vector_load %arg24[%get3A_571, %get3A_572] {strides = array<i32>} : memref<32x128xf32, #tpu.memory_space<vmem>>, vector<16xf32>,
        %add3A_574 = arith.addf %get3A_570, %get3A_573 : vector<16xf32>
        %get3A_575 = arith.index_cast %add3A_565 : i32 to index
        %get3A_576 = arith.constant 0 : index
        %get3A_577 = tpu.vector_load %arg27[%get3A_575, %get3A_576] {strides = array<i32>} : memref<32x128xf32, #tpu.memory_space<vmem>>, vector<16xf32>,
        %add3A_578 = arith.addf %add3A_574, %get3A_577 : vector<16xf32>
        %max3A_579 = arith.constant 0.000000e+00 : f32
        %max3A_580 = vector.broadcast %max3A_579 : f32 to vector<16xf32>
        %max3A_581 = arith.maximumf %add3A_578, %max3A_580 : vector<16xf32>
        %mul3A_582 = vector.broadcast %squeeze3A_567 : f32 to vector<16xf32>
        %mul3A_583 = arith.mulf %max3A_581, %mul3A_582 : vector<16xf32>
        %swap3A_584 = arith.index_cast %add3A_565 : i32 to index
        %swap3A_585 = arith.constant 0 : index
        %swap3A_586 = tpu.vector_load %arg21[%swap3A_584, %swap3A_585] {strides = array<i32>} : memref<32x128xf32, #tpu.memory_space<vmem>>, vector<16xf32>,
        tpu.vector_store %arg21[%swap3A_584, %swap3A_585], %mul3A_583 {strides = array<i32>} : memref<32x128xf32, #tpu.memory_space<vmem>>, vector<16xf32>,
        %get3A_587 = arith.index_cast %add3A_565 : i32 to index
        %get3A_588 = arith.constant 16 : index
        %get3A_589 = tpu.vector_load %arg21[%get3A_587, %get3A_588] {strides = array<i32>} : memref<32x128xf32, #tpu.memory_space<vmem>>, vector<16xf32>,
        %get3A_590 = arith.index_cast %add3A_565 : i32 to index
        %get3A_591 = arith.constant 16 : index
        %get3A_592 = tpu.vector_load %arg24[%get3A_590, %get3A_591] {strides = array<i32>} : memref<32x128xf32, #tpu.memory_space<vmem>>, vector<16xf32>,
        %add3A_593 = arith.addf %get3A_589, %get3A_592 : vector<16xf32>
        %get3A_594 = arith.index_cast %add3A_565 : i32 to index
        %get3A_595 = arith.constant 16 : index
        %get3A_596 = tpu.vector_load %arg27[%get3A_594, %get3A_595] {strides = array<i32>} : memref<32x128xf32, #tpu.memory_space<vmem>>, vector<16xf32>,
        %add3A_597 = arith.addf %add3A_593, %get3A_596 : vector<16xf32>
        %max3A_598 = arith.constant 0.000000e+00 : f32
        %max3A_599 = vector.broadcast %max3A_598 : f32 to vector<16xf32>
        %max3A_600 = arith.maximumf %add3A_597, %max3A_599 : vector<16xf32>
        %mul3A_601 = vector.broadcast %squeeze3A_567 : f32 to vector<16xf32>
        %mul3A_602 = arith.mulf %max3A_600, %mul3A_601 : vector<16xf32>
        %swap3A_603 = arith.index_cast %add3A_565 : i32 to index
        %swap3A_604 = arith.constant 16 : index
        %swap3A_605 = tpu.vector_load %arg21[%swap3A_603, %swap3A_604] {strides = array<i32>} : memref<32x128xf32, #tpu.memory_space<vmem>>, vector<16xf32>,
        tpu.vector_store %arg21[%swap3A_603, %swap3A_604], %mul3A_602 {strides = array<i32>} : memref<32x128xf32, #tpu.memory_space<vmem>>, vector<16xf32>,
        %get3A_606 = arith.index_cast %add3A_565 : i32 to index
        %get3A_607 = arith.constant 32 : index
        %get3A_608 = tpu.vector_load %arg21[%get3A_606, %get3A_607] {strides = array<i32>} : memref<32x128xf32, #tpu.memory_space<vmem>>, vector<16xf32>,
        %get3A_609 = arith.index_cast %add3A_565 : i32 to index
        %get3A_610 = arith.constant 32 : index
        %get3A_611 = tpu.vector_load %arg24[%get3A_609, %get3A_610] {strides = array<i32>} : memref<32x128xf32, #tpu.memory_space<vmem>>, vector<16xf32>,
        %add3A_612 = arith.addf %get3A_608, %get3A_611 : vector<16xf32>
        %get3A_613 = arith.index_cast %add3A_565 : i32 to index
        %get3A_614 = arith.constant 32 : index
        %get3A_615 = tpu.vector_load %arg27[%get3A_613, %get3A_614] {strides = array<i32>} : memref<32x128xf32, #tpu.memory_space<vmem>>, vector<16xf32>,
        %add3A_616 = arith.addf %add3A_612, %get3A_615 : vector<16xf32>
        %max3A_617 = arith.constant 0.000000e+00 : f32
        %max3A_618 = vector.broadcast %max3A_617 : f32 to vector<16xf32>
        %max3A_619 = arith.maximumf %add3A_616, %max3A_618 : vector<16xf32>
        %mul3A_620 = vector.broadcast %squeeze3A_567 : f32 to vector<16xf32>
        %mul3A_621 = arith.mulf %max3A_619, %mul3A_620 : vector<16xf32>
        %swap3A_622 = arith.index_cast %add3A_565 : i32 to index
        %swap3A_623 = arith.constant 32 : index
        %swap3A_624 = tpu.vector_load %arg21[%swap3A_622, %swap3A_623] {strides = array<i32>} : memref<32x128xf32, #tpu.memory_space<vmem>>, vector<16xf32>,
        tpu.vector_store %arg21[%swap3A_622, %swap3A_623], %mul3A_621 {strides = array<i32>} : memref<32x128xf32, #tpu.memory_space<vmem>>, vector<16xf32>,
        %get3A_625 = arith.index_cast %add3A_565 : i32 to index
        %get3A_626 = arith.constant 48 : index
        %get3A_627 = tpu.vector_load %arg21[%get3A_625, %get3A_626] {strides = array<i32>} : memref<32x128xf32, #tpu.memory_space<vmem>>, vector<16xf32>,
        %get3A_628 = arith.index_cast %add3A_565 : i32 to index
        %get3A_629 = arith.constant 48 : index
        %get3A_630 = tpu.vector_load %arg24[%get3A_628, %get3A_629] {strides = array<i32>} : memref<32x128xf32, #tpu.memory_space<vmem>>, vector<16xf32>,
        %add3A_631 = arith.addf %get3A_627, %get3A_630 : vector<16xf32>
        %get3A_632 = arith.index_cast %add3A_565 : i32 to index
        %get3A_633 = arith.constant 48 : index
        %get3A_634 = tpu.vector_load %arg27[%get3A_632, %get3A_633] {strides = array<i32>} : memref<32x128xf32, #tpu.memory_space<vmem>>, vector<16xf32>,
        %add3A_635 = arith.addf %add3A_631, %get3A_634 : vector<16xf32>
        %max3A_636 = arith.constant 0.000000e+00 : f32
        %max3A_637 = vector.broadcast %max3A_636 : f32 to vector<16xf32>
        %max3A_638 = arith.maximumf %add3A_635, %max3A_637 : vector<16xf32>
        %mul3A_639 = vector.broadcast %squeeze3A_567 : f32 to vector<16xf32>
        %mul3A_640 = arith.mulf %max3A_638, %mul3A_639 : vector<16xf32>
        %swap3A_641 = arith.index_cast %add3A_565 : i32 to index
        %swap3A_642 = arith.constant 48 : index
        %swap3A_643 = tpu.vector_load %arg21[%swap3A_641, %swap3A_642] {strides = array<i32>} : memref<32x128xf32, #tpu.memory_space<vmem>>, vector<16xf32>,
        tpu.vector_store %arg21[%swap3A_641, %swap3A_642], %mul3A_640 {strides = array<i32>} : memref<32x128xf32, #tpu.memory_space<vmem>>, vector<16xf32>,
        %get3A_644 = arith.index_cast %add3A_565 : i32 to index
        %get3A_645 = arith.constant 64 : index
        %get3A_646 = tpu.vector_load %arg21[%get3A_644, %get3A_645] {strides = array<i32>} : memref<32x128xf32, #tpu.memory_space<vmem>>, vector<16xf32>,
        %get3A_647 = arith.index_cast %add3A_565 : i32 to index
        %get3A_648 = arith.constant 64 : index
        %get3A_649 = tpu.vector_load %arg24[%get3A_647, %get3A_648] {strides = array<i32>} : memref<32x128xf32, #tpu.memory_space<vmem>>, vector<16xf32>,
        %add3A_650 = arith.addf %get3A_646, %get3A_649 : vector<16xf32>
        %get3A_651 = arith.index_cast %add3A_565 : i32 to index
        %get3A_652 = arith.constant 64 : index
        %get3A_653 = tpu.vector_load %arg27[%get3A_651, %get3A_652] {strides = array<i32>} : memref<32x128xf32, #tpu.memory_space<vmem>>, vector<16xf32>,
        %add3A_654 = arith.addf %add3A_650, %get3A_653 : vector<16xf32>
        %max3A_655 = arith.constant 0.000000e+00 : f32
        %max3A_656 = vector.broadcast %max3A_655 : f32 to vector<16xf32>
        %max3A_657 = arith.maximumf %add3A_654, %max3A_656 : vector<16xf32>
        %mul3A_658 = vector.broadcast %squeeze3A_567 : f32 to vector<16xf32>
        %mul3A_659 = arith.mulf %max3A_657, %mul3A_658 : vector<16xf32>
        %swap3A_660 = arith.index_cast %add3A_565 : i32 to index
        %swap3A_661 = arith.constant 64 : index
        %swap3A_662 = tpu.vector_load %arg21[%swap3A_660, %swap3A_661] {strides = array<i32>} : memref<32x128xf32, #tpu.memory_space<vmem>>, vector<16xf32>,
        tpu.vector_store %arg21[%swap3A_660, %swap3A_661], %mul3A_659 {strides = array<i32>} : memref<32x128xf32, #tpu.memory_space<vmem>>, vector<16xf32>,
        %get3A_663 = arith.index_cast %add3A_565 : i32 to index
        %get3A_664 = arith.constant 80 : index
        %get3A_665 = tpu.vector_load %arg21[%get3A_663, %get3A_664] {strides = array<i32>} : memref<32x128xf32, #tpu.memory_space<vmem>>, vector<16xf32>,
        %get3A_666 = arith.index_cast %add3A_565 : i32 to index
        %get3A_667 = arith.constant 80 : index
        %get3A_668 = tpu.vector_load %arg24[%get3A_666, %get3A_667] {strides = array<i32>} : memref<32x128xf32, #tpu.memory_space<vmem>>, vector<16xf32>,
        %add3A_669 = arith.addf %get3A_665, %get3A_668 : vector<16xf32>
        %get3A_670 = arith.index_cast %add3A_565 : i32 to index
        %get3A_671 = arith.constant 80 : index
        %get3A_672 = tpu.vector_load %arg27[%get3A_670, %get3A_671] {strides = array<i32>} : memref<32x128xf32, #tpu.memory_space<vmem>>, vector<16xf32>,
        %add3A_673 = arith.addf %add3A_669, %get3A_672 : vector<16xf32>
        %max3A_674 = arith.constant 0.000000e+00 : f32
        %max3A_675 = vector.broadcast %max3A_674 : f32 to vector<16xf32>
        %max3A_676 = arith.maximumf %add3A_673, %max3A_675 : vector<16xf32>
        %mul3A_677 = vector.broadcast %squeeze3A_567 : f32 to vector<16xf32>
        %mul3A_678 = arith.mulf %max3A_676, %mul3A_677 : vector<16xf32>
        %swap3A_679 = arith.index_cast %add3A_565 : i32 to index
        %swap3A_680 = arith.constant 80 : index
        %swap3A_681 = tpu.vector_load %arg21[%swap3A_679, %swap3A_680] {strides = array<i32>} : memref<32x128xf32, #tpu.memory_space<vmem>>, vector<16xf32>,
        tpu.vector_store %arg21[%swap3A_679, %swap3A_680], %mul3A_678 {strides = array<i32>} : memref<32x128xf32, #tpu.memory_space<vmem>>, vector<16xf32>,
        %get3A_682 = arith.index_cast %add3A_565 : i32 to index
        %get3A_683 = arith.constant 96 : index
        %get3A_684 = tpu.vector_load %arg21[%get3A_682, %get3A_683] {strides = array<i32>} : memref<32x128xf32, #tpu.memory_space<vmem>>, vector<16xf32>,
        %get3A_685 = arith.index_cast %add3A_565 : i32 to index
        %get3A_686 = arith.constant 96 : index
        %get3A_687 = tpu.vector_load %arg24[%get3A_685, %get3A_686] {strides = array<i32>} : memref<32x128xf32, #tpu.memory_space<vmem>>, vector<16xf32>,
        %add3A_688 = arith.addf %get3A_684, %get3A_687 : vector<16xf32>
        %get3A_689 = arith.index_cast %add3A_565 : i32 to index
        %get3A_690 = arith.constant 96 : index
        %get3A_691 = tpu.vector_load %arg27[%get3A_689, %get3A_690] {strides = array<i32>} : memref<32x128xf32, #tpu.memory_space<vmem>>, vector<16xf32>,
        %add3A_692 = arith.addf %add3A_688, %get3A_691 : vector<16xf32>
        %max3A_693 = arith.constant 0.000000e+00 : f32
        %max3A_694 = vector.broadcast %max3A_693 : f32 to vector<16xf32>
        %max3A_695 = arith.maximumf %add3A_692, %max3A_694 : vector<16xf32>
        %mul3A_696 = vector.broadcast %squeeze3A_567 : f32 to vector<16xf32>
        %mul3A_697 = arith.mulf %max3A_695, %mul3A_696 : vector<16xf32>
        %swap3A_698 = arith.index_cast %add3A_565 : i32 to index
        %swap3A_699 = arith.constant 96 : index
        %swap3A_700 = tpu.vector_load %arg21[%swap3A_698, %swap3A_699] {strides = array<i32>} : memref<32x128xf32, #tpu.memory_space<vmem>>, vector<16xf32>,
        tpu.vector_store %arg21[%swap3A_698, %swap3A_699], %mul3A_697 {strides = array<i32>} : memref<32x128xf32, #tpu.memory_space<vmem>>, vector<16xf32>,
        %get3A_701 = arith.index_cast %add3A_565 : i32 to index
        %get3A_702 = arith.constant 112 : index
        %get3A_703 = tpu.vector_load %arg21[%get3A_701, %get3A_702] {strides = array<i32>} : memref<32x128xf32, #tpu.memory_space<vmem>>, vector<16xf32>,
        %get3A_704 = arith.index_cast %add3A_565 : i32 to index
        %get3A_705 = arith.constant 112 : index
        %get3A_706 = tpu.vector_load %arg24[%get3A_704, %get3A_705] {strides = array<i32>} : memref<32x128xf32, #tpu.memory_space<vmem>>, vector<16xf32>,
        %add3A_707 = arith.addf %get3A_703, %get3A_706 : vector<16xf32>
        %get3A_708 = arith.index_cast %add3A_565 : i32 to index
        %get3A_709 = arith.constant 112 : index
        %get3A_710 = tpu.vector_load %arg27[%get3A_708, %get3A_709] {strides = array<i32>} : memref<32x128xf32, #tpu.memory_space<vmem>>, vector<16xf32>,
        %add3A_711 = arith.addf %add3A_707, %get3A_710 : vector<16xf32>
        %max3A_712 = arith.constant 0.000000e+00 : f32
        %max3A_713 = vector.broadcast %max3A_712 : f32 to vector<16xf32>
        %max3A_714 = arith.maximumf %add3A_711, %max3A_713 : vector<16xf32>
        %mul3A_715 = vector.broadcast %squeeze3A_567 : f32 to vector<16xf32>
        %mul3A_716 = arith.mulf %max3A_714, %mul3A_715 : vector<16xf32>
        %swap3A_717 = arith.index_cast %add3A_565 : i32 to index
        %swap3A_718 = arith.constant 112 : index
        %swap3A_719 = tpu.vector_load %arg21[%swap3A_717, %swap3A_718] {strides = array<i32>} : memref<32x128xf32, #tpu.memory_space<vmem>>, vector<16xf32>,
        tpu.vector_store %arg21[%swap3A_717, %swap3A_718], %mul3A_716 {strides = array<i32>} : memref<32x128xf32, #tpu.memory_space<vmem>>, vector<16xf32>,
        %mul3A_720 = arith.constant 4 : i32
        %mul3A_721 = arith.muli %mul3A_720, %scan3A_403 : i32
        %add3A_722 = arith.constant 2 : i32
        %add3A_723 = arith.addi %mul3A_721, %add3A_722 : i32
        %slice3A_724 = vector.extract_strided_slice %get3A_407 {offsets = [2], sizes = [1], strides = [1]} : vector<16xf32> to vector<1xf32>
        %squeeze3A_725 = vector.extract %slice3A_724[0] : f32 from vector<1xf32>
        %get3A_726 = arith.index_cast %add3A_723 : i32 to index
        %get3A_727 = arith.constant 0 : index
        %get3A_728 = tpu.vector_load %arg21[%get3A_726, %get3A_727] {strides = array<i32>} : memref<32x128xf32, #tpu.memory_space<vmem>>, vector<16xf32>,
        %get3A_729 = arith.index_cast %add3A_723 : i32 to index
        %get3A_730 = arith.constant 0 : index
        %get3A_731 = tpu.vector_load %arg24[%get3A_729, %get3A_730] {strides = array<i32>} : memref<32x128xf32, #tpu.memory_space<vmem>>, vector<16xf32>,
        %add3A_732 = arith.addf %get3A_728, %get3A_731 : vector<16xf32>
        %get3A_733 = arith.index_cast %add3A_723 : i32 to index
        %get3A_734 = arith.constant 0 : index
        %get3A_735 = tpu.vector_load %arg27[%get3A_733, %get3A_734] {strides = array<i32>} : memref<32x128xf32, #tpu.memory_space<vmem>>, vector<16xf32>,
        %add3A_736 = arith.addf %add3A_732, %get3A_735 : vector<16xf32>
        %max3A_737 = arith.constant 0.000000e+00 : f32
        %max3A_738 = vector.broadcast %max3A_737 : f32 to vector<16xf32>
        %max3A_739 = arith.maximumf %add3A_736, %max3A_738 : vector<16xf32>
        %mul3A_740 = vector.broadcast %squeeze3A_725 : f32 to vector<16xf32>
        %mul3A_741 = arith.mulf %max3A_739, %mul3A_740 : vector<16xf32>
        %swap3A_742 = arith.index_cast %add3A_723 : i32 to index
        %swap3A_743 = arith.constant 0 : index
        %swap3A_744 = tpu.vector_load %arg21[%swap3A_742, %swap3A_743] {strides = array<i32>} : memref<32x128xf32, #tpu.memory_space<vmem>>, vector<16xf32>,
        tpu.vector_store %arg21[%swap3A_742, %swap3A_743], %mul3A_741 {strides = array<i32>} : memref<32x128xf32, #tpu.memory_space<vmem>>, vector<16xf32>,
        %get3A_745 = arith.index_cast %add3A_723 : i32 to index
        %get3A_746 = arith.constant 16 : index
        %get3A_747 = tpu.vector_load %arg21[%get3A_745, %get3A_746] {strides = array<i32>} : memref<32x128xf32, #tpu.memory_space<vmem>>, vector<16xf32>,
        %get3A_748 = arith.index_cast %add3A_723 : i32 to index
        %get3A_749 = arith.constant 16 : index
        %get3A_750 = tpu.vector_load %arg24[%get3A_748, %get3A_749] {strides = array<i32>} : memref<32x128xf32, #tpu.memory_space<vmem>>, vector<16xf32>,
        %add3A_751 = arith.addf %get3A_747, %get3A_750 : vector<16xf32>
        %get3A_752 = arith.index_cast %add3A_723 : i32 to index
        %get3A_753 = arith.constant 16 : index
        %get3A_754 = tpu.vector_load %arg27[%get3A_752, %get3A_753] {strides = array<i32>} : memref<32x128xf32, #tpu.memory_space<vmem>>, vector<16xf32>,
        %add3A_755 = arith.addf %add3A_751, %get3A_754 : vector<16xf32>
        %max3A_756 = arith.constant 0.000000e+00 : f32
        %max3A_757 = vector.broadcast %max3A_756 : f32 to vector<16xf32>
        %max3A_758 = arith.maximumf %add3A_755, %max3A_757 : vector<16xf32>
        %mul3A_759 = vector.broadcast %squeeze3A_725 : f32 to vector<16xf32>
        %mul3A_760 = arith.mulf %max3A_758, %mul3A_759 : vector<16xf32>
        %swap3A_761 = arith.index_cast %add3A_723 : i32 to index
        %swap3A_762 = arith.constant 16 : index
        %swap3A_763 = tpu.vector_load %arg21[%swap3A_761, %swap3A_762] {strides = array<i32>} : memref<32x128xf32, #tpu.memory_space<vmem>>, vector<16xf32>,
        tpu.vector_store %arg21[%swap3A_761, %swap3A_762], %mul3A_760 {strides = array<i32>} : memref<32x128xf32, #tpu.memory_space<vmem>>, vector<16xf32>,
        %get3A_764 = arith.index_cast %add3A_723 : i32 to index
        %get3A_765 = arith.constant 32 : index
        %get3A_766 = tpu.vector_load %arg21[%get3A_764, %get3A_765] {strides = array<i32>} : memref<32x128xf32, #tpu.memory_space<vmem>>, vector<16xf32>,
        %get3A_767 = arith.index_cast %add3A_723 : i32 to index
        %get3A_768 = arith.constant 32 : index
        %get3A_769 = tpu.vector_load %arg24[%get3A_767, %get3A_768] {strides = array<i32>} : memref<32x128xf32, #tpu.memory_space<vmem>>, vector<16xf32>,
        %add3A_770 = arith.addf %get3A_766, %get3A_769 : vector<16xf32>
        %get3A_771 = arith.index_cast %add3A_723 : i32 to index
        %get3A_772 = arith.constant 32 : index
        %get3A_773 = tpu.vector_load %arg27[%get3A_771, %get3A_772] {strides = array<i32>} : memref<32x128xf32, #tpu.memory_space<vmem>>, vector<16xf32>,
        %add3A_774 = arith.addf %add3A_770, %get3A_773 : vector<16xf32>
        %max3A_775 = arith.constant 0.000000e+00 : f32
        %max3A_776 = vector.broadcast %max3A_775 : f32 to vector<16xf32>
        %max3A_777 = arith.maximumf %add3A_774, %max3A_776 : vector<16xf32>
        %mul3A_778 = vector.broadcast %squeeze3A_725 : f32 to vector<16xf32>
        %mul3A_779 = arith.mulf %max3A_777, %mul3A_778 : vector<16xf32>
        %swap3A_780 = arith.index_cast %add3A_723 : i32 to index
        %swap3A_781 = arith.constant 32 : index
        %swap3A_782 = tpu.vector_load %arg21[%swap3A_780, %swap3A_781] {strides = array<i32>} : memref<32x128xf32, #tpu.memory_space<vmem>>, vector<16xf32>,
        tpu.vector_store %arg21[%swap3A_780, %swap3A_781], %mul3A_779 {strides = array<i32>} : memref<32x128xf32, #tpu.memory_space<vmem>>, vector<16xf32>,
        %get3A_783 = arith.index_cast %add3A_723 : i32 to index
        %get3A_784 = arith.constant 48 : index
        %get3A_785 = tpu.vector_load %arg21[%get3A_783, %get3A_784] {strides = array<i32>} : memref<32x128xf32, #tpu.memory_space<vmem>>, vector<16xf32>,
        %get3A_786 = arith.index_cast %add3A_723 : i32 to index
        %get3A_787 = arith.constant 48 : index
        %get3A_788 = tpu.vector_load %arg24[%get3A_786, %get3A_787] {strides = array<i32>} : memref<32x128xf32, #tpu.memory_space<vmem>>, vector<16xf32>,
        %add3A_789 = arith.addf %get3A_785, %get3A_788 : vector<16xf32>
        %get3A_790 = arith.index_cast %add3A_723 : i32 to index
        %get3A_791 = arith.constant 48 : index
        %get3A_792 = tpu.vector_load %arg27[%get3A_790, %get3A_791] {strides = array<i32>} : memref<32x128xf32, #tpu.memory_space<vmem>>, vector<16xf32>,
        %add3A_793 = arith.addf %add3A_789, %get3A_792 : vector<16xf32>
        %max3A_794 = arith.constant 0.000000e+00 : f32
        %max3A_795 = vector.broadcast %max3A_794 : f32 to vector<16xf32>
        %max3A_796 = arith.maximumf %add3A_793, %max3A_795 : vector<16xf32>
        %mul3A_797 = vector.broadcast %squeeze3A_725 : f32 to vector<16xf32>
        %mul3A_798 = arith.mulf %max3A_796, %mul3A_797 : vector<16xf32>
        %swap3A_799 = arith.index_cast %add3A_723 : i32 to index
        %swap3A_800 = arith.constant 48 : index
        %swap3A_801 = tpu.vector_load %arg21[%swap3A_799, %swap3A_800] {strides = array<i32>} : memref<32x128xf32, #tpu.memory_space<vmem>>, vector<16xf32>,
        tpu.vector_store %arg21[%swap3A_799, %swap3A_800], %mul3A_798 {strides = array<i32>} : memref<32x128xf32, #tpu.memory_space<vmem>>, vector<16xf32>,
        %get3A_802 = arith.index_cast %add3A_723 : i32 to index
        %get3A_803 = arith.constant 64 : index
        %get3A_804 = tpu.vector_load %arg21[%get3A_802, %get3A_803] {strides = array<i32>} : memref<32x128xf32, #tpu.memory_space<vmem>>, vector<16xf32>,
        %get3A_805 = arith.index_cast %add3A_723 : i32 to index
        %get3A_806 = arith.constant 64 : index
        %get3A_807 = tpu.vector_load %arg24[%get3A_805, %get3A_806] {strides = array<i32>} : memref<32x128xf32, #tpu.memory_space<vmem>>, vector<16xf32>,
        %add3A_808 = arith.addf %get3A_804, %get3A_807 : vector<16xf32>
        %get3A_809 = arith.index_cast %add3A_723 : i32 to index
        %get3A_810 = arith.constant 64 : index
        %get3A_811 = tpu.vector_load %arg27[%get3A_809, %get3A_810] {strides = array<i32>} : memref<32x128xf32, #tpu.memory_space<vmem>>, vector<16xf32>,
        %add3A_812 = arith.addf %add3A_808, %get3A_811 : vector<16xf32>
        %max3A_813 = arith.constant 0.000000e+00 : f32
        %max3A_814 = vector.broadcast %max3A_813 : f32 to vector<16xf32>
        %max3A_815 = arith.maximumf %add3A_812, %max3A_814 : vector<16xf32>
        %mul3A_816 = vector.broadcast %squeeze3A_725 : f32 to vector<16xf32>
        %mul3A_817 = arith.mulf %max3A_815, %mul3A_816 : vector<16xf32>
        %swap3A_818 = arith.index_cast %add3A_723 : i32 to index
        %swap3A_819 = arith.constant 64 : index
        %swap3A_820 = tpu.vector_load %arg21[%swap3A_818, %swap3A_819] {strides = array<i32>} : memref<32x128xf32, #tpu.memory_space<vmem>>, vector<16xf32>,
        tpu.vector_store %arg21[%swap3A_818, %swap3A_819], %mul3A_817 {strides = array<i32>} : memref<32x128xf32, #tpu.memory_space<vmem>>, vector<16xf32>,
        %get3A_821 = arith.index_cast %add3A_723 : i32 to index
        %get3A_822 = arith.constant 80 : index
        %get3A_823 = tpu.vector_load %arg21[%get3A_821, %get3A_822] {strides = array<i32>} : memref<32x128xf32, #tpu.memory_space<vmem>>, vector<16xf32>,
        %get3A_824 = arith.index_cast %add3A_723 : i32 to index
        %get3A_825 = arith.constant 80 : index
        %get3A_826 = tpu.vector_load %arg24[%get3A_824, %get3A_825] {strides = array<i32>} : memref<32x128xf32, #tpu.memory_space<vmem>>, vector<16xf32>,
        %add3A_827 = arith.addf %get3A_823, %get3A_826 : vector<16xf32>
        %get3A_828 = arith.index_cast %add3A_723 : i32 to index
        %get3A_829 = arith.constant 80 : index
        %get3A_830 = tpu.vector_load %arg27[%get3A_828, %get3A_829] {strides = array<i32>} : memref<32x128xf32, #tpu.memory_space<vmem>>, vector<16xf32>,
        %add3A_831 = arith.addf %add3A_827, %get3A_830 : vector<16xf32>
        %max3A_832 = arith.constant 0.000000e+00 : f32
        %max3A_833 = vector.broadcast %max3A_832 : f32 to vector<16xf32>
        %max3A_834 = arith.maximumf %add3A_831, %max3A_833 : vector<16xf32>
        %mul3A_835 = vector.broadcast %squeeze3A_725 : f32 to vector<16xf32>
        %mul3A_836 = arith.mulf %max3A_834, %mul3A_835 : vector<16xf32>
        %swap3A_837 = arith.index_cast %add3A_723 : i32 to index
        %swap3A_838 = arith.constant 80 : index
        %swap3A_839 = tpu.vector_load %arg21[%swap3A_837, %swap3A_838] {strides = array<i32>} : memref<32x128xf32, #tpu.memory_space<vmem>>, vector<16xf32>,
        tpu.vector_store %arg21[%swap3A_837, %swap3A_838], %mul3A_836 {strides = array<i32>} : memref<32x128xf32, #tpu.memory_space<vmem>>, vector<16xf32>,
        %get3A_840 = arith.index_cast %add3A_723 : i32 to index
        %get3A_841 = arith.constant 96 : index
        %get3A_842 = tpu.vector_load %arg21[%get3A_840, %get3A_841] {strides = array<i32>} : memref<32x128xf32, #tpu.memory_space<vmem>>, vector<16xf32>,
        %get3A_843 = arith.index_cast %add3A_723 : i32 to index
        %get3A_844 = arith.constant 96 : index
        %get3A_845 = tpu.vector_load %arg24[%get3A_843, %get3A_844] {strides = array<i32>} : memref<32x128xf32, #tpu.memory_space<vmem>>, vector<16xf32>,
        %add3A_846 = arith.addf %get3A_842, %get3A_845 : vector<16xf32>
        %get3A_847 = arith.index_cast %add3A_723 : i32 to index
        %get3A_848 = arith.constant 96 : index
        %get3A_849 = tpu.vector_load %arg27[%get3A_847, %get3A_848] {strides = array<i32>} : memref<32x128xf32, #tpu.memory_space<vmem>>, vector<16xf32>,
        %add3A_850 = arith.addf %add3A_846, %get3A_849 : vector<16xf32>
        %max3A_851 = arith.constant 0.000000e+00 : f32
        %max3A_852 = vector.broadcast %max3A_851 : f32 to vector<16xf32>
        %max3A_853 = arith.maximumf %add3A_850, %max3A_852 : vector<16xf32>
        %mul3A_854 = vector.broadcast %squeeze3A_725 : f32 to vector<16xf32>
        %mul3A_855 = arith.mulf %max3A_853, %mul3A_854 : vector<16xf32>
        %swap3A_856 = arith.index_cast %add3A_723 : i32 to index
        %swap3A_857 = arith.constant 96 : index
        %swap3A_858 = tpu.vector_load %arg21[%swap3A_856, %swap3A_857] {strides = array<i32>} : memref<32x128xf32, #tpu.memory_space<vmem>>, vector<16xf32>,
        tpu.vector_store %arg21[%swap3A_856, %swap3A_857], %mul3A_855 {strides = array<i32>} : memref<32x128xf32, #tpu.memory_space<vmem>>, vector<16xf32>,
        %get3A_859 = arith.index_cast %add3A_723 : i32 to index
        %get3A_860 = arith.constant 112 : index
        %get3A_861 = tpu.vector_load %arg21[%get3A_859, %get3A_860] {strides = array<i32>} : memref<32x128xf32, #tpu.memory_space<vmem>>, vector<16xf32>,
        %get3A_862 = arith.index_cast %add3A_723 : i32 to index
        %get3A_863 = arith.constant 112 : index
        %get3A_864 = tpu.vector_load %arg24[%get3A_862, %get3A_863] {strides = array<i32>} : memref<32x128xf32, #tpu.memory_space<vmem>>, vector<16xf32>,
        %add3A_865 = arith.addf %get3A_861, %get3A_864 : vector<16xf32>
        %get3A_866 = arith.index_cast %add3A_723 : i32 to index
        %get3A_867 = arith.constant 112 : index
        %get3A_868 = tpu.vector_load %arg27[%get3A_866, %get3A_867] {strides = array<i32>} : memref<32x128xf32, #tpu.memory_space<vmem>>, vector<16xf32>,
        %add3A_869 = arith.addf %add3A_865, %get3A_868 : vector<16xf32>
        %max3A_870 = arith.constant 0.000000e+00 : f32
        %max3A_871 = vector.broadcast %max3A_870 : f32 to vector<16xf32>
        %max3A_872 = arith.maximumf %add3A_869, %max3A_871 : vector<16xf32>
        %mul3A_873 = vector.broadcast %squeeze3A_725 : f32 to vector<16xf32>
        %mul3A_874 = arith.mulf %max3A_872, %mul3A_873 : vector<16xf32>
        %swap3A_875 = arith.index_cast %add3A_723 : i32 to index
        %swap3A_876 = arith.constant 112 : index
        %swap3A_877 = tpu.vector_load %arg21[%swap3A_875, %swap3A_876] {strides = array<i32>} : memref<32x128xf32, #tpu.memory_space<vmem>>, vector<16xf32>,
        tpu.vector_store %arg21[%swap3A_875, %swap3A_876], %mul3A_874 {strides = array<i32>} : memref<32x128xf32, #tpu.memory_space<vmem>>, vector<16xf32>,
        %mul3A_878 = arith.constant 4 : i32
        %mul3A_879 = arith.muli %mul3A_878, %scan3A_403 : i32
        %add3A_880 = arith.constant 3 : i32
        %add3A_881 = arith.addi %mul3A_879, %add3A_880 : i32
        %slice3A_882 = vector.extract_strided_slice %get3A_407 {offsets = [3], sizes = [1], strides = [1]} : vector<16xf32> to vector<1xf32>
        %squeeze3A_883 = vector.extract %slice3A_882[0] : f32 from vector<1xf32>
        %get3A_884 = arith.index_cast %add3A_881 : i32 to index
        %get3A_885 = arith.constant 0 : index
        %get3A_886 = tpu.vector_load %arg21[%get3A_884, %get3A_885] {strides = array<i32>} : memref<32x128xf32, #tpu.memory_space<vmem>>, vector<16xf32>,
        %get3A_887 = arith.index_cast %add3A_881 : i32 to index
        %get3A_888 = arith.constant 0 : index
        %get3A_889 = tpu.vector_load %arg24[%get3A_887, %get3A_888] {strides = array<i32>} : memref<32x128xf32, #tpu.memory_space<vmem>>, vector<16xf32>,
        %add3A_890 = arith.addf %get3A_886, %get3A_889 : vector<16xf32>
        %get3A_891 = arith.index_cast %add3A_881 : i32 to index
        %get3A_892 = arith.constant 0 : index
        %get3A_893 = tpu.vector_load %arg27[%get3A_891, %get3A_892] {strides = array<i32>} : memref<32x128xf32, #tpu.memory_space<vmem>>, vector<16xf32>,
        %add3A_894 = arith.addf %add3A_890, %get3A_893 : vector<16xf32>
        %max3A_895 = arith.constant 0.000000e+00 : f32
        %max3A_896 = vector.broadcast %max3A_895 : f32 to vector<16xf32>
        %max3A_897 = arith.maximumf %add3A_894, %max3A_896 : vector<16xf32>
        %mul3A_898 = vector.broadcast %squeeze3A_883 : f32 to vector<16xf32>
        %mul3A_899 = arith.mulf %max3A_897, %mul3A_898 : vector<16xf32>
        %swap3A_900 = arith.index_cast %add3A_881 : i32 to index
        %swap3A_901 = arith.constant 0 : index
        %swap3A_902 = tpu.vector_load %arg21[%swap3A_900, %swap3A_901] {strides = array<i32>} : memref<32x128xf32, #tpu.memory_space<vmem>>, vector<16xf32>,
        tpu.vector_store %arg21[%swap3A_900, %swap3A_901], %mul3A_899 {strides = array<i32>} : memref<32x128xf32, #tpu.memory_space<vmem>>, vector<16xf32>,
        %get3A_903 = arith.index_cast %add3A_881 : i32 to index
        %get3A_904 = arith.constant 16 : index
        %get3A_905 = tpu.vector_load %arg21[%get3A_903, %get3A_904] {strides = array<i32>} : memref<32x128xf32, #tpu.memory_space<vmem>>, vector<16xf32>,
        %get3A_906 = arith.index_cast %add3A_881 : i32 to index
        %get3A_907 = arith.constant 16 : index
        %get3A_908 = tpu.vector_load %arg24[%get3A_906, %get3A_907] {strides = array<i32>} : memref<32x128xf32, #tpu.memory_space<vmem>>, vector<16xf32>,
        %add3A_909 = arith.addf %get3A_905, %get3A_908 : vector<16xf32>
        %get3A_910 = arith.index_cast %add3A_881 : i32 to index
        %get3A_911 = arith.constant 16 : index
        %get3A_912 = tpu.vector_load %arg27[%get3A_910, %get3A_911] {strides = array<i32>} : memref<32x128xf32, #tpu.memory_space<vmem>>, vector<16xf32>,
        %add3A_913 = arith.addf %add3A_909, %get3A_912 : vector<16xf32>
        %max3A_914 = arith.constant 0.000000e+00 : f32
        %max3A_915 = vector.broadcast %max3A_914 : f32 to vector<16xf32>
        %max3A_916 = arith.maximumf %add3A_913, %max3A_915 : vector<16xf32>
        %mul3A_917 = vector.broadcast %squeeze3A_883 : f32 to vector<16xf32>
        %mul3A_918 = arith.mulf %max3A_916, %mul3A_917 : vector<16xf32>
        %swap3A_919 = arith.index_cast %add3A_881 : i32 to index
        %swap3A_920 = arith.constant 16 : index
        %swap3A_921 = tpu.vector_load %arg21[%swap3A_919, %swap3A_920] {strides = array<i32>} : memref<32x128xf32, #tpu.memory_space<vmem>>, vector<16xf32>,
        tpu.vector_store %arg21[%swap3A_919, %swap3A_920], %mul3A_918 {strides = array<i32>} : memref<32x128xf32, #tpu.memory_space<vmem>>, vector<16xf32>,
        %get3A_922 = arith.index_cast %add3A_881 : i32 to index
        %get3A_923 = arith.constant 32 : index
        %get3A_924 = tpu.vector_load %arg21[%get3A_922, %get3A_923] {strides = array<i32>} : memref<32x128xf32, #tpu.memory_space<vmem>>, vector<16xf32>,
        %get3A_925 = arith.index_cast %add3A_881 : i32 to index
        %get3A_926 = arith.constant 32 : index
        %get3A_927 = tpu.vector_load %arg24[%get3A_925, %get3A_926] {strides = array<i32>} : memref<32x128xf32, #tpu.memory_space<vmem>>, vector<16xf32>,
        %add3A_928 = arith.addf %get3A_924, %get3A_927 : vector<16xf32>
        %get3A_929 = arith.index_cast %add3A_881 : i32 to index
        %get3A_930 = arith.constant 32 : index
        %get3A_931 = tpu.vector_load %arg27[%get3A_929, %get3A_930] {strides = array<i32>} : memref<32x128xf32, #tpu.memory_space<vmem>>, vector<16xf32>,
        %add3A_932 = arith.addf %add3A_928, %get3A_931 : vector<16xf32>
        %max3A_933 = arith.constant 0.000000e+00 : f32
        %max3A_934 = vector.broadcast %max3A_933 : f32 to vector<16xf32>
        %max3A_935 = arith.maximumf %add3A_932, %max3A_934 : vector<16xf32>
        %mul3A_936 = vector.broadcast %squeeze3A_883 : f32 to vector<16xf32>
        %mul3A_937 = arith.mulf %max3A_935, %mul3A_936 : vector<16xf32>
        %swap3A_938 = arith.index_cast %add3A_881 : i32 to index
        %swap3A_939 = arith.constant 32 : index
        %swap3A_940 = tpu.vector_load %arg21[%swap3A_938, %swap3A_939] {strides = array<i32>} : memref<32x128xf32, #tpu.memory_space<vmem>>, vector<16xf32>,
        tpu.vector_store %arg21[%swap3A_938, %swap3A_939], %mul3A_937 {strides = array<i32>} : memref<32x128xf32, #tpu.memory_space<vmem>>, vector<16xf32>,
        %get3A_941 = arith.index_cast %add3A_881 : i32 to index
        %get3A_942 = arith.constant 48 : index
        %get3A_943 = tpu.vector_load %arg21[%get3A_941, %get3A_942] {strides = array<i32>} : memref<32x128xf32, #tpu.memory_space<vmem>>, vector<16xf32>,
        %get3A_944 = arith.index_cast %add3A_881 : i32 to index
        %get3A_945 = arith.constant 48 : index
        %get3A_946 = tpu.vector_load %arg24[%get3A_944, %get3A_945] {strides = array<i32>} : memref<32x128xf32, #tpu.memory_space<vmem>>, vector<16xf32>,
        %add3A_947 = arith.addf %get3A_943, %get3A_946 : vector<16xf32>
        %get3A_948 = arith.index_cast %add3A_881 : i32 to index
        %get3A_949 = arith.constant 48 : index
        %get3A_950 = tpu.vector_load %arg27[%get3A_948, %get3A_949] {strides = array<i32>} : memref<32x128xf32, #tpu.memory_space<vmem>>, vector<16xf32>,
        %add3A_951 = arith.addf %add3A_947, %get3A_950 : vector<16xf32>
        %max3A_952 = arith.constant 0.000000e+00 : f32
        %max3A_953 = vector.broadcast %max3A_952 : f32 to vector<16xf32>
        %max3A_954 = arith.maximumf %add3A_951, %max3A_953 : vector<16xf32>
        %mul3A_955 = vector.broadcast %squeeze3A_883 : f32 to vector<16xf32>
        %mul3A_956 = arith.mulf %max3A_954, %mul3A_955 : vector<16xf32>
        %swap3A_957 = arith.index_cast %add3A_881 : i32 to index
        %swap3A_958 = arith.constant 48 : index
        %swap3A_959 = tpu.vector_load %arg21[%swap3A_957, %swap3A_958] {strides = array<i32>} : memref<32x128xf32, #tpu.memory_space<vmem>>, vector<16xf32>,
        tpu.vector_store %arg21[%swap3A_957, %swap3A_958], %mul3A_956 {strides = array<i32>} : memref<32x128xf32, #tpu.memory_space<vmem>>, vector<16xf32>,
        %get3A_960 = arith.index_cast %add3A_881 : i32 to index
        %get3A_961 = arith.constant 64 : index
        %get3A_962 = tpu.vector_load %arg21[%get3A_960, %get3A_961] {strides = array<i32>} : memref<32x128xf32, #tpu.memory_space<vmem>>, vector<16xf32>,
        %get3A_963 = arith.index_cast %add3A_881 : i32 to index
        %get3A_964 = arith.constant 64 : index
        %get3A_965 = tpu.vector_load %arg24[%get3A_963, %get3A_964] {strides = array<i32>} : memref<32x128xf32, #tpu.memory_space<vmem>>, vector<16xf32>,
        %add3A_966 = arith.addf %get3A_962, %get3A_965 : vector<16xf32>
        %get3A_967 = arith.index_cast %add3A_881 : i32 to index
        %get3A_968 = arith.constant 64 : index
        %get3A_969 = tpu.vector_load %arg27[%get3A_967, %get3A_968] {strides = array<i32>} : memref<32x128xf32, #tpu.memory_space<vmem>>, vector<16xf32>,
        %add3A_970 = arith.addf %add3A_966, %get3A_969 : vector<16xf32>
        %max3A_971 = arith.constant 0.000000e+00 : f32
        %max3A_972 = vector.broadcast %max3A_971 : f32 to vector<16xf32>
        %max3A_973 = arith.maximumf %add3A_970, %max3A_972 : vector<16xf32>
        %mul3A_974 = vector.broadcast %squeeze3A_883 : f32 to vector<16xf32>
        %mul3A_975 = arith.mulf %max3A_973, %mul3A_974 : vector<16xf32>
        %swap3A_976 = arith.index_cast %add3A_881 : i32 to index
        %swap3A_977 = arith.constant 64 : index
        %swap3A_978 = tpu.vector_load %arg21[%swap3A_976, %swap3A_977] {strides = array<i32>} : memref<32x128xf32, #tpu.memory_space<vmem>>, vector<16xf32>,
        tpu.vector_store %arg21[%swap3A_976, %swap3A_977], %mul3A_975 {strides = array<i32>} : memref<32x128xf32, #tpu.memory_space<vmem>>, vector<16xf32>,
        %get3A_979 = arith.index_cast %add3A_881 : i32 to index
        %get3A_980 = arith.constant 80 : index
        %get3A_981 = tpu.vector_load %arg21[%get3A_979, %get3A_980] {strides = array<i32>} : memref<32x128xf32, #tpu.memory_space<vmem>>, vector<16xf32>,
        %get3A_982 = arith.index_cast %add3A_881 : i32 to index
        %get3A_983 = arith.constant 80 : index
        %get3A_984 = tpu.vector_load %arg24[%get3A_982, %get3A_983] {strides = array<i32>} : memref<32x128xf32, #tpu.memory_space<vmem>>, vector<16xf32>,
        %add3A_985 = arith.addf %get3A_981, %get3A_984 : vector<16xf32>
        %get3A_986 = arith.index_cast %add3A_881 : i32 to index
        %get3A_987 = arith.constant 80 : index
        %get3A_988 = tpu.vector_load %arg27[%get3A_986, %get3A_987] {strides = array<i32>} : memref<32x128xf32, #tpu.memory_space<vmem>>, vector<16xf32>,
        %add3A_989 = arith.addf %add3A_985, %get3A_988 : vector<16xf32>
        %max3A_990 = arith.constant 0.000000e+00 : f32
        %max3A_991 = vector.broadcast %max3A_990 : f32 to vector<16xf32>
        %max3A_992 = arith.maximumf %add3A_989, %max3A_991 : vector<16xf32>
        %mul3A_993 = vector.broadcast %squeeze3A_883 : f32 to vector<16xf32>
        %mul3A_994 = arith.mulf %max3A_992, %mul3A_993 : vector<16xf32>
        %swap3A_995 = arith.index_cast %add3A_881 : i32 to index
        %swap3A_996 = arith.constant 80 : index
        %swap3A_997 = tpu.vector_load %arg21[%swap3A_995, %swap3A_996] {strides = array<i32>} : memref<32x128xf32, #tpu.memory_space<vmem>>, vector<16xf32>,
        tpu.vector_store %arg21[%swap3A_995, %swap3A_996], %mul3A_994 {strides = array<i32>} : memref<32x128xf32, #tpu.memory_space<vmem>>, vector<16xf32>,
        %get3A_998 = arith.index_cast %add3A_881 : i32 to index
        %get3A_999 = arith.constant 96 : index
        %get3A_1000 = tpu.vector_load %arg21[%get3A_998, %get3A_999] {strides = array<i32>} : memref<32x128xf32, #tpu.memory_space<vmem>>, vector<16xf32>,
        %get3A_1001 = arith.index_cast %add3A_881 : i32 to index
        %get3A_1002 = arith.constant 96 : index
        %get3A_1003 = tpu.vector_load %arg24[%get3A_1001, %get3A_1002] {strides = array<i32>} : memref<32x128xf32, #tpu.memory_space<vmem>>, vector<16xf32>,
        %add3A_1004 = arith.addf %get3A_1000, %get3A_1003 : vector<16xf32>
        %get3A_1005 = arith.index_cast %add3A_881 : i32 to index
        %get3A_1006 = arith.constant 96 : index
        %get3A_1007 = tpu.vector_load %arg27[%get3A_1005, %get3A_1006] {strides = array<i32>} : memref<32x128xf32, #tpu.memory_space<vmem>>, vector<16xf32>,
        %add3A_1008 = arith.addf %add3A_1004, %get3A_1007 : vector<16xf32>
        %max3A_1009 = arith.constant 0.000000e+00 : f32
        %max3A_1010 = vector.broadcast %max3A_1009 : f32 to vector<16xf32>
        %max3A_1011 = arith.maximumf %add3A_1008, %max3A_1010 : vector<16xf32>
        %mul3A_1012 = vector.broadcast %squeeze3A_883 : f32 to vector<16xf32>
        %mul3A_1013 = arith.mulf %max3A_1011, %mul3A_1012 : vector<16xf32>
        %swap3A_1014 = arith.index_cast %add3A_881 : i32 to index
        %swap3A_1015 = arith.constant 96 : index
        %swap3A_1016 = tpu.vector_load %arg21[%swap3A_1014, %swap3A_1015] {strides = array<i32>} : memref<32x128xf32, #tpu.memory_space<vmem>>, vector<16xf32>,
        tpu.vector_store %arg21[%swap3A_1014, %swap3A_1015], %mul3A_1013 {strides = array<i32>} : memref<32x128xf32, #tpu.memory_space<vmem>>, vector<16xf32>,
        %get3A_1017 = arith.index_cast %add3A_881 : i32 to index
        %get3A_1018 = arith.constant 112 : index
        %get3A_1019 = tpu.vector_load %arg21[%get3A_1017, %get3A_1018] {strides = array<i32>} : memref<32x128xf32, #tpu.memory_space<vmem>>, vector<16xf32>,
        %get3A_1020 = arith.index_cast %add3A_881 : i32 to index
        %get3A_1021 = arith.constant 112 : index
        %get3A_1022 = tpu.vector_load %arg24[%get3A_1020, %get3A_1021] {strides = array<i32>} : memref<32x128xf32, #tpu.memory_space<vmem>>, vector<16xf32>,
        %add3A_1023 = arith.addf %get3A_1019, %get3A_1022 : vector<16xf32>
        %get3A_1024 = arith.index_cast %add3A_881 : i32 to index
        %get3A_1025 = arith.constant 112 : index
        %get3A_1026 = tpu.vector_load %arg27[%get3A_1024, %get3A_1025] {strides = array<i32>} : memref<32x128xf32, #tpu.memory_space<vmem>>, vector<16xf32>,
        %add3A_1027 = arith.addf %add3A_1023, %get3A_1026 : vector<16xf32>
        %max3A_1028 = arith.constant 0.000000e+00 : f32
        %max3A_1029 = vector.broadcast %max3A_1028 : f32 to vector<16xf32>
        %max3A_1030 = arith.maximumf %add3A_1027, %max3A_1029 : vector<16xf32>
        %mul3A_1031 = vector.broadcast %squeeze3A_883 : f32 to vector<16xf32>
        %mul3A_1032 = arith.mulf %max3A_1030, %mul3A_1031 : vector<16xf32>
        %swap3A_1033 = arith.index_cast %add3A_881 : i32 to index
        %swap3A_1034 = arith.constant 112 : index
        %swap3A_1035 = tpu.vector_load %arg21[%swap3A_1033, %swap3A_1034] {strides = array<i32>} : memref<32x128xf32, #tpu.memory_space<vmem>>, vector<16xf32>,
        tpu.vector_store %arg21[%swap3A_1033, %swap3A_1034], %mul3A_1032 {strides = array<i32>} : memref<32x128xf32, #tpu.memory_space<vmem>>, vector<16xf32>,
      }
      %scan3A_350 = arith.constant 8 : i32
      %dma_start3A_351 = arith.constant 0 : i32
      %dma_start3A_352 = arith.constant 0 : i32
      %dma_start3A_353 = tpu.memref_slice %arg32[%dma_start3A_351, %dma_start3A_352] : memref<10000x128xf32, #tpu.memory_space<vmem_shared>> -> memref<10000x128xf32, #tpu.memory_space<vmem_shared>>
      tpu.enqueue_indirect_dma source(%arg21 : memref<32x128xf32, #tpu.memory_space<vmem>>) target(%dma_start3A_353 : memref<10000x128xf32, #tpu.memory_space<vmem_shared>>) offsets(%arg12 : memref<32xi32, #tpu.memory_space<vmem>>) semaphore(%arg35 : memref<!tpu.dma_semaphore, #tpu.memory_space<semaphore_mem>>) {add = true}
      %lt3A_354 = arith.constant 103 : i32
      %lt3A_355 = arith.cmpi slt, %scan3A_207, %lt3A_354 : i32
      %convert_element_type3A_356 = arith.extui %lt3A_355 : i1 to i32
      %cond3A_357 = arith.constant 0 : i32
      %cond3A_358 = arith.cmpi ne, %convert_element_type3A_356, %cond3A_357 : i32
      scf.if %cond3A_358 {
        %add3A_403 = arith.constant 2 : i32
        %add3A_404 = arith.addi %add3A_292, %add3A_403 : i32
        %mul3A_405 = arith.constant 32 : i32
        %mul3A_406 = arith.muli %add3A_404, %mul3A_405 : i32
        %add3A_407 = arith.addi %mul3A_63, %mul3A_406 : i32
        %dma_start3A_408 = tpu.memref_slice %arg5[%add3A_407] : memref<320000xi32, #tpu.memory_space<hbm>> -> memref<32xi32, #tpu.memory_space<hbm>>
        %dma_start3A_409 = tpu.memref_slice %arg5[%add3A_407] : memref<320000xi32, #tpu.memory_space<hbm>> -> memref<32xi32, #tpu.memory_space<hbm>>
        tpu.enqueue_dma source(%dma_start3A_409 : memref<32xi32, #tpu.memory_space<hbm>>) target(%arg11 : memref<32xi32, #tpu.memory_space<vmem>>) target_semaphore(%arg33 : memref<!tpu.dma_semaphore, #tpu.memory_space<semaphore_mem>>)
        %dma_start3A_410 = tpu.memref_slice %arg6[%add3A_407] : memref<320000xi32, #tpu.memory_space<hbm>> -> memref<32xi32, #tpu.memory_space<hbm>>
        %dma_start3A_411 = tpu.memref_slice %arg6[%add3A_407] : memref<320000xi32, #tpu.memory_space<hbm>> -> memref<32xi32, #tpu.memory_space<hbm>>
        tpu.enqueue_dma source(%dma_start3A_411 : memref<32xi32, #tpu.memory_space<hbm>>) target(%arg14 : memref<32xi32, #tpu.memory_space<vmem>>) target_semaphore(%arg33 : memref<!tpu.dma_semaphore, #tpu.memory_space<semaphore_mem>>)
        %dma_start3A_412 = arith.constant 0 : i32
        %dma_start3A_413 = tpu.memref_slice %arg17[%dma_start3A_412] : memref<48xf32, #tpu.memory_space<vmem>> -> memref<32xf32, #tpu.memory_space<vmem>>
        %dma_start3A_414 = tpu.memref_slice %arg7[%add3A_407] : memref<320000xf32, #tpu.memory_space<hbm>> -> memref<32xf32, #tpu.memory_space<hbm>>
        %dma_start3A_415 = arith.constant 0 : i32
        %dma_start3A_416 = tpu.memref_slice %arg17[%dma_start3A_415] : memref<48xf32, #tpu.memory_space<vmem>> -> memref<32xf32, #tpu.memory_space<vmem>>
        %dma_start3A_417 = tpu.memref_slice %arg7[%add3A_407] : memref<320000xf32, #tpu.memory_space<hbm>> -> memref<32xf32, #tpu.memory_space<hbm>>
        tpu.enqueue_dma source(%dma_start3A_417 : memref<32xf32, #tpu.memory_space<hbm>>) target(%dma_start3A_416 : memref<32xf32, #tpu.memory_space<vmem>>) target_semaphore(%arg33 : memref<!tpu.dma_semaphore, #tpu.memory_space<semaphore_mem>>)
      } else {
      }
      %mul3A_359 = arith.constant 3 : i32
      %mul3A_360 = arith.muli %mul3A_359, %scan3A_207 : i32
      %add3A_361 = arith.constant 2 : i32
      %add3A_362 = arith.addi %mul3A_360, %add3A_361 : i32
      %dma_wait3A_363 = arith.constant 0 : i32
      %dma_wait3A_364 = arith.constant 0 : i32
      %dma_wait3A_365 = tpu.memref_slice %arg2[%dma_wait3A_363, %dma_wait3A_364] : memref<10000x128xf32, #tpu.memory_space<hbm>> -> memref<10000x128xf32, #tpu.memory_space<hbm>>
      tpu.wait_indirect_dma semaphore(%arg34 : memref<!tpu.dma_semaphore, #tpu.memory_space<semaphore_mem>>) src(%dma_wait3A_365 : memref<10000x128xf32, #tpu.memory_space<hbm>>) dst(%arg22 : memref<32x128xf32, #tpu.memory_space<vmem>>)
      %dma_wait3A_366 = arith.constant 0 : i32
      %dma_wait3A_367 = arith.constant 0 : i32
      %dma_wait3A_368 = tpu.memref_slice %arg3[%dma_wait3A_366, %dma_wait3A_367] : memref<10000x128xf32, #tpu.memory_space<hbm>> -> memref<10000x128xf32, #tpu.memory_space<hbm>>
      tpu.wait_indirect_dma semaphore(%arg34 : memref<!tpu.dma_semaphore, #tpu.memory_space<semaphore_mem>>) src(%dma_wait3A_368 : memref<10000x128xf32, #tpu.memory_space<hbm>>) dst(%arg25 : memref<32x128xf32, #tpu.memory_space<vmem>>)
      %dma_wait3A_369 = arith.constant 0 : i32
      %dma_wait3A_370 = arith.constant 0 : i32
      %dma_wait3A_371 = tpu.memref_slice %arg4[%dma_wait3A_369, %dma_wait3A_370] : memref<320000x128xf32, #tpu.memory_space<hbm>> -> memref<32x128xf32, #tpu.memory_space<hbm>>
      %dma_wait3A_372 = arith.constant 0 : i32
      %dma_wait3A_373 = arith.constant 0 : i32
      %dma_wait3A_374 = tpu.memref_slice %arg4[%dma_wait3A_372, %dma_wait3A_373] : memref<320000x128xf32, #tpu.memory_space<hbm>> -> memref<32x128xf32, #tpu.memory_space<hbm>>
      tpu.wait_dma2 semaphore(%arg34 : memref<!tpu.dma_semaphore, #tpu.memory_space<semaphore_mem>>) src(%dma_wait3A_374 : memref<32x128xf32, #tpu.memory_space<hbm>>) dst(%arg28 : memref<32x128xf32, #tpu.memory_space<vmem>>)
      %dma_wait3A_375 = arith.constant 0 : i32
      %dma_wait3A_376 = arith.constant 0 : i32
      %dma_wait3A_377 = tpu.memref_slice %arg32[%dma_wait3A_375, %dma_wait3A_376] : memref<10000x128xf32, #tpu.memory_space<vmem_shared>> -> memref<10000x128xf32, #tpu.memory_space<vmem_shared>>
      tpu.wait_indirect_dma semaphore(%arg35 : memref<!tpu.dma_semaphore, #tpu.memory_space<semaphore_mem>>) src(%arg21 : memref<32x128xf32, #tpu.memory_space<vmem>>) dst(%dma_wait3A_377 : memref<10000x128xf32, #tpu.memory_space<vmem_shared>>)
      %lt3A_378 = arith.constant 103 : i32
      %lt3A_379 = arith.cmpi slt, %scan3A_207, %lt3A_378 : i32
      %convert_element_type3A_380 = arith.extui %lt3A_379 : i1 to i32
      %cond3A_381 = arith.constant 0 : i32
      %cond3A_382 = arith.cmpi ne, %convert_element_type3A_380, %cond3A_381 : i32
      scf.if %cond3A_382 {
        %dma_wait3A_403 = arith.constant 0 : i32
        %dma_wait3A_404 = tpu.memref_slice %arg5[%dma_wait3A_403] : memref<320000xi32, #tpu.memory_space<hbm>> -> memref<32xi32, #tpu.memory_space<hbm>>
        %dma_wait3A_405 = arith.constant 0 : i32
        %dma_wait3A_406 = tpu.memref_slice %arg5[%dma_wait3A_405] : memref<320000xi32, #tpu.memory_space<hbm>> -> memref<32xi32, #tpu.memory_space<hbm>>
        tpu.wait_dma2 semaphore(%arg33 : memref<!tpu.dma_semaphore, #tpu.memory_space<semaphore_mem>>) src(%dma_wait3A_406 : memref<32xi32, #tpu.memory_space<hbm>>) dst(%arg11 : memref<32xi32, #tpu.memory_space<vmem>>)
        %dma_wait3A_407 = arith.constant 0 : i32
        %dma_wait3A_408 = tpu.memref_slice %arg6[%dma_wait3A_407] : memref<320000xi32, #tpu.memory_space<hbm>> -> memref<32xi32, #tpu.memory_space<hbm>>
        %dma_wait3A_409 = arith.constant 0 : i32
        %dma_wait3A_410 = tpu.memref_slice %arg6[%dma_wait3A_409] : memref<320000xi32, #tpu.memory_space<hbm>> -> memref<32xi32, #tpu.memory_space<hbm>>
        tpu.wait_dma2 semaphore(%arg33 : memref<!tpu.dma_semaphore, #tpu.memory_space<semaphore_mem>>) src(%dma_wait3A_410 : memref<32xi32, #tpu.memory_space<hbm>>) dst(%arg14 : memref<32xi32, #tpu.memory_space<vmem>>)
        %dma_wait3A_411 = arith.constant 0 : i32
        %dma_wait3A_412 = tpu.memref_slice %arg17[%dma_wait3A_411] : memref<48xf32, #tpu.memory_space<vmem>> -> memref<32xf32, #tpu.memory_space<vmem>>
        %dma_wait3A_413 = arith.constant 0 : i32
        %dma_wait3A_414 = tpu.memref_slice %arg7[%dma_wait3A_413] : memref<320000xf32, #tpu.memory_space<hbm>> -> memref<32xf32, #tpu.memory_space<hbm>>
        %dma_wait3A_415 = arith.constant 0 : i32
        %dma_wait3A_416 = tpu.memref_slice %arg17[%dma_wait3A_415] : memref<48xf32, #tpu.memory_space<vmem>> -> memref<32xf32, #tpu.memory_space<vmem>>
        %dma_wait3A_417 = arith.constant 0 : i32
        %dma_wait3A_418 = tpu.memref_slice %arg7[%dma_wait3A_417] : memref<320000xf32, #tpu.memory_space<hbm>> -> memref<32xf32, #tpu.memory_space<hbm>>
        tpu.wait_dma2 semaphore(%arg33 : memref<!tpu.dma_semaphore, #tpu.memory_space<semaphore_mem>>) src(%dma_wait3A_418 : memref<32xf32, #tpu.memory_space<hbm>>) dst(%dma_wait3A_416 : memref<32xf32, #tpu.memory_space<vmem>>)
        %add3A_419 = arith.constant 1 : i32
        %add3A_420 = arith.addi %add3A_362, %add3A_419 : i32
        %mul3A_421 = arith.constant 32 : i32
        %mul3A_422 = arith.muli %add3A_420, %mul3A_421 : i32
        %add3A_423 = arith.addi %mul3A_63, %mul3A_422 : i32
        %dma_start3A_424 = arith.constant 0 : i32
        %dma_start3A_425 = arith.constant 0 : i32
        %dma_start3A_426 = tpu.memref_slice %arg2[%dma_start3A_424, %dma_start3A_425] : memref<10000x128xf32, #tpu.memory_space<hbm>> -> memref<10000x128xf32, #tpu.memory_space<hbm>>
        tpu.enqueue_indirect_dma source(%dma_start3A_426 : memref<10000x128xf32, #tpu.memory_space<hbm>>) target(%arg20 : memref<32x128xf32, #tpu.memory_space<vmem>>) offsets(%arg11 : memref<32xi32, #tpu.memory_space<vmem>>) semaphore(%arg34 : memref<!tpu.dma_semaphore, #tpu.memory_space<semaphore_mem>>)
        %dma_start3A_427 = arith.constant 0 : i32
        %dma_start3A_428 = arith.constant 0 : i32
        %dma_start3A_429 = tpu.memref_slice %arg3[%dma_start3A_427, %dma_start3A_428] : memref<10000x128xf32, #tpu.memory_space<hbm>> -> memref<10000x128xf32, #tpu.memory_space<hbm>>
        tpu.enqueue_indirect_dma source(%dma_start3A_429 : memref<10000x128xf32, #tpu.memory_space<hbm>>) target(%arg23 : memref<32x128xf32, #tpu.memory_space<vmem>>) offsets(%arg14 : memref<32xi32, #tpu.memory_space<vmem>>) semaphore(%arg34 : memref<!tpu.dma_semaphore, #tpu.memory_space<semaphore_mem>>)
        %dma_start3A_430 = arith.constant 0 : i32
        %dma_start3A_431 = tpu.memref_slice %arg4[%add3A_423, %dma_start3A_430] : memref<320000x128xf32, #tpu.memory_space<hbm>> -> memref<32x128xf32, #tpu.memory_space<hbm>>
        %dma_start3A_432 = arith.constant 0 : i32
        %dma_start3A_433 = tpu.memref_slice %arg4[%add3A_423, %dma_start3A_432] : memref<320000x128xf32, #tpu.memory_space<hbm>> -> memref<32x128xf32, #tpu.memory_space<hbm>>
        tpu.enqueue_dma source(%dma_start3A_433 : memref<32x128xf32, #tpu.memory_space<hbm>>) target(%arg26 : memref<32x128xf32, #tpu.memory_space<vmem>>) target_semaphore(%arg34 : memref<!tpu.dma_semaphore, #tpu.memory_space<semaphore_mem>>)
      } else {
      }
      %scan3A_383 = arith.constant 0 : i32
      %scan3A_384 = arith.constant 0 : i32
      %scan3A_385 = arith.constant 2 : i32
      %scan3A_386 = arith.addi %scan3A_384, %scan3A_385 : i32
      %scan3A_387 = arith.constant 1 : i32
      scf.for %scan3A_403 = %scan3A_384 to %scan3A_386 step %scan3A_387  : i32 {
        %mul3A_404 = arith.constant 16 : i32
        %mul3A_405 = arith.muli %mul3A_404, %scan3A_403 : i32
        %get3A_406 = arith.index_cast %mul3A_405 : i32 to index
        %get3A_407 = tpu.vector_load %arg13[%get3A_406] {strides = array<i32>} : memref<32xi32, #tpu.memory_space<vmem>>, vector<16xi32>,
        tpu.vector_store_idx %arg31[%get3A_407], %broadcast_in_dim3A_3 {add = true} : memref<10240xf32, #tpu.memory_space<vmem>>[vector<16xi32>], vector<16xf32>,
      }
      %scan3A_388 = arith.constant 2 : i32
      %scan3A_389 = arith.constant 0 : i32
      %scan3A_390 = arith.constant 0 : i32
      %scan3A_391 = arith.constant 8 : i32
      %scan3A_392 = arith.addi %scan3A_390, %scan3A_391 : i32
      %scan3A_393 = arith.constant 1 : i32
      scf.for %scan3A_403 = %scan3A_390 to %scan3A_392 step %scan3A_393  : i32 {
        %mul3A_404 = arith.constant 4 : i32
        %mul3A_405 = arith.muli %mul3A_404, %scan3A_403 : i32
        %get3A_406 = arith.index_cast %mul3A_405 : i32 to index
        %get3A_407 = tpu.vector_load %arg19[%get3A_406] {strides = array<i32>} : memref<48xf32, #tpu.memory_space<vmem>>, vector<16xf32>,
        %mul3A_408 = arith.constant 4 : i32
        %mul3A_409 = arith.muli %mul3A_408, %scan3A_403 : i32
        %add3A_410 = arith.constant 0 : i32
        %add3A_411 = arith.addi %mul3A_409, %add3A_410 : i32
        %slice3A = vector.extract_strided_slice %get3A_407 {offsets = [0], sizes = [1], strides = [1]} : vector<16xf32> to vector<1xf32>
        %squeeze3A = vector.extract %slice3A[0] : f32 from vector<1xf32>
        %get3A_412 = arith.index_cast %add3A_411 : i32 to index
        %get3A_413 = arith.constant 0 : index
        %get3A_414 = tpu.vector_load %arg22[%get3A_412, %get3A_413] {strides = array<i32>} : memref<32x128xf32, #tpu.memory_space<vmem>>, vector<16xf32>,
        %get3A_415 = arith.index_cast %add3A_411 : i32 to index
        %get3A_416 = arith.constant 0 : index
        %get3A_417 = tpu.vector_load %arg25[%get3A_415, %get3A_416] {strides = array<i32>} : memref<32x128xf32, #tpu.memory_space<vmem>>, vector<16xf32>,
        %add3A_418 = arith.addf %get3A_414, %get3A_417 : vector<16xf32>
        %get3A_419 = arith.index_cast %add3A_411 : i32 to index
        %get3A_420 = arith.constant 0 : index
        %get3A_421 = tpu.vector_load %arg28[%get3A_419, %get3A_420] {strides = array<i32>} : memref<32x128xf32, #tpu.memory_space<vmem>>, vector<16xf32>,
        %add3A_422 = arith.addf %add3A_418, %get3A_421 : vector<16xf32>
        %max3A = arith.constant 0.000000e+00 : f32
        %max3A_423 = vector.broadcast %max3A : f32 to vector<16xf32>
        %max3A_424 = arith.maximumf %add3A_422, %max3A_423 : vector<16xf32>
        %mul3A_425 = vector.broadcast %squeeze3A : f32 to vector<16xf32>
        %mul3A_426 = arith.mulf %max3A_424, %mul3A_425 : vector<16xf32>
        %swap3A = arith.index_cast %add3A_411 : i32 to index
        %swap3A_427 = arith.constant 0 : index
        %swap3A_428 = tpu.vector_load %arg22[%swap3A, %swap3A_427] {strides = array<i32>} : memref<32x128xf32, #tpu.memory_space<vmem>>, vector<16xf32>,
        tpu.vector_store %arg22[%swap3A, %swap3A_427], %mul3A_426 {strides = array<i32>} : memref<32x128xf32, #tpu.memory_space<vmem>>, vector<16xf32>,
        %get3A_429 = arith.index_cast %add3A_411 : i32 to index
        %get3A_430 = arith.constant 16 : index
        %get3A_431 = tpu.vector_load %arg22[%get3A_429, %get3A_430] {strides = array<i32>} : memref<32x128xf32, #tpu.memory_space<vmem>>, vector<16xf32>,
        %get3A_432 = arith.index_cast %add3A_411 : i32 to index
        %get3A_433 = arith.constant 16 : index
        %get3A_434 = tpu.vector_load %arg25[%get3A_432, %get3A_433] {strides = array<i32>} : memref<32x128xf32, #tpu.memory_space<vmem>>, vector<16xf32>,
        %add3A_435 = arith.addf %get3A_431, %get3A_434 : vector<16xf32>
        %get3A_436 = arith.index_cast %add3A_411 : i32 to index
        %get3A_437 = arith.constant 16 : index
        %get3A_438 = tpu.vector_load %arg28[%get3A_436, %get3A_437] {strides = array<i32>} : memref<32x128xf32, #tpu.memory_space<vmem>>, vector<16xf32>,
        %add3A_439 = arith.addf %add3A_435, %get3A_438 : vector<16xf32>
        %max3A_440 = arith.constant 0.000000e+00 : f32
        %max3A_441 = vector.broadcast %max3A_440 : f32 to vector<16xf32>
        %max3A_442 = arith.maximumf %add3A_439, %max3A_441 : vector<16xf32>
        %mul3A_443 = vector.broadcast %squeeze3A : f32 to vector<16xf32>
        %mul3A_444 = arith.mulf %max3A_442, %mul3A_443 : vector<16xf32>
        %swap3A_445 = arith.index_cast %add3A_411 : i32 to index
        %swap3A_446 = arith.constant 16 : index
        %swap3A_447 = tpu.vector_load %arg22[%swap3A_445, %swap3A_446] {strides = array<i32>} : memref<32x128xf32, #tpu.memory_space<vmem>>, vector<16xf32>,
        tpu.vector_store %arg22[%swap3A_445, %swap3A_446], %mul3A_444 {strides = array<i32>} : memref<32x128xf32, #tpu.memory_space<vmem>>, vector<16xf32>,
        %get3A_448 = arith.index_cast %add3A_411 : i32 to index
        %get3A_449 = arith.constant 32 : index
        %get3A_450 = tpu.vector_load %arg22[%get3A_448, %get3A_449] {strides = array<i32>} : memref<32x128xf32, #tpu.memory_space<vmem>>, vector<16xf32>,
        %get3A_451 = arith.index_cast %add3A_411 : i32 to index
        %get3A_452 = arith.constant 32 : index
        %get3A_453 = tpu.vector_load %arg25[%get3A_451, %get3A_452] {strides = array<i32>} : memref<32x128xf32, #tpu.memory_space<vmem>>, vector<16xf32>,
        %add3A_454 = arith.addf %get3A_450, %get3A_453 : vector<16xf32>
        %get3A_455 = arith.index_cast %add3A_411 : i32 to index
        %get3A_456 = arith.constant 32 : index
        %get3A_457 = tpu.vector_load %arg28[%get3A_455, %get3A_456] {strides = array<i32>} : memref<32x128xf32, #tpu.memory_space<vmem>>, vector<16xf32>,
        %add3A_458 = arith.addf %add3A_454, %get3A_457 : vector<16xf32>
        %max3A_459 = arith.constant 0.000000e+00 : f32
        %max3A_460 = vector.broadcast %max3A_459 : f32 to vector<16xf32>
        %max3A_461 = arith.maximumf %add3A_458, %max3A_460 : vector<16xf32>
        %mul3A_462 = vector.broadcast %squeeze3A : f32 to vector<16xf32>
        %mul3A_463 = arith.mulf %max3A_461, %mul3A_462 : vector<16xf32>
        %swap3A_464 = arith.index_cast %add3A_411 : i32 to index
        %swap3A_465 = arith.constant 32 : index
        %swap3A_466 = tpu.vector_load %arg22[%swap3A_464, %swap3A_465] {strides = array<i32>} : memref<32x128xf32, #tpu.memory_space<vmem>>, vector<16xf32>,
        tpu.vector_store %arg22[%swap3A_464, %swap3A_465], %mul3A_463 {strides = array<i32>} : memref<32x128xf32, #tpu.memory_space<vmem>>, vector<16xf32>,
        %get3A_467 = arith.index_cast %add3A_411 : i32 to index
        %get3A_468 = arith.constant 48 : index
        %get3A_469 = tpu.vector_load %arg22[%get3A_467, %get3A_468] {strides = array<i32>} : memref<32x128xf32, #tpu.memory_space<vmem>>, vector<16xf32>,
        %get3A_470 = arith.index_cast %add3A_411 : i32 to index
        %get3A_471 = arith.constant 48 : index
        %get3A_472 = tpu.vector_load %arg25[%get3A_470, %get3A_471] {strides = array<i32>} : memref<32x128xf32, #tpu.memory_space<vmem>>, vector<16xf32>,
        %add3A_473 = arith.addf %get3A_469, %get3A_472 : vector<16xf32>
        %get3A_474 = arith.index_cast %add3A_411 : i32 to index
        %get3A_475 = arith.constant 48 : index
        %get3A_476 = tpu.vector_load %arg28[%get3A_474, %get3A_475] {strides = array<i32>} : memref<32x128xf32, #tpu.memory_space<vmem>>, vector<16xf32>,
        %add3A_477 = arith.addf %add3A_473, %get3A_476 : vector<16xf32>
        %max3A_478 = arith.constant 0.000000e+00 : f32
        %max3A_479 = vector.broadcast %max3A_478 : f32 to vector<16xf32>
        %max3A_480 = arith.maximumf %add3A_477, %max3A_479 : vector<16xf32>
        %mul3A_481 = vector.broadcast %squeeze3A : f32 to vector<16xf32>
        %mul3A_482 = arith.mulf %max3A_480, %mul3A_481 : vector<16xf32>
        %swap3A_483 = arith.index_cast %add3A_411 : i32 to index
        %swap3A_484 = arith.constant 48 : index
        %swap3A_485 = tpu.vector_load %arg22[%swap3A_483, %swap3A_484] {strides = array<i32>} : memref<32x128xf32, #tpu.memory_space<vmem>>, vector<16xf32>,
        tpu.vector_store %arg22[%swap3A_483, %swap3A_484], %mul3A_482 {strides = array<i32>} : memref<32x128xf32, #tpu.memory_space<vmem>>, vector<16xf32>,
        %get3A_486 = arith.index_cast %add3A_411 : i32 to index
        %get3A_487 = arith.constant 64 : index
        %get3A_488 = tpu.vector_load %arg22[%get3A_486, %get3A_487] {strides = array<i32>} : memref<32x128xf32, #tpu.memory_space<vmem>>, vector<16xf32>,
        %get3A_489 = arith.index_cast %add3A_411 : i32 to index
        %get3A_490 = arith.constant 64 : index
        %get3A_491 = tpu.vector_load %arg25[%get3A_489, %get3A_490] {strides = array<i32>} : memref<32x128xf32, #tpu.memory_space<vmem>>, vector<16xf32>,
        %add3A_492 = arith.addf %get3A_488, %get3A_491 : vector<16xf32>
        %get3A_493 = arith.index_cast %add3A_411 : i32 to index
        %get3A_494 = arith.constant 64 : index
        %get3A_495 = tpu.vector_load %arg28[%get3A_493, %get3A_494] {strides = array<i32>} : memref<32x128xf32, #tpu.memory_space<vmem>>, vector<16xf32>,
        %add3A_496 = arith.addf %add3A_492, %get3A_495 : vector<16xf32>
        %max3A_497 = arith.constant 0.000000e+00 : f32
        %max3A_498 = vector.broadcast %max3A_497 : f32 to vector<16xf32>
        %max3A_499 = arith.maximumf %add3A_496, %max3A_498 : vector<16xf32>
        %mul3A_500 = vector.broadcast %squeeze3A : f32 to vector<16xf32>
        %mul3A_501 = arith.mulf %max3A_499, %mul3A_500 : vector<16xf32>
        %swap3A_502 = arith.index_cast %add3A_411 : i32 to index
        %swap3A_503 = arith.constant 64 : index
        %swap3A_504 = tpu.vector_load %arg22[%swap3A_502, %swap3A_503] {strides = array<i32>} : memref<32x128xf32, #tpu.memory_space<vmem>>, vector<16xf32>,
        tpu.vector_store %arg22[%swap3A_502, %swap3A_503], %mul3A_501 {strides = array<i32>} : memref<32x128xf32, #tpu.memory_space<vmem>>, vector<16xf32>,
        %get3A_505 = arith.index_cast %add3A_411 : i32 to index
        %get3A_506 = arith.constant 80 : index
        %get3A_507 = tpu.vector_load %arg22[%get3A_505, %get3A_506] {strides = array<i32>} : memref<32x128xf32, #tpu.memory_space<vmem>>, vector<16xf32>,
        %get3A_508 = arith.index_cast %add3A_411 : i32 to index
        %get3A_509 = arith.constant 80 : index
        %get3A_510 = tpu.vector_load %arg25[%get3A_508, %get3A_509] {strides = array<i32>} : memref<32x128xf32, #tpu.memory_space<vmem>>, vector<16xf32>,
        %add3A_511 = arith.addf %get3A_507, %get3A_510 : vector<16xf32>
        %get3A_512 = arith.index_cast %add3A_411 : i32 to index
        %get3A_513 = arith.constant 80 : index
        %get3A_514 = tpu.vector_load %arg28[%get3A_512, %get3A_513] {strides = array<i32>} : memref<32x128xf32, #tpu.memory_space<vmem>>, vector<16xf32>,
        %add3A_515 = arith.addf %add3A_511, %get3A_514 : vector<16xf32>
        %max3A_516 = arith.constant 0.000000e+00 : f32
        %max3A_517 = vector.broadcast %max3A_516 : f32 to vector<16xf32>
        %max3A_518 = arith.maximumf %add3A_515, %max3A_517 : vector<16xf32>
        %mul3A_519 = vector.broadcast %squeeze3A : f32 to vector<16xf32>
        %mul3A_520 = arith.mulf %max3A_518, %mul3A_519 : vector<16xf32>
        %swap3A_521 = arith.index_cast %add3A_411 : i32 to index
        %swap3A_522 = arith.constant 80 : index
        %swap3A_523 = tpu.vector_load %arg22[%swap3A_521, %swap3A_522] {strides = array<i32>} : memref<32x128xf32, #tpu.memory_space<vmem>>, vector<16xf32>,
        tpu.vector_store %arg22[%swap3A_521, %swap3A_522], %mul3A_520 {strides = array<i32>} : memref<32x128xf32, #tpu.memory_space<vmem>>, vector<16xf32>,
        %get3A_524 = arith.index_cast %add3A_411 : i32 to index
        %get3A_525 = arith.constant 96 : index
        %get3A_526 = tpu.vector_load %arg22[%get3A_524, %get3A_525] {strides = array<i32>} : memref<32x128xf32, #tpu.memory_space<vmem>>, vector<16xf32>,
        %get3A_527 = arith.index_cast %add3A_411 : i32 to index
        %get3A_528 = arith.constant 96 : index
        %get3A_529 = tpu.vector_load %arg25[%get3A_527, %get3A_528] {strides = array<i32>} : memref<32x128xf32, #tpu.memory_space<vmem>>, vector<16xf32>,
        %add3A_530 = arith.addf %get3A_526, %get3A_529 : vector<16xf32>
        %get3A_531 = arith.index_cast %add3A_411 : i32 to index
        %get3A_532 = arith.constant 96 : index
        %get3A_533 = tpu.vector_load %arg28[%get3A_531, %get3A_532] {strides = array<i32>} : memref<32x128xf32, #tpu.memory_space<vmem>>, vector<16xf32>,
        %add3A_534 = arith.addf %add3A_530, %get3A_533 : vector<16xf32>
        %max3A_535 = arith.constant 0.000000e+00 : f32
        %max3A_536 = vector.broadcast %max3A_535 : f32 to vector<16xf32>
        %max3A_537 = arith.maximumf %add3A_534, %max3A_536 : vector<16xf32>
        %mul3A_538 = vector.broadcast %squeeze3A : f32 to vector<16xf32>
        %mul3A_539 = arith.mulf %max3A_537, %mul3A_538 : vector<16xf32>
        %swap3A_540 = arith.index_cast %add3A_411 : i32 to index
        %swap3A_541 = arith.constant 96 : index
        %swap3A_542 = tpu.vector_load %arg22[%swap3A_540, %swap3A_541] {strides = array<i32>} : memref<32x128xf32, #tpu.memory_space<vmem>>, vector<16xf32>,
        tpu.vector_store %arg22[%swap3A_540, %swap3A_541], %mul3A_539 {strides = array<i32>} : memref<32x128xf32, #tpu.memory_space<vmem>>, vector<16xf32>,
        %get3A_543 = arith.index_cast %add3A_411 : i32 to index
        %get3A_544 = arith.constant 112 : index
        %get3A_545 = tpu.vector_load %arg22[%get3A_543, %get3A_544] {strides = array<i32>} : memref<32x128xf32, #tpu.memory_space<vmem>>, vector<16xf32>,
        %get3A_546 = arith.index_cast %add3A_411 : i32 to index
        %get3A_547 = arith.constant 112 : index
        %get3A_548 = tpu.vector_load %arg25[%get3A_546, %get3A_547] {strides = array<i32>} : memref<32x128xf32, #tpu.memory_space<vmem>>, vector<16xf32>,
        %add3A_549 = arith.addf %get3A_545, %get3A_548 : vector<16xf32>
        %get3A_550 = arith.index_cast %add3A_411 : i32 to index
        %get3A_551 = arith.constant 112 : index
        %get3A_552 = tpu.vector_load %arg28[%get3A_550, %get3A_551] {strides = array<i32>} : memref<32x128xf32, #tpu.memory_space<vmem>>, vector<16xf32>,
        %add3A_553 = arith.addf %add3A_549, %get3A_552 : vector<16xf32>
        %max3A_554 = arith.constant 0.000000e+00 : f32
        %max3A_555 = vector.broadcast %max3A_554 : f32 to vector<16xf32>
        %max3A_556 = arith.maximumf %add3A_553, %max3A_555 : vector<16xf32>
        %mul3A_557 = vector.broadcast %squeeze3A : f32 to vector<16xf32>
        %mul3A_558 = arith.mulf %max3A_556, %mul3A_557 : vector<16xf32>
        %swap3A_559 = arith.index_cast %add3A_411 : i32 to index
        %swap3A_560 = arith.constant 112 : index
        %swap3A_561 = tpu.vector_load %arg22[%swap3A_559, %swap3A_560] {strides = array<i32>} : memref<32x128xf32, #tpu.memory_space<vmem>>, vector<16xf32>,
        tpu.vector_store %arg22[%swap3A_559, %swap3A_560], %mul3A_558 {strides = array<i32>} : memref<32x128xf32, #tpu.memory_space<vmem>>, vector<16xf32>,
        %mul3A_562 = arith.constant 4 : i32
        %mul3A_563 = arith.muli %mul3A_562, %scan3A_403 : i32
        %add3A_564 = arith.constant 1 : i32
        %add3A_565 = arith.addi %mul3A_563, %add3A_564 : i32
        %slice3A_566 = vector.extract_strided_slice %get3A_407 {offsets = [1], sizes = [1], strides = [1]} : vector<16xf32> to vector<1xf32>
        %squeeze3A_567 = vector.extract %slice3A_566[0] : f32 from vector<1xf32>
        %get3A_568 = arith.index_cast %add3A_565 : i32 to index
        %get3A_569 = arith.constant 0 : index
        %get3A_570 = tpu.vector_load %arg22[%get3A_568, %get3A_569] {strides = array<i32>} : memref<32x128xf32, #tpu.memory_space<vmem>>, vector<16xf32>,
        %get3A_571 = arith.index_cast %add3A_565 : i32 to index
        %get3A_572 = arith.constant 0 : index
        %get3A_573 = tpu.vector_load %arg25[%get3A_571, %get3A_572] {strides = array<i32>} : memref<32x128xf32, #tpu.memory_space<vmem>>, vector<16xf32>,
        %add3A_574 = arith.addf %get3A_570, %get3A_573 : vector<16xf32>
        %get3A_575 = arith.index_cast %add3A_565 : i32 to index
        %get3A_576 = arith.constant 0 : index
        %get3A_577 = tpu.vector_load %arg28[%get3A_575, %get3A_576] {strides = array<i32>} : memref<32x128xf32, #tpu.memory_space<vmem>>, vector<16xf32>,
        %add3A_578 = arith.addf %add3A_574, %get3A_577 : vector<16xf32>
        %max3A_579 = arith.constant 0.000000e+00 : f32
        %max3A_580 = vector.broadcast %max3A_579 : f32 to vector<16xf32>
        %max3A_581 = arith.maximumf %add3A_578, %max3A_580 : vector<16xf32>
        %mul3A_582 = vector.broadcast %squeeze3A_567 : f32 to vector<16xf32>
        %mul3A_583 = arith.mulf %max3A_581, %mul3A_582 : vector<16xf32>
        %swap3A_584 = arith.index_cast %add3A_565 : i32 to index
        %swap3A_585 = arith.constant 0 : index
        %swap3A_586 = tpu.vector_load %arg22[%swap3A_584, %swap3A_585] {strides = array<i32>} : memref<32x128xf32, #tpu.memory_space<vmem>>, vector<16xf32>,
        tpu.vector_store %arg22[%swap3A_584, %swap3A_585], %mul3A_583 {strides = array<i32>} : memref<32x128xf32, #tpu.memory_space<vmem>>, vector<16xf32>,
        %get3A_587 = arith.index_cast %add3A_565 : i32 to index
        %get3A_588 = arith.constant 16 : index
        %get3A_589 = tpu.vector_load %arg22[%get3A_587, %get3A_588] {strides = array<i32>} : memref<32x128xf32, #tpu.memory_space<vmem>>, vector<16xf32>,
        %get3A_590 = arith.index_cast %add3A_565 : i32 to index
        %get3A_591 = arith.constant 16 : index
        %get3A_592 = tpu.vector_load %arg25[%get3A_590, %get3A_591] {strides = array<i32>} : memref<32x128xf32, #tpu.memory_space<vmem>>, vector<16xf32>,
        %add3A_593 = arith.addf %get3A_589, %get3A_592 : vector<16xf32>
        %get3A_594 = arith.index_cast %add3A_565 : i32 to index
        %get3A_595 = arith.constant 16 : index
        %get3A_596 = tpu.vector_load %arg28[%get3A_594, %get3A_595] {strides = array<i32>} : memref<32x128xf32, #tpu.memory_space<vmem>>, vector<16xf32>,
        %add3A_597 = arith.addf %add3A_593, %get3A_596 : vector<16xf32>
        %max3A_598 = arith.constant 0.000000e+00 : f32
        %max3A_599 = vector.broadcast %max3A_598 : f32 to vector<16xf32>
        %max3A_600 = arith.maximumf %add3A_597, %max3A_599 : vector<16xf32>
        %mul3A_601 = vector.broadcast %squeeze3A_567 : f32 to vector<16xf32>
        %mul3A_602 = arith.mulf %max3A_600, %mul3A_601 : vector<16xf32>
        %swap3A_603 = arith.index_cast %add3A_565 : i32 to index
        %swap3A_604 = arith.constant 16 : index
        %swap3A_605 = tpu.vector_load %arg22[%swap3A_603, %swap3A_604] {strides = array<i32>} : memref<32x128xf32, #tpu.memory_space<vmem>>, vector<16xf32>,
        tpu.vector_store %arg22[%swap3A_603, %swap3A_604], %mul3A_602 {strides = array<i32>} : memref<32x128xf32, #tpu.memory_space<vmem>>, vector<16xf32>,
        %get3A_606 = arith.index_cast %add3A_565 : i32 to index
        %get3A_607 = arith.constant 32 : index
        %get3A_608 = tpu.vector_load %arg22[%get3A_606, %get3A_607] {strides = array<i32>} : memref<32x128xf32, #tpu.memory_space<vmem>>, vector<16xf32>,
        %get3A_609 = arith.index_cast %add3A_565 : i32 to index
        %get3A_610 = arith.constant 32 : index
        %get3A_611 = tpu.vector_load %arg25[%get3A_609, %get3A_610] {strides = array<i32>} : memref<32x128xf32, #tpu.memory_space<vmem>>, vector<16xf32>,
        %add3A_612 = arith.addf %get3A_608, %get3A_611 : vector<16xf32>
        %get3A_613 = arith.index_cast %add3A_565 : i32 to index
        %get3A_614 = arith.constant 32 : index
        %get3A_615 = tpu.vector_load %arg28[%get3A_613, %get3A_614] {strides = array<i32>} : memref<32x128xf32, #tpu.memory_space<vmem>>, vector<16xf32>,
        %add3A_616 = arith.addf %add3A_612, %get3A_615 : vector<16xf32>
        %max3A_617 = arith.constant 0.000000e+00 : f32
        %max3A_618 = vector.broadcast %max3A_617 : f32 to vector<16xf32>
        %max3A_619 = arith.maximumf %add3A_616, %max3A_618 : vector<16xf32>
        %mul3A_620 = vector.broadcast %squeeze3A_567 : f32 to vector<16xf32>
        %mul3A_621 = arith.mulf %max3A_619, %mul3A_620 : vector<16xf32>
        %swap3A_622 = arith.index_cast %add3A_565 : i32 to index
        %swap3A_623 = arith.constant 32 : index
        %swap3A_624 = tpu.vector_load %arg22[%swap3A_622, %swap3A_623] {strides = array<i32>} : memref<32x128xf32, #tpu.memory_space<vmem>>, vector<16xf32>,
        tpu.vector_store %arg22[%swap3A_622, %swap3A_623], %mul3A_621 {strides = array<i32>} : memref<32x128xf32, #tpu.memory_space<vmem>>, vector<16xf32>,
        %get3A_625 = arith.index_cast %add3A_565 : i32 to index
        %get3A_626 = arith.constant 48 : index
        %get3A_627 = tpu.vector_load %arg22[%get3A_625, %get3A_626] {strides = array<i32>} : memref<32x128xf32, #tpu.memory_space<vmem>>, vector<16xf32>,
        %get3A_628 = arith.index_cast %add3A_565 : i32 to index
        %get3A_629 = arith.constant 48 : index
        %get3A_630 = tpu.vector_load %arg25[%get3A_628, %get3A_629] {strides = array<i32>} : memref<32x128xf32, #tpu.memory_space<vmem>>, vector<16xf32>,
        %add3A_631 = arith.addf %get3A_627, %get3A_630 : vector<16xf32>
        %get3A_632 = arith.index_cast %add3A_565 : i32 to index
        %get3A_633 = arith.constant 48 : index
        %get3A_634 = tpu.vector_load %arg28[%get3A_632, %get3A_633] {strides = array<i32>} : memref<32x128xf32, #tpu.memory_space<vmem>>, vector<16xf32>,
        %add3A_635 = arith.addf %add3A_631, %get3A_634 : vector<16xf32>
        %max3A_636 = arith.constant 0.000000e+00 : f32
        %max3A_637 = vector.broadcast %max3A_636 : f32 to vector<16xf32>
        %max3A_638 = arith.maximumf %add3A_635, %max3A_637 : vector<16xf32>
        %mul3A_639 = vector.broadcast %squeeze3A_567 : f32 to vector<16xf32>
        %mul3A_640 = arith.mulf %max3A_638, %mul3A_639 : vector<16xf32>
        %swap3A_641 = arith.index_cast %add3A_565 : i32 to index
        %swap3A_642 = arith.constant 48 : index
        %swap3A_643 = tpu.vector_load %arg22[%swap3A_641, %swap3A_642] {strides = array<i32>} : memref<32x128xf32, #tpu.memory_space<vmem>>, vector<16xf32>,
        tpu.vector_store %arg22[%swap3A_641, %swap3A_642], %mul3A_640 {strides = array<i32>} : memref<32x128xf32, #tpu.memory_space<vmem>>, vector<16xf32>,
        %get3A_644 = arith.index_cast %add3A_565 : i32 to index
        %get3A_645 = arith.constant 64 : index
        %get3A_646 = tpu.vector_load %arg22[%get3A_644, %get3A_645] {strides = array<i32>} : memref<32x128xf32, #tpu.memory_space<vmem>>, vector<16xf32>,
        %get3A_647 = arith.index_cast %add3A_565 : i32 to index
        %get3A_648 = arith.constant 64 : index
        %get3A_649 = tpu.vector_load %arg25[%get3A_647, %get3A_648] {strides = array<i32>} : memref<32x128xf32, #tpu.memory_space<vmem>>, vector<16xf32>,
        %add3A_650 = arith.addf %get3A_646, %get3A_649 : vector<16xf32>
        %get3A_651 = arith.index_cast %add3A_565 : i32 to index
        %get3A_652 = arith.constant 64 : index
        %get3A_653 = tpu.vector_load %arg28[%get3A_651, %get3A_652] {strides = array<i32>} : memref<32x128xf32, #tpu.memory_space<vmem>>, vector<16xf32>,
        %add3A_654 = arith.addf %add3A_650, %get3A_653 : vector<16xf32>
        %max3A_655 = arith.constant 0.000000e+00 : f32
        %max3A_656 = vector.broadcast %max3A_655 : f32 to vector<16xf32>
        %max3A_657 = arith.maximumf %add3A_654, %max3A_656 : vector<16xf32>
        %mul3A_658 = vector.broadcast %squeeze3A_567 : f32 to vector<16xf32>
        %mul3A_659 = arith.mulf %max3A_657, %mul3A_658 : vector<16xf32>
        %swap3A_660 = arith.index_cast %add3A_565 : i32 to index
        %swap3A_661 = arith.constant 64 : index
        %swap3A_662 = tpu.vector_load %arg22[%swap3A_660, %swap3A_661] {strides = array<i32>} : memref<32x128xf32, #tpu.memory_space<vmem>>, vector<16xf32>,
        tpu.vector_store %arg22[%swap3A_660, %swap3A_661], %mul3A_659 {strides = array<i32>} : memref<32x128xf32, #tpu.memory_space<vmem>>, vector<16xf32>,
        %get3A_663 = arith.index_cast %add3A_565 : i32 to index
        %get3A_664 = arith.constant 80 : index
        %get3A_665 = tpu.vector_load %arg22[%get3A_663, %get3A_664] {strides = array<i32>} : memref<32x128xf32, #tpu.memory_space<vmem>>, vector<16xf32>,
        %get3A_666 = arith.index_cast %add3A_565 : i32 to index
        %get3A_667 = arith.constant 80 : index
        %get3A_668 = tpu.vector_load %arg25[%get3A_666, %get3A_667] {strides = array<i32>} : memref<32x128xf32, #tpu.memory_space<vmem>>, vector<16xf32>,
        %add3A_669 = arith.addf %get3A_665, %get3A_668 : vector<16xf32>
        %get3A_670 = arith.index_cast %add3A_565 : i32 to index
        %get3A_671 = arith.constant 80 : index
        %get3A_672 = tpu.vector_load %arg28[%get3A_670, %get3A_671] {strides = array<i32>} : memref<32x128xf32, #tpu.memory_space<vmem>>, vector<16xf32>,
        %add3A_673 = arith.addf %add3A_669, %get3A_672 : vector<16xf32>
        %max3A_674 = arith.constant 0.000000e+00 : f32
        %max3A_675 = vector.broadcast %max3A_674 : f32 to vector<16xf32>
        %max3A_676 = arith.maximumf %add3A_673, %max3A_675 : vector<16xf32>
        %mul3A_677 = vector.broadcast %squeeze3A_567 : f32 to vector<16xf32>
        %mul3A_678 = arith.mulf %max3A_676, %mul3A_677 : vector<16xf32>
        %swap3A_679 = arith.index_cast %add3A_565 : i32 to index
        %swap3A_680 = arith.constant 80 : index
        %swap3A_681 = tpu.vector_load %arg22[%swap3A_679, %swap3A_680] {strides = array<i32>} : memref<32x128xf32, #tpu.memory_space<vmem>>, vector<16xf32>,
        tpu.vector_store %arg22[%swap3A_679, %swap3A_680], %mul3A_678 {strides = array<i32>} : memref<32x128xf32, #tpu.memory_space<vmem>>, vector<16xf32>,
        %get3A_682 = arith.index_cast %add3A_565 : i32 to index
        %get3A_683 = arith.constant 96 : index
        %get3A_684 = tpu.vector_load %arg22[%get3A_682, %get3A_683] {strides = array<i32>} : memref<32x128xf32, #tpu.memory_space<vmem>>, vector<16xf32>,
        %get3A_685 = arith.index_cast %add3A_565 : i32 to index
        %get3A_686 = arith.constant 96 : index
        %get3A_687 = tpu.vector_load %arg25[%get3A_685, %get3A_686] {strides = array<i32>} : memref<32x128xf32, #tpu.memory_space<vmem>>, vector<16xf32>,
        %add3A_688 = arith.addf %get3A_684, %get3A_687 : vector<16xf32>
        %get3A_689 = arith.index_cast %add3A_565 : i32 to index
        %get3A_690 = arith.constant 96 : index
        %get3A_691 = tpu.vector_load %arg28[%get3A_689, %get3A_690] {strides = array<i32>} : memref<32x128xf32, #tpu.memory_space<vmem>>, vector<16xf32>,
        %add3A_692 = arith.addf %add3A_688, %get3A_691 : vector<16xf32>
        %max3A_693 = arith.constant 0.000000e+00 : f32
        %max3A_694 = vector.broadcast %max3A_693 : f32 to vector<16xf32>
        %max3A_695 = arith.maximumf %add3A_692, %max3A_694 : vector<16xf32>
        %mul3A_696 = vector.broadcast %squeeze3A_567 : f32 to vector<16xf32>
        %mul3A_697 = arith.mulf %max3A_695, %mul3A_696 : vector<16xf32>
        %swap3A_698 = arith.index_cast %add3A_565 : i32 to index
        %swap3A_699 = arith.constant 96 : index
        %swap3A_700 = tpu.vector_load %arg22[%swap3A_698, %swap3A_699] {strides = array<i32>} : memref<32x128xf32, #tpu.memory_space<vmem>>, vector<16xf32>,
        tpu.vector_store %arg22[%swap3A_698, %swap3A_699], %mul3A_697 {strides = array<i32>} : memref<32x128xf32, #tpu.memory_space<vmem>>, vector<16xf32>,
        %get3A_701 = arith.index_cast %add3A_565 : i32 to index
        %get3A_702 = arith.constant 112 : index
        %get3A_703 = tpu.vector_load %arg22[%get3A_701, %get3A_702] {strides = array<i32>} : memref<32x128xf32, #tpu.memory_space<vmem>>, vector<16xf32>,
        %get3A_704 = arith.index_cast %add3A_565 : i32 to index
        %get3A_705 = arith.constant 112 : index
        %get3A_706 = tpu.vector_load %arg25[%get3A_704, %get3A_705] {strides = array<i32>} : memref<32x128xf32, #tpu.memory_space<vmem>>, vector<16xf32>,
        %add3A_707 = arith.addf %get3A_703, %get3A_706 : vector<16xf32>
        %get3A_708 = arith.index_cast %add3A_565 : i32 to index
        %get3A_709 = arith.constant 112 : index
        %get3A_710 = tpu.vector_load %arg28[%get3A_708, %get3A_709] {strides = array<i32>} : memref<32x128xf32, #tpu.memory_space<vmem>>, vector<16xf32>,
        %add3A_711 = arith.addf %add3A_707, %get3A_710 : vector<16xf32>
        %max3A_712 = arith.constant 0.000000e+00 : f32
        %max3A_713 = vector.broadcast %max3A_712 : f32 to vector<16xf32>
        %max3A_714 = arith.maximumf %add3A_711, %max3A_713 : vector<16xf32>
        %mul3A_715 = vector.broadcast %squeeze3A_567 : f32 to vector<16xf32>
        %mul3A_716 = arith.mulf %max3A_714, %mul3A_715 : vector<16xf32>
        %swap3A_717 = arith.index_cast %add3A_565 : i32 to index
        %swap3A_718 = arith.constant 112 : index
        %swap3A_719 = tpu.vector_load %arg22[%swap3A_717, %swap3A_718] {strides = array<i32>} : memref<32x128xf32, #tpu.memory_space<vmem>>, vector<16xf32>,
        tpu.vector_store %arg22[%swap3A_717, %swap3A_718], %mul3A_716 {strides = array<i32>} : memref<32x128xf32, #tpu.memory_space<vmem>>, vector<16xf32>,
        %mul3A_720 = arith.constant 4 : i32
        %mul3A_721 = arith.muli %mul3A_720, %scan3A_403 : i32
        %add3A_722 = arith.constant 2 : i32
        %add3A_723 = arith.addi %mul3A_721, %add3A_722 : i32
        %slice3A_724 = vector.extract_strided_slice %get3A_407 {offsets = [2], sizes = [1], strides = [1]} : vector<16xf32> to vector<1xf32>
        %squeeze3A_725 = vector.extract %slice3A_724[0] : f32 from vector<1xf32>
        %get3A_726 = arith.index_cast %add3A_723 : i32 to index
        %get3A_727 = arith.constant 0 : index
        %get3A_728 = tpu.vector_load %arg22[%get3A_726, %get3A_727] {strides = array<i32>} : memref<32x128xf32, #tpu.memory_space<vmem>>, vector<16xf32>,
        %get3A_729 = arith.index_cast %add3A_723 : i32 to index
        %get3A_730 = arith.constant 0 : index
        %get3A_731 = tpu.vector_load %arg25[%get3A_729, %get3A_730] {strides = array<i32>} : memref<32x128xf32, #tpu.memory_space<vmem>>, vector<16xf32>,
        %add3A_732 = arith.addf %get3A_728, %get3A_731 : vector<16xf32>
        %get3A_733 = arith.index_cast %add3A_723 : i32 to index
        %get3A_734 = arith.constant 0 : index
        %get3A_735 = tpu.vector_load %arg28[%get3A_733, %get3A_734] {strides = array<i32>} : memref<32x128xf32, #tpu.memory_space<vmem>>, vector<16xf32>,
        %add3A_736 = arith.addf %add3A_732, %get3A_735 : vector<16xf32>
        %max3A_737 = arith.constant 0.000000e+00 : f32
        %max3A_738 = vector.broadcast %max3A_737 : f32 to vector<16xf32>
        %max3A_739 = arith.maximumf %add3A_736, %max3A_738 : vector<16xf32>
        %mul3A_740 = vector.broadcast %squeeze3A_725 : f32 to vector<16xf32>
        %mul3A_741 = arith.mulf %max3A_739, %mul3A_740 : vector<16xf32>
        %swap3A_742 = arith.index_cast %add3A_723 : i32 to index
        %swap3A_743 = arith.constant 0 : index
        %swap3A_744 = tpu.vector_load %arg22[%swap3A_742, %swap3A_743] {strides = array<i32>} : memref<32x128xf32, #tpu.memory_space<vmem>>, vector<16xf32>,
        tpu.vector_store %arg22[%swap3A_742, %swap3A_743], %mul3A_741 {strides = array<i32>} : memref<32x128xf32, #tpu.memory_space<vmem>>, vector<16xf32>,
        %get3A_745 = arith.index_cast %add3A_723 : i32 to index
        %get3A_746 = arith.constant 16 : index
        %get3A_747 = tpu.vector_load %arg22[%get3A_745, %get3A_746] {strides = array<i32>} : memref<32x128xf32, #tpu.memory_space<vmem>>, vector<16xf32>,
        %get3A_748 = arith.index_cast %add3A_723 : i32 to index
        %get3A_749 = arith.constant 16 : index
        %get3A_750 = tpu.vector_load %arg25[%get3A_748, %get3A_749] {strides = array<i32>} : memref<32x128xf32, #tpu.memory_space<vmem>>, vector<16xf32>,
        %add3A_751 = arith.addf %get3A_747, %get3A_750 : vector<16xf32>
        %get3A_752 = arith.index_cast %add3A_723 : i32 to index
        %get3A_753 = arith.constant 16 : index
        %get3A_754 = tpu.vector_load %arg28[%get3A_752, %get3A_753] {strides = array<i32>} : memref<32x128xf32, #tpu.memory_space<vmem>>, vector<16xf32>,
        %add3A_755 = arith.addf %add3A_751, %get3A_754 : vector<16xf32>
        %max3A_756 = arith.constant 0.000000e+00 : f32
        %max3A_757 = vector.broadcast %max3A_756 : f32 to vector<16xf32>
        %max3A_758 = arith.maximumf %add3A_755, %max3A_757 : vector<16xf32>
        %mul3A_759 = vector.broadcast %squeeze3A_725 : f32 to vector<16xf32>
        %mul3A_760 = arith.mulf %max3A_758, %mul3A_759 : vector<16xf32>
        %swap3A_761 = arith.index_cast %add3A_723 : i32 to index
        %swap3A_762 = arith.constant 16 : index
        %swap3A_763 = tpu.vector_load %arg22[%swap3A_761, %swap3A_762] {strides = array<i32>} : memref<32x128xf32, #tpu.memory_space<vmem>>, vector<16xf32>,
        tpu.vector_store %arg22[%swap3A_761, %swap3A_762], %mul3A_760 {strides = array<i32>} : memref<32x128xf32, #tpu.memory_space<vmem>>, vector<16xf32>,
        %get3A_764 = arith.index_cast %add3A_723 : i32 to index
        %get3A_765 = arith.constant 32 : index
        %get3A_766 = tpu.vector_load %arg22[%get3A_764, %get3A_765] {strides = array<i32>} : memref<32x128xf32, #tpu.memory_space<vmem>>, vector<16xf32>,
        %get3A_767 = arith.index_cast %add3A_723 : i32 to index
        %get3A_768 = arith.constant 32 : index
        %get3A_769 = tpu.vector_load %arg25[%get3A_767, %get3A_768] {strides = array<i32>} : memref<32x128xf32, #tpu.memory_space<vmem>>, vector<16xf32>,
        %add3A_770 = arith.addf %get3A_766, %get3A_769 : vector<16xf32>
        %get3A_771 = arith.index_cast %add3A_723 : i32 to index
        %get3A_772 = arith.constant 32 : index
        %get3A_773 = tpu.vector_load %arg28[%get3A_771, %get3A_772] {strides = array<i32>} : memref<32x128xf32, #tpu.memory_space<vmem>>, vector<16xf32>,
        %add3A_774 = arith.addf %add3A_770, %get3A_773 : vector<16xf32>
        %max3A_775 = arith.constant 0.000000e+00 : f32
        %max3A_776 = vector.broadcast %max3A_775 : f32 to vector<16xf32>
        %max3A_777 = arith.maximumf %add3A_774, %max3A_776 : vector<16xf32>
        %mul3A_778 = vector.broadcast %squeeze3A_725 : f32 to vector<16xf32>
        %mul3A_779 = arith.mulf %max3A_777, %mul3A_778 : vector<16xf32>
        %swap3A_780 = arith.index_cast %add3A_723 : i32 to index
        %swap3A_781 = arith.constant 32 : index
        %swap3A_782 = tpu.vector_load %arg22[%swap3A_780, %swap3A_781] {strides = array<i32>} : memref<32x128xf32, #tpu.memory_space<vmem>>, vector<16xf32>,
        tpu.vector_store %arg22[%swap3A_780, %swap3A_781], %mul3A_779 {strides = array<i32>} : memref<32x128xf32, #tpu.memory_space<vmem>>, vector<16xf32>,
        %get3A_783 = arith.index_cast %add3A_723 : i32 to index
        %get3A_784 = arith.constant 48 : index
        %get3A_785 = tpu.vector_load %arg22[%get3A_783, %get3A_784] {strides = array<i32>} : memref<32x128xf32, #tpu.memory_space<vmem>>, vector<16xf32>,
        %get3A_786 = arith.index_cast %add3A_723 : i32 to index
        %get3A_787 = arith.constant 48 : index
        %get3A_788 = tpu.vector_load %arg25[%get3A_786, %get3A_787] {strides = array<i32>} : memref<32x128xf32, #tpu.memory_space<vmem>>, vector<16xf32>,
        %add3A_789 = arith.addf %get3A_785, %get3A_788 : vector<16xf32>
        %get3A_790 = arith.index_cast %add3A_723 : i32 to index
        %get3A_791 = arith.constant 48 : index
        %get3A_792 = tpu.vector_load %arg28[%get3A_790, %get3A_791] {strides = array<i32>} : memref<32x128xf32, #tpu.memory_space<vmem>>, vector<16xf32>,
        %add3A_793 = arith.addf %add3A_789, %get3A_792 : vector<16xf32>
        %max3A_794 = arith.constant 0.000000e+00 : f32
        %max3A_795 = vector.broadcast %max3A_794 : f32 to vector<16xf32>
        %max3A_796 = arith.maximumf %add3A_793, %max3A_795 : vector<16xf32>
        %mul3A_797 = vector.broadcast %squeeze3A_725 : f32 to vector<16xf32>
        %mul3A_798 = arith.mulf %max3A_796, %mul3A_797 : vector<16xf32>
        %swap3A_799 = arith.index_cast %add3A_723 : i32 to index
        %swap3A_800 = arith.constant 48 : index
        %swap3A_801 = tpu.vector_load %arg22[%swap3A_799, %swap3A_800] {strides = array<i32>} : memref<32x128xf32, #tpu.memory_space<vmem>>, vector<16xf32>,
        tpu.vector_store %arg22[%swap3A_799, %swap3A_800], %mul3A_798 {strides = array<i32>} : memref<32x128xf32, #tpu.memory_space<vmem>>, vector<16xf32>,
        %get3A_802 = arith.index_cast %add3A_723 : i32 to index
        %get3A_803 = arith.constant 64 : index
        %get3A_804 = tpu.vector_load %arg22[%get3A_802, %get3A_803] {strides = array<i32>} : memref<32x128xf32, #tpu.memory_space<vmem>>, vector<16xf32>,
        %get3A_805 = arith.index_cast %add3A_723 : i32 to index
        %get3A_806 = arith.constant 64 : index
        %get3A_807 = tpu.vector_load %arg25[%get3A_805, %get3A_806] {strides = array<i32>} : memref<32x128xf32, #tpu.memory_space<vmem>>, vector<16xf32>,
        %add3A_808 = arith.addf %get3A_804, %get3A_807 : vector<16xf32>
        %get3A_809 = arith.index_cast %add3A_723 : i32 to index
        %get3A_810 = arith.constant 64 : index
        %get3A_811 = tpu.vector_load %arg28[%get3A_809, %get3A_810] {strides = array<i32>} : memref<32x128xf32, #tpu.memory_space<vmem>>, vector<16xf32>,
        %add3A_812 = arith.addf %add3A_808, %get3A_811 : vector<16xf32>
        %max3A_813 = arith.constant 0.000000e+00 : f32
        %max3A_814 = vector.broadcast %max3A_813 : f32 to vector<16xf32>
        %max3A_815 = arith.maximumf %add3A_812, %max3A_814 : vector<16xf32>
        %mul3A_816 = vector.broadcast %squeeze3A_725 : f32 to vector<16xf32>
        %mul3A_817 = arith.mulf %max3A_815, %mul3A_816 : vector<16xf32>
        %swap3A_818 = arith.index_cast %add3A_723 : i32 to index
        %swap3A_819 = arith.constant 64 : index
        %swap3A_820 = tpu.vector_load %arg22[%swap3A_818, %swap3A_819] {strides = array<i32>} : memref<32x128xf32, #tpu.memory_space<vmem>>, vector<16xf32>,
        tpu.vector_store %arg22[%swap3A_818, %swap3A_819], %mul3A_817 {strides = array<i32>} : memref<32x128xf32, #tpu.memory_space<vmem>>, vector<16xf32>,
        %get3A_821 = arith.index_cast %add3A_723 : i32 to index
        %get3A_822 = arith.constant 80 : index
        %get3A_823 = tpu.vector_load %arg22[%get3A_821, %get3A_822] {strides = array<i32>} : memref<32x128xf32, #tpu.memory_space<vmem>>, vector<16xf32>,
        %get3A_824 = arith.index_cast %add3A_723 : i32 to index
        %get3A_825 = arith.constant 80 : index
        %get3A_826 = tpu.vector_load %arg25[%get3A_824, %get3A_825] {strides = array<i32>} : memref<32x128xf32, #tpu.memory_space<vmem>>, vector<16xf32>,
        %add3A_827 = arith.addf %get3A_823, %get3A_826 : vector<16xf32>
        %get3A_828 = arith.index_cast %add3A_723 : i32 to index
        %get3A_829 = arith.constant 80 : index
        %get3A_830 = tpu.vector_load %arg28[%get3A_828, %get3A_829] {strides = array<i32>} : memref<32x128xf32, #tpu.memory_space<vmem>>, vector<16xf32>,
        %add3A_831 = arith.addf %add3A_827, %get3A_830 : vector<16xf32>
        %max3A_832 = arith.constant 0.000000e+00 : f32
        %max3A_833 = vector.broadcast %max3A_832 : f32 to vector<16xf32>
        %max3A_834 = arith.maximumf %add3A_831, %max3A_833 : vector<16xf32>
        %mul3A_835 = vector.broadcast %squeeze3A_725 : f32 to vector<16xf32>
        %mul3A_836 = arith.mulf %max3A_834, %mul3A_835 : vector<16xf32>
        %swap3A_837 = arith.index_cast %add3A_723 : i32 to index
        %swap3A_838 = arith.constant 80 : index
        %swap3A_839 = tpu.vector_load %arg22[%swap3A_837, %swap3A_838] {strides = array<i32>} : memref<32x128xf32, #tpu.memory_space<vmem>>, vector<16xf32>,
        tpu.vector_store %arg22[%swap3A_837, %swap3A_838], %mul3A_836 {strides = array<i32>} : memref<32x128xf32, #tpu.memory_space<vmem>>, vector<16xf32>,
        %get3A_840 = arith.index_cast %add3A_723 : i32 to index
        %get3A_841 = arith.constant 96 : index
        %get3A_842 = tpu.vector_load %arg22[%get3A_840, %get3A_841] {strides = array<i32>} : memref<32x128xf32, #tpu.memory_space<vmem>>, vector<16xf32>,
        %get3A_843 = arith.index_cast %add3A_723 : i32 to index
        %get3A_844 = arith.constant 96 : index
        %get3A_845 = tpu.vector_load %arg25[%get3A_843, %get3A_844] {strides = array<i32>} : memref<32x128xf32, #tpu.memory_space<vmem>>, vector<16xf32>,
        %add3A_846 = arith.addf %get3A_842, %get3A_845 : vector<16xf32>
        %get3A_847 = arith.index_cast %add3A_723 : i32 to index
        %get3A_848 = arith.constant 96 : index
        %get3A_849 = tpu.vector_load %arg28[%get3A_847, %get3A_848] {strides = array<i32>} : memref<32x128xf32, #tpu.memory_space<vmem>>, vector<16xf32>,
        %add3A_850 = arith.addf %add3A_846, %get3A_849 : vector<16xf32>
        %max3A_851 = arith.constant 0.000000e+00 : f32
        %max3A_852 = vector.broadcast %max3A_851 : f32 to vector<16xf32>
        %max3A_853 = arith.maximumf %add3A_850, %max3A_852 : vector<16xf32>
        %mul3A_854 = vector.broadcast %squeeze3A_725 : f32 to vector<16xf32>
        %mul3A_855 = arith.mulf %max3A_853, %mul3A_854 : vector<16xf32>
        %swap3A_856 = arith.index_cast %add3A_723 : i32 to index
        %swap3A_857 = arith.constant 96 : index
        %swap3A_858 = tpu.vector_load %arg22[%swap3A_856, %swap3A_857] {strides = array<i32>} : memref<32x128xf32, #tpu.memory_space<vmem>>, vector<16xf32>,
        tpu.vector_store %arg22[%swap3A_856, %swap3A_857], %mul3A_855 {strides = array<i32>} : memref<32x128xf32, #tpu.memory_space<vmem>>, vector<16xf32>,
        %get3A_859 = arith.index_cast %add3A_723 : i32 to index
        %get3A_860 = arith.constant 112 : index
        %get3A_861 = tpu.vector_load %arg22[%get3A_859, %get3A_860] {strides = array<i32>} : memref<32x128xf32, #tpu.memory_space<vmem>>, vector<16xf32>,
        %get3A_862 = arith.index_cast %add3A_723 : i32 to index
        %get3A_863 = arith.constant 112 : index
        %get3A_864 = tpu.vector_load %arg25[%get3A_862, %get3A_863] {strides = array<i32>} : memref<32x128xf32, #tpu.memory_space<vmem>>, vector<16xf32>,
        %add3A_865 = arith.addf %get3A_861, %get3A_864 : vector<16xf32>
        %get3A_866 = arith.index_cast %add3A_723 : i32 to index
        %get3A_867 = arith.constant 112 : index
        %get3A_868 = tpu.vector_load %arg28[%get3A_866, %get3A_867] {strides = array<i32>} : memref<32x128xf32, #tpu.memory_space<vmem>>, vector<16xf32>,
        %add3A_869 = arith.addf %add3A_865, %get3A_868 : vector<16xf32>
        %max3A_870 = arith.constant 0.000000e+00 : f32
        %max3A_871 = vector.broadcast %max3A_870 : f32 to vector<16xf32>
        %max3A_872 = arith.maximumf %add3A_869, %max3A_871 : vector<16xf32>
        %mul3A_873 = vector.broadcast %squeeze3A_725 : f32 to vector<16xf32>
        %mul3A_874 = arith.mulf %max3A_872, %mul3A_873 : vector<16xf32>
        %swap3A_875 = arith.index_cast %add3A_723 : i32 to index
        %swap3A_876 = arith.constant 112 : index
        %swap3A_877 = tpu.vector_load %arg22[%swap3A_875, %swap3A_876] {strides = array<i32>} : memref<32x128xf32, #tpu.memory_space<vmem>>, vector<16xf32>,
        tpu.vector_store %arg22[%swap3A_875, %swap3A_876], %mul3A_874 {strides = array<i32>} : memref<32x128xf32, #tpu.memory_space<vmem>>, vector<16xf32>,
        %mul3A_878 = arith.constant 4 : i32
        %mul3A_879 = arith.muli %mul3A_878, %scan3A_403 : i32
        %add3A_880 = arith.constant 3 : i32
        %add3A_881 = arith.addi %mul3A_879, %add3A_880 : i32
        %slice3A_882 = vector.extract_strided_slice %get3A_407 {offsets = [3], sizes = [1], strides = [1]} : vector<16xf32> to vector<1xf32>
        %squeeze3A_883 = vector.extract %slice3A_882[0] : f32 from vector<1xf32>
        %get3A_884 = arith.index_cast %add3A_881 : i32 to index
        %get3A_885 = arith.constant 0 : index
        %get3A_886 = tpu.vector_load %arg22[%get3A_884, %get3A_885] {strides = array<i32>} : memref<32x128xf32, #tpu.memory_space<vmem>>, vector<16xf32>,
        %get3A_887 = arith.index_cast %add3A_881 : i32 to index
        %get3A_888 = arith.constant 0 : index
        %get3A_889 = tpu.vector_load %arg25[%get3A_887, %get3A_888] {strides = array<i32>} : memref<32x128xf32, #tpu.memory_space<vmem>>, vector<16xf32>,
        %add3A_890 = arith.addf %get3A_886, %get3A_889 : vector<16xf32>
        %get3A_891 = arith.index_cast %add3A_881 : i32 to index
        %get3A_892 = arith.constant 0 : index
        %get3A_893 = tpu.vector_load %arg28[%get3A_891, %get3A_892] {strides = array<i32>} : memref<32x128xf32, #tpu.memory_space<vmem>>, vector<16xf32>,
        %add3A_894 = arith.addf %add3A_890, %get3A_893 : vector<16xf32>
        %max3A_895 = arith.constant 0.000000e+00 : f32
        %max3A_896 = vector.broadcast %max3A_895 : f32 to vector<16xf32>
        %max3A_897 = arith.maximumf %add3A_894, %max3A_896 : vector<16xf32>
        %mul3A_898 = vector.broadcast %squeeze3A_883 : f32 to vector<16xf32>
        %mul3A_899 = arith.mulf %max3A_897, %mul3A_898 : vector<16xf32>
        %swap3A_900 = arith.index_cast %add3A_881 : i32 to index
        %swap3A_901 = arith.constant 0 : index
        %swap3A_902 = tpu.vector_load %arg22[%swap3A_900, %swap3A_901] {strides = array<i32>} : memref<32x128xf32, #tpu.memory_space<vmem>>, vector<16xf32>,
        tpu.vector_store %arg22[%swap3A_900, %swap3A_901], %mul3A_899 {strides = array<i32>} : memref<32x128xf32, #tpu.memory_space<vmem>>, vector<16xf32>,
        %get3A_903 = arith.index_cast %add3A_881 : i32 to index
        %get3A_904 = arith.constant 16 : index
        %get3A_905 = tpu.vector_load %arg22[%get3A_903, %get3A_904] {strides = array<i32>} : memref<32x128xf32, #tpu.memory_space<vmem>>, vector<16xf32>,
        %get3A_906 = arith.index_cast %add3A_881 : i32 to index
        %get3A_907 = arith.constant 16 : index
        %get3A_908 = tpu.vector_load %arg25[%get3A_906, %get3A_907] {strides = array<i32>} : memref<32x128xf32, #tpu.memory_space<vmem>>, vector<16xf32>,
        %add3A_909 = arith.addf %get3A_905, %get3A_908 : vector<16xf32>
        %get3A_910 = arith.index_cast %add3A_881 : i32 to index
        %get3A_911 = arith.constant 16 : index
        %get3A_912 = tpu.vector_load %arg28[%get3A_910, %get3A_911] {strides = array<i32>} : memref<32x128xf32, #tpu.memory_space<vmem>>, vector<16xf32>,
        %add3A_913 = arith.addf %add3A_909, %get3A_912 : vector<16xf32>
        %max3A_914 = arith.constant 0.000000e+00 : f32
        %max3A_915 = vector.broadcast %max3A_914 : f32 to vector<16xf32>
        %max3A_916 = arith.maximumf %add3A_913, %max3A_915 : vector<16xf32>
        %mul3A_917 = vector.broadcast %squeeze3A_883 : f32 to vector<16xf32>
        %mul3A_918 = arith.mulf %max3A_916, %mul3A_917 : vector<16xf32>
        %swap3A_919 = arith.index_cast %add3A_881 : i32 to index
        %swap3A_920 = arith.constant 16 : index
        %swap3A_921 = tpu.vector_load %arg22[%swap3A_919, %swap3A_920] {strides = array<i32>} : memref<32x128xf32, #tpu.memory_space<vmem>>, vector<16xf32>,
        tpu.vector_store %arg22[%swap3A_919, %swap3A_920], %mul3A_918 {strides = array<i32>} : memref<32x128xf32, #tpu.memory_space<vmem>>, vector<16xf32>,
        %get3A_922 = arith.index_cast %add3A_881 : i32 to index
        %get3A_923 = arith.constant 32 : index
        %get3A_924 = tpu.vector_load %arg22[%get3A_922, %get3A_923] {strides = array<i32>} : memref<32x128xf32, #tpu.memory_space<vmem>>, vector<16xf32>,
        %get3A_925 = arith.index_cast %add3A_881 : i32 to index
        %get3A_926 = arith.constant 32 : index
        %get3A_927 = tpu.vector_load %arg25[%get3A_925, %get3A_926] {strides = array<i32>} : memref<32x128xf32, #tpu.memory_space<vmem>>, vector<16xf32>,
        %add3A_928 = arith.addf %get3A_924, %get3A_927 : vector<16xf32>
        %get3A_929 = arith.index_cast %add3A_881 : i32 to index
        %get3A_930 = arith.constant 32 : index
        %get3A_931 = tpu.vector_load %arg28[%get3A_929, %get3A_930] {strides = array<i32>} : memref<32x128xf32, #tpu.memory_space<vmem>>, vector<16xf32>,
        %add3A_932 = arith.addf %add3A_928, %get3A_931 : vector<16xf32>
        %max3A_933 = arith.constant 0.000000e+00 : f32
        %max3A_934 = vector.broadcast %max3A_933 : f32 to vector<16xf32>
        %max3A_935 = arith.maximumf %add3A_932, %max3A_934 : vector<16xf32>
        %mul3A_936 = vector.broadcast %squeeze3A_883 : f32 to vector<16xf32>
        %mul3A_937 = arith.mulf %max3A_935, %mul3A_936 : vector<16xf32>
        %swap3A_938 = arith.index_cast %add3A_881 : i32 to index
        %swap3A_939 = arith.constant 32 : index
        %swap3A_940 = tpu.vector_load %arg22[%swap3A_938, %swap3A_939] {strides = array<i32>} : memref<32x128xf32, #tpu.memory_space<vmem>>, vector<16xf32>,
        tpu.vector_store %arg22[%swap3A_938, %swap3A_939], %mul3A_937 {strides = array<i32>} : memref<32x128xf32, #tpu.memory_space<vmem>>, vector<16xf32>,
        %get3A_941 = arith.index_cast %add3A_881 : i32 to index
        %get3A_942 = arith.constant 48 : index
        %get3A_943 = tpu.vector_load %arg22[%get3A_941, %get3A_942] {strides = array<i32>} : memref<32x128xf32, #tpu.memory_space<vmem>>, vector<16xf32>,
        %get3A_944 = arith.index_cast %add3A_881 : i32 to index
        %get3A_945 = arith.constant 48 : index
        %get3A_946 = tpu.vector_load %arg25[%get3A_944, %get3A_945] {strides = array<i32>} : memref<32x128xf32, #tpu.memory_space<vmem>>, vector<16xf32>,
        %add3A_947 = arith.addf %get3A_943, %get3A_946 : vector<16xf32>
        %get3A_948 = arith.index_cast %add3A_881 : i32 to index
        %get3A_949 = arith.constant 48 : index
        %get3A_950 = tpu.vector_load %arg28[%get3A_948, %get3A_949] {strides = array<i32>} : memref<32x128xf32, #tpu.memory_space<vmem>>, vector<16xf32>,
        %add3A_951 = arith.addf %add3A_947, %get3A_950 : vector<16xf32>
        %max3A_952 = arith.constant 0.000000e+00 : f32
        %max3A_953 = vector.broadcast %max3A_952 : f32 to vector<16xf32>
        %max3A_954 = arith.maximumf %add3A_951, %max3A_953 : vector<16xf32>
        %mul3A_955 = vector.broadcast %squeeze3A_883 : f32 to vector<16xf32>
        %mul3A_956 = arith.mulf %max3A_954, %mul3A_955 : vector<16xf32>
        %swap3A_957 = arith.index_cast %add3A_881 : i32 to index
        %swap3A_958 = arith.constant 48 : index
        %swap3A_959 = tpu.vector_load %arg22[%swap3A_957, %swap3A_958] {strides = array<i32>} : memref<32x128xf32, #tpu.memory_space<vmem>>, vector<16xf32>,
        tpu.vector_store %arg22[%swap3A_957, %swap3A_958], %mul3A_956 {strides = array<i32>} : memref<32x128xf32, #tpu.memory_space<vmem>>, vector<16xf32>,
        %get3A_960 = arith.index_cast %add3A_881 : i32 to index
        %get3A_961 = arith.constant 64 : index
        %get3A_962 = tpu.vector_load %arg22[%get3A_960, %get3A_961] {strides = array<i32>} : memref<32x128xf32, #tpu.memory_space<vmem>>, vector<16xf32>,
        %get3A_963 = arith.index_cast %add3A_881 : i32 to index
        %get3A_964 = arith.constant 64 : index
        %get3A_965 = tpu.vector_load %arg25[%get3A_963, %get3A_964] {strides = array<i32>} : memref<32x128xf32, #tpu.memory_space<vmem>>, vector<16xf32>,
        %add3A_966 = arith.addf %get3A_962, %get3A_965 : vector<16xf32>
        %get3A_967 = arith.index_cast %add3A_881 : i32 to index
        %get3A_968 = arith.constant 64 : index
        %get3A_969 = tpu.vector_load %arg28[%get3A_967, %get3A_968] {strides = array<i32>} : memref<32x128xf32, #tpu.memory_space<vmem>>, vector<16xf32>,
        %add3A_970 = arith.addf %add3A_966, %get3A_969 : vector<16xf32>
        %max3A_971 = arith.constant 0.000000e+00 : f32
        %max3A_972 = vector.broadcast %max3A_971 : f32 to vector<16xf32>
        %max3A_973 = arith.maximumf %add3A_970, %max3A_972 : vector<16xf32>
        %mul3A_974 = vector.broadcast %squeeze3A_883 : f32 to vector<16xf32>
        %mul3A_975 = arith.mulf %max3A_973, %mul3A_974 : vector<16xf32>
        %swap3A_976 = arith.index_cast %add3A_881 : i32 to index
        %swap3A_977 = arith.constant 64 : index
        %swap3A_978 = tpu.vector_load %arg22[%swap3A_976, %swap3A_977] {strides = array<i32>} : memref<32x128xf32, #tpu.memory_space<vmem>>, vector<16xf32>,
        tpu.vector_store %arg22[%swap3A_976, %swap3A_977], %mul3A_975 {strides = array<i32>} : memref<32x128xf32, #tpu.memory_space<vmem>>, vector<16xf32>,
        %get3A_979 = arith.index_cast %add3A_881 : i32 to index
        %get3A_980 = arith.constant 80 : index
        %get3A_981 = tpu.vector_load %arg22[%get3A_979, %get3A_980] {strides = array<i32>} : memref<32x128xf32, #tpu.memory_space<vmem>>, vector<16xf32>,
        %get3A_982 = arith.index_cast %add3A_881 : i32 to index
        %get3A_983 = arith.constant 80 : index
        %get3A_984 = tpu.vector_load %arg25[%get3A_982, %get3A_983] {strides = array<i32>} : memref<32x128xf32, #tpu.memory_space<vmem>>, vector<16xf32>,
        %add3A_985 = arith.addf %get3A_981, %get3A_984 : vector<16xf32>
        %get3A_986 = arith.index_cast %add3A_881 : i32 to index
        %get3A_987 = arith.constant 80 : index
        %get3A_988 = tpu.vector_load %arg28[%get3A_986, %get3A_987] {strides = array<i32>} : memref<32x128xf32, #tpu.memory_space<vmem>>, vector<16xf32>,
        %add3A_989 = arith.addf %add3A_985, %get3A_988 : vector<16xf32>
        %max3A_990 = arith.constant 0.000000e+00 : f32
        %max3A_991 = vector.broadcast %max3A_990 : f32 to vector<16xf32>
        %max3A_992 = arith.maximumf %add3A_989, %max3A_991 : vector<16xf32>
        %mul3A_993 = vector.broadcast %squeeze3A_883 : f32 to vector<16xf32>
        %mul3A_994 = arith.mulf %max3A_992, %mul3A_993 : vector<16xf32>
        %swap3A_995 = arith.index_cast %add3A_881 : i32 to index
        %swap3A_996 = arith.constant 80 : index
        %swap3A_997 = tpu.vector_load %arg22[%swap3A_995, %swap3A_996] {strides = array<i32>} : memref<32x128xf32, #tpu.memory_space<vmem>>, vector<16xf32>,
        tpu.vector_store %arg22[%swap3A_995, %swap3A_996], %mul3A_994 {strides = array<i32>} : memref<32x128xf32, #tpu.memory_space<vmem>>, vector<16xf32>,
        %get3A_998 = arith.index_cast %add3A_881 : i32 to index
        %get3A_999 = arith.constant 96 : index
        %get3A_1000 = tpu.vector_load %arg22[%get3A_998, %get3A_999] {strides = array<i32>} : memref<32x128xf32, #tpu.memory_space<vmem>>, vector<16xf32>,
        %get3A_1001 = arith.index_cast %add3A_881 : i32 to index
        %get3A_1002 = arith.constant 96 : index
        %get3A_1003 = tpu.vector_load %arg25[%get3A_1001, %get3A_1002] {strides = array<i32>} : memref<32x128xf32, #tpu.memory_space<vmem>>, vector<16xf32>,
        %add3A_1004 = arith.addf %get3A_1000, %get3A_1003 : vector<16xf32>
        %get3A_1005 = arith.index_cast %add3A_881 : i32 to index
        %get3A_1006 = arith.constant 96 : index
        %get3A_1007 = tpu.vector_load %arg28[%get3A_1005, %get3A_1006] {strides = array<i32>} : memref<32x128xf32, #tpu.memory_space<vmem>>, vector<16xf32>,
        %add3A_1008 = arith.addf %add3A_1004, %get3A_1007 : vector<16xf32>
        %max3A_1009 = arith.constant 0.000000e+00 : f32
        %max3A_1010 = vector.broadcast %max3A_1009 : f32 to vector<16xf32>
        %max3A_1011 = arith.maximumf %add3A_1008, %max3A_1010 : vector<16xf32>
        %mul3A_1012 = vector.broadcast %squeeze3A_883 : f32 to vector<16xf32>
        %mul3A_1013 = arith.mulf %max3A_1011, %mul3A_1012 : vector<16xf32>
        %swap3A_1014 = arith.index_cast %add3A_881 : i32 to index
        %swap3A_1015 = arith.constant 96 : index
        %swap3A_1016 = tpu.vector_load %arg22[%swap3A_1014, %swap3A_1015] {strides = array<i32>} : memref<32x128xf32, #tpu.memory_space<vmem>>, vector<16xf32>,
        tpu.vector_store %arg22[%swap3A_1014, %swap3A_1015], %mul3A_1013 {strides = array<i32>} : memref<32x128xf32, #tpu.memory_space<vmem>>, vector<16xf32>,
        %get3A_1017 = arith.index_cast %add3A_881 : i32 to index
        %get3A_1018 = arith.constant 112 : index
        %get3A_1019 = tpu.vector_load %arg22[%get3A_1017, %get3A_1018] {strides = array<i32>} : memref<32x128xf32, #tpu.memory_space<vmem>>, vector<16xf32>,
        %get3A_1020 = arith.index_cast %add3A_881 : i32 to index
        %get3A_1021 = arith.constant 112 : index
        %get3A_1022 = tpu.vector_load %arg25[%get3A_1020, %get3A_1021] {strides = array<i32>} : memref<32x128xf32, #tpu.memory_space<vmem>>, vector<16xf32>,
        %add3A_1023 = arith.addf %get3A_1019, %get3A_1022 : vector<16xf32>
        %get3A_1024 = arith.index_cast %add3A_881 : i32 to index
        %get3A_1025 = arith.constant 112 : index
        %get3A_1026 = tpu.vector_load %arg28[%get3A_1024, %get3A_1025] {strides = array<i32>} : memref<32x128xf32, #tpu.memory_space<vmem>>, vector<16xf32>,
        %add3A_1027 = arith.addf %add3A_1023, %get3A_1026 : vector<16xf32>
        %max3A_1028 = arith.constant 0.000000e+00 : f32
        %max3A_1029 = vector.broadcast %max3A_1028 : f32 to vector<16xf32>
        %max3A_1030 = arith.maximumf %add3A_1027, %max3A_1029 : vector<16xf32>
        %mul3A_1031 = vector.broadcast %squeeze3A_883 : f32 to vector<16xf32>
        %mul3A_1032 = arith.mulf %max3A_1030, %mul3A_1031 : vector<16xf32>
        %swap3A_1033 = arith.index_cast %add3A_881 : i32 to index
        %swap3A_1034 = arith.constant 112 : index
        %swap3A_1035 = tpu.vector_load %arg22[%swap3A_1033, %swap3A_1034] {strides = array<i32>} : memref<32x128xf32, #tpu.memory_space<vmem>>, vector<16xf32>,
        tpu.vector_store %arg22[%swap3A_1033, %swap3A_1034], %mul3A_1032 {strides = array<i32>} : memref<32x128xf32, #tpu.memory_space<vmem>>, vector<16xf32>,
      }
      %scan3A_394 = arith.constant 8 : i32
      %dma_start3A_395 = arith.constant 0 : i32
      %dma_start3A_396 = arith.constant 0 : i32
      %dma_start3A_397 = tpu.memref_slice %arg32[%dma_start3A_395, %dma_start3A_396] : memref<10000x128xf32, #tpu.memory_space<vmem_shared>> -> memref<10000x128xf32, #tpu.memory_space<vmem_shared>>
      tpu.enqueue_indirect_dma source(%arg22 : memref<32x128xf32, #tpu.memory_space<vmem>>) target(%dma_start3A_397 : memref<10000x128xf32, #tpu.memory_space<vmem_shared>>) offsets(%arg13 : memref<32xi32, #tpu.memory_space<vmem>>) semaphore(%arg35 : memref<!tpu.dma_semaphore, #tpu.memory_space<semaphore_mem>>) {add = true}
      %lt3A_398 = arith.constant 103 : i32
      %lt3A_399 = arith.cmpi slt, %scan3A_207, %lt3A_398 : i32
      %convert_element_type3A_400 = arith.extui %lt3A_399 : i1 to i32
      %cond3A_401 = arith.constant 0 : i32
      %cond3A_402 = arith.cmpi ne, %convert_element_type3A_400, %cond3A_401 : i32
      scf.if %cond3A_402 {
        %add3A_403 = arith.constant 2 : i32
        %add3A_404 = arith.addi %add3A_362, %add3A_403 : i32
        %mul3A_405 = arith.constant 32 : i32
        %mul3A_406 = arith.muli %add3A_404, %mul3A_405 : i32
        %add3A_407 = arith.addi %mul3A_63, %mul3A_406 : i32
        %dma_start3A_408 = tpu.memref_slice %arg5[%add3A_407] : memref<320000xi32, #tpu.memory_space<hbm>> -> memref<32xi32, #tpu.memory_space<hbm>>
        %dma_start3A_409 = tpu.memref_slice %arg5[%add3A_407] : memref<320000xi32, #tpu.memory_space<hbm>> -> memref<32xi32, #tpu.memory_space<hbm>>
        tpu.enqueue_dma source(%dma_start3A_409 : memref<32xi32, #tpu.memory_space<hbm>>) target(%arg12 : memref<32xi32, #tpu.memory_space<vmem>>) target_semaphore(%arg33 : memref<!tpu.dma_semaphore, #tpu.memory_space<semaphore_mem>>)
        %dma_start3A_410 = tpu.memref_slice %arg6[%add3A_407] : memref<320000xi32, #tpu.memory_space<hbm>> -> memref<32xi32, #tpu.memory_space<hbm>>
        %dma_start3A_411 = tpu.memref_slice %arg6[%add3A_407] : memref<320000xi32, #tpu.memory_space<hbm>> -> memref<32xi32, #tpu.memory_space<hbm>>
        tpu.enqueue_dma source(%dma_start3A_411 : memref<32xi32, #tpu.memory_space<hbm>>) target(%arg15 : memref<32xi32, #tpu.memory_space<vmem>>) target_semaphore(%arg33 : memref<!tpu.dma_semaphore, #tpu.memory_space<semaphore_mem>>)
        %dma_start3A_412 = arith.constant 0 : i32
        %dma_start3A_413 = tpu.memref_slice %arg18[%dma_start3A_412] : memref<48xf32, #tpu.memory_space<vmem>> -> memref<32xf32, #tpu.memory_space<vmem>>
        %dma_start3A_414 = tpu.memref_slice %arg7[%add3A_407] : memref<320000xf32, #tpu.memory_space<hbm>> -> memref<32xf32, #tpu.memory_space<hbm>>
        %dma_start3A_415 = arith.constant 0 : i32
        %dma_start3A_416 = tpu.memref_slice %arg18[%dma_start3A_415] : memref<48xf32, #tpu.memory_space<vmem>> -> memref<32xf32, #tpu.memory_space<vmem>>
        %dma_start3A_417 = tpu.memref_slice %arg7[%add3A_407] : memref<320000xf32, #tpu.memory_space<hbm>> -> memref<32xf32, #tpu.memory_space<hbm>>
        tpu.enqueue_dma source(%dma_start3A_417 : memref<32xf32, #tpu.memory_space<hbm>>) target(%dma_start3A_416 : memref<32xf32, #tpu.memory_space<vmem>>) target_semaphore(%arg33 : memref<!tpu.dma_semaphore, #tpu.memory_space<semaphore_mem>>)
      } else {
      }
    }
    %scan3A_119 = arith.constant 104 : i32
    %dma_wait3A_120 = arith.constant 0 : i32
    %dma_wait3A_121 = arith.constant 0 : i32
    %dma_wait3A_122 = tpu.memref_slice %arg32[%dma_wait3A_120, %dma_wait3A_121] : memref<10000x128xf32, #tpu.memory_space<vmem_shared>> -> memref<10000x128xf32, #tpu.memory_space<vmem_shared>>
    tpu.wait_indirect_dma semaphore(%arg35 : memref<!tpu.dma_semaphore, #tpu.memory_space<semaphore_mem>>) src(%arg22 : memref<32x128xf32, #tpu.memory_space<vmem>>) dst(%dma_wait3A_122 : memref<10000x128xf32, #tpu.memory_space<vmem_shared>>)
    %add3A_123 = arith.constant 9984 : i32
    %add3A_124 = arith.addi %mul3A_63, %add3A_123 : i32
    "tpu.region"() ({
      %run_scoped3A = tpu.sem_alloc : memref<!tpu.dma_semaphore, #tpu.memory_space<semaphore_mem>>
      %dma_start3A_207 = tpu.memref_slice %arg5[%add3A_124] : memref<320000xi32, #tpu.memory_space<hbm>> -> memref<16xi32, #tpu.memory_space<hbm>>
      %dma_start3A_208 = tpu.memref_slice %arg5[%add3A_124] : memref<320000xi32, #tpu.memory_space<hbm>> -> memref<16xi32, #tpu.memory_space<hbm>>
      tpu.enqueue_dma source(%dma_start3A_208 : memref<16xi32, #tpu.memory_space<hbm>>) target(%arg29 : memref<16xi32, #tpu.memory_space<vmem>>) target_semaphore(%run_scoped3A : memref<!tpu.dma_semaphore, #tpu.memory_space<semaphore_mem>>)
      %dma_wait3A_209 = tpu.memref_slice %arg5[%add3A_124] : memref<320000xi32, #tpu.memory_space<hbm>> -> memref<16xi32, #tpu.memory_space<hbm>>
      %dma_wait3A_210 = tpu.memref_slice %arg5[%add3A_124] : memref<320000xi32, #tpu.memory_space<hbm>> -> memref<16xi32, #tpu.memory_space<hbm>>
      tpu.wait_dma2 semaphore(%run_scoped3A : memref<!tpu.dma_semaphore, #tpu.memory_space<semaphore_mem>>) src(%dma_wait3A_210 : memref<16xi32, #tpu.memory_space<hbm>>) dst(%arg29 : memref<16xi32, #tpu.memory_space<vmem>>)
      tpu.yield
    }) : () -> ()
    "tpu.region"() ({
      %run_scoped3A = tpu.sem_alloc : memref<!tpu.dma_semaphore, #tpu.memory_space<semaphore_mem>>
      %dma_start3A_207 = tpu.memref_slice %arg6[%add3A_124] : memref<320000xi32, #tpu.memory_space<hbm>> -> memref<16xi32, #tpu.memory_space<hbm>>
      %dma_start3A_208 = tpu.memref_slice %arg6[%add3A_124] : memref<320000xi32, #tpu.memory_space<hbm>> -> memref<16xi32, #tpu.memory_space<hbm>>
      tpu.enqueue_dma source(%dma_start3A_208 : memref<16xi32, #tpu.memory_space<hbm>>) target(%arg30 : memref<16xi32, #tpu.memory_space<vmem>>) target_semaphore(%run_scoped3A : memref<!tpu.dma_semaphore, #tpu.memory_space<semaphore_mem>>)
      %dma_wait3A_209 = tpu.memref_slice %arg6[%add3A_124] : memref<320000xi32, #tpu.memory_space<hbm>> -> memref<16xi32, #tpu.memory_space<hbm>>
      %dma_wait3A_210 = tpu.memref_slice %arg6[%add3A_124] : memref<320000xi32, #tpu.memory_space<hbm>> -> memref<16xi32, #tpu.memory_space<hbm>>
      tpu.wait_dma2 semaphore(%run_scoped3A : memref<!tpu.dma_semaphore, #tpu.memory_space<semaphore_mem>>) src(%dma_wait3A_210 : memref<16xi32, #tpu.memory_space<hbm>>) dst(%arg30 : memref<16xi32, #tpu.memory_space<vmem>>)
      tpu.yield
    }) : () -> ()
    "tpu.region"() ({
      %run_scoped3A = tpu.sem_alloc : memref<!tpu.dma_semaphore, #tpu.memory_space<semaphore_mem>>
      %dma_start3A_207 = arith.constant 0 : i32
      %dma_start3A_208 = tpu.memref_slice %arg18[%dma_start3A_207] : memref<48xf32, #tpu.memory_space<vmem>> -> memref<16xf32, #tpu.memory_space<vmem>>
      %dma_start3A_209 = tpu.memref_slice %arg7[%add3A_124] : memref<320000xf32, #tpu.memory_space<hbm>> -> memref<16xf32, #tpu.memory_space<hbm>>
      %dma_start3A_210 = arith.constant 0 : i32
      %dma_start3A_211 = tpu.memref_slice %arg18[%dma_start3A_210] : memref<48xf32, #tpu.memory_space<vmem>> -> memref<16xf32, #tpu.memory_space<vmem>>
      %dma_start3A_212 = tpu.memref_slice %arg7[%add3A_124] : memref<320000xf32, #tpu.memory_space<hbm>> -> memref<16xf32, #tpu.memory_space<hbm>>
      tpu.enqueue_dma source(%dma_start3A_212 : memref<16xf32, #tpu.memory_space<hbm>>) target(%dma_start3A_211 : memref<16xf32, #tpu.memory_space<vmem>>) target_semaphore(%run_scoped3A : memref<!tpu.dma_semaphore, #tpu.memory_space<semaphore_mem>>)
      %dma_wait3A_213 = arith.constant 0 : i32
      %dma_wait3A_214 = tpu.memref_slice %arg18[%dma_wait3A_213] : memref<48xf32, #tpu.memory_space<vmem>> -> memref<16xf32, #tpu.memory_space<vmem>>
      %dma_wait3A_215 = tpu.memref_slice %arg7[%add3A_124] : memref<320000xf32, #tpu.memory_space<hbm>> -> memref<16xf32, #tpu.memory_space<hbm>>
      %dma_wait3A_216 = arith.constant 0 : i32
      %dma_wait3A_217 = tpu.memref_slice %arg18[%dma_wait3A_216] : memref<48xf32, #tpu.memory_space<vmem>> -> memref<16xf32, #tpu.memory_space<vmem>>
      %dma_wait3A_218 = tpu.memref_slice %arg7[%add3A_124] : memref<320000xf32, #tpu.memory_space<hbm>> -> memref<16xf32, #tpu.memory_space<hbm>>
      tpu.wait_dma2 semaphore(%run_scoped3A : memref<!tpu.dma_semaphore, #tpu.memory_space<semaphore_mem>>) src(%dma_wait3A_218 : memref<16xf32, #tpu.memory_space<hbm>>) dst(%dma_wait3A_217 : memref<16xf32, #tpu.memory_space<vmem>>)
      tpu.yield
    }) : () -> ()
    "tpu.region"() ({
      %run_scoped3A = tpu.sem_alloc : memref<!tpu.dma_semaphore, #tpu.memory_space<semaphore_mem>>
      %dma_start3A_207 = arith.constant 0 : i32
      %dma_start3A_208 = arith.constant 0 : i32
      %dma_start3A_209 = tpu.memref_slice %arg21[%dma_start3A_207, %dma_start3A_208] : memref<32x128xf32, #tpu.memory_space<vmem>> -> memref<16x128xf32, #tpu.memory_space<vmem>>
      %dma_start3A_210 = arith.constant 0 : i32
      %dma_start3A_211 = arith.constant 0 : i32
      %dma_start3A_212 = tpu.memref_slice %arg2[%dma_start3A_210, %dma_start3A_211] : memref<10000x128xf32, #tpu.memory_space<hbm>> -> memref<10000x128xf32, #tpu.memory_space<hbm>>
      tpu.enqueue_indirect_dma source(%dma_start3A_212 : memref<10000x128xf32, #tpu.memory_space<hbm>>) target(%dma_start3A_209 : memref<16x128xf32, #tpu.memory_space<vmem>>) offsets(%arg29 : memref<16xi32, #tpu.memory_space<vmem>>) semaphore(%run_scoped3A : memref<!tpu.dma_semaphore, #tpu.memory_space<semaphore_mem>>)
      %dma_wait3A_213 = arith.constant 0 : i32
      %dma_wait3A_214 = arith.constant 0 : i32
      %dma_wait3A_215 = tpu.memref_slice %arg21[%dma_wait3A_213, %dma_wait3A_214] : memref<32x128xf32, #tpu.memory_space<vmem>> -> memref<16x128xf32, #tpu.memory_space<vmem>>
      %dma_wait3A_216 = arith.constant 0 : i32
      %dma_wait3A_217 = arith.constant 0 : i32
      %dma_wait3A_218 = tpu.memref_slice %arg2[%dma_wait3A_216, %dma_wait3A_217] : memref<10000x128xf32, #tpu.memory_space<hbm>> -> memref<10000x128xf32, #tpu.memory_space<hbm>>
      tpu.wait_indirect_dma semaphore(%run_scoped3A : memref<!tpu.dma_semaphore, #tpu.memory_space<semaphore_mem>>) src(%dma_wait3A_218 : memref<10000x128xf32, #tpu.memory_space<hbm>>) dst(%dma_wait3A_215 : memref<16x128xf32, #tpu.memory_space<vmem>>)
      tpu.yield
    }) : () -> ()
    "tpu.region"() ({
      %run_scoped3A = tpu.sem_alloc : memref<!tpu.dma_semaphore, #tpu.memory_space<semaphore_mem>>
      %dma_start3A_207 = arith.constant 0 : i32
      %dma_start3A_208 = arith.constant 0 : i32
      %dma_start3A_209 = tpu.memref_slice %arg24[%dma_start3A_207, %dma_start3A_208] : memref<32x128xf32, #tpu.memory_space<vmem>> -> memref<16x128xf32, #tpu.memory_space<vmem>>
      %dma_start3A_210 = arith.constant 0 : i32
      %dma_start3A_211 = arith.constant 0 : i32
      %dma_start3A_212 = tpu.memref_slice %arg3[%dma_start3A_210, %dma_start3A_211] : memref<10000x128xf32, #tpu.memory_space<hbm>> -> memref<10000x128xf32, #tpu.memory_space<hbm>>
      tpu.enqueue_indirect_dma source(%dma_start3A_212 : memref<10000x128xf32, #tpu.memory_space<hbm>>) target(%dma_start3A_209 : memref<16x128xf32, #tpu.memory_space<vmem>>) offsets(%arg30 : memref<16xi32, #tpu.memory_space<vmem>>) semaphore(%run_scoped3A : memref<!tpu.dma_semaphore, #tpu.memory_space<semaphore_mem>>)
      %dma_wait3A_213 = arith.constant 0 : i32
      %dma_wait3A_214 = arith.constant 0 : i32
      %dma_wait3A_215 = tpu.memref_slice %arg24[%dma_wait3A_213, %dma_wait3A_214] : memref<32x128xf32, #tpu.memory_space<vmem>> -> memref<16x128xf32, #tpu.memory_space<vmem>>
      %dma_wait3A_216 = arith.constant 0 : i32
      %dma_wait3A_217 = arith.constant 0 : i32
      %dma_wait3A_218 = tpu.memref_slice %arg3[%dma_wait3A_216, %dma_wait3A_217] : memref<10000x128xf32, #tpu.memory_space<hbm>> -> memref<10000x128xf32, #tpu.memory_space<hbm>>
      tpu.wait_indirect_dma semaphore(%run_scoped3A : memref<!tpu.dma_semaphore, #tpu.memory_space<semaphore_mem>>) src(%dma_wait3A_218 : memref<10000x128xf32, #tpu.memory_space<hbm>>) dst(%dma_wait3A_215 : memref<16x128xf32, #tpu.memory_space<vmem>>)
      tpu.yield
    }) : () -> ()
    "tpu.region"() ({
      %run_scoped3A = tpu.sem_alloc : memref<!tpu.dma_semaphore, #tpu.memory_space<semaphore_mem>>
      %dma_start3A_207 = arith.constant 0 : i32
      %dma_start3A_208 = arith.constant 0 : i32
      %dma_start3A_209 = tpu.memref_slice %arg27[%dma_start3A_207, %dma_start3A_208] : memref<32x128xf32, #tpu.memory_space<vmem>> -> memref<16x128xf32, #tpu.memory_space<vmem>>
      %dma_start3A_210 = arith.constant 0 : i32
      %dma_start3A_211 = tpu.memref_slice %arg4[%add3A_124, %dma_start3A_210] : memref<320000x128xf32, #tpu.memory_space<hbm>> -> memref<16x128xf32, #tpu.memory_space<hbm>>
      %dma_start3A_212 = arith.constant 0 : i32
      %dma_start3A_213 = arith.constant 0 : i32
      %dma_start3A_214 = tpu.memref_slice %arg27[%dma_start3A_212, %dma_start3A_213] : memref<32x128xf32, #tpu.memory_space<vmem>> -> memref<16x128xf32, #tpu.memory_space<vmem>>
      %dma_start3A_215 = arith.constant 0 : i32
      %dma_start3A_216 = tpu.memref_slice %arg4[%add3A_124, %dma_start3A_215] : memref<320000x128xf32, #tpu.memory_space<hbm>> -> memref<16x128xf32, #tpu.memory_space<hbm>>
      tpu.enqueue_dma source(%dma_start3A_216 : memref<16x128xf32, #tpu.memory_space<hbm>>) target(%dma_start3A_214 : memref<16x128xf32, #tpu.memory_space<vmem>>) target_semaphore(%run_scoped3A : memref<!tpu.dma_semaphore, #tpu.memory_space<semaphore_mem>>)
      %dma_wait3A_217 = arith.constant 0 : i32
      %dma_wait3A_218 = arith.constant 0 : i32
      %dma_wait3A_219 = tpu.memref_slice %arg27[%dma_wait3A_217, %dma_wait3A_218] : memref<32x128xf32, #tpu.memory_space<vmem>> -> memref<16x128xf32, #tpu.memory_space<vmem>>
      %dma_wait3A_220 = arith.constant 0 : i32
      %dma_wait3A_221 = tpu.memref_slice %arg4[%add3A_124, %dma_wait3A_220] : memref<320000x128xf32, #tpu.memory_space<hbm>> -> memref<16x128xf32, #tpu.memory_space<hbm>>
      %dma_wait3A_222 = arith.constant 0 : i32
      %dma_wait3A_223 = arith.constant 0 : i32
      %dma_wait3A_224 = tpu.memref_slice %arg27[%dma_wait3A_222, %dma_wait3A_223] : memref<32x128xf32, #tpu.memory_space<vmem>> -> memref<16x128xf32, #tpu.memory_space<vmem>>
      %dma_wait3A_225 = arith.constant 0 : i32
      %dma_wait3A_226 = tpu.memref_slice %arg4[%add3A_124, %dma_wait3A_225] : memref<320000x128xf32, #tpu.memory_space<hbm>> -> memref<16x128xf32, #tpu.memory_space<hbm>>
      tpu.wait_dma2 semaphore(%run_scoped3A : memref<!tpu.dma_semaphore, #tpu.memory_space<semaphore_mem>>) src(%dma_wait3A_226 : memref<16x128xf32, #tpu.memory_space<hbm>>) dst(%dma_wait3A_224 : memref<16x128xf32, #tpu.memory_space<vmem>>)
      tpu.yield
    }) : () -> ()
    %get3A = arith.constant 0 : index
    %get3A_125 = tpu.vector_load %arg29[%get3A] {strides = array<i32>} : memref<16xi32, #tpu.memory_space<vmem>>, vector<16xi32>,
    tpu.vector_store_idx %arg31[%get3A_125], %broadcast_in_dim3A_3 {add = true} : memref<10240xf32, #tpu.memory_space<vmem>>[vector<16xi32>], vector<16xf32>,
    %scan3A_126 = arith.constant 0 : i32
    %scan3A_127 = arith.constant 0 : i32
    %scan3A_128 = arith.constant 4 : i32
    %scan3A_129 = arith.addi %scan3A_127, %scan3A_128 : i32
    %scan3A_130 = arith.constant 1 : i32
    scf.for %scan3A_207 = %scan3A_127 to %scan3A_129 step %scan3A_130  : i32 {
      %mul3A_208 = arith.constant 4 : i32
      %mul3A_209 = arith.muli %mul3A_208, %scan3A_207 : i32
      %get3A_210 = arith.index_cast %mul3A_209 : i32 to index
      %get3A_211 = tpu.vector_load %arg18[%get3A_210] {strides = array<i32>} : memref<48xf32, #tpu.memory_space<vmem>>, vector<16xf32>,
      %mul3A_212 = arith.constant 4 : i32
      %mul3A_213 = arith.muli %mul3A_212, %scan3A_207 : i32
      %add3A_214 = arith.constant 0 : i32
      %add3A_215 = arith.addi %mul3A_213, %add3A_214 : i32
      %slice3A = vector.extract_strided_slice %get3A_211 {offsets = [0], sizes = [1], strides = [1]} : vector<16xf32> to vector<1xf32>
      %squeeze3A = vector.extract %slice3A[0] : f32 from vector<1xf32>
      %get3A_216 = arith.index_cast %add3A_215 : i32 to index
      %get3A_217 = arith.constant 0 : index
      %get3A_218 = tpu.vector_load %arg21[%get3A_216, %get3A_217] {strides = array<i32>} : memref<32x128xf32, #tpu.memory_space<vmem>>, vector<16xf32>,
      %get3A_219 = arith.index_cast %add3A_215 : i32 to index
      %get3A_220 = arith.constant 0 : index
      %get3A_221 = tpu.vector_load %arg24[%get3A_219, %get3A_220] {strides = array<i32>} : memref<32x128xf32, #tpu.memory_space<vmem>>, vector<16xf32>,
      %add3A_222 = arith.addf %get3A_218, %get3A_221 : vector<16xf32>
      %get3A_223 = arith.index_cast %add3A_215 : i32 to index
      %get3A_224 = arith.constant 0 : index
      %get3A_225 = tpu.vector_load %arg27[%get3A_223, %get3A_224] {strides = array<i32>} : memref<32x128xf32, #tpu.memory_space<vmem>>, vector<16xf32>,
      %add3A_226 = arith.addf %add3A_222, %get3A_225 : vector<16xf32>
      %max3A = arith.constant 0.000000e+00 : f32
      %max3A_227 = vector.broadcast %max3A : f32 to vector<16xf32>
      %max3A_228 = arith.maximumf %add3A_226, %max3A_227 : vector<16xf32>
      %mul3A_229 = vector.broadcast %squeeze3A : f32 to vector<16xf32>
      %mul3A_230 = arith.mulf %max3A_228, %mul3A_229 : vector<16xf32>
      %swap3A = arith.index_cast %add3A_215 : i32 to index
      %swap3A_231 = arith.constant 0 : index
      %swap3A_232 = tpu.vector_load %arg21[%swap3A, %swap3A_231] {strides = array<i32>} : memref<32x128xf32, #tpu.memory_space<vmem>>, vector<16xf32>,
      tpu.vector_store %arg21[%swap3A, %swap3A_231], %mul3A_230 {strides = array<i32>} : memref<32x128xf32, #tpu.memory_space<vmem>>, vector<16xf32>,
      %get3A_233 = arith.index_cast %add3A_215 : i32 to index
      %get3A_234 = arith.constant 16 : index
      %get3A_235 = tpu.vector_load %arg21[%get3A_233, %get3A_234] {strides = array<i32>} : memref<32x128xf32, #tpu.memory_space<vmem>>, vector<16xf32>,
      %get3A_236 = arith.index_cast %add3A_215 : i32 to index
      %get3A_237 = arith.constant 16 : index
      %get3A_238 = tpu.vector_load %arg24[%get3A_236, %get3A_237] {strides = array<i32>} : memref<32x128xf32, #tpu.memory_space<vmem>>, vector<16xf32>,
      %add3A_239 = arith.addf %get3A_235, %get3A_238 : vector<16xf32>
      %get3A_240 = arith.index_cast %add3A_215 : i32 to index
      %get3A_241 = arith.constant 16 : index
      %get3A_242 = tpu.vector_load %arg27[%get3A_240, %get3A_241] {strides = array<i32>} : memref<32x128xf32, #tpu.memory_space<vmem>>, vector<16xf32>,
      %add3A_243 = arith.addf %add3A_239, %get3A_242 : vector<16xf32>
      %max3A_244 = arith.constant 0.000000e+00 : f32
      %max3A_245 = vector.broadcast %max3A_244 : f32 to vector<16xf32>
      %max3A_246 = arith.maximumf %add3A_243, %max3A_245 : vector<16xf32>
      %mul3A_247 = vector.broadcast %squeeze3A : f32 to vector<16xf32>
      %mul3A_248 = arith.mulf %max3A_246, %mul3A_247 : vector<16xf32>
      %swap3A_249 = arith.index_cast %add3A_215 : i32 to index
      %swap3A_250 = arith.constant 16 : index
      %swap3A_251 = tpu.vector_load %arg21[%swap3A_249, %swap3A_250] {strides = array<i32>} : memref<32x128xf32, #tpu.memory_space<vmem>>, vector<16xf32>,
      tpu.vector_store %arg21[%swap3A_249, %swap3A_250], %mul3A_248 {strides = array<i32>} : memref<32x128xf32, #tpu.memory_space<vmem>>, vector<16xf32>,
      %get3A_252 = arith.index_cast %add3A_215 : i32 to index
      %get3A_253 = arith.constant 32 : index
      %get3A_254 = tpu.vector_load %arg21[%get3A_252, %get3A_253] {strides = array<i32>} : memref<32x128xf32, #tpu.memory_space<vmem>>, vector<16xf32>,
      %get3A_255 = arith.index_cast %add3A_215 : i32 to index
      %get3A_256 = arith.constant 32 : index
      %get3A_257 = tpu.vector_load %arg24[%get3A_255, %get3A_256] {strides = array<i32>} : memref<32x128xf32, #tpu.memory_space<vmem>>, vector<16xf32>,
      %add3A_258 = arith.addf %get3A_254, %get3A_257 : vector<16xf32>
      %get3A_259 = arith.index_cast %add3A_215 : i32 to index
      %get3A_260 = arith.constant 32 : index
      %get3A_261 = tpu.vector_load %arg27[%get3A_259, %get3A_260] {strides = array<i32>} : memref<32x128xf32, #tpu.memory_space<vmem>>, vector<16xf32>,
      %add3A_262 = arith.addf %add3A_258, %get3A_261 : vector<16xf32>
      %max3A_263 = arith.constant 0.000000e+00 : f32
      %max3A_264 = vector.broadcast %max3A_263 : f32 to vector<16xf32>
      %max3A_265 = arith.maximumf %add3A_262, %max3A_264 : vector<16xf32>
      %mul3A_266 = vector.broadcast %squeeze3A : f32 to vector<16xf32>
      %mul3A_267 = arith.mulf %max3A_265, %mul3A_266 : vector<16xf32>
      %swap3A_268 = arith.index_cast %add3A_215 : i32 to index
      %swap3A_269 = arith.constant 32 : index
      %swap3A_270 = tpu.vector_load %arg21[%swap3A_268, %swap3A_269] {strides = array<i32>} : memref<32x128xf32, #tpu.memory_space<vmem>>, vector<16xf32>,
      tpu.vector_store %arg21[%swap3A_268, %swap3A_269], %mul3A_267 {strides = array<i32>} : memref<32x128xf32, #tpu.memory_space<vmem>>, vector<16xf32>,
      %get3A_271 = arith.index_cast %add3A_215 : i32 to index
      %get3A_272 = arith.constant 48 : index
      %get3A_273 = tpu.vector_load %arg21[%get3A_271, %get3A_272] {strides = array<i32>} : memref<32x128xf32, #tpu.memory_space<vmem>>, vector<16xf32>,
      %get3A_274 = arith.index_cast %add3A_215 : i32 to index
      %get3A_275 = arith.constant 48 : index
      %get3A_276 = tpu.vector_load %arg24[%get3A_274, %get3A_275] {strides = array<i32>} : memref<32x128xf32, #tpu.memory_space<vmem>>, vector<16xf32>,
      %add3A_277 = arith.addf %get3A_273, %get3A_276 : vector<16xf32>
      %get3A_278 = arith.index_cast %add3A_215 : i32 to index
      %get3A_279 = arith.constant 48 : index
      %get3A_280 = tpu.vector_load %arg27[%get3A_278, %get3A_279] {strides = array<i32>} : memref<32x128xf32, #tpu.memory_space<vmem>>, vector<16xf32>,
      %add3A_281 = arith.addf %add3A_277, %get3A_280 : vector<16xf32>
      %max3A_282 = arith.constant 0.000000e+00 : f32
      %max3A_283 = vector.broadcast %max3A_282 : f32 to vector<16xf32>
      %max3A_284 = arith.maximumf %add3A_281, %max3A_283 : vector<16xf32>
      %mul3A_285 = vector.broadcast %squeeze3A : f32 to vector<16xf32>
      %mul3A_286 = arith.mulf %max3A_284, %mul3A_285 : vector<16xf32>
      %swap3A_287 = arith.index_cast %add3A_215 : i32 to index
      %swap3A_288 = arith.constant 48 : index
      %swap3A_289 = tpu.vector_load %arg21[%swap3A_287, %swap3A_288] {strides = array<i32>} : memref<32x128xf32, #tpu.memory_space<vmem>>, vector<16xf32>,
      tpu.vector_store %arg21[%swap3A_287, %swap3A_288], %mul3A_286 {strides = array<i32>} : memref<32x128xf32, #tpu.memory_space<vmem>>, vector<16xf32>,
      %get3A_290 = arith.index_cast %add3A_215 : i32 to index
      %get3A_291 = arith.constant 64 : index
      %get3A_292 = tpu.vector_load %arg21[%get3A_290, %get3A_291] {strides = array<i32>} : memref<32x128xf32, #tpu.memory_space<vmem>>, vector<16xf32>,
      %get3A_293 = arith.index_cast %add3A_215 : i32 to index
      %get3A_294 = arith.constant 64 : index
      %get3A_295 = tpu.vector_load %arg24[%get3A_293, %get3A_294] {strides = array<i32>} : memref<32x128xf32, #tpu.memory_space<vmem>>, vector<16xf32>,
      %add3A_296 = arith.addf %get3A_292, %get3A_295 : vector<16xf32>
      %get3A_297 = arith.index_cast %add3A_215 : i32 to index
      %get3A_298 = arith.constant 64 : index
      %get3A_299 = tpu.vector_load %arg27[%get3A_297, %get3A_298] {strides = array<i32>} : memref<32x128xf32, #tpu.memory_space<vmem>>, vector<16xf32>,
      %add3A_300 = arith.addf %add3A_296, %get3A_299 : vector<16xf32>
      %max3A_301 = arith.constant 0.000000e+00 : f32
      %max3A_302 = vector.broadcast %max3A_301 : f32 to vector<16xf32>
      %max3A_303 = arith.maximumf %add3A_300, %max3A_302 : vector<16xf32>
      %mul3A_304 = vector.broadcast %squeeze3A : f32 to vector<16xf32>
      %mul3A_305 = arith.mulf %max3A_303, %mul3A_304 : vector<16xf32>
      %swap3A_306 = arith.index_cast %add3A_215 : i32 to index
      %swap3A_307 = arith.constant 64 : index
      %swap3A_308 = tpu.vector_load %arg21[%swap3A_306, %swap3A_307] {strides = array<i32>} : memref<32x128xf32, #tpu.memory_space<vmem>>, vector<16xf32>,
      tpu.vector_store %arg21[%swap3A_306, %swap3A_307], %mul3A_305 {strides = array<i32>} : memref<32x128xf32, #tpu.memory_space<vmem>>, vector<16xf32>,
      %get3A_309 = arith.index_cast %add3A_215 : i32 to index
      %get3A_310 = arith.constant 80 : index
      %get3A_311 = tpu.vector_load %arg21[%get3A_309, %get3A_310] {strides = array<i32>} : memref<32x128xf32, #tpu.memory_space<vmem>>, vector<16xf32>,
      %get3A_312 = arith.index_cast %add3A_215 : i32 to index
      %get3A_313 = arith.constant 80 : index
      %get3A_314 = tpu.vector_load %arg24[%get3A_312, %get3A_313] {strides = array<i32>} : memref<32x128xf32, #tpu.memory_space<vmem>>, vector<16xf32>,
      %add3A_315 = arith.addf %get3A_311, %get3A_314 : vector<16xf32>
      %get3A_316 = arith.index_cast %add3A_215 : i32 to index
      %get3A_317 = arith.constant 80 : index
      %get3A_318 = tpu.vector_load %arg27[%get3A_316, %get3A_317] {strides = array<i32>} : memref<32x128xf32, #tpu.memory_space<vmem>>, vector<16xf32>,
      %add3A_319 = arith.addf %add3A_315, %get3A_318 : vector<16xf32>
      %max3A_320 = arith.constant 0.000000e+00 : f32
      %max3A_321 = vector.broadcast %max3A_320 : f32 to vector<16xf32>
      %max3A_322 = arith.maximumf %add3A_319, %max3A_321 : vector<16xf32>
      %mul3A_323 = vector.broadcast %squeeze3A : f32 to vector<16xf32>
      %mul3A_324 = arith.mulf %max3A_322, %mul3A_323 : vector<16xf32>
      %swap3A_325 = arith.index_cast %add3A_215 : i32 to index
      %swap3A_326 = arith.constant 80 : index
      %swap3A_327 = tpu.vector_load %arg21[%swap3A_325, %swap3A_326] {strides = array<i32>} : memref<32x128xf32, #tpu.memory_space<vmem>>, vector<16xf32>,
      tpu.vector_store %arg21[%swap3A_325, %swap3A_326], %mul3A_324 {strides = array<i32>} : memref<32x128xf32, #tpu.memory_space<vmem>>, vector<16xf32>,
      %get3A_328 = arith.index_cast %add3A_215 : i32 to index
      %get3A_329 = arith.constant 96 : index
      %get3A_330 = tpu.vector_load %arg21[%get3A_328, %get3A_329] {strides = array<i32>} : memref<32x128xf32, #tpu.memory_space<vmem>>, vector<16xf32>,
      %get3A_331 = arith.index_cast %add3A_215 : i32 to index
      %get3A_332 = arith.constant 96 : index
      %get3A_333 = tpu.vector_load %arg24[%get3A_331, %get3A_332] {strides = array<i32>} : memref<32x128xf32, #tpu.memory_space<vmem>>, vector<16xf32>,
      %add3A_334 = arith.addf %get3A_330, %get3A_333 : vector<16xf32>
      %get3A_335 = arith.index_cast %add3A_215 : i32 to index
      %get3A_336 = arith.constant 96 : index
      %get3A_337 = tpu.vector_load %arg27[%get3A_335, %get3A_336] {strides = array<i32>} : memref<32x128xf32, #tpu.memory_space<vmem>>, vector<16xf32>,
      %add3A_338 = arith.addf %add3A_334, %get3A_337 : vector<16xf32>
      %max3A_339 = arith.constant 0.000000e+00 : f32
      %max3A_340 = vector.broadcast %max3A_339 : f32 to vector<16xf32>
      %max3A_341 = arith.maximumf %add3A_338, %max3A_340 : vector<16xf32>
      %mul3A_342 = vector.broadcast %squeeze3A : f32 to vector<16xf32>
      %mul3A_343 = arith.mulf %max3A_341, %mul3A_342 : vector<16xf32>
      %swap3A_344 = arith.index_cast %add3A_215 : i32 to index
      %swap3A_345 = arith.constant 96 : index
      %swap3A_346 = tpu.vector_load %arg21[%swap3A_344, %swap3A_345] {strides = array<i32>} : memref<32x128xf32, #tpu.memory_space<vmem>>, vector<16xf32>,
      tpu.vector_store %arg21[%swap3A_344, %swap3A_345], %mul3A_343 {strides = array<i32>} : memref<32x128xf32, #tpu.memory_space<vmem>>, vector<16xf32>,
      %get3A_347 = arith.index_cast %add3A_215 : i32 to index
      %get3A_348 = arith.constant 112 : index
      %get3A_349 = tpu.vector_load %arg21[%get3A_347, %get3A_348] {strides = array<i32>} : memref<32x128xf32, #tpu.memory_space<vmem>>, vector<16xf32>,
      %get3A_350 = arith.index_cast %add3A_215 : i32 to index
      %get3A_351 = arith.constant 112 : index
      %get3A_352 = tpu.vector_load %arg24[%get3A_350, %get3A_351] {strides = array<i32>} : memref<32x128xf32, #tpu.memory_space<vmem>>, vector<16xf32>,
      %add3A_353 = arith.addf %get3A_349, %get3A_352 : vector<16xf32>
      %get3A_354 = arith.index_cast %add3A_215 : i32 to index
      %get3A_355 = arith.constant 112 : index
      %get3A_356 = tpu.vector_load %arg27[%get3A_354, %get3A_355] {strides = array<i32>} : memref<32x128xf32, #tpu.memory_space<vmem>>, vector<16xf32>,
      %add3A_357 = arith.addf %add3A_353, %get3A_356 : vector<16xf32>
      %max3A_358 = arith.constant 0.000000e+00 : f32
      %max3A_359 = vector.broadcast %max3A_358 : f32 to vector<16xf32>
      %max3A_360 = arith.maximumf %add3A_357, %max3A_359 : vector<16xf32>
      %mul3A_361 = vector.broadcast %squeeze3A : f32 to vector<16xf32>
      %mul3A_362 = arith.mulf %max3A_360, %mul3A_361 : vector<16xf32>
      %swap3A_363 = arith.index_cast %add3A_215 : i32 to index
      %swap3A_364 = arith.constant 112 : index
      %swap3A_365 = tpu.vector_load %arg21[%swap3A_363, %swap3A_364] {strides = array<i32>} : memref<32x128xf32, #tpu.memory_space<vmem>>, vector<16xf32>,
      tpu.vector_store %arg21[%swap3A_363, %swap3A_364], %mul3A_362 {strides = array<i32>} : memref<32x128xf32, #tpu.memory_space<vmem>>, vector<16xf32>,
      %mul3A_366 = arith.constant 4 : i32
      %mul3A_367 = arith.muli %mul3A_366, %scan3A_207 : i32
      %add3A_368 = arith.constant 1 : i32
      %add3A_369 = arith.addi %mul3A_367, %add3A_368 : i32
      %slice3A_370 = vector.extract_strided_slice %get3A_211 {offsets = [1], sizes = [1], strides = [1]} : vector<16xf32> to vector<1xf32>
      %squeeze3A_371 = vector.extract %slice3A_370[0] : f32 from vector<1xf32>
      %get3A_372 = arith.index_cast %add3A_369 : i32 to index
      %get3A_373 = arith.constant 0 : index
      %get3A_374 = tpu.vector_load %arg21[%get3A_372, %get3A_373] {strides = array<i32>} : memref<32x128xf32, #tpu.memory_space<vmem>>, vector<16xf32>,
      %get3A_375 = arith.index_cast %add3A_369 : i32 to index
      %get3A_376 = arith.constant 0 : index
      %get3A_377 = tpu.vector_load %arg24[%get3A_375, %get3A_376] {strides = array<i32>} : memref<32x128xf32, #tpu.memory_space<vmem>>, vector<16xf32>,
      %add3A_378 = arith.addf %get3A_374, %get3A_377 : vector<16xf32>
      %get3A_379 = arith.index_cast %add3A_369 : i32 to index
      %get3A_380 = arith.constant 0 : index
      %get3A_381 = tpu.vector_load %arg27[%get3A_379, %get3A_380] {strides = array<i32>} : memref<32x128xf32, #tpu.memory_space<vmem>>, vector<16xf32>,
      %add3A_382 = arith.addf %add3A_378, %get3A_381 : vector<16xf32>
      %max3A_383 = arith.constant 0.000000e+00 : f32
      %max3A_384 = vector.broadcast %max3A_383 : f32 to vector<16xf32>
      %max3A_385 = arith.maximumf %add3A_382, %max3A_384 : vector<16xf32>
      %mul3A_386 = vector.broadcast %squeeze3A_371 : f32 to vector<16xf32>
      %mul3A_387 = arith.mulf %max3A_385, %mul3A_386 : vector<16xf32>
      %swap3A_388 = arith.index_cast %add3A_369 : i32 to index
      %swap3A_389 = arith.constant 0 : index
      %swap3A_390 = tpu.vector_load %arg21[%swap3A_388, %swap3A_389] {strides = array<i32>} : memref<32x128xf32, #tpu.memory_space<vmem>>, vector<16xf32>,
      tpu.vector_store %arg21[%swap3A_388, %swap3A_389], %mul3A_387 {strides = array<i32>} : memref<32x128xf32, #tpu.memory_space<vmem>>, vector<16xf32>,
      %get3A_391 = arith.index_cast %add3A_369 : i32 to index
      %get3A_392 = arith.constant 16 : index
      %get3A_393 = tpu.vector_load %arg21[%get3A_391, %get3A_392] {strides = array<i32>} : memref<32x128xf32, #tpu.memory_space<vmem>>, vector<16xf32>,
      %get3A_394 = arith.index_cast %add3A_369 : i32 to index
      %get3A_395 = arith.constant 16 : index
      %get3A_396 = tpu.vector_load %arg24[%get3A_394, %get3A_395] {strides = array<i32>} : memref<32x128xf32, #tpu.memory_space<vmem>>, vector<16xf32>,
      %add3A_397 = arith.addf %get3A_393, %get3A_396 : vector<16xf32>
      %get3A_398 = arith.index_cast %add3A_369 : i32 to index
      %get3A_399 = arith.constant 16 : index
      %get3A_400 = tpu.vector_load %arg27[%get3A_398, %get3A_399] {strides = array<i32>} : memref<32x128xf32, #tpu.memory_space<vmem>>, vector<16xf32>,
      %add3A_401 = arith.addf %add3A_397, %get3A_400 : vector<16xf32>
      %max3A_402 = arith.constant 0.000000e+00 : f32
      %max3A_403 = vector.broadcast %max3A_402 : f32 to vector<16xf32>
      %max3A_404 = arith.maximumf %add3A_401, %max3A_403 : vector<16xf32>
      %mul3A_405 = vector.broadcast %squeeze3A_371 : f32 to vector<16xf32>
      %mul3A_406 = arith.mulf %max3A_404, %mul3A_405 : vector<16xf32>
      %swap3A_407 = arith.index_cast %add3A_369 : i32 to index
      %swap3A_408 = arith.constant 16 : index
      %swap3A_409 = tpu.vector_load %arg21[%swap3A_407, %swap3A_408] {strides = array<i32>} : memref<32x128xf32, #tpu.memory_space<vmem>>, vector<16xf32>,
      tpu.vector_store %arg21[%swap3A_407, %swap3A_408], %mul3A_406 {strides = array<i32>} : memref<32x128xf32, #tpu.memory_space<vmem>>, vector<16xf32>,
      %get3A_410 = arith.index_cast %add3A_369 : i32 to index
      %get3A_411 = arith.constant 32 : index
      %get3A_412 = tpu.vector_load %arg21[%get3A_410, %get3A_411] {strides = array<i32>} : memref<32x128xf32, #tpu.memory_space<vmem>>, vector<16xf32>,
      %get3A_413 = arith.index_cast %add3A_369 : i32 to index
      %get3A_414 = arith.constant 32 : index
      %get3A_415 = tpu.vector_load %arg24[%get3A_413, %get3A_414] {strides = array<i32>} : memref<32x128xf32, #tpu.memory_space<vmem>>, vector<16xf32>,
      %add3A_416 = arith.addf %get3A_412, %get3A_415 : vector<16xf32>
      %get3A_417 = arith.index_cast %add3A_369 : i32 to index
      %get3A_418 = arith.constant 32 : index
      %get3A_419 = tpu.vector_load %arg27[%get3A_417, %get3A_418] {strides = array<i32>} : memref<32x128xf32, #tpu.memory_space<vmem>>, vector<16xf32>,
      %add3A_420 = arith.addf %add3A_416, %get3A_419 : vector<16xf32>
      %max3A_421 = arith.constant 0.000000e+00 : f32
      %max3A_422 = vector.broadcast %max3A_421 : f32 to vector<16xf32>
      %max3A_423 = arith.maximumf %add3A_420, %max3A_422 : vector<16xf32>
      %mul3A_424 = vector.broadcast %squeeze3A_371 : f32 to vector<16xf32>
      %mul3A_425 = arith.mulf %max3A_423, %mul3A_424 : vector<16xf32>
      %swap3A_426 = arith.index_cast %add3A_369 : i32 to index
      %swap3A_427 = arith.constant 32 : index
      %swap3A_428 = tpu.vector_load %arg21[%swap3A_426, %swap3A_427] {strides = array<i32>} : memref<32x128xf32, #tpu.memory_space<vmem>>, vector<16xf32>,
      tpu.vector_store %arg21[%swap3A_426, %swap3A_427], %mul3A_425 {strides = array<i32>} : memref<32x128xf32, #tpu.memory_space<vmem>>, vector<16xf32>,
      %get3A_429 = arith.index_cast %add3A_369 : i32 to index
      %get3A_430 = arith.constant 48 : index
      %get3A_431 = tpu.vector_load %arg21[%get3A_429, %get3A_430] {strides = array<i32>} : memref<32x128xf32, #tpu.memory_space<vmem>>, vector<16xf32>,
      %get3A_432 = arith.index_cast %add3A_369 : i32 to index
      %get3A_433 = arith.constant 48 : index
      %get3A_434 = tpu.vector_load %arg24[%get3A_432, %get3A_433] {strides = array<i32>} : memref<32x128xf32, #tpu.memory_space<vmem>>, vector<16xf32>,
      %add3A_435 = arith.addf %get3A_431, %get3A_434 : vector<16xf32>
      %get3A_436 = arith.index_cast %add3A_369 : i32 to index
      %get3A_437 = arith.constant 48 : index
      %get3A_438 = tpu.vector_load %arg27[%get3A_436, %get3A_437] {strides = array<i32>} : memref<32x128xf32, #tpu.memory_space<vmem>>, vector<16xf32>,
      %add3A_439 = arith.addf %add3A_435, %get3A_438 : vector<16xf32>
      %max3A_440 = arith.constant 0.000000e+00 : f32
      %max3A_441 = vector.broadcast %max3A_440 : f32 to vector<16xf32>
      %max3A_442 = arith.maximumf %add3A_439, %max3A_441 : vector<16xf32>
      %mul3A_443 = vector.broadcast %squeeze3A_371 : f32 to vector<16xf32>
      %mul3A_444 = arith.mulf %max3A_442, %mul3A_443 : vector<16xf32>
      %swap3A_445 = arith.index_cast %add3A_369 : i32 to index
      %swap3A_446 = arith.constant 48 : index
      %swap3A_447 = tpu.vector_load %arg21[%swap3A_445, %swap3A_446] {strides = array<i32>} : memref<32x128xf32, #tpu.memory_space<vmem>>, vector<16xf32>,
      tpu.vector_store %arg21[%swap3A_445, %swap3A_446], %mul3A_444 {strides = array<i32>} : memref<32x128xf32, #tpu.memory_space<vmem>>, vector<16xf32>,
      %get3A_448 = arith.index_cast %add3A_369 : i32 to index
      %get3A_449 = arith.constant 64 : index
      %get3A_450 = tpu.vector_load %arg21[%get3A_448, %get3A_449] {strides = array<i32>} : memref<32x128xf32, #tpu.memory_space<vmem>>, vector<16xf32>,
      %get3A_451 = arith.index_cast %add3A_369 : i32 to index
      %get3A_452 = arith.constant 64 : index
      %get3A_453 = tpu.vector_load %arg24[%get3A_451, %get3A_452] {strides = array<i32>} : memref<32x128xf32, #tpu.memory_space<vmem>>, vector<16xf32>,
      %add3A_454 = arith.addf %get3A_450, %get3A_453 : vector<16xf32>
      %get3A_455 = arith.index_cast %add3A_369 : i32 to index
      %get3A_456 = arith.constant 64 : index
      %get3A_457 = tpu.vector_load %arg27[%get3A_455, %get3A_456] {strides = array<i32>} : memref<32x128xf32, #tpu.memory_space<vmem>>, vector<16xf32>,
      %add3A_458 = arith.addf %add3A_454, %get3A_457 : vector<16xf32>
      %max3A_459 = arith.constant 0.000000e+00 : f32
      %max3A_460 = vector.broadcast %max3A_459 : f32 to vector<16xf32>
      %max3A_461 = arith.maximumf %add3A_458, %max3A_460 : vector<16xf32>
      %mul3A_462 = vector.broadcast %squeeze3A_371 : f32 to vector<16xf32>
      %mul3A_463 = arith.mulf %max3A_461, %mul3A_462 : vector<16xf32>
      %swap3A_464 = arith.index_cast %add3A_369 : i32 to index
      %swap3A_465 = arith.constant 64 : index
      %swap3A_466 = tpu.vector_load %arg21[%swap3A_464, %swap3A_465] {strides = array<i32>} : memref<32x128xf32, #tpu.memory_space<vmem>>, vector<16xf32>,
      tpu.vector_store %arg21[%swap3A_464, %swap3A_465], %mul3A_463 {strides = array<i32>} : memref<32x128xf32, #tpu.memory_space<vmem>>, vector<16xf32>,
      %get3A_467 = arith.index_cast %add3A_369 : i32 to index
      %get3A_468 = arith.constant 80 : index
      %get3A_469 = tpu.vector_load %arg21[%get3A_467, %get3A_468] {strides = array<i32>} : memref<32x128xf32, #tpu.memory_space<vmem>>, vector<16xf32>,
      %get3A_470 = arith.index_cast %add3A_369 : i32 to index
      %get3A_471 = arith.constant 80 : index
      %get3A_472 = tpu.vector_load %arg24[%get3A_470, %get3A_471] {strides = array<i32>} : memref<32x128xf32, #tpu.memory_space<vmem>>, vector<16xf32>,
      %add3A_473 = arith.addf %get3A_469, %get3A_472 : vector<16xf32>
      %get3A_474 = arith.index_cast %add3A_369 : i32 to index
      %get3A_475 = arith.constant 80 : index
      %get3A_476 = tpu.vector_load %arg27[%get3A_474, %get3A_475] {strides = array<i32>} : memref<32x128xf32, #tpu.memory_space<vmem>>, vector<16xf32>,
      %add3A_477 = arith.addf %add3A_473, %get3A_476 : vector<16xf32>
      %max3A_478 = arith.constant 0.000000e+00 : f32
      %max3A_479 = vector.broadcast %max3A_478 : f32 to vector<16xf32>
      %max3A_480 = arith.maximumf %add3A_477, %max3A_479 : vector<16xf32>
      %mul3A_481 = vector.broadcast %squeeze3A_371 : f32 to vector<16xf32>
      %mul3A_482 = arith.mulf %max3A_480, %mul3A_481 : vector<16xf32>
      %swap3A_483 = arith.index_cast %add3A_369 : i32 to index
      %swap3A_484 = arith.constant 80 : index
      %swap3A_485 = tpu.vector_load %arg21[%swap3A_483, %swap3A_484] {strides = array<i32>} : memref<32x128xf32, #tpu.memory_space<vmem>>, vector<16xf32>,
      tpu.vector_store %arg21[%swap3A_483, %swap3A_484], %mul3A_482 {strides = array<i32>} : memref<32x128xf32, #tpu.memory_space<vmem>>, vector<16xf32>,
      %get3A_486 = arith.index_cast %add3A_369 : i32 to index
      %get3A_487 = arith.constant 96 : index
      %get3A_488 = tpu.vector_load %arg21[%get3A_486, %get3A_487] {strides = array<i32>} : memref<32x128xf32, #tpu.memory_space<vmem>>, vector<16xf32>,
      %get3A_489 = arith.index_cast %add3A_369 : i32 to index
      %get3A_490 = arith.constant 96 : index
      %get3A_491 = tpu.vector_load %arg24[%get3A_489, %get3A_490] {strides = array<i32>} : memref<32x128xf32, #tpu.memory_space<vmem>>, vector<16xf32>,
      %add3A_492 = arith.addf %get3A_488, %get3A_491 : vector<16xf32>
      %get3A_493 = arith.index_cast %add3A_369 : i32 to index
      %get3A_494 = arith.constant 96 : index
      %get3A_495 = tpu.vector_load %arg27[%get3A_493, %get3A_494] {strides = array<i32>} : memref<32x128xf32, #tpu.memory_space<vmem>>, vector<16xf32>,
      %add3A_496 = arith.addf %add3A_492, %get3A_495 : vector<16xf32>
      %max3A_497 = arith.constant 0.000000e+00 : f32
      %max3A_498 = vector.broadcast %max3A_497 : f32 to vector<16xf32>
      %max3A_499 = arith.maximumf %add3A_496, %max3A_498 : vector<16xf32>
      %mul3A_500 = vector.broadcast %squeeze3A_371 : f32 to vector<16xf32>
      %mul3A_501 = arith.mulf %max3A_499, %mul3A_500 : vector<16xf32>
      %swap3A_502 = arith.index_cast %add3A_369 : i32 to index
      %swap3A_503 = arith.constant 96 : index
      %swap3A_504 = tpu.vector_load %arg21[%swap3A_502, %swap3A_503] {strides = array<i32>} : memref<32x128xf32, #tpu.memory_space<vmem>>, vector<16xf32>,
      tpu.vector_store %arg21[%swap3A_502, %swap3A_503], %mul3A_501 {strides = array<i32>} : memref<32x128xf32, #tpu.memory_space<vmem>>, vector<16xf32>,
      %get3A_505 = arith.index_cast %add3A_369 : i32 to index
      %get3A_506 = arith.constant 112 : index
      %get3A_507 = tpu.vector_load %arg21[%get3A_505, %get3A_506] {strides = array<i32>} : memref<32x128xf32, #tpu.memory_space<vmem>>, vector<16xf32>,
      %get3A_508 = arith.index_cast %add3A_369 : i32 to index
      %get3A_509 = arith.constant 112 : index
      %get3A_510 = tpu.vector_load %arg24[%get3A_508, %get3A_509] {strides = array<i32>} : memref<32x128xf32, #tpu.memory_space<vmem>>, vector<16xf32>,
      %add3A_511 = arith.addf %get3A_507, %get3A_510 : vector<16xf32>
      %get3A_512 = arith.index_cast %add3A_369 : i32 to index
      %get3A_513 = arith.constant 112 : index
      %get3A_514 = tpu.vector_load %arg27[%get3A_512, %get3A_513] {strides = array<i32>} : memref<32x128xf32, #tpu.memory_space<vmem>>, vector<16xf32>,
      %add3A_515 = arith.addf %add3A_511, %get3A_514 : vector<16xf32>
      %max3A_516 = arith.constant 0.000000e+00 : f32
      %max3A_517 = vector.broadcast %max3A_516 : f32 to vector<16xf32>
      %max3A_518 = arith.maximumf %add3A_515, %max3A_517 : vector<16xf32>
      %mul3A_519 = vector.broadcast %squeeze3A_371 : f32 to vector<16xf32>
      %mul3A_520 = arith.mulf %max3A_518, %mul3A_519 : vector<16xf32>
      %swap3A_521 = arith.index_cast %add3A_369 : i32 to index
      %swap3A_522 = arith.constant 112 : index
      %swap3A_523 = tpu.vector_load %arg21[%swap3A_521, %swap3A_522] {strides = array<i32>} : memref<32x128xf32, #tpu.memory_space<vmem>>, vector<16xf32>,
      tpu.vector_store %arg21[%swap3A_521, %swap3A_522], %mul3A_520 {strides = array<i32>} : memref<32x128xf32, #tpu.memory_space<vmem>>, vector<16xf32>,
      %mul3A_524 = arith.constant 4 : i32
      %mul3A_525 = arith.muli %mul3A_524, %scan3A_207 : i32
      %add3A_526 = arith.constant 2 : i32
      %add3A_527 = arith.addi %mul3A_525, %add3A_526 : i32
      %slice3A_528 = vector.extract_strided_slice %get3A_211 {offsets = [2], sizes = [1], strides = [1]} : vector<16xf32> to vector<1xf32>
      %squeeze3A_529 = vector.extract %slice3A_528[0] : f32 from vector<1xf32>
      %get3A_530 = arith.index_cast %add3A_527 : i32 to index
      %get3A_531 = arith.constant 0 : index
      %get3A_532 = tpu.vector_load %arg21[%get3A_530, %get3A_531] {strides = array<i32>} : memref<32x128xf32, #tpu.memory_space<vmem>>, vector<16xf32>,
      %get3A_533 = arith.index_cast %add3A_527 : i32 to index
      %get3A_534 = arith.constant 0 : index
      %get3A_535 = tpu.vector_load %arg24[%get3A_533, %get3A_534] {strides = array<i32>} : memref<32x128xf32, #tpu.memory_space<vmem>>, vector<16xf32>,
      %add3A_536 = arith.addf %get3A_532, %get3A_535 : vector<16xf32>
      %get3A_537 = arith.index_cast %add3A_527 : i32 to index
      %get3A_538 = arith.constant 0 : index
      %get3A_539 = tpu.vector_load %arg27[%get3A_537, %get3A_538] {strides = array<i32>} : memref<32x128xf32, #tpu.memory_space<vmem>>, vector<16xf32>,
      %add3A_540 = arith.addf %add3A_536, %get3A_539 : vector<16xf32>
      %max3A_541 = arith.constant 0.000000e+00 : f32
      %max3A_542 = vector.broadcast %max3A_541 : f32 to vector<16xf32>
      %max3A_543 = arith.maximumf %add3A_540, %max3A_542 : vector<16xf32>
      %mul3A_544 = vector.broadcast %squeeze3A_529 : f32 to vector<16xf32>
      %mul3A_545 = arith.mulf %max3A_543, %mul3A_544 : vector<16xf32>
      %swap3A_546 = arith.index_cast %add3A_527 : i32 to index
      %swap3A_547 = arith.constant 0 : index
      %swap3A_548 = tpu.vector_load %arg21[%swap3A_546, %swap3A_547] {strides = array<i32>} : memref<32x128xf32, #tpu.memory_space<vmem>>, vector<16xf32>,
      tpu.vector_store %arg21[%swap3A_546, %swap3A_547], %mul3A_545 {strides = array<i32>} : memref<32x128xf32, #tpu.memory_space<vmem>>, vector<16xf32>,
      %get3A_549 = arith.index_cast %add3A_527 : i32 to index
      %get3A_550 = arith.constant 16 : index
      %get3A_551 = tpu.vector_load %arg21[%get3A_549, %get3A_550] {strides = array<i32>} : memref<32x128xf32, #tpu.memory_space<vmem>>, vector<16xf32>,
      %get3A_552 = arith.index_cast %add3A_527 : i32 to index
      %get3A_553 = arith.constant 16 : index
      %get3A_554 = tpu.vector_load %arg24[%get3A_552, %get3A_553] {strides = array<i32>} : memref<32x128xf32, #tpu.memory_space<vmem>>, vector<16xf32>,
      %add3A_555 = arith.addf %get3A_551, %get3A_554 : vector<16xf32>
      %get3A_556 = arith.index_cast %add3A_527 : i32 to index
      %get3A_557 = arith.constant 16 : index
      %get3A_558 = tpu.vector_load %arg27[%get3A_556, %get3A_557] {strides = array<i32>} : memref<32x128xf32, #tpu.memory_space<vmem>>, vector<16xf32>,
      %add3A_559 = arith.addf %add3A_555, %get3A_558 : vector<16xf32>
      %max3A_560 = arith.constant 0.000000e+00 : f32
      %max3A_561 = vector.broadcast %max3A_560 : f32 to vector<16xf32>
      %max3A_562 = arith.maximumf %add3A_559, %max3A_561 : vector<16xf32>
      %mul3A_563 = vector.broadcast %squeeze3A_529 : f32 to vector<16xf32>
      %mul3A_564 = arith.mulf %max3A_562, %mul3A_563 : vector<16xf32>
      %swap3A_565 = arith.index_cast %add3A_527 : i32 to index
      %swap3A_566 = arith.constant 16 : index
      %swap3A_567 = tpu.vector_load %arg21[%swap3A_565, %swap3A_566] {strides = array<i32>} : memref<32x128xf32, #tpu.memory_space<vmem>>, vector<16xf32>,
      tpu.vector_store %arg21[%swap3A_565, %swap3A_566], %mul3A_564 {strides = array<i32>} : memref<32x128xf32, #tpu.memory_space<vmem>>, vector<16xf32>,
      %get3A_568 = arith.index_cast %add3A_527 : i32 to index
      %get3A_569 = arith.constant 32 : index
      %get3A_570 = tpu.vector_load %arg21[%get3A_568, %get3A_569] {strides = array<i32>} : memref<32x128xf32, #tpu.memory_space<vmem>>, vector<16xf32>,
      %get3A_571 = arith.index_cast %add3A_527 : i32 to index
      %get3A_572 = arith.constant 32 : index
      %get3A_573 = tpu.vector_load %arg24[%get3A_571, %get3A_572] {strides = array<i32>} : memref<32x128xf32, #tpu.memory_space<vmem>>, vector<16xf32>,
      %add3A_574 = arith.addf %get3A_570, %get3A_573 : vector<16xf32>
      %get3A_575 = arith.index_cast %add3A_527 : i32 to index
      %get3A_576 = arith.constant 32 : index
      %get3A_577 = tpu.vector_load %arg27[%get3A_575, %get3A_576] {strides = array<i32>} : memref<32x128xf32, #tpu.memory_space<vmem>>, vector<16xf32>,
      %add3A_578 = arith.addf %add3A_574, %get3A_577 : vector<16xf32>
      %max3A_579 = arith.constant 0.000000e+00 : f32
      %max3A_580 = vector.broadcast %max3A_579 : f32 to vector<16xf32>
      %max3A_581 = arith.maximumf %add3A_578, %max3A_580 : vector<16xf32>
      %mul3A_582 = vector.broadcast %squeeze3A_529 : f32 to vector<16xf32>
      %mul3A_583 = arith.mulf %max3A_581, %mul3A_582 : vector<16xf32>
      %swap3A_584 = arith.index_cast %add3A_527 : i32 to index
      %swap3A_585 = arith.constant 32 : index
      %swap3A_586 = tpu.vector_load %arg21[%swap3A_584, %swap3A_585] {strides = array<i32>} : memref<32x128xf32, #tpu.memory_space<vmem>>, vector<16xf32>,
      tpu.vector_store %arg21[%swap3A_584, %swap3A_585], %mul3A_583 {strides = array<i32>} : memref<32x128xf32, #tpu.memory_space<vmem>>, vector<16xf32>,
      %get3A_587 = arith.index_cast %add3A_527 : i32 to index
      %get3A_588 = arith.constant 48 : index
      %get3A_589 = tpu.vector_load %arg21[%get3A_587, %get3A_588] {strides = array<i32>} : memref<32x128xf32, #tpu.memory_space<vmem>>, vector<16xf32>,
      %get3A_590 = arith.index_cast %add3A_527 : i32 to index
      %get3A_591 = arith.constant 48 : index
      %get3A_592 = tpu.vector_load %arg24[%get3A_590, %get3A_591] {strides = array<i32>} : memref<32x128xf32, #tpu.memory_space<vmem>>, vector<16xf32>,
      %add3A_593 = arith.addf %get3A_589, %get3A_592 : vector<16xf32>
      %get3A_594 = arith.index_cast %add3A_527 : i32 to index
      %get3A_595 = arith.constant 48 : index
      %get3A_596 = tpu.vector_load %arg27[%get3A_594, %get3A_595] {strides = array<i32>} : memref<32x128xf32, #tpu.memory_space<vmem>>, vector<16xf32>,
      %add3A_597 = arith.addf %add3A_593, %get3A_596 : vector<16xf32>
      %max3A_598 = arith.constant 0.000000e+00 : f32
      %max3A_599 = vector.broadcast %max3A_598 : f32 to vector<16xf32>
      %max3A_600 = arith.maximumf %add3A_597, %max3A_599 : vector<16xf32>
      %mul3A_601 = vector.broadcast %squeeze3A_529 : f32 to vector<16xf32>
      %mul3A_602 = arith.mulf %max3A_600, %mul3A_601 : vector<16xf32>
      %swap3A_603 = arith.index_cast %add3A_527 : i32 to index
      %swap3A_604 = arith.constant 48 : index
      %swap3A_605 = tpu.vector_load %arg21[%swap3A_603, %swap3A_604] {strides = array<i32>} : memref<32x128xf32, #tpu.memory_space<vmem>>, vector<16xf32>,
      tpu.vector_store %arg21[%swap3A_603, %swap3A_604], %mul3A_602 {strides = array<i32>} : memref<32x128xf32, #tpu.memory_space<vmem>>, vector<16xf32>,
      %get3A_606 = arith.index_cast %add3A_527 : i32 to index
      %get3A_607 = arith.constant 64 : index
      %get3A_608 = tpu.vector_load %arg21[%get3A_606, %get3A_607] {strides = array<i32>} : memref<32x128xf32, #tpu.memory_space<vmem>>, vector<16xf32>,
      %get3A_609 = arith.index_cast %add3A_527 : i32 to index
      %get3A_610 = arith.constant 64 : index
      %get3A_611 = tpu.vector_load %arg24[%get3A_609, %get3A_610] {strides = array<i32>} : memref<32x128xf32, #tpu.memory_space<vmem>>, vector<16xf32>,
      %add3A_612 = arith.addf %get3A_608, %get3A_611 : vector<16xf32>
      %get3A_613 = arith.index_cast %add3A_527 : i32 to index
      %get3A_614 = arith.constant 64 : index
      %get3A_615 = tpu.vector_load %arg27[%get3A_613, %get3A_614] {strides = array<i32>} : memref<32x128xf32, #tpu.memory_space<vmem>>, vector<16xf32>,
      %add3A_616 = arith.addf %add3A_612, %get3A_615 : vector<16xf32>
      %max3A_617 = arith.constant 0.000000e+00 : f32
      %max3A_618 = vector.broadcast %max3A_617 : f32 to vector<16xf32>
      %max3A_619 = arith.maximumf %add3A_616, %max3A_618 : vector<16xf32>
      %mul3A_620 = vector.broadcast %squeeze3A_529 : f32 to vector<16xf32>
      %mul3A_621 = arith.mulf %max3A_619, %mul3A_620 : vector<16xf32>
      %swap3A_622 = arith.index_cast %add3A_527 : i32 to index
      %swap3A_623 = arith.constant 64 : index
      %swap3A_624 = tpu.vector_load %arg21[%swap3A_622, %swap3A_623] {strides = array<i32>} : memref<32x128xf32, #tpu.memory_space<vmem>>, vector<16xf32>,
      tpu.vector_store %arg21[%swap3A_622, %swap3A_623], %mul3A_621 {strides = array<i32>} : memref<32x128xf32, #tpu.memory_space<vmem>>, vector<16xf32>,
      %get3A_625 = arith.index_cast %add3A_527 : i32 to index
      %get3A_626 = arith.constant 80 : index
      %get3A_627 = tpu.vector_load %arg21[%get3A_625, %get3A_626] {strides = array<i32>} : memref<32x128xf32, #tpu.memory_space<vmem>>, vector<16xf32>,
      %get3A_628 = arith.index_cast %add3A_527 : i32 to index
      %get3A_629 = arith.constant 80 : index
      %get3A_630 = tpu.vector_load %arg24[%get3A_628, %get3A_629] {strides = array<i32>} : memref<32x128xf32, #tpu.memory_space<vmem>>, vector<16xf32>,
      %add3A_631 = arith.addf %get3A_627, %get3A_630 : vector<16xf32>
      %get3A_632 = arith.index_cast %add3A_527 : i32 to index
      %get3A_633 = arith.constant 80 : index
      %get3A_634 = tpu.vector_load %arg27[%get3A_632, %get3A_633] {strides = array<i32>} : memref<32x128xf32, #tpu.memory_space<vmem>>, vector<16xf32>,
      %add3A_635 = arith.addf %add3A_631, %get3A_634 : vector<16xf32>
      %max3A_636 = arith.constant 0.000000e+00 : f32
      %max3A_637 = vector.broadcast %max3A_636 : f32 to vector<16xf32>
      %max3A_638 = arith.maximumf %add3A_635, %max3A_637 : vector<16xf32>
      %mul3A_639 = vector.broadcast %squeeze3A_529 : f32 to vector<16xf32>
      %mul3A_640 = arith.mulf %max3A_638, %mul3A_639 : vector<16xf32>
      %swap3A_641 = arith.index_cast %add3A_527 : i32 to index
      %swap3A_642 = arith.constant 80 : index
      %swap3A_643 = tpu.vector_load %arg21[%swap3A_641, %swap3A_642] {strides = array<i32>} : memref<32x128xf32, #tpu.memory_space<vmem>>, vector<16xf32>,
      tpu.vector_store %arg21[%swap3A_641, %swap3A_642], %mul3A_640 {strides = array<i32>} : memref<32x128xf32, #tpu.memory_space<vmem>>, vector<16xf32>,
      %get3A_644 = arith.index_cast %add3A_527 : i32 to index
      %get3A_645 = arith.constant 96 : index
      %get3A_646 = tpu.vector_load %arg21[%get3A_644, %get3A_645] {strides = array<i32>} : memref<32x128xf32, #tpu.memory_space<vmem>>, vector<16xf32>,
      %get3A_647 = arith.index_cast %add3A_527 : i32 to index
      %get3A_648 = arith.constant 96 : index
      %get3A_649 = tpu.vector_load %arg24[%get3A_647, %get3A_648] {strides = array<i32>} : memref<32x128xf32, #tpu.memory_space<vmem>>, vector<16xf32>,
      %add3A_650 = arith.addf %get3A_646, %get3A_649 : vector<16xf32>
      %get3A_651 = arith.index_cast %add3A_527 : i32 to index
      %get3A_652 = arith.constant 96 : index
      %get3A_653 = tpu.vector_load %arg27[%get3A_651, %get3A_652] {strides = array<i32>} : memref<32x128xf32, #tpu.memory_space<vmem>>, vector<16xf32>,
      %add3A_654 = arith.addf %add3A_650, %get3A_653 : vector<16xf32>
      %max3A_655 = arith.constant 0.000000e+00 : f32
      %max3A_656 = vector.broadcast %max3A_655 : f32 to vector<16xf32>
      %max3A_657 = arith.maximumf %add3A_654, %max3A_656 : vector<16xf32>
      %mul3A_658 = vector.broadcast %squeeze3A_529 : f32 to vector<16xf32>
      %mul3A_659 = arith.mulf %max3A_657, %mul3A_658 : vector<16xf32>
      %swap3A_660 = arith.index_cast %add3A_527 : i32 to index
      %swap3A_661 = arith.constant 96 : index
      %swap3A_662 = tpu.vector_load %arg21[%swap3A_660, %swap3A_661] {strides = array<i32>} : memref<32x128xf32, #tpu.memory_space<vmem>>, vector<16xf32>,
      tpu.vector_store %arg21[%swap3A_660, %swap3A_661], %mul3A_659 {strides = array<i32>} : memref<32x128xf32, #tpu.memory_space<vmem>>, vector<16xf32>,
      %get3A_663 = arith.index_cast %add3A_527 : i32 to index
      %get3A_664 = arith.constant 112 : index
      %get3A_665 = tpu.vector_load %arg21[%get3A_663, %get3A_664] {strides = array<i32>} : memref<32x128xf32, #tpu.memory_space<vmem>>, vector<16xf32>,
      %get3A_666 = arith.index_cast %add3A_527 : i32 to index
      %get3A_667 = arith.constant 112 : index
      %get3A_668 = tpu.vector_load %arg24[%get3A_666, %get3A_667] {strides = array<i32>} : memref<32x128xf32, #tpu.memory_space<vmem>>, vector<16xf32>,
      %add3A_669 = arith.addf %get3A_665, %get3A_668 : vector<16xf32>
      %get3A_670 = arith.index_cast %add3A_527 : i32 to index
      %get3A_671 = arith.constant 112 : index
      %get3A_672 = tpu.vector_load %arg27[%get3A_670, %get3A_671] {strides = array<i32>} : memref<32x128xf32, #tpu.memory_space<vmem>>, vector<16xf32>,
      %add3A_673 = arith.addf %add3A_669, %get3A_672 : vector<16xf32>
      %max3A_674 = arith.constant 0.000000e+00 : f32
      %max3A_675 = vector.broadcast %max3A_674 : f32 to vector<16xf32>
      %max3A_676 = arith.maximumf %add3A_673, %max3A_675 : vector<16xf32>
      %mul3A_677 = vector.broadcast %squeeze3A_529 : f32 to vector<16xf32>
      %mul3A_678 = arith.mulf %max3A_676, %mul3A_677 : vector<16xf32>
      %swap3A_679 = arith.index_cast %add3A_527 : i32 to index
      %swap3A_680 = arith.constant 112 : index
      %swap3A_681 = tpu.vector_load %arg21[%swap3A_679, %swap3A_680] {strides = array<i32>} : memref<32x128xf32, #tpu.memory_space<vmem>>, vector<16xf32>,
      tpu.vector_store %arg21[%swap3A_679, %swap3A_680], %mul3A_678 {strides = array<i32>} : memref<32x128xf32, #tpu.memory_space<vmem>>, vector<16xf32>,
      %mul3A_682 = arith.constant 4 : i32
      %mul3A_683 = arith.muli %mul3A_682, %scan3A_207 : i32
      %add3A_684 = arith.constant 3 : i32
      %add3A_685 = arith.addi %mul3A_683, %add3A_684 : i32
      %slice3A_686 = vector.extract_strided_slice %get3A_211 {offsets = [3], sizes = [1], strides = [1]} : vector<16xf32> to vector<1xf32>
      %squeeze3A_687 = vector.extract %slice3A_686[0] : f32 from vector<1xf32>
      %get3A_688 = arith.index_cast %add3A_685 : i32 to index
      %get3A_689 = arith.constant 0 : index
      %get3A_690 = tpu.vector_load %arg21[%get3A_688, %get3A_689] {strides = array<i32>} : memref<32x128xf32, #tpu.memory_space<vmem>>, vector<16xf32>,
      %get3A_691 = arith.index_cast %add3A_685 : i32 to index
      %get3A_692 = arith.constant 0 : index
      %get3A_693 = tpu.vector_load %arg24[%get3A_691, %get3A_692] {strides = array<i32>} : memref<32x128xf32, #tpu.memory_space<vmem>>, vector<16xf32>,
      %add3A_694 = arith.addf %get3A_690, %get3A_693 : vector<16xf32>
      %get3A_695 = arith.index_cast %add3A_685 : i32 to index
      %get3A_696 = arith.constant 0 : index
      %get3A_697 = tpu.vector_load %arg27[%get3A_695, %get3A_696] {strides = array<i32>} : memref<32x128xf32, #tpu.memory_space<vmem>>, vector<16xf32>,
      %add3A_698 = arith.addf %add3A_694, %get3A_697 : vector<16xf32>
      %max3A_699 = arith.constant 0.000000e+00 : f32
      %max3A_700 = vector.broadcast %max3A_699 : f32 to vector<16xf32>
      %max3A_701 = arith.maximumf %add3A_698, %max3A_700 : vector<16xf32>
      %mul3A_702 = vector.broadcast %squeeze3A_687 : f32 to vector<16xf32>
      %mul3A_703 = arith.mulf %max3A_701, %mul3A_702 : vector<16xf32>
      %swap3A_704 = arith.index_cast %add3A_685 : i32 to index
      %swap3A_705 = arith.constant 0 : index
      %swap3A_706 = tpu.vector_load %arg21[%swap3A_704, %swap3A_705] {strides = array<i32>} : memref<32x128xf32, #tpu.memory_space<vmem>>, vector<16xf32>,
      tpu.vector_store %arg21[%swap3A_704, %swap3A_705], %mul3A_703 {strides = array<i32>} : memref<32x128xf32, #tpu.memory_space<vmem>>, vector<16xf32>,
      %get3A_707 = arith.index_cast %add3A_685 : i32 to index
      %get3A_708 = arith.constant 16 : index
      %get3A_709 = tpu.vector_load %arg21[%get3A_707, %get3A_708] {strides = array<i32>} : memref<32x128xf32, #tpu.memory_space<vmem>>, vector<16xf32>,
      %get3A_710 = arith.index_cast %add3A_685 : i32 to index
      %get3A_711 = arith.constant 16 : index
      %get3A_712 = tpu.vector_load %arg24[%get3A_710, %get3A_711] {strides = array<i32>} : memref<32x128xf32, #tpu.memory_space<vmem>>, vector<16xf32>,
      %add3A_713 = arith.addf %get3A_709, %get3A_712 : vector<16xf32>
      %get3A_714 = arith.index_cast %add3A_685 : i32 to index
      %get3A_715 = arith.constant 16 : index
      %get3A_716 = tpu.vector_load %arg27[%get3A_714, %get3A_715] {strides = array<i32>} : memref<32x128xf32, #tpu.memory_space<vmem>>, vector<16xf32>,
      %add3A_717 = arith.addf %add3A_713, %get3A_716 : vector<16xf32>
      %max3A_718 = arith.constant 0.000000e+00 : f32
      %max3A_719 = vector.broadcast %max3A_718 : f32 to vector<16xf32>
      %max3A_720 = arith.maximumf %add3A_717, %max3A_719 : vector<16xf32>
      %mul3A_721 = vector.broadcast %squeeze3A_687 : f32 to vector<16xf32>
      %mul3A_722 = arith.mulf %max3A_720, %mul3A_721 : vector<16xf32>
      %swap3A_723 = arith.index_cast %add3A_685 : i32 to index
      %swap3A_724 = arith.constant 16 : index
      %swap3A_725 = tpu.vector_load %arg21[%swap3A_723, %swap3A_724] {strides = array<i32>} : memref<32x128xf32, #tpu.memory_space<vmem>>, vector<16xf32>,
      tpu.vector_store %arg21[%swap3A_723, %swap3A_724], %mul3A_722 {strides = array<i32>} : memref<32x128xf32, #tpu.memory_space<vmem>>, vector<16xf32>,
      %get3A_726 = arith.index_cast %add3A_685 : i32 to index
      %get3A_727 = arith.constant 32 : index
      %get3A_728 = tpu.vector_load %arg21[%get3A_726, %get3A_727] {strides = array<i32>} : memref<32x128xf32, #tpu.memory_space<vmem>>, vector<16xf32>,
      %get3A_729 = arith.index_cast %add3A_685 : i32 to index
      %get3A_730 = arith.constant 32 : index
      %get3A_731 = tpu.vector_load %arg24[%get3A_729, %get3A_730] {strides = array<i32>} : memref<32x128xf32, #tpu.memory_space<vmem>>, vector<16xf32>,
      %add3A_732 = arith.addf %get3A_728, %get3A_731 : vector<16xf32>
      %get3A_733 = arith.index_cast %add3A_685 : i32 to index
      %get3A_734 = arith.constant 32 : index
      %get3A_735 = tpu.vector_load %arg27[%get3A_733, %get3A_734] {strides = array<i32>} : memref<32x128xf32, #tpu.memory_space<vmem>>, vector<16xf32>,
      %add3A_736 = arith.addf %add3A_732, %get3A_735 : vector<16xf32>
      %max3A_737 = arith.constant 0.000000e+00 : f32
      %max3A_738 = vector.broadcast %max3A_737 : f32 to vector<16xf32>
      %max3A_739 = arith.maximumf %add3A_736, %max3A_738 : vector<16xf32>
      %mul3A_740 = vector.broadcast %squeeze3A_687 : f32 to vector<16xf32>
      %mul3A_741 = arith.mulf %max3A_739, %mul3A_740 : vector<16xf32>
      %swap3A_742 = arith.index_cast %add3A_685 : i32 to index
      %swap3A_743 = arith.constant 32 : index
      %swap3A_744 = tpu.vector_load %arg21[%swap3A_742, %swap3A_743] {strides = array<i32>} : memref<32x128xf32, #tpu.memory_space<vmem>>, vector<16xf32>,
      tpu.vector_store %arg21[%swap3A_742, %swap3A_743], %mul3A_741 {strides = array<i32>} : memref<32x128xf32, #tpu.memory_space<vmem>>, vector<16xf32>,
      %get3A_745 = arith.index_cast %add3A_685 : i32 to index
      %get3A_746 = arith.constant 48 : index
      %get3A_747 = tpu.vector_load %arg21[%get3A_745, %get3A_746] {strides = array<i32>} : memref<32x128xf32, #tpu.memory_space<vmem>>, vector<16xf32>,
      %get3A_748 = arith.index_cast %add3A_685 : i32 to index
      %get3A_749 = arith.constant 48 : index
      %get3A_750 = tpu.vector_load %arg24[%get3A_748, %get3A_749] {strides = array<i32>} : memref<32x128xf32, #tpu.memory_space<vmem>>, vector<16xf32>,
      %add3A_751 = arith.addf %get3A_747, %get3A_750 : vector<16xf32>
      %get3A_752 = arith.index_cast %add3A_685 : i32 to index
      %get3A_753 = arith.constant 48 : index
      %get3A_754 = tpu.vector_load %arg27[%get3A_752, %get3A_753] {strides = array<i32>} : memref<32x128xf32, #tpu.memory_space<vmem>>, vector<16xf32>,
      %add3A_755 = arith.addf %add3A_751, %get3A_754 : vector<16xf32>
      %max3A_756 = arith.constant 0.000000e+00 : f32
      %max3A_757 = vector.broadcast %max3A_756 : f32 to vector<16xf32>
      %max3A_758 = arith.maximumf %add3A_755, %max3A_757 : vector<16xf32>
      %mul3A_759 = vector.broadcast %squeeze3A_687 : f32 to vector<16xf32>
      %mul3A_760 = arith.mulf %max3A_758, %mul3A_759 : vector<16xf32>
      %swap3A_761 = arith.index_cast %add3A_685 : i32 to index
      %swap3A_762 = arith.constant 48 : index
      %swap3A_763 = tpu.vector_load %arg21[%swap3A_761, %swap3A_762] {strides = array<i32>} : memref<32x128xf32, #tpu.memory_space<vmem>>, vector<16xf32>,
      tpu.vector_store %arg21[%swap3A_761, %swap3A_762], %mul3A_760 {strides = array<i32>} : memref<32x128xf32, #tpu.memory_space<vmem>>, vector<16xf32>,
      %get3A_764 = arith.index_cast %add3A_685 : i32 to index
      %get3A_765 = arith.constant 64 : index
      %get3A_766 = tpu.vector_load %arg21[%get3A_764, %get3A_765] {strides = array<i32>} : memref<32x128xf32, #tpu.memory_space<vmem>>, vector<16xf32>,
      %get3A_767 = arith.index_cast %add3A_685 : i32 to index
      %get3A_768 = arith.constant 64 : index
      %get3A_769 = tpu.vector_load %arg24[%get3A_767, %get3A_768] {strides = array<i32>} : memref<32x128xf32, #tpu.memory_space<vmem>>, vector<16xf32>,
      %add3A_770 = arith.addf %get3A_766, %get3A_769 : vector<16xf32>
      %get3A_771 = arith.index_cast %add3A_685 : i32 to index
      %get3A_772 = arith.constant 64 : index
      %get3A_773 = tpu.vector_load %arg27[%get3A_771, %get3A_772] {strides = array<i32>} : memref<32x128xf32, #tpu.memory_space<vmem>>, vector<16xf32>,
      %add3A_774 = arith.addf %add3A_770, %get3A_773 : vector<16xf32>
      %max3A_775 = arith.constant 0.000000e+00 : f32
      %max3A_776 = vector.broadcast %max3A_775 : f32 to vector<16xf32>
      %max3A_777 = arith.maximumf %add3A_774, %max3A_776 : vector<16xf32>
      %mul3A_778 = vector.broadcast %squeeze3A_687 : f32 to vector<16xf32>
      %mul3A_779 = arith.mulf %max3A_777, %mul3A_778 : vector<16xf32>
      %swap3A_780 = arith.index_cast %add3A_685 : i32 to index
      %swap3A_781 = arith.constant 64 : index
      %swap3A_782 = tpu.vector_load %arg21[%swap3A_780, %swap3A_781] {strides = array<i32>} : memref<32x128xf32, #tpu.memory_space<vmem>>, vector<16xf32>,
      tpu.vector_store %arg21[%swap3A_780, %swap3A_781], %mul3A_779 {strides = array<i32>} : memref<32x128xf32, #tpu.memory_space<vmem>>, vector<16xf32>,
      %get3A_783 = arith.index_cast %add3A_685 : i32 to index
      %get3A_784 = arith.constant 80 : index
      %get3A_785 = tpu.vector_load %arg21[%get3A_783, %get3A_784] {strides = array<i32>} : memref<32x128xf32, #tpu.memory_space<vmem>>, vector<16xf32>,
      %get3A_786 = arith.index_cast %add3A_685 : i32 to index
      %get3A_787 = arith.constant 80 : index
      %get3A_788 = tpu.vector_load %arg24[%get3A_786, %get3A_787] {strides = array<i32>} : memref<32x128xf32, #tpu.memory_space<vmem>>, vector<16xf32>,
      %add3A_789 = arith.addf %get3A_785, %get3A_788 : vector<16xf32>
      %get3A_790 = arith.index_cast %add3A_685 : i32 to index
      %get3A_791 = arith.constant 80 : index
      %get3A_792 = tpu.vector_load %arg27[%get3A_790, %get3A_791] {strides = array<i32>} : memref<32x128xf32, #tpu.memory_space<vmem>>, vector<16xf32>,
      %add3A_793 = arith.addf %add3A_789, %get3A_792 : vector<16xf32>
      %max3A_794 = arith.constant 0.000000e+00 : f32
      %max3A_795 = vector.broadcast %max3A_794 : f32 to vector<16xf32>
      %max3A_796 = arith.maximumf %add3A_793, %max3A_795 : vector<16xf32>
      %mul3A_797 = vector.broadcast %squeeze3A_687 : f32 to vector<16xf32>
      %mul3A_798 = arith.mulf %max3A_796, %mul3A_797 : vector<16xf32>
      %swap3A_799 = arith.index_cast %add3A_685 : i32 to index
      %swap3A_800 = arith.constant 80 : index
      %swap3A_801 = tpu.vector_load %arg21[%swap3A_799, %swap3A_800] {strides = array<i32>} : memref<32x128xf32, #tpu.memory_space<vmem>>, vector<16xf32>,
      tpu.vector_store %arg21[%swap3A_799, %swap3A_800], %mul3A_798 {strides = array<i32>} : memref<32x128xf32, #tpu.memory_space<vmem>>, vector<16xf32>,
      %get3A_802 = arith.index_cast %add3A_685 : i32 to index
      %get3A_803 = arith.constant 96 : index
      %get3A_804 = tpu.vector_load %arg21[%get3A_802, %get3A_803] {strides = array<i32>} : memref<32x128xf32, #tpu.memory_space<vmem>>, vector<16xf32>,
      %get3A_805 = arith.index_cast %add3A_685 : i32 to index
      %get3A_806 = arith.constant 96 : index
      %get3A_807 = tpu.vector_load %arg24[%get3A_805, %get3A_806] {strides = array<i32>} : memref<32x128xf32, #tpu.memory_space<vmem>>, vector<16xf32>,
      %add3A_808 = arith.addf %get3A_804, %get3A_807 : vector<16xf32>
      %get3A_809 = arith.index_cast %add3A_685 : i32 to index
      %get3A_810 = arith.constant 96 : index
      %get3A_811 = tpu.vector_load %arg27[%get3A_809, %get3A_810] {strides = array<i32>} : memref<32x128xf32, #tpu.memory_space<vmem>>, vector<16xf32>,
      %add3A_812 = arith.addf %add3A_808, %get3A_811 : vector<16xf32>
      %max3A_813 = arith.constant 0.000000e+00 : f32
      %max3A_814 = vector.broadcast %max3A_813 : f32 to vector<16xf32>
      %max3A_815 = arith.maximumf %add3A_812, %max3A_814 : vector<16xf32>
      %mul3A_816 = vector.broadcast %squeeze3A_687 : f32 to vector<16xf32>
      %mul3A_817 = arith.mulf %max3A_815, %mul3A_816 : vector<16xf32>
      %swap3A_818 = arith.index_cast %add3A_685 : i32 to index
      %swap3A_819 = arith.constant 96 : index
      %swap3A_820 = tpu.vector_load %arg21[%swap3A_818, %swap3A_819] {strides = array<i32>} : memref<32x128xf32, #tpu.memory_space<vmem>>, vector<16xf32>,
      tpu.vector_store %arg21[%swap3A_818, %swap3A_819], %mul3A_817 {strides = array<i32>} : memref<32x128xf32, #tpu.memory_space<vmem>>, vector<16xf32>,
      %get3A_821 = arith.index_cast %add3A_685 : i32 to index
      %get3A_822 = arith.constant 112 : index
      %get3A_823 = tpu.vector_load %arg21[%get3A_821, %get3A_822] {strides = array<i32>} : memref<32x128xf32, #tpu.memory_space<vmem>>, vector<16xf32>,
      %get3A_824 = arith.index_cast %add3A_685 : i32 to index
      %get3A_825 = arith.constant 112 : index
      %get3A_826 = tpu.vector_load %arg24[%get3A_824, %get3A_825] {strides = array<i32>} : memref<32x128xf32, #tpu.memory_space<vmem>>, vector<16xf32>,
      %add3A_827 = arith.addf %get3A_823, %get3A_826 : vector<16xf32>
      %get3A_828 = arith.index_cast %add3A_685 : i32 to index
      %get3A_829 = arith.constant 112 : index
      %get3A_830 = tpu.vector_load %arg27[%get3A_828, %get3A_829] {strides = array<i32>} : memref<32x128xf32, #tpu.memory_space<vmem>>, vector<16xf32>,
      %add3A_831 = arith.addf %add3A_827, %get3A_830 : vector<16xf32>
      %max3A_832 = arith.constant 0.000000e+00 : f32
      %max3A_833 = vector.broadcast %max3A_832 : f32 to vector<16xf32>
      %max3A_834 = arith.maximumf %add3A_831, %max3A_833 : vector<16xf32>
      %mul3A_835 = vector.broadcast %squeeze3A_687 : f32 to vector<16xf32>
      %mul3A_836 = arith.mulf %max3A_834, %mul3A_835 : vector<16xf32>
      %swap3A_837 = arith.index_cast %add3A_685 : i32 to index
      %swap3A_838 = arith.constant 112 : index
      %swap3A_839 = tpu.vector_load %arg21[%swap3A_837, %swap3A_838] {strides = array<i32>} : memref<32x128xf32, #tpu.memory_space<vmem>>, vector<16xf32>,
      tpu.vector_store %arg21[%swap3A_837, %swap3A_838], %mul3A_836 {strides = array<i32>} : memref<32x128xf32, #tpu.memory_space<vmem>>, vector<16xf32>,
    }
    %scan3A_131 = arith.constant 4 : i32
    "tpu.region"() ({
      %run_scoped3A = tpu.sem_alloc : memref<!tpu.dma_semaphore, #tpu.memory_space<semaphore_mem>>
      %dma_start3A_207 = arith.constant 0 : i32
      %dma_start3A_208 = arith.constant 0 : i32
      %dma_start3A_209 = tpu.memref_slice %arg21[%dma_start3A_207, %dma_start3A_208] : memref<32x128xf32, #tpu.memory_space<vmem>> -> memref<16x128xf32, #tpu.memory_space<vmem>>
      %dma_start3A_210 = arith.constant 0 : i32
      %dma_start3A_211 = arith.constant 0 : i32
      %dma_start3A_212 = tpu.memref_slice %arg32[%dma_start3A_210, %dma_start3A_211] : memref<10000x128xf32, #tpu.memory_space<vmem_shared>> -> memref<10000x128xf32, #tpu.memory_space<vmem_shared>>
      tpu.enqueue_indirect_dma source(%dma_start3A_209 : memref<16x128xf32, #tpu.memory_space<vmem>>) target(%dma_start3A_212 : memref<10000x128xf32, #tpu.memory_space<vmem_shared>>) offsets(%arg29 : memref<16xi32, #tpu.memory_space<vmem>>) semaphore(%run_scoped3A : memref<!tpu.dma_semaphore, #tpu.memory_space<semaphore_mem>>) {add = true}
      %dma_wait3A_213 = arith.constant 0 : i32
      %dma_wait3A_214 = arith.constant 0 : i32
      %dma_wait3A_215 = tpu.memref_slice %arg21[%dma_wait3A_213, %dma_wait3A_214] : memref<32x128xf32, #tpu.memory_space<vmem>> -> memref<16x128xf32, #tpu.memory_space<vmem>>
      %dma_wait3A_216 = arith.constant 0 : i32
      %dma_wait3A_217 = arith.constant 0 : i32
      %dma_wait3A_218 = tpu.memref_slice %arg32[%dma_wait3A_216, %dma_wait3A_217] : memref<10000x128xf32, #tpu.memory_space<vmem_shared>> -> memref<10000x128xf32, #tpu.memory_space<vmem_shared>>
      tpu.wait_indirect_dma semaphore(%run_scoped3A : memref<!tpu.dma_semaphore, #tpu.memory_space<semaphore_mem>>) src(%dma_wait3A_215 : memref<16x128xf32, #tpu.memory_space<vmem>>) dst(%dma_wait3A_218 : memref<10000x128xf32, #tpu.memory_space<vmem_shared>>)
      tpu.yield
    }) : () -> ()
    %barrier3A_132 = arith.constant 0 : index
    tpu.barrier barrier_id(%barrier3A_132)
    %add3A_133 = arith.constant 0 : i32
    %add3A_134 = arith.addi %arg1, %add3A_133 : i32
    %lt3A_135 = arith.constant 125 : i32
    %lt3A_136 = arith.cmpi slt, %add3A_134, %lt3A_135 : i32
    %convert_element_type3A_137 = arith.extui %lt3A_136 : i1 to i32
    %cond3A_138 = arith.constant 0 : i32
    %cond3A_139 = arith.cmpi ne, %convert_element_type3A_137, %cond3A_138 : i32
    scf.if %cond3A_139 {
      %mul3A_207 = arith.constant 80 : i32
      %mul3A_208 = arith.muli %add3A_134, %mul3A_207 : i32
      %multiple_of3A = tpu.assume_multiple %mul3A_208, 8 : i32
      "tpu.region"() ({
        %run_scoped3A = tpu.sem_alloc : memref<!tpu.dma_semaphore, #tpu.memory_space<semaphore_mem>>
        %dma_start3A_209 = arith.constant 0 : i32
        %dma_start3A_210 = tpu.memref_slice %arg9[%arg0, %multiple_of3A, %dma_start3A_209] : memref<2x10000x128xf32, #tpu.memory_space<hbm>> -> memref<1x80x128xf32, #tpu.memory_space<hbm>>
        %dma_start3A_211 = tpu.memref_squeeze %dma_start3A_210 : memref<1x80x128xf32, #tpu.memory_space<hbm>> -> memref<80x128xf32, #tpu.memory_space<hbm>>
        %dma_start3A_212 = arith.constant 0 : i32
        %dma_start3A_213 = tpu.memref_slice %arg32[%multiple_of3A, %dma_start3A_212] : memref<10000x128xf32, #tpu.memory_space<vmem_shared>> -> memref<80x128xf32, #tpu.memory_space<vmem_shared>>
        tpu.enqueue_dma source(%dma_start3A_213 : memref<80x128xf32, #tpu.memory_space<vmem_shared>>) target(%dma_start3A_211 : memref<80x128xf32, #tpu.memory_space<hbm>>) target_semaphore(%run_scoped3A : memref<!tpu.dma_semaphore, #tpu.memory_space<semaphore_mem>>)
        %dma_wait3A_214 = arith.constant 0 : i32
        %dma_wait3A_215 = tpu.memref_slice %arg9[%arg0, %multiple_of3A, %dma_wait3A_214] : memref<2x10000x128xf32, #tpu.memory_space<hbm>> -> memref<1x80x128xf32, #tpu.memory_space<hbm>>
        %dma_wait3A_216 = tpu.memref_squeeze %dma_wait3A_215 : memref<1x80x128xf32, #tpu.memory_space<hbm>> -> memref<80x128xf32, #tpu.memory_space<hbm>>
        %dma_wait3A_217 = arith.constant 0 : i32
        %dma_wait3A_218 = tpu.memref_slice %arg32[%multiple_of3A, %dma_wait3A_217] : memref<10000x128xf32, #tpu.memory_space<vmem_shared>> -> memref<80x128xf32, #tpu.memory_space<vmem_shared>>
        tpu.wait_dma2 semaphore(%run_scoped3A : memref<!tpu.dma_semaphore, #tpu.memory_space<semaphore_mem>>) src(%dma_wait3A_218 : memref<80x128xf32, #tpu.memory_space<vmem_shared>>) dst(%dma_wait3A_216 : memref<80x128xf32, #tpu.memory_space<hbm>>)
        tpu.yield
      }) : () -> ()
    } else {
    }
    %add3A_140 = arith.constant 16 : i32
    %add3A_141 = arith.addi %arg1, %add3A_140 : i32
    %lt3A_142 = arith.constant 125 : i32
    %lt3A_143 = arith.cmpi slt, %add3A_141, %lt3A_142 : i32
    %convert_element_type3A_144 = arith.extui %lt3A_143 : i1 to i32
    %cond3A_145 = arith.constant 0 : i32
    %cond3A_146 = arith.cmpi ne, %convert_element_type3A_144, %cond3A_145 : i32
    scf.if %cond3A_146 {
      %mul3A_207 = arith.constant 80 : i32
      %mul3A_208 = arith.muli %add3A_141, %mul3A_207 : i32
      %multiple_of3A = tpu.assume_multiple %mul3A_208, 8 : i32
      "tpu.region"() ({
        %run_scoped3A = tpu.sem_alloc : memref<!tpu.dma_semaphore, #tpu.memory_space<semaphore_mem>>
        %dma_start3A_209 = arith.constant 0 : i32
        %dma_start3A_210 = tpu.memref_slice %arg9[%arg0, %multiple_of3A, %dma_start3A_209] : memref<2x10000x128xf32, #tpu.memory_space<hbm>> -> memref<1x80x128xf32, #tpu.memory_space<hbm>>
        %dma_start3A_211 = tpu.memref_squeeze %dma_start3A_210 : memref<1x80x128xf32, #tpu.memory_space<hbm>> -> memref<80x128xf32, #tpu.memory_space<hbm>>
        %dma_start3A_212 = arith.constant 0 : i32
        %dma_start3A_213 = tpu.memref_slice %arg32[%multiple_of3A, %dma_start3A_212] : memref<10000x128xf32, #tpu.memory_space<vmem_shared>> -> memref<80x128xf32, #tpu.memory_space<vmem_shared>>
        tpu.enqueue_dma source(%dma_start3A_213 : memref<80x128xf32, #tpu.memory_space<vmem_shared>>) target(%dma_start3A_211 : memref<80x128xf32, #tpu.memory_space<hbm>>) target_semaphore(%run_scoped3A : memref<!tpu.dma_semaphore, #tpu.memory_space<semaphore_mem>>)
        %dma_wait3A_214 = arith.constant 0 : i32
        %dma_wait3A_215 = tpu.memref_slice %arg9[%arg0, %multiple_of3A, %dma_wait3A_214] : memref<2x10000x128xf32, #tpu.memory_space<hbm>> -> memref<1x80x128xf32, #tpu.memory_space<hbm>>
        %dma_wait3A_216 = tpu.memref_squeeze %dma_wait3A_215 : memref<1x80x128xf32, #tpu.memory_space<hbm>> -> memref<80x128xf32, #tpu.memory_space<hbm>>
        %dma_wait3A_217 = arith.constant 0 : i32
        %dma_wait3A_218 = tpu.memref_slice %arg32[%multiple_of3A, %dma_wait3A_217] : memref<10000x128xf32, #tpu.memory_space<vmem_shared>> -> memref<80x128xf32, #tpu.memory_space<vmem_shared>>
        tpu.wait_dma2 semaphore(%run_scoped3A : memref<!tpu.dma_semaphore, #tpu.memory_space<semaphore_mem>>) src(%dma_wait3A_218 : memref<80x128xf32, #tpu.memory_space<vmem_shared>>) dst(%dma_wait3A_216 : memref<80x128xf32, #tpu.memory_space<hbm>>)
        tpu.yield
      }) : () -> ()
    } else {
    }
    %add3A_147 = arith.constant 32 : i32
    %add3A_148 = arith.addi %arg1, %add3A_147 : i32
    %lt3A_149 = arith.constant 125 : i32
    %lt3A_150 = arith.cmpi slt, %add3A_148, %lt3A_149 : i32
    %convert_element_type3A_151 = arith.extui %lt3A_150 : i1 to i32
    %cond3A_152 = arith.constant 0 : i32
    %cond3A_153 = arith.cmpi ne, %convert_element_type3A_151, %cond3A_152 : i32
    scf.if %cond3A_153 {
      %mul3A_207 = arith.constant 80 : i32
      %mul3A_208 = arith.muli %add3A_148, %mul3A_207 : i32
      %multiple_of3A = tpu.assume_multiple %mul3A_208, 8 : i32
      "tpu.region"() ({
        %run_scoped3A = tpu.sem_alloc : memref<!tpu.dma_semaphore, #tpu.memory_space<semaphore_mem>>
        %dma_start3A_209 = arith.constant 0 : i32
        %dma_start3A_210 = tpu.memref_slice %arg9[%arg0, %multiple_of3A, %dma_start3A_209] : memref<2x10000x128xf32, #tpu.memory_space<hbm>> -> memref<1x80x128xf32, #tpu.memory_space<hbm>>
        %dma_start3A_211 = tpu.memref_squeeze %dma_start3A_210 : memref<1x80x128xf32, #tpu.memory_space<hbm>> -> memref<80x128xf32, #tpu.memory_space<hbm>>
        %dma_start3A_212 = arith.constant 0 : i32
        %dma_start3A_213 = tpu.memref_slice %arg32[%multiple_of3A, %dma_start3A_212] : memref<10000x128xf32, #tpu.memory_space<vmem_shared>> -> memref<80x128xf32, #tpu.memory_space<vmem_shared>>
        tpu.enqueue_dma source(%dma_start3A_213 : memref<80x128xf32, #tpu.memory_space<vmem_shared>>) target(%dma_start3A_211 : memref<80x128xf32, #tpu.memory_space<hbm>>) target_semaphore(%run_scoped3A : memref<!tpu.dma_semaphore, #tpu.memory_space<semaphore_mem>>)
        %dma_wait3A_214 = arith.constant 0 : i32
        %dma_wait3A_215 = tpu.memref_slice %arg9[%arg0, %multiple_of3A, %dma_wait3A_214] : memref<2x10000x128xf32, #tpu.memory_space<hbm>> -> memref<1x80x128xf32, #tpu.memory_space<hbm>>
        %dma_wait3A_216 = tpu.memref_squeeze %dma_wait3A_215 : memref<1x80x128xf32, #tpu.memory_space<hbm>> -> memref<80x128xf32, #tpu.memory_space<hbm>>
        %dma_wait3A_217 = arith.constant 0 : i32
        %dma_wait3A_218 = tpu.memref_slice %arg32[%multiple_of3A, %dma_wait3A_217] : memref<10000x128xf32, #tpu.memory_space<vmem_shared>> -> memref<80x128xf32, #tpu.memory_space<vmem_shared>>
        tpu.wait_dma2 semaphore(%run_scoped3A : memref<!tpu.dma_semaphore, #tpu.memory_space<semaphore_mem>>) src(%dma_wait3A_218 : memref<80x128xf32, #tpu.memory_space<vmem_shared>>) dst(%dma_wait3A_216 : memref<80x128xf32, #tpu.memory_space<hbm>>)
        tpu.yield
      }) : () -> ()
    } else {
    }
    %add3A_154 = arith.constant 48 : i32
    %add3A_155 = arith.addi %arg1, %add3A_154 : i32
    %lt3A_156 = arith.constant 125 : i32
    %lt3A_157 = arith.cmpi slt, %add3A_155, %lt3A_156 : i32
    %convert_element_type3A_158 = arith.extui %lt3A_157 : i1 to i32
    %cond3A_159 = arith.constant 0 : i32
    %cond3A_160 = arith.cmpi ne, %convert_element_type3A_158, %cond3A_159 : i32
    scf.if %cond3A_160 {
      %mul3A_207 = arith.constant 80 : i32
      %mul3A_208 = arith.muli %add3A_155, %mul3A_207 : i32
      %multiple_of3A = tpu.assume_multiple %mul3A_208, 8 : i32
      "tpu.region"() ({
        %run_scoped3A = tpu.sem_alloc : memref<!tpu.dma_semaphore, #tpu.memory_space<semaphore_mem>>
        %dma_start3A_209 = arith.constant 0 : i32
        %dma_start3A_210 = tpu.memref_slice %arg9[%arg0, %multiple_of3A, %dma_start3A_209] : memref<2x10000x128xf32, #tpu.memory_space<hbm>> -> memref<1x80x128xf32, #tpu.memory_space<hbm>>
        %dma_start3A_211 = tpu.memref_squeeze %dma_start3A_210 : memref<1x80x128xf32, #tpu.memory_space<hbm>> -> memref<80x128xf32, #tpu.memory_space<hbm>>
        %dma_start3A_212 = arith.constant 0 : i32
        %dma_start3A_213 = tpu.memref_slice %arg32[%multiple_of3A, %dma_start3A_212] : memref<10000x128xf32, #tpu.memory_space<vmem_shared>> -> memref<80x128xf32, #tpu.memory_space<vmem_shared>>
        tpu.enqueue_dma source(%dma_start3A_213 : memref<80x128xf32, #tpu.memory_space<vmem_shared>>) target(%dma_start3A_211 : memref<80x128xf32, #tpu.memory_space<hbm>>) target_semaphore(%run_scoped3A : memref<!tpu.dma_semaphore, #tpu.memory_space<semaphore_mem>>)
        %dma_wait3A_214 = arith.constant 0 : i32
        %dma_wait3A_215 = tpu.memref_slice %arg9[%arg0, %multiple_of3A, %dma_wait3A_214] : memref<2x10000x128xf32, #tpu.memory_space<hbm>> -> memref<1x80x128xf32, #tpu.memory_space<hbm>>
        %dma_wait3A_216 = tpu.memref_squeeze %dma_wait3A_215 : memref<1x80x128xf32, #tpu.memory_space<hbm>> -> memref<80x128xf32, #tpu.memory_space<hbm>>
        %dma_wait3A_217 = arith.constant 0 : i32
        %dma_wait3A_218 = tpu.memref_slice %arg32[%multiple_of3A, %dma_wait3A_217] : memref<10000x128xf32, #tpu.memory_space<vmem_shared>> -> memref<80x128xf32, #tpu.memory_space<vmem_shared>>
        tpu.wait_dma2 semaphore(%run_scoped3A : memref<!tpu.dma_semaphore, #tpu.memory_space<semaphore_mem>>) src(%dma_wait3A_218 : memref<80x128xf32, #tpu.memory_space<vmem_shared>>) dst(%dma_wait3A_216 : memref<80x128xf32, #tpu.memory_space<hbm>>)
        tpu.yield
      }) : () -> ()
    } else {
    }
    %add3A_161 = arith.constant 64 : i32
    %add3A_162 = arith.addi %arg1, %add3A_161 : i32
    %lt3A_163 = arith.constant 125 : i32
    %lt3A_164 = arith.cmpi slt, %add3A_162, %lt3A_163 : i32
    %convert_element_type3A_165 = arith.extui %lt3A_164 : i1 to i32
    %cond3A_166 = arith.constant 0 : i32
    %cond3A_167 = arith.cmpi ne, %convert_element_type3A_165, %cond3A_166 : i32
    scf.if %cond3A_167 {
      %mul3A_207 = arith.constant 80 : i32
      %mul3A_208 = arith.muli %add3A_162, %mul3A_207 : i32
      %multiple_of3A = tpu.assume_multiple %mul3A_208, 8 : i32
      "tpu.region"() ({
        %run_scoped3A = tpu.sem_alloc : memref<!tpu.dma_semaphore, #tpu.memory_space<semaphore_mem>>
        %dma_start3A_209 = arith.constant 0 : i32
        %dma_start3A_210 = tpu.memref_slice %arg9[%arg0, %multiple_of3A, %dma_start3A_209] : memref<2x10000x128xf32, #tpu.memory_space<hbm>> -> memref<1x80x128xf32, #tpu.memory_space<hbm>>
        %dma_start3A_211 = tpu.memref_squeeze %dma_start3A_210 : memref<1x80x128xf32, #tpu.memory_space<hbm>> -> memref<80x128xf32, #tpu.memory_space<hbm>>
        %dma_start3A_212 = arith.constant 0 : i32
        %dma_start3A_213 = tpu.memref_slice %arg32[%multiple_of3A, %dma_start3A_212] : memref<10000x128xf32, #tpu.memory_space<vmem_shared>> -> memref<80x128xf32, #tpu.memory_space<vmem_shared>>
        tpu.enqueue_dma source(%dma_start3A_213 : memref<80x128xf32, #tpu.memory_space<vmem_shared>>) target(%dma_start3A_211 : memref<80x128xf32, #tpu.memory_space<hbm>>) target_semaphore(%run_scoped3A : memref<!tpu.dma_semaphore, #tpu.memory_space<semaphore_mem>>)
        %dma_wait3A_214 = arith.constant 0 : i32
        %dma_wait3A_215 = tpu.memref_slice %arg9[%arg0, %multiple_of3A, %dma_wait3A_214] : memref<2x10000x128xf32, #tpu.memory_space<hbm>> -> memref<1x80x128xf32, #tpu.memory_space<hbm>>
        %dma_wait3A_216 = tpu.memref_squeeze %dma_wait3A_215 : memref<1x80x128xf32, #tpu.memory_space<hbm>> -> memref<80x128xf32, #tpu.memory_space<hbm>>
        %dma_wait3A_217 = arith.constant 0 : i32
        %dma_wait3A_218 = tpu.memref_slice %arg32[%multiple_of3A, %dma_wait3A_217] : memref<10000x128xf32, #tpu.memory_space<vmem_shared>> -> memref<80x128xf32, #tpu.memory_space<vmem_shared>>
        tpu.wait_dma2 semaphore(%run_scoped3A : memref<!tpu.dma_semaphore, #tpu.memory_space<semaphore_mem>>) src(%dma_wait3A_218 : memref<80x128xf32, #tpu.memory_space<vmem_shared>>) dst(%dma_wait3A_216 : memref<80x128xf32, #tpu.memory_space<hbm>>)
        tpu.yield
      }) : () -> ()
    } else {
    }
    %add3A_168 = arith.constant 80 : i32
    %add3A_169 = arith.addi %arg1, %add3A_168 : i32
    %lt3A_170 = arith.constant 125 : i32
    %lt3A_171 = arith.cmpi slt, %add3A_169, %lt3A_170 : i32
    %convert_element_type3A_172 = arith.extui %lt3A_171 : i1 to i32
    %cond3A_173 = arith.constant 0 : i32
    %cond3A_174 = arith.cmpi ne, %convert_element_type3A_172, %cond3A_173 : i32
    scf.if %cond3A_174 {
      %mul3A_207 = arith.constant 80 : i32
      %mul3A_208 = arith.muli %add3A_169, %mul3A_207 : i32
      %multiple_of3A = tpu.assume_multiple %mul3A_208, 8 : i32
      "tpu.region"() ({
        %run_scoped3A = tpu.sem_alloc : memref<!tpu.dma_semaphore, #tpu.memory_space<semaphore_mem>>
        %dma_start3A_209 = arith.constant 0 : i32
        %dma_start3A_210 = tpu.memref_slice %arg9[%arg0, %multiple_of3A, %dma_start3A_209] : memref<2x10000x128xf32, #tpu.memory_space<hbm>> -> memref<1x80x128xf32, #tpu.memory_space<hbm>>
        %dma_start3A_211 = tpu.memref_squeeze %dma_start3A_210 : memref<1x80x128xf32, #tpu.memory_space<hbm>> -> memref<80x128xf32, #tpu.memory_space<hbm>>
        %dma_start3A_212 = arith.constant 0 : i32
        %dma_start3A_213 = tpu.memref_slice %arg32[%multiple_of3A, %dma_start3A_212] : memref<10000x128xf32, #tpu.memory_space<vmem_shared>> -> memref<80x128xf32, #tpu.memory_space<vmem_shared>>
        tpu.enqueue_dma source(%dma_start3A_213 : memref<80x128xf32, #tpu.memory_space<vmem_shared>>) target(%dma_start3A_211 : memref<80x128xf32, #tpu.memory_space<hbm>>) target_semaphore(%run_scoped3A : memref<!tpu.dma_semaphore, #tpu.memory_space<semaphore_mem>>)
        %dma_wait3A_214 = arith.constant 0 : i32
        %dma_wait3A_215 = tpu.memref_slice %arg9[%arg0, %multiple_of3A, %dma_wait3A_214] : memref<2x10000x128xf32, #tpu.memory_space<hbm>> -> memref<1x80x128xf32, #tpu.memory_space<hbm>>
        %dma_wait3A_216 = tpu.memref_squeeze %dma_wait3A_215 : memref<1x80x128xf32, #tpu.memory_space<hbm>> -> memref<80x128xf32, #tpu.memory_space<hbm>>
        %dma_wait3A_217 = arith.constant 0 : i32
        %dma_wait3A_218 = tpu.memref_slice %arg32[%multiple_of3A, %dma_wait3A_217] : memref<10000x128xf32, #tpu.memory_space<vmem_shared>> -> memref<80x128xf32, #tpu.memory_space<vmem_shared>>
        tpu.wait_dma2 semaphore(%run_scoped3A : memref<!tpu.dma_semaphore, #tpu.memory_space<semaphore_mem>>) src(%dma_wait3A_218 : memref<80x128xf32, #tpu.memory_space<vmem_shared>>) dst(%dma_wait3A_216 : memref<80x128xf32, #tpu.memory_space<hbm>>)
        tpu.yield
      }) : () -> ()
    } else {
    }
    %add3A_175 = arith.constant 96 : i32
    %add3A_176 = arith.addi %arg1, %add3A_175 : i32
    %lt3A_177 = arith.constant 125 : i32
    %lt3A_178 = arith.cmpi slt, %add3A_176, %lt3A_177 : i32
    %convert_element_type3A_179 = arith.extui %lt3A_178 : i1 to i32
    %cond3A_180 = arith.constant 0 : i32
    %cond3A_181 = arith.cmpi ne, %convert_element_type3A_179, %cond3A_180 : i32
    scf.if %cond3A_181 {
      %mul3A_207 = arith.constant 80 : i32
      %mul3A_208 = arith.muli %add3A_176, %mul3A_207 : i32
      %multiple_of3A = tpu.assume_multiple %mul3A_208, 8 : i32
      "tpu.region"() ({
        %run_scoped3A = tpu.sem_alloc : memref<!tpu.dma_semaphore, #tpu.memory_space<semaphore_mem>>
        %dma_start3A_209 = arith.constant 0 : i32
        %dma_start3A_210 = tpu.memref_slice %arg9[%arg0, %multiple_of3A, %dma_start3A_209] : memref<2x10000x128xf32, #tpu.memory_space<hbm>> -> memref<1x80x128xf32, #tpu.memory_space<hbm>>
        %dma_start3A_211 = tpu.memref_squeeze %dma_start3A_210 : memref<1x80x128xf32, #tpu.memory_space<hbm>> -> memref<80x128xf32, #tpu.memory_space<hbm>>
        %dma_start3A_212 = arith.constant 0 : i32
        %dma_start3A_213 = tpu.memref_slice %arg32[%multiple_of3A, %dma_start3A_212] : memref<10000x128xf32, #tpu.memory_space<vmem_shared>> -> memref<80x128xf32, #tpu.memory_space<vmem_shared>>
        tpu.enqueue_dma source(%dma_start3A_213 : memref<80x128xf32, #tpu.memory_space<vmem_shared>>) target(%dma_start3A_211 : memref<80x128xf32, #tpu.memory_space<hbm>>) target_semaphore(%run_scoped3A : memref<!tpu.dma_semaphore, #tpu.memory_space<semaphore_mem>>)
        %dma_wait3A_214 = arith.constant 0 : i32
        %dma_wait3A_215 = tpu.memref_slice %arg9[%arg0, %multiple_of3A, %dma_wait3A_214] : memref<2x10000x128xf32, #tpu.memory_space<hbm>> -> memref<1x80x128xf32, #tpu.memory_space<hbm>>
        %dma_wait3A_216 = tpu.memref_squeeze %dma_wait3A_215 : memref<1x80x128xf32, #tpu.memory_space<hbm>> -> memref<80x128xf32, #tpu.memory_space<hbm>>
        %dma_wait3A_217 = arith.constant 0 : i32
        %dma_wait3A_218 = tpu.memref_slice %arg32[%multiple_of3A, %dma_wait3A_217] : memref<10000x128xf32, #tpu.memory_space<vmem_shared>> -> memref<80x128xf32, #tpu.memory_space<vmem_shared>>
        tpu.wait_dma2 semaphore(%run_scoped3A : memref<!tpu.dma_semaphore, #tpu.memory_space<semaphore_mem>>) src(%dma_wait3A_218 : memref<80x128xf32, #tpu.memory_space<vmem_shared>>) dst(%dma_wait3A_216 : memref<80x128xf32, #tpu.memory_space<hbm>>)
        tpu.yield
      }) : () -> ()
    } else {
    }
    %add3A_182 = arith.constant 112 : i32
    %add3A_183 = arith.addi %arg1, %add3A_182 : i32
    %lt3A_184 = arith.constant 125 : i32
    %lt3A_185 = arith.cmpi slt, %add3A_183, %lt3A_184 : i32
    %convert_element_type3A_186 = arith.extui %lt3A_185 : i1 to i32
    %cond3A_187 = arith.constant 0 : i32
    %cond3A_188 = arith.cmpi ne, %convert_element_type3A_186, %cond3A_187 : i32
    scf.if %cond3A_188 {
      %mul3A_207 = arith.constant 80 : i32
      %mul3A_208 = arith.muli %add3A_183, %mul3A_207 : i32
      %multiple_of3A = tpu.assume_multiple %mul3A_208, 8 : i32
      "tpu.region"() ({
        %run_scoped3A = tpu.sem_alloc : memref<!tpu.dma_semaphore, #tpu.memory_space<semaphore_mem>>
        %dma_start3A_209 = arith.constant 0 : i32
        %dma_start3A_210 = tpu.memref_slice %arg9[%arg0, %multiple_of3A, %dma_start3A_209] : memref<2x10000x128xf32, #tpu.memory_space<hbm>> -> memref<1x80x128xf32, #tpu.memory_space<hbm>>
        %dma_start3A_211 = tpu.memref_squeeze %dma_start3A_210 : memref<1x80x128xf32, #tpu.memory_space<hbm>> -> memref<80x128xf32, #tpu.memory_space<hbm>>
        %dma_start3A_212 = arith.constant 0 : i32
        %dma_start3A_213 = tpu.memref_slice %arg32[%multiple_of3A, %dma_start3A_212] : memref<10000x128xf32, #tpu.memory_space<vmem_shared>> -> memref<80x128xf32, #tpu.memory_space<vmem_shared>>
        tpu.enqueue_dma source(%dma_start3A_213 : memref<80x128xf32, #tpu.memory_space<vmem_shared>>) target(%dma_start3A_211 : memref<80x128xf32, #tpu.memory_space<hbm>>) target_semaphore(%run_scoped3A : memref<!tpu.dma_semaphore, #tpu.memory_space<semaphore_mem>>)
        %dma_wait3A_214 = arith.constant 0 : i32
        %dma_wait3A_215 = tpu.memref_slice %arg9[%arg0, %multiple_of3A, %dma_wait3A_214] : memref<2x10000x128xf32, #tpu.memory_space<hbm>> -> memref<1x80x128xf32, #tpu.memory_space<hbm>>
        %dma_wait3A_216 = tpu.memref_squeeze %dma_wait3A_215 : memref<1x80x128xf32, #tpu.memory_space<hbm>> -> memref<80x128xf32, #tpu.memory_space<hbm>>
        %dma_wait3A_217 = arith.constant 0 : i32
        %dma_wait3A_218 = tpu.memref_slice %arg32[%multiple_of3A, %dma_wait3A_217] : memref<10000x128xf32, #tpu.memory_space<vmem_shared>> -> memref<80x128xf32, #tpu.memory_space<vmem_shared>>
        tpu.wait_dma2 semaphore(%run_scoped3A : memref<!tpu.dma_semaphore, #tpu.memory_space<semaphore_mem>>) src(%dma_wait3A_218 : memref<80x128xf32, #tpu.memory_space<vmem_shared>>) dst(%dma_wait3A_216 : memref<80x128xf32, #tpu.memory_space<hbm>>)
        tpu.yield
      }) : () -> ()
    } else {
    }
    %scan3A_189 = arith.constant 0 : i32
    %scan3A_190 = arith.constant 0 : i32
    %scan3A_191 = arith.constant 32 : i32
    %scan3A_192 = arith.addi %scan3A_190, %scan3A_191 : i32
    %scan3A_193 = arith.constant 1 : i32
    scf.for %scan3A_207 = %scan3A_190 to %scan3A_192 step %scan3A_193  : i32 {
      %mul3A_208 = arith.constant 128 : i32
      %mul3A_209 = arith.muli %scan3A_207, %mul3A_208 : i32
      %add3A_210 = arith.constant 0 : i32
      %add3A_211 = arith.addi %add3A_210, %mul3A_209 : i32
      %add3A_212 = arith.constant 0 : i32
      %add3A_213 = arith.addi %add3A_211, %add3A_212 : i32
      %get3A_214 = arith.index_cast %add3A_213 : i32 to index
      %get3A_215 = tpu.vector_load %arg31[%get3A_214] {strides = array<i32>} : memref<10240xf32, #tpu.memory_space<vmem>>, vector<16xf32>,
      %swap3A = arith.index_cast %scan3A_207 : i32 to index
      %swap3A_216 = arith.constant 0 : index
      %swap3A_217 = tpu.vector_load %arg20[%swap3A, %swap3A_216] {strides = array<i32>} : memref<32x128xf32, #tpu.memory_space<vmem>>, vector<16xf32>,
      tpu.vector_store %arg20[%swap3A, %swap3A_216], %get3A_215 {strides = array<i32>} : memref<32x128xf32, #tpu.memory_space<vmem>>, vector<16xf32>,
      %mul3A_218 = arith.constant 128 : i32
      %mul3A_219 = arith.muli %scan3A_207, %mul3A_218 : i32
      %add3A_220 = arith.constant 0 : i32
      %add3A_221 = arith.addi %add3A_220, %mul3A_219 : i32
      %add3A_222 = arith.constant 16 : i32
      %add3A_223 = arith.addi %add3A_221, %add3A_222 : i32
      %get3A_224 = arith.index_cast %add3A_223 : i32 to index
      %get3A_225 = tpu.vector_load %arg31[%get3A_224] {strides = array<i32>} : memref<10240xf32, #tpu.memory_space<vmem>>, vector<16xf32>,
      %swap3A_226 = arith.index_cast %scan3A_207 : i32 to index
      %swap3A_227 = arith.constant 16 : index
      %swap3A_228 = tpu.vector_load %arg20[%swap3A_226, %swap3A_227] {strides = array<i32>} : memref<32x128xf32, #tpu.memory_space<vmem>>, vector<16xf32>,
      tpu.vector_store %arg20[%swap3A_226, %swap3A_227], %get3A_225 {strides = array<i32>} : memref<32x128xf32, #tpu.memory_space<vmem>>, vector<16xf32>,
      %mul3A_229 = arith.constant 128 : i32
      %mul3A_230 = arith.muli %scan3A_207, %mul3A_229 : i32
      %add3A_231 = arith.constant 0 : i32
      %add3A_232 = arith.addi %add3A_231, %mul3A_230 : i32
      %add3A_233 = arith.constant 32 : i32
      %add3A_234 = arith.addi %add3A_232, %add3A_233 : i32
      %get3A_235 = arith.index_cast %add3A_234 : i32 to index
      %get3A_236 = tpu.vector_load %arg31[%get3A_235] {strides = array<i32>} : memref<10240xf32, #tpu.memory_space<vmem>>, vector<16xf32>,
      %swap3A_237 = arith.index_cast %scan3A_207 : i32 to index
      %swap3A_238 = arith.constant 32 : index
      %swap3A_239 = tpu.vector_load %arg20[%swap3A_237, %swap3A_238] {strides = array<i32>} : memref<32x128xf32, #tpu.memory_space<vmem>>, vector<16xf32>,
      tpu.vector_store %arg20[%swap3A_237, %swap3A_238], %get3A_236 {strides = array<i32>} : memref<32x128xf32, #tpu.memory_space<vmem>>, vector<16xf32>,
      %mul3A_240 = arith.constant 128 : i32
      %mul3A_241 = arith.muli %scan3A_207, %mul3A_240 : i32
      %add3A_242 = arith.constant 0 : i32
      %add3A_243 = arith.addi %add3A_242, %mul3A_241 : i32
      %add3A_244 = arith.constant 48 : i32
      %add3A_245 = arith.addi %add3A_243, %add3A_244 : i32
      %get3A_246 = arith.index_cast %add3A_245 : i32 to index
      %get3A_247 = tpu.vector_load %arg31[%get3A_246] {strides = array<i32>} : memref<10240xf32, #tpu.memory_space<vmem>>, vector<16xf32>,
      %swap3A_248 = arith.index_cast %scan3A_207 : i32 to index
      %swap3A_249 = arith.constant 48 : index
      %swap3A_250 = tpu.vector_load %arg20[%swap3A_248, %swap3A_249] {strides = array<i32>} : memref<32x128xf32, #tpu.memory_space<vmem>>, vector<16xf32>,
      tpu.vector_store %arg20[%swap3A_248, %swap3A_249], %get3A_247 {strides = array<i32>} : memref<32x128xf32, #tpu.memory_space<vmem>>, vector<16xf32>,
      %mul3A_251 = arith.constant 128 : i32
      %mul3A_252 = arith.muli %scan3A_207, %mul3A_251 : i32
      %add3A_253 = arith.constant 0 : i32
      %add3A_254 = arith.addi %add3A_253, %mul3A_252 : i32
      %add3A_255 = arith.constant 64 : i32
      %add3A_256 = arith.addi %add3A_254, %add3A_255 : i32
      %get3A_257 = arith.index_cast %add3A_256 : i32 to index
      %get3A_258 = tpu.vector_load %arg31[%get3A_257] {strides = array<i32>} : memref<10240xf32, #tpu.memory_space<vmem>>, vector<16xf32>,
      %swap3A_259 = arith.index_cast %scan3A_207 : i32 to index
      %swap3A_260 = arith.constant 64 : index
      %swap3A_261 = tpu.vector_load %arg20[%swap3A_259, %swap3A_260] {strides = array<i32>} : memref<32x128xf32, #tpu.memory_space<vmem>>, vector<16xf32>,
      tpu.vector_store %arg20[%swap3A_259, %swap3A_260], %get3A_258 {strides = array<i32>} : memref<32x128xf32, #tpu.memory_space<vmem>>, vector<16xf32>,
      %mul3A_262 = arith.constant 128 : i32
      %mul3A_263 = arith.muli %scan3A_207, %mul3A_262 : i32
      %add3A_264 = arith.constant 0 : i32
      %add3A_265 = arith.addi %add3A_264, %mul3A_263 : i32
      %add3A_266 = arith.constant 80 : i32
      %add3A_267 = arith.addi %add3A_265, %add3A_266 : i32
      %get3A_268 = arith.index_cast %add3A_267 : i32 to index
      %get3A_269 = tpu.vector_load %arg31[%get3A_268] {strides = array<i32>} : memref<10240xf32, #tpu.memory_space<vmem>>, vector<16xf32>,
      %swap3A_270 = arith.index_cast %scan3A_207 : i32 to index
      %swap3A_271 = arith.constant 80 : index
      %swap3A_272 = tpu.vector_load %arg20[%swap3A_270, %swap3A_271] {strides = array<i32>} : memref<32x128xf32, #tpu.memory_space<vmem>>, vector<16xf32>,
      tpu.vector_store %arg20[%swap3A_270, %swap3A_271], %get3A_269 {strides = array<i32>} : memref<32x128xf32, #tpu.memory_space<vmem>>, vector<16xf32>,
      %mul3A_273 = arith.constant 128 : i32
      %mul3A_274 = arith.muli %scan3A_207, %mul3A_273 : i32
      %add3A_275 = arith.constant 0 : i32
      %add3A_276 = arith.addi %add3A_275, %mul3A_274 : i32
      %add3A_277 = arith.constant 96 : i32
      %add3A_278 = arith.addi %add3A_276, %add3A_277 : i32
      %get3A_279 = arith.index_cast %add3A_278 : i32 to index
      %get3A_280 = tpu.vector_load %arg31[%get3A_279] {strides = array<i32>} : memref<10240xf32, #tpu.memory_space<vmem>>, vector<16xf32>,
      %swap3A_281 = arith.index_cast %scan3A_207 : i32 to index
      %swap3A_282 = arith.constant 96 : index
      %swap3A_283 = tpu.vector_load %arg20[%swap3A_281, %swap3A_282] {strides = array<i32>} : memref<32x128xf32, #tpu.memory_space<vmem>>, vector<16xf32>,
      tpu.vector_store %arg20[%swap3A_281, %swap3A_282], %get3A_280 {strides = array<i32>} : memref<32x128xf32, #tpu.memory_space<vmem>>, vector<16xf32>,
      %mul3A_284 = arith.constant 128 : i32
      %mul3A_285 = arith.muli %scan3A_207, %mul3A_284 : i32
      %add3A_286 = arith.constant 0 : i32
      %add3A_287 = arith.addi %add3A_286, %mul3A_285 : i32
      %add3A_288 = arith.constant 112 : i32
      %add3A_289 = arith.addi %add3A_287, %add3A_288 : i32
      %get3A_290 = arith.index_cast %add3A_289 : i32 to index
      %get3A_291 = tpu.vector_load %arg31[%get3A_290] {strides = array<i32>} : memref<10240xf32, #tpu.memory_space<vmem>>, vector<16xf32>,
      %swap3A_292 = arith.index_cast %scan3A_207 : i32 to index
      %swap3A_293 = arith.constant 112 : index
      %swap3A_294 = tpu.vector_load %arg20[%swap3A_292, %swap3A_293] {strides = array<i32>} : memref<32x128xf32, #tpu.memory_space<vmem>>, vector<16xf32>,
      tpu.vector_store %arg20[%swap3A_292, %swap3A_293], %get3A_291 {strides = array<i32>} : memref<32x128xf32, #tpu.memory_space<vmem>>, vector<16xf32>,
    }
    %scan3A_194 = arith.constant 32 : i32
    "tpu.region"() ({
      %run_scoped3A = tpu.sem_alloc : memref<!tpu.dma_semaphore, #tpu.memory_space<semaphore_mem>>
      %dma_start3A_207 = arith.constant 0 : i32
      %dma_start3A_208 = arith.constant 0 : i32
      %dma_start3A_209 = tpu.memref_slice %arg10[%add3A, %dma_start3A_207, %dma_start3A_208] : memref<32x80x128xf32, #tpu.memory_space<hbm>> -> memref<1x32x128xf32, #tpu.memory_space<hbm>>
      %dma_start3A_210 = tpu.memref_squeeze %dma_start3A_209 : memref<1x32x128xf32, #tpu.memory_space<hbm>> -> memref<32x128xf32, #tpu.memory_space<hbm>>
      %dma_start3A_211 = arith.constant 0 : i32
      %dma_start3A_212 = arith.constant 0 : i32
      %dma_start3A_213 = tpu.memref_slice %arg10[%add3A, %dma_start3A_211, %dma_start3A_212] : memref<32x80x128xf32, #tpu.memory_space<hbm>> -> memref<1x32x128xf32, #tpu.memory_space<hbm>>
      %dma_start3A_214 = tpu.memref_squeeze %dma_start3A_213 : memref<1x32x128xf32, #tpu.memory_space<hbm>> -> memref<32x128xf32, #tpu.memory_space<hbm>>
      tpu.enqueue_dma source(%arg20 : memref<32x128xf32, #tpu.memory_space<vmem>>) target(%dma_start3A_214 : memref<32x128xf32, #tpu.memory_space<hbm>>) target_semaphore(%run_scoped3A : memref<!tpu.dma_semaphore, #tpu.memory_space<semaphore_mem>>)
      %dma_wait3A_215 = arith.constant 0 : i32
      %dma_wait3A_216 = arith.constant 0 : i32
      %dma_wait3A_217 = tpu.memref_slice %arg10[%add3A, %dma_wait3A_215, %dma_wait3A_216] : memref<32x80x128xf32, #tpu.memory_space<hbm>> -> memref<1x32x128xf32, #tpu.memory_space<hbm>>
      %dma_wait3A_218 = tpu.memref_squeeze %dma_wait3A_217 : memref<1x32x128xf32, #tpu.memory_space<hbm>> -> memref<32x128xf32, #tpu.memory_space<hbm>>
      %dma_wait3A_219 = arith.constant 0 : i32
      %dma_wait3A_220 = arith.constant 0 : i32
      %dma_wait3A_221 = tpu.memref_slice %arg10[%add3A, %dma_wait3A_219, %dma_wait3A_220] : memref<32x80x128xf32, #tpu.memory_space<hbm>> -> memref<1x32x128xf32, #tpu.memory_space<hbm>>
      %dma_wait3A_222 = tpu.memref_squeeze %dma_wait3A_221 : memref<1x32x128xf32, #tpu.memory_space<hbm>> -> memref<32x128xf32, #tpu.memory_space<hbm>>
      tpu.wait_dma2 semaphore(%run_scoped3A : memref<!tpu.dma_semaphore, #tpu.memory_space<semaphore_mem>>) src(%arg20 : memref<32x128xf32, #tpu.memory_space<vmem>>) dst(%dma_wait3A_222 : memref<32x128xf32, #tpu.memory_space<hbm>>)
      tpu.yield
    }) : () -> ()
    %scan3A_195 = arith.constant 0 : i32
    %scan3A_196 = arith.constant 0 : i32
    %scan3A_197 = arith.constant 32 : i32
    %scan3A_198 = arith.addi %scan3A_196, %scan3A_197 : i32
    %scan3A_199 = arith.constant 1 : i32
    scf.for %scan3A_207 = %scan3A_196 to %scan3A_198 step %scan3A_199  : i32 {
      %mul3A_208 = arith.constant 128 : i32
      %mul3A_209 = arith.muli %scan3A_207, %mul3A_208 : i32
      %add3A_210 = arith.constant 4096 : i32
      %add3A_211 = arith.addi %add3A_210, %mul3A_209 : i32
      %add3A_212 = arith.constant 0 : i32
      %add3A_213 = arith.addi %add3A_211, %add3A_212 : i32
      %get3A_214 = arith.index_cast %add3A_213 : i32 to index
      %get3A_215 = tpu.vector_load %arg31[%get3A_214] {strides = array<i32>} : memref<10240xf32, #tpu.memory_space<vmem>>, vector<16xf32>,
      %swap3A = arith.index_cast %scan3A_207 : i32 to index
      %swap3A_216 = arith.constant 0 : index
      %swap3A_217 = tpu.vector_load %arg20[%swap3A, %swap3A_216] {strides = array<i32>} : memref<32x128xf32, #tpu.memory_space<vmem>>, vector<16xf32>,
      tpu.vector_store %arg20[%swap3A, %swap3A_216], %get3A_215 {strides = array<i32>} : memref<32x128xf32, #tpu.memory_space<vmem>>, vector<16xf32>,
      %mul3A_218 = arith.constant 128 : i32
      %mul3A_219 = arith.muli %scan3A_207, %mul3A_218 : i32
      %add3A_220 = arith.constant 4096 : i32
      %add3A_221 = arith.addi %add3A_220, %mul3A_219 : i32
      %add3A_222 = arith.constant 16 : i32
      %add3A_223 = arith.addi %add3A_221, %add3A_222 : i32
      %get3A_224 = arith.index_cast %add3A_223 : i32 to index
      %get3A_225 = tpu.vector_load %arg31[%get3A_224] {strides = array<i32>} : memref<10240xf32, #tpu.memory_space<vmem>>, vector<16xf32>,
      %swap3A_226 = arith.index_cast %scan3A_207 : i32 to index
      %swap3A_227 = arith.constant 16 : index
      %swap3A_228 = tpu.vector_load %arg20[%swap3A_226, %swap3A_227] {strides = array<i32>} : memref<32x128xf32, #tpu.memory_space<vmem>>, vector<16xf32>,
      tpu.vector_store %arg20[%swap3A_226, %swap3A_227], %get3A_225 {strides = array<i32>} : memref<32x128xf32, #tpu.memory_space<vmem>>, vector<16xf32>,
      %mul3A_229 = arith.constant 128 : i32
      %mul3A_230 = arith.muli %scan3A_207, %mul3A_229 : i32
      %add3A_231 = arith.constant 4096 : i32
      %add3A_232 = arith.addi %add3A_231, %mul3A_230 : i32
      %add3A_233 = arith.constant 32 : i32
      %add3A_234 = arith.addi %add3A_232, %add3A_233 : i32
      %get3A_235 = arith.index_cast %add3A_234 : i32 to index
      %get3A_236 = tpu.vector_load %arg31[%get3A_235] {strides = array<i32>} : memref<10240xf32, #tpu.memory_space<vmem>>, vector<16xf32>,
      %swap3A_237 = arith.index_cast %scan3A_207 : i32 to index
      %swap3A_238 = arith.constant 32 : index
      %swap3A_239 = tpu.vector_load %arg20[%swap3A_237, %swap3A_238] {strides = array<i32>} : memref<32x128xf32, #tpu.memory_space<vmem>>, vector<16xf32>,
      tpu.vector_store %arg20[%swap3A_237, %swap3A_238], %get3A_236 {strides = array<i32>} : memref<32x128xf32, #tpu.memory_space<vmem>>, vector<16xf32>,
      %mul3A_240 = arith.constant 128 : i32
      %mul3A_241 = arith.muli %scan3A_207, %mul3A_240 : i32
      %add3A_242 = arith.constant 4096 : i32
      %add3A_243 = arith.addi %add3A_242, %mul3A_241 : i32
      %add3A_244 = arith.constant 48 : i32
      %add3A_245 = arith.addi %add3A_243, %add3A_244 : i32
      %get3A_246 = arith.index_cast %add3A_245 : i32 to index
      %get3A_247 = tpu.vector_load %arg31[%get3A_246] {strides = array<i32>} : memref<10240xf32, #tpu.memory_space<vmem>>, vector<16xf32>,
      %swap3A_248 = arith.index_cast %scan3A_207 : i32 to index
      %swap3A_249 = arith.constant 48 : index
      %swap3A_250 = tpu.vector_load %arg20[%swap3A_248, %swap3A_249] {strides = array<i32>} : memref<32x128xf32, #tpu.memory_space<vmem>>, vector<16xf32>,
      tpu.vector_store %arg20[%swap3A_248, %swap3A_249], %get3A_247 {strides = array<i32>} : memref<32x128xf32, #tpu.memory_space<vmem>>, vector<16xf32>,
      %mul3A_251 = arith.constant 128 : i32
      %mul3A_252 = arith.muli %scan3A_207, %mul3A_251 : i32
      %add3A_253 = arith.constant 4096 : i32
      %add3A_254 = arith.addi %add3A_253, %mul3A_252 : i32
      %add3A_255 = arith.constant 64 : i32
      %add3A_256 = arith.addi %add3A_254, %add3A_255 : i32
      %get3A_257 = arith.index_cast %add3A_256 : i32 to index
      %get3A_258 = tpu.vector_load %arg31[%get3A_257] {strides = array<i32>} : memref<10240xf32, #tpu.memory_space<vmem>>, vector<16xf32>,
      %swap3A_259 = arith.index_cast %scan3A_207 : i32 to index
      %swap3A_260 = arith.constant 64 : index
      %swap3A_261 = tpu.vector_load %arg20[%swap3A_259, %swap3A_260] {strides = array<i32>} : memref<32x128xf32, #tpu.memory_space<vmem>>, vector<16xf32>,
      tpu.vector_store %arg20[%swap3A_259, %swap3A_260], %get3A_258 {strides = array<i32>} : memref<32x128xf32, #tpu.memory_space<vmem>>, vector<16xf32>,
      %mul3A_262 = arith.constant 128 : i32
      %mul3A_263 = arith.muli %scan3A_207, %mul3A_262 : i32
      %add3A_264 = arith.constant 4096 : i32
      %add3A_265 = arith.addi %add3A_264, %mul3A_263 : i32
      %add3A_266 = arith.constant 80 : i32
      %add3A_267 = arith.addi %add3A_265, %add3A_266 : i32
      %get3A_268 = arith.index_cast %add3A_267 : i32 to index
      %get3A_269 = tpu.vector_load %arg31[%get3A_268] {strides = array<i32>} : memref<10240xf32, #tpu.memory_space<vmem>>, vector<16xf32>,
      %swap3A_270 = arith.index_cast %scan3A_207 : i32 to index
      %swap3A_271 = arith.constant 80 : index
      %swap3A_272 = tpu.vector_load %arg20[%swap3A_270, %swap3A_271] {strides = array<i32>} : memref<32x128xf32, #tpu.memory_space<vmem>>, vector<16xf32>,
      tpu.vector_store %arg20[%swap3A_270, %swap3A_271], %get3A_269 {strides = array<i32>} : memref<32x128xf32, #tpu.memory_space<vmem>>, vector<16xf32>,
      %mul3A_273 = arith.constant 128 : i32
      %mul3A_274 = arith.muli %scan3A_207, %mul3A_273 : i32
      %add3A_275 = arith.constant 4096 : i32
      %add3A_276 = arith.addi %add3A_275, %mul3A_274 : i32
      %add3A_277 = arith.constant 96 : i32
      %add3A_278 = arith.addi %add3A_276, %add3A_277 : i32
      %get3A_279 = arith.index_cast %add3A_278 : i32 to index
      %get3A_280 = tpu.vector_load %arg31[%get3A_279] {strides = array<i32>} : memref<10240xf32, #tpu.memory_space<vmem>>, vector<16xf32>,
      %swap3A_281 = arith.index_cast %scan3A_207 : i32 to index
      %swap3A_282 = arith.constant 96 : index
      %swap3A_283 = tpu.vector_load %arg20[%swap3A_281, %swap3A_282] {strides = array<i32>} : memref<32x128xf32, #tpu.memory_space<vmem>>, vector<16xf32>,
      tpu.vector_store %arg20[%swap3A_281, %swap3A_282], %get3A_280 {strides = array<i32>} : memref<32x128xf32, #tpu.memory_space<vmem>>, vector<16xf32>,
      %mul3A_284 = arith.constant 128 : i32
      %mul3A_285 = arith.muli %scan3A_207, %mul3A_284 : i32
      %add3A_286 = arith.constant 4096 : i32
      %add3A_287 = arith.addi %add3A_286, %mul3A_285 : i32
      %add3A_288 = arith.constant 112 : i32
      %add3A_289 = arith.addi %add3A_287, %add3A_288 : i32
      %get3A_290 = arith.index_cast %add3A_289 : i32 to index
      %get3A_291 = tpu.vector_load %arg31[%get3A_290] {strides = array<i32>} : memref<10240xf32, #tpu.memory_space<vmem>>, vector<16xf32>,
      %swap3A_292 = arith.index_cast %scan3A_207 : i32 to index
      %swap3A_293 = arith.constant 112 : index
      %swap3A_294 = tpu.vector_load %arg20[%swap3A_292, %swap3A_293] {strides = array<i32>} : memref<32x128xf32, #tpu.memory_space<vmem>>, vector<16xf32>,
      tpu.vector_store %arg20[%swap3A_292, %swap3A_293], %get3A_291 {strides = array<i32>} : memref<32x128xf32, #tpu.memory_space<vmem>>, vector<16xf32>,
    }
    %scan3A_200 = arith.constant 32 : i32
    "tpu.region"() ({
      %run_scoped3A = tpu.sem_alloc : memref<!tpu.dma_semaphore, #tpu.memory_space<semaphore_mem>>
      %dma_start3A_207 = arith.constant 32 : i32
      %dma_start3A_208 = arith.constant 0 : i32
      %dma_start3A_209 = tpu.memref_slice %arg10[%add3A, %dma_start3A_207, %dma_start3A_208] : memref<32x80x128xf32, #tpu.memory_space<hbm>> -> memref<1x32x128xf32, #tpu.memory_space<hbm>>
      %dma_start3A_210 = tpu.memref_squeeze %dma_start3A_209 : memref<1x32x128xf32, #tpu.memory_space<hbm>> -> memref<32x128xf32, #tpu.memory_space<hbm>>
      %dma_start3A_211 = arith.constant 32 : i32
      %dma_start3A_212 = arith.constant 0 : i32
      %dma_start3A_213 = tpu.memref_slice %arg10[%add3A, %dma_start3A_211, %dma_start3A_212] : memref<32x80x128xf32, #tpu.memory_space<hbm>> -> memref<1x32x128xf32, #tpu.memory_space<hbm>>
      %dma_start3A_214 = tpu.memref_squeeze %dma_start3A_213 : memref<1x32x128xf32, #tpu.memory_space<hbm>> -> memref<32x128xf32, #tpu.memory_space<hbm>>
      tpu.enqueue_dma source(%arg20 : memref<32x128xf32, #tpu.memory_space<vmem>>) target(%dma_start3A_214 : memref<32x128xf32, #tpu.memory_space<hbm>>) target_semaphore(%run_scoped3A : memref<!tpu.dma_semaphore, #tpu.memory_space<semaphore_mem>>)
      %dma_wait3A_215 = arith.constant 32 : i32
      %dma_wait3A_216 = arith.constant 0 : i32
      %dma_wait3A_217 = tpu.memref_slice %arg10[%add3A, %dma_wait3A_215, %dma_wait3A_216] : memref<32x80x128xf32, #tpu.memory_space<hbm>> -> memref<1x32x128xf32, #tpu.memory_space<hbm>>
      %dma_wait3A_218 = tpu.memref_squeeze %dma_wait3A_217 : memref<1x32x128xf32, #tpu.memory_space<hbm>> -> memref<32x128xf32, #tpu.memory_space<hbm>>
      %dma_wait3A_219 = arith.constant 32 : i32
      %dma_wait3A_220 = arith.constant 0 : i32
      %dma_wait3A_221 = tpu.memref_slice %arg10[%add3A, %dma_wait3A_219, %dma_wait3A_220] : memref<32x80x128xf32, #tpu.memory_space<hbm>> -> memref<1x32x128xf32, #tpu.memory_space<hbm>>
      %dma_wait3A_222 = tpu.memref_squeeze %dma_wait3A_221 : memref<1x32x128xf32, #tpu.memory_space<hbm>> -> memref<32x128xf32, #tpu.memory_space<hbm>>
      tpu.wait_dma2 semaphore(%run_scoped3A : memref<!tpu.dma_semaphore, #tpu.memory_space<semaphore_mem>>) src(%arg20 : memref<32x128xf32, #tpu.memory_space<vmem>>) dst(%dma_wait3A_222 : memref<32x128xf32, #tpu.memory_space<hbm>>)
      tpu.yield
    }) : () -> ()
    %scan3A_201 = arith.constant 0 : i32
    %scan3A_202 = arith.constant 0 : i32
    %scan3A_203 = arith.constant 16 : i32
    %scan3A_204 = arith.addi %scan3A_202, %scan3A_203 : i32
    %scan3A_205 = arith.constant 1 : i32
    scf.for %scan3A_207 = %scan3A_202 to %scan3A_204 step %scan3A_205  : i32 {
      %mul3A_208 = arith.constant 128 : i32
      %mul3A_209 = arith.muli %scan3A_207, %mul3A_208 : i32
      %add3A_210 = arith.constant 8192 : i32
      %add3A_211 = arith.addi %add3A_210, %mul3A_209 : i32
      %add3A_212 = arith.constant 0 : i32
      %add3A_213 = arith.addi %add3A_211, %add3A_212 : i32
      %get3A_214 = arith.index_cast %add3A_213 : i32 to index
      %get3A_215 = tpu.vector_load %arg31[%get3A_214] {strides = array<i32>} : memref<10240xf32, #tpu.memory_space<vmem>>, vector<16xf32>,
      %swap3A = arith.index_cast %scan3A_207 : i32 to index
      %swap3A_216 = arith.constant 0 : index
      %swap3A_217 = tpu.vector_load %arg20[%swap3A, %swap3A_216] {strides = array<i32>} : memref<32x128xf32, #tpu.memory_space<vmem>>, vector<16xf32>,
      tpu.vector_store %arg20[%swap3A, %swap3A_216], %get3A_215 {strides = array<i32>} : memref<32x128xf32, #tpu.memory_space<vmem>>, vector<16xf32>,
      %mul3A_218 = arith.constant 128 : i32
      %mul3A_219 = arith.muli %scan3A_207, %mul3A_218 : i32
      %add3A_220 = arith.constant 8192 : i32
      %add3A_221 = arith.addi %add3A_220, %mul3A_219 : i32
      %add3A_222 = arith.constant 16 : i32
      %add3A_223 = arith.addi %add3A_221, %add3A_222 : i32
      %get3A_224 = arith.index_cast %add3A_223 : i32 to index
      %get3A_225 = tpu.vector_load %arg31[%get3A_224] {strides = array<i32>} : memref<10240xf32, #tpu.memory_space<vmem>>, vector<16xf32>,
      %swap3A_226 = arith.index_cast %scan3A_207 : i32 to index
      %swap3A_227 = arith.constant 16 : index
      %swap3A_228 = tpu.vector_load %arg20[%swap3A_226, %swap3A_227] {strides = array<i32>} : memref<32x128xf32, #tpu.memory_space<vmem>>, vector<16xf32>,
      tpu.vector_store %arg20[%swap3A_226, %swap3A_227], %get3A_225 {strides = array<i32>} : memref<32x128xf32, #tpu.memory_space<vmem>>, vector<16xf32>,
      %mul3A_229 = arith.constant 128 : i32
      %mul3A_230 = arith.muli %scan3A_207, %mul3A_229 : i32
      %add3A_231 = arith.constant 8192 : i32
      %add3A_232 = arith.addi %add3A_231, %mul3A_230 : i32
      %add3A_233 = arith.constant 32 : i32
      %add3A_234 = arith.addi %add3A_232, %add3A_233 : i32
      %get3A_235 = arith.index_cast %add3A_234 : i32 to index
      %get3A_236 = tpu.vector_load %arg31[%get3A_235] {strides = array<i32>} : memref<10240xf32, #tpu.memory_space<vmem>>, vector<16xf32>,
      %swap3A_237 = arith.index_cast %scan3A_207 : i32 to index
      %swap3A_238 = arith.constant 32 : index
      %swap3A_239 = tpu.vector_load %arg20[%swap3A_237, %swap3A_238] {strides = array<i32>} : memref<32x128xf32, #tpu.memory_space<vmem>>, vector<16xf32>,
      tpu.vector_store %arg20[%swap3A_237, %swap3A_238], %get3A_236 {strides = array<i32>} : memref<32x128xf32, #tpu.memory_space<vmem>>, vector<16xf32>,
      %mul3A_240 = arith.constant 128 : i32
      %mul3A_241 = arith.muli %scan3A_207, %mul3A_240 : i32
      %add3A_242 = arith.constant 8192 : i32
      %add3A_243 = arith.addi %add3A_242, %mul3A_241 : i32
      %add3A_244 = arith.constant 48 : i32
      %add3A_245 = arith.addi %add3A_243, %add3A_244 : i32
      %get3A_246 = arith.index_cast %add3A_245 : i32 to index
      %get3A_247 = tpu.vector_load %arg31[%get3A_246] {strides = array<i32>} : memref<10240xf32, #tpu.memory_space<vmem>>, vector<16xf32>,
      %swap3A_248 = arith.index_cast %scan3A_207 : i32 to index
      %swap3A_249 = arith.constant 48 : index
      %swap3A_250 = tpu.vector_load %arg20[%swap3A_248, %swap3A_249] {strides = array<i32>} : memref<32x128xf32, #tpu.memory_space<vmem>>, vector<16xf32>,
      tpu.vector_store %arg20[%swap3A_248, %swap3A_249], %get3A_247 {strides = array<i32>} : memref<32x128xf32, #tpu.memory_space<vmem>>, vector<16xf32>,
      %mul3A_251 = arith.constant 128 : i32
      %mul3A_252 = arith.muli %scan3A_207, %mul3A_251 : i32
      %add3A_253 = arith.constant 8192 : i32
      %add3A_254 = arith.addi %add3A_253, %mul3A_252 : i32
      %add3A_255 = arith.constant 64 : i32
      %add3A_256 = arith.addi %add3A_254, %add3A_255 : i32
      %get3A_257 = arith.index_cast %add3A_256 : i32 to index
      %get3A_258 = tpu.vector_load %arg31[%get3A_257] {strides = array<i32>} : memref<10240xf32, #tpu.memory_space<vmem>>, vector<16xf32>,
      %swap3A_259 = arith.index_cast %scan3A_207 : i32 to index
      %swap3A_260 = arith.constant 64 : index
      %swap3A_261 = tpu.vector_load %arg20[%swap3A_259, %swap3A_260] {strides = array<i32>} : memref<32x128xf32, #tpu.memory_space<vmem>>, vector<16xf32>,
      tpu.vector_store %arg20[%swap3A_259, %swap3A_260], %get3A_258 {strides = array<i32>} : memref<32x128xf32, #tpu.memory_space<vmem>>, vector<16xf32>,
      %mul3A_262 = arith.constant 128 : i32
      %mul3A_263 = arith.muli %scan3A_207, %mul3A_262 : i32
      %add3A_264 = arith.constant 8192 : i32
      %add3A_265 = arith.addi %add3A_264, %mul3A_263 : i32
      %add3A_266 = arith.constant 80 : i32
      %add3A_267 = arith.addi %add3A_265, %add3A_266 : i32
      %get3A_268 = arith.index_cast %add3A_267 : i32 to index
      %get3A_269 = tpu.vector_load %arg31[%get3A_268] {strides = array<i32>} : memref<10240xf32, #tpu.memory_space<vmem>>, vector<16xf32>,
      %swap3A_270 = arith.index_cast %scan3A_207 : i32 to index
      %swap3A_271 = arith.constant 80 : index
      %swap3A_272 = tpu.vector_load %arg20[%swap3A_270, %swap3A_271] {strides = array<i32>} : memref<32x128xf32, #tpu.memory_space<vmem>>, vector<16xf32>,
      tpu.vector_store %arg20[%swap3A_270, %swap3A_271], %get3A_269 {strides = array<i32>} : memref<32x128xf32, #tpu.memory_space<vmem>>, vector<16xf32>,
      %mul3A_273 = arith.constant 128 : i32
      %mul3A_274 = arith.muli %scan3A_207, %mul3A_273 : i32
      %add3A_275 = arith.constant 8192 : i32
      %add3A_276 = arith.addi %add3A_275, %mul3A_274 : i32
      %add3A_277 = arith.constant 96 : i32
      %add3A_278 = arith.addi %add3A_276, %add3A_277 : i32
      %get3A_279 = arith.index_cast %add3A_278 : i32 to index
      %get3A_280 = tpu.vector_load %arg31[%get3A_279] {strides = array<i32>} : memref<10240xf32, #tpu.memory_space<vmem>>, vector<16xf32>,
      %swap3A_281 = arith.index_cast %scan3A_207 : i32 to index
      %swap3A_282 = arith.constant 96 : index
      %swap3A_283 = tpu.vector_load %arg20[%swap3A_281, %swap3A_282] {strides = array<i32>} : memref<32x128xf32, #tpu.memory_space<vmem>>, vector<16xf32>,
      tpu.vector_store %arg20[%swap3A_281, %swap3A_282], %get3A_280 {strides = array<i32>} : memref<32x128xf32, #tpu.memory_space<vmem>>, vector<16xf32>,
      %mul3A_284 = arith.constant 128 : i32
      %mul3A_285 = arith.muli %scan3A_207, %mul3A_284 : i32
      %add3A_286 = arith.constant 8192 : i32
      %add3A_287 = arith.addi %add3A_286, %mul3A_285 : i32
      %add3A_288 = arith.constant 112 : i32
      %add3A_289 = arith.addi %add3A_287, %add3A_288 : i32
      %get3A_290 = arith.index_cast %add3A_289 : i32 to index
      %get3A_291 = tpu.vector_load %arg31[%get3A_290] {strides = array<i32>} : memref<10240xf32, #tpu.memory_space<vmem>>, vector<16xf32>,
      %swap3A_292 = arith.index_cast %scan3A_207 : i32 to index
      %swap3A_293 = arith.constant 112 : index
      %swap3A_294 = tpu.vector_load %arg20[%swap3A_292, %swap3A_293] {strides = array<i32>} : memref<32x128xf32, #tpu.memory_space<vmem>>, vector<16xf32>,
      tpu.vector_store %arg20[%swap3A_292, %swap3A_293], %get3A_291 {strides = array<i32>} : memref<32x128xf32, #tpu.memory_space<vmem>>, vector<16xf32>,
    }
    %scan3A_206 = arith.constant 16 : i32
    "tpu.region"() ({
      %run_scoped3A = tpu.sem_alloc : memref<!tpu.dma_semaphore, #tpu.memory_space<semaphore_mem>>
      %dma_start3A_207 = arith.constant 0 : i32
      %dma_start3A_208 = arith.constant 0 : i32
      %dma_start3A_209 = tpu.memref_slice %arg20[%dma_start3A_207, %dma_start3A_208] : memref<32x128xf32, #tpu.memory_space<vmem>> -> memref<16x128xf32, #tpu.memory_space<vmem>>
      %dma_start3A_210 = arith.constant 64 : i32
      %dma_start3A_211 = arith.constant 0 : i32
      %dma_start3A_212 = tpu.memref_slice %arg10[%add3A, %dma_start3A_210, %dma_start3A_211] : memref<32x80x128xf32, #tpu.memory_space<hbm>> -> memref<1x16x128xf32, #tpu.memory_space<hbm>>
      %dma_start3A_213 = tpu.memref_squeeze %dma_start3A_212 : memref<1x16x128xf32, #tpu.memory_space<hbm>> -> memref<16x128xf32, #tpu.memory_space<hbm>>
      %dma_start3A_214 = arith.constant 64 : i32
      %dma_start3A_215 = arith.constant 0 : i32
      %dma_start3A_216 = tpu.memref_slice %arg10[%add3A, %dma_start3A_214, %dma_start3A_215] : memref<32x80x128xf32, #tpu.memory_space<hbm>> -> memref<1x16x128xf32, #tpu.memory_space<hbm>>
      %dma_start3A_217 = tpu.memref_squeeze %dma_start3A_216 : memref<1x16x128xf32, #tpu.memory_space<hbm>> -> memref<16x128xf32, #tpu.memory_space<hbm>>
      %dma_start3A_218 = arith.constant 0 : i32
      %dma_start3A_219 = arith.constant 0 : i32
      %dma_start3A_220 = tpu.memref_slice %arg20[%dma_start3A_218, %dma_start3A_219] : memref<32x128xf32, #tpu.memory_space<vmem>> -> memref<16x128xf32, #tpu.memory_space<vmem>>
      tpu.enqueue_dma source(%dma_start3A_220 : memref<16x128xf32, #tpu.memory_space<vmem>>) target(%dma_start3A_217 : memref<16x128xf32, #tpu.memory_space<hbm>>) target_semaphore(%run_scoped3A : memref<!tpu.dma_semaphore, #tpu.memory_space<semaphore_mem>>)
      %dma_wait3A_221 = arith.constant 0 : i32
      %dma_wait3A_222 = arith.constant 0 : i32
      %dma_wait3A_223 = tpu.memref_slice %arg20[%dma_wait3A_221, %dma_wait3A_222] : memref<32x128xf32, #tpu.memory_space<vmem>> -> memref<16x128xf32, #tpu.memory_space<vmem>>
      %dma_wait3A_224 = arith.constant 64 : i32
      %dma_wait3A_225 = arith.constant 0 : i32
      %dma_wait3A_226 = tpu.memref_slice %arg10[%add3A, %dma_wait3A_224, %dma_wait3A_225] : memref<32x80x128xf32, #tpu.memory_space<hbm>> -> memref<1x16x128xf32, #tpu.memory_space<hbm>>
      %dma_wait3A_227 = tpu.memref_squeeze %dma_wait3A_226 : memref<1x16x128xf32, #tpu.memory_space<hbm>> -> memref<16x128xf32, #tpu.memory_space<hbm>>
      %dma_wait3A_228 = arith.constant 64 : i32
      %dma_wait3A_229 = arith.constant 0 : i32
      %dma_wait3A_230 = tpu.memref_slice %arg10[%add3A, %dma_wait3A_228, %dma_wait3A_229] : memref<32x80x128xf32, #tpu.memory_space<hbm>> -> memref<1x16x128xf32, #tpu.memory_space<hbm>>
      %dma_wait3A_231 = tpu.memref_squeeze %dma_wait3A_230 : memref<1x16x128xf32, #tpu.memory_space<hbm>> -> memref<16x128xf32, #tpu.memory_space<hbm>>
      %dma_wait3A_232 = arith.constant 0 : i32
      %dma_wait3A_233 = arith.constant 0 : i32
      %dma_wait3A_234 = tpu.memref_slice %arg20[%dma_wait3A_232, %dma_wait3A_233] : memref<32x128xf32, #tpu.memory_space<vmem>> -> memref<16x128xf32, #tpu.memory_space<vmem>>
      tpu.wait_dma2 semaphore(%run_scoped3A : memref<!tpu.dma_semaphore, #tpu.memory_space<semaphore_mem>>) src(%dma_wait3A_234 : memref<16x128xf32, #tpu.memory_space<vmem>>) dst(%dma_wait3A_231 : memref<16x128xf32, #tpu.memory_space<hbm>>)
      tpu.yield
    }) : () -> ()
    return
  }
}

module attributes {stable_mosaic.version = 14 : i64} {
  func.func @_tables_body(%arg0: i32, %arg1: memref<2000x256xf32, #tpu.memory_space<vmem>>, %arg2: memref<128x128xf32, #tpu.memory_space<vmem>>, %arg3: memref<128x128xf32, #tpu.memory_space<vmem>>, %arg4: memref<1x128xf32, #tpu.memory_space<vmem>>, %arg5: memref<2000x128xf32, #tpu.memory_space<vmem>>, %arg6: memref<2000x128xf32, #tpu.memory_space<vmem>>) attributes {dimension_semantics = [#tpu.dimension_semantics<arbitrary>], iteration_bounds = array<i64: 5>, scalar_prefetch = 0 : i64, scratch_operands = 0 : i64, tpu.core_type = #tpu.core_type<tc>, window_params = [{transform_indices = @transform_0, window_bounds = array<i64: 2000, 256>}, {pipeline_mode = #tpu.pipeline_mode<synchronous>, transform_indices = @transform_1, window_bounds = array<i64: 128, 128>}, {pipeline_mode = #tpu.pipeline_mode<synchronous>, transform_indices = @transform_2, window_bounds = array<i64: 128, 128>}, {pipeline_mode = #tpu.pipeline_mode<synchronous>, transform_indices = @transform_3, window_bounds = array<i64: 1, 128>}, {transform_indices = @transform_4, window_bounds = array<i64: 2000, 128>}, {transform_indices = @transform_5, window_bounds = array<i64: 2000, 128>}]} {
    %get3A = arith.constant 0 : index
    %get3A_0 = arith.constant 0 : index
    %get3A_1 = vector.load %arg1[%get3A, %get3A_0] : memref<2000x256xf32, #tpu.memory_space<vmem>>, vector<2000x128xf32>
    %get3A_2 = arith.constant 0 : index
    %get3A_3 = arith.constant 0 : index
    %get3A_4 = vector.load %arg3[%get3A_2, %get3A_3] : memref<128x128xf32, #tpu.memory_space<vmem>>, vector<128x128xf32>
    %get3A_5 = arith.constant 0 : index
    %get3A_6 = arith.constant 0 : index
    %get3A_7 = vector.load %arg2[%get3A_5, %get3A_6] : memref<128x128xf32, #tpu.memory_space<vmem>>, vector<128x128xf32>
    %sub3A = arith.subf %get3A_7, %get3A_4 : vector<128x128xf32>
    %dot_general3A = arith.constant dense<0.000000e+00> : vector<2000x128xf32>
    %dot_general3A_8 = tpu.matmul %get3A_1, %sub3A, %dot_general3A {dimension_numbers = #tpu.dot_dimension_numbers<[1], [0], [0], [1], [0, 0, 1, 1], [], []>, transpose_lhs_hint = false} : vector<2000x128xf32>, vector<128x128xf32>, vector<2000x128xf32> -> vector<2000x128xf32>
    %get3A_9 = arith.constant 0 : index
    %get3A_10 = arith.constant 0 : index
    %get3A_11 = vector.load %arg4[%get3A_9, %get3A_10] : memref<1x128xf32, #tpu.memory_space<vmem>>, vector<1x128xf32>
    %add3A = vector.broadcast %get3A_11 : vector<1x128xf32> to vector<2000x128xf32>
    %add3A_12 = arith.addf %dot_general3A_8, %add3A : vector<2000x128xf32>
    %swap3A = arith.constant 0 : index
    %swap3A_13 = arith.constant 0 : index
    %swap3A_14 = vector.load %arg5[%swap3A, %swap3A_13] : memref<2000x128xf32, #tpu.memory_space<vmem>>, vector<2000x128xf32>
    tpu.vector_store %arg5[%swap3A, %swap3A_13], %add3A_12 {strides = array<i32>} : memref<2000x128xf32, #tpu.memory_space<vmem>>, vector<2000x128xf32>,
    %dot_general3A_15 = arith.constant dense<0.000000e+00> : vector<2000x128xf32>
    %dot_general3A_16 = tpu.matmul %get3A_1, %get3A_4, %dot_general3A_15 {dimension_numbers = #tpu.dot_dimension_numbers<[1], [0], [0], [1], [0, 0, 1, 1], [], []>, transpose_lhs_hint = false} : vector<2000x128xf32>, vector<128x128xf32>, vector<2000x128xf32> -> vector<2000x128xf32>
    %swap3A_17 = arith.constant 0 : index
    %swap3A_18 = arith.constant 0 : index
    %swap3A_19 = vector.load %arg6[%swap3A_17, %swap3A_18] : memref<2000x128xf32, #tpu.memory_space<vmem>>, vector<2000x128xf32>
    tpu.vector_store %arg6[%swap3A_17, %swap3A_18], %dot_general3A_16 {strides = array<i32>} : memref<2000x128xf32, #tpu.memory_space<vmem>>, vector<2000x128xf32>,
    return
  }
  func.func @transform_0(%arg0: i32) -> (i32, i32) {
    %c0_i32 = arith.constant 0 : i32
    %c0_i32_0 = arith.constant 0 : i32
    return %arg0, %c0_i32 : i32, i32
  }
  func.func @transform_1(%arg0: i32) -> (i32, i32) {
    %c0_i32 = arith.constant 0 : i32
    %c0_i32_0 = arith.constant 0 : i32
    %c0_i32_1 = arith.constant 0 : i32
    return %c0_i32, %c0_i32_0 : i32, i32
  }
  func.func @transform_2(%arg0: i32) -> (i32, i32) {
    %c0_i32 = arith.constant 0 : i32
    %c0_i32_0 = arith.constant 0 : i32
    %c0_i32_1 = arith.constant 0 : i32
    return %c0_i32, %c0_i32_0 : i32, i32
  }
  func.func @transform_3(%arg0: i32) -> (i32, i32) {
    %c0_i32 = arith.constant 0 : i32
    %c0_i32_0 = arith.constant 0 : i32
    %c0_i32_1 = arith.constant 0 : i32
    return %c0_i32, %c0_i32_0 : i32, i32
  }
  func.func @transform_4(%arg0: i32) -> (i32, i32) {
    %c0_i32 = arith.constant 0 : i32
    %c0_i32_0 = arith.constant 0 : i32
    return %arg0, %c0_i32 : i32, i32
  }
  func.func @transform_5(%arg0: i32) -> (i32, i32) {
    %c0_i32 = arith.constant 0 : i32
    %c0_i32_0 = arith.constant 0 : i32
    return %arg0, %c0_i32 : i32, i32
  }
}

module attributes {stable_mosaic.version = 14 : i64} {
  func.func @_cmat_body(%arg0: i32, %arg1: memref<4x16000xf32, #tpu.memory_space<vmem>>, %arg2: memref<4x128xf32, #tpu.memory_space<vmem>>, %arg3: memref<16000x128xf32, #tpu.memory_space<vmem>>) attributes {dimension_semantics = [#tpu.dimension_semantics<arbitrary>], iteration_bounds = array<i64: 20>, scalar_prefetch = 0 : i64, scratch_operands = 0 : i64, tpu.core_type = #tpu.core_type<tc>, window_params = [{transform_indices = @transform_0, window_bounds = array<i64: 4, 16000>}, {pipeline_mode = #tpu.pipeline_mode<synchronous>, transform_indices = @transform_1, window_bounds = array<i64: 4, 128>}, {transform_indices = @transform_2, window_bounds = array<i64: 16000, 128>}]} {
    %get3A = arith.constant 0 : index
    %get3A_0 = arith.constant 0 : index
    %get3A_1 = vector.load %arg1[%get3A, %get3A_0] : memref<4x16000xf32, #tpu.memory_space<vmem>>, vector<4x16000xf32>
    %get3A_2 = arith.constant 0 : index
    %get3A_3 = arith.constant 0 : index
    %get3A_4 = vector.load %arg2[%get3A_2, %get3A_3] : memref<4x128xf32, #tpu.memory_space<vmem>>, vector<4x128xf32>
    %dot_general3A = arith.constant dense<0.000000e+00> : vector<16000x128xf32>
    %dot_general3A_5 = tpu.matmul %get3A_1, %get3A_4, %dot_general3A {dimension_numbers = #tpu.dot_dimension_numbers<[0], [0], [1], [1], [0, 1, 1, 1], [], []>, transpose_lhs_hint = false} : vector<4x16000xf32>, vector<4x128xf32>, vector<16000x128xf32> -> vector<16000x128xf32>
    %swap3A = arith.constant 0 : index
    %swap3A_6 = arith.constant 0 : index
    %swap3A_7 = vector.load %arg3[%swap3A, %swap3A_6] : memref<16000x128xf32, #tpu.memory_space<vmem>>, vector<16000x128xf32>
    tpu.vector_store %arg3[%swap3A, %swap3A_6], %dot_general3A_5 {strides = array<i32>} : memref<16000x128xf32, #tpu.memory_space<vmem>>, vector<16000x128xf32>,
    return
  }
  func.func @transform_0(%arg0: i32) -> (i32, i32) {
    %c0_i32 = arith.constant 0 : i32
    %c0_i32_0 = arith.constant 0 : i32
    return %c0_i32, %arg0 : i32, i32
  }
  func.func @transform_1(%arg0: i32) -> (i32, i32) {
    %c0_i32 = arith.constant 0 : i32
    %c0_i32_0 = arith.constant 0 : i32
    %c0_i32_1 = arith.constant 0 : i32
    return %c0_i32, %c0_i32_0 : i32, i32
  }
  func.func @transform_2(%arg0: i32) -> (i32, i32) {
    %c0_i32 = arith.constant 0 : i32
    %c0_i32_0 = arith.constant 0 : i32
    return %arg0, %c0_i32 : i32, i32
  }
}

module attributes {stable_mosaic.version = 14 : i64} {
  func.func @_combine_body(%arg0: i32, %arg1: memref<2x2000x128xf32, #tpu.memory_space<vmem>>, %arg2: memref<2000x32xf32, #tpu.memory_space<vmem>>, %arg3: memref<2000x256xf32, #tpu.memory_space<vmem>>, %arg4: memref<128x128xf32, #tpu.memory_space<vmem>>, %arg5: memref<1x128xf32, #tpu.memory_space<vmem>>, %arg6: memref<128x128xf32, #tpu.memory_space<vmem>>, %arg7: memref<1x128xf32, #tpu.memory_space<vmem>>, %arg8: memref<2000x128xf32, #tpu.memory_space<vmem>>) attributes {dimension_semantics = [#tpu.dimension_semantics<arbitrary>], iteration_bounds = array<i64: 5>, scalar_prefetch = 0 : i64, scratch_operands = 0 : i64, tpu.core_type = #tpu.core_type<tc>, window_params = [{transform_indices = @transform_0, window_bounds = array<i64: 2, 2000, 128>}, {transform_indices = @transform_1, window_bounds = array<i64: 2000, 32>}, {transform_indices = @transform_2, window_bounds = array<i64: 2000, 256>}, {pipeline_mode = #tpu.pipeline_mode<synchronous>, transform_indices = @transform_3, window_bounds = array<i64: 128, 128>}, {pipeline_mode = #tpu.pipeline_mode<synchronous>, transform_indices = @transform_4, window_bounds = array<i64: 1, 128>}, {pipeline_mode = #tpu.pipeline_mode<synchronous>, transform_indices = @transform_5, window_bounds = array<i64: 128, 128>}, {pipeline_mode = #tpu.pipeline_mode<synchronous>, transform_indices = @transform_6, window_bounds = array<i64: 1, 128>}, {transform_indices = @transform_7, window_bounds = array<i64: 2000, 128>}]} {
    %get3A = arith.constant 0 : index
    %get3A_0 = arith.constant 0 : index
    %get3A_1 = arith.constant 0 : index
    %get3A_2 = vector.load %arg1[%get3A, %get3A_0, %get3A_1] : memref<2x2000x128xf32, #tpu.memory_space<vmem>>, vector<1x2000x128xf32>
    %get3A_3 = vector.shape_cast %get3A_2 : vector<1x2000x128xf32> to vector<2000x128xf32>
    %get3A_4 = arith.constant 1 : index
    %get3A_5 = arith.constant 0 : index
    %get3A_6 = arith.constant 0 : index
    %get3A_7 = vector.load %arg1[%get3A_4, %get3A_5, %get3A_6] : memref<2x2000x128xf32, #tpu.memory_space<vmem>>, vector<1x2000x128xf32>
    %get3A_8 = vector.shape_cast %get3A_7 : vector<1x2000x128xf32> to vector<2000x128xf32>
    %add3A = arith.addf %get3A_3, %get3A_8 : vector<2000x128xf32>
    %get3A_9 = arith.constant 0 : index
    %get3A_10 = arith.constant 0 : index
    %get3A_11 = vector.load %arg2[%get3A_9, %get3A_10] : memref<2000x32xf32, #tpu.memory_space<vmem>>, vector<2000x32xf32>
    %reduce_sum3A = arith.constant dense<0.000000e+00> : vector<2000xf32>
    %reduce_sum3A_12 = vector.multi_reduction <add>, %get3A_11, %reduce_sum3A [1] : vector<2000x32xf32> to vector<2000xf32>
    %broadcast_in_dim3A = vector.shape_cast %reduce_sum3A_12 : vector<2000xf32> to vector<2000x1xf32>
    %max3A = arith.constant 1.000000e+00 : f32
    %max3A_13 = vector.broadcast %max3A : f32 to vector<2000x1xf32>
    %max3A_14 = arith.maximumf %broadcast_in_dim3A, %max3A_13 : vector<2000x1xf32>
    %div3A = vector.broadcast %max3A_14 : vector<2000x1xf32> to vector<2000x128xf32>
    %div3A_15 = arith.divf %add3A, %div3A : vector<2000x128xf32>
    %get3A_16 = arith.constant 0 : index
    %get3A_17 = arith.constant 0 : index
    %get3A_18 = vector.load %arg3[%get3A_16, %get3A_17] : memref<2000x256xf32, #tpu.memory_space<vmem>>, vector<2000x128xf32>
    %get3A_19 = arith.constant 0 : index
    %get3A_20 = arith.constant 128 : index
    %get3A_21 = vector.load %arg3[%get3A_19, %get3A_20] : memref<2000x256xf32, #tpu.memory_space<vmem>>, vector<2000x128xf32>
    %get3A_22 = arith.constant 0 : index
    %get3A_23 = arith.constant 0 : index
    %get3A_24 = vector.load %arg4[%get3A_22, %get3A_23] : memref<128x128xf32, #tpu.memory_space<vmem>>, vector<128x128xf32>
    %dot_general3A = arith.constant dense<0.000000e+00> : vector<2000x128xf32>
    %dot_general3A_25 = tpu.matmul %get3A_18, %get3A_24, %dot_general3A {dimension_numbers = #tpu.dot_dimension_numbers<[1], [0], [0], [1], [0, 0, 1, 1], [], []>, transpose_lhs_hint = false} : vector<2000x128xf32>, vector<128x128xf32>, vector<2000x128xf32> -> vector<2000x128xf32>
    %add3A_26 = arith.addf %div3A_15, %dot_general3A_25 : vector<2000x128xf32>
    %get3A_27 = arith.constant 0 : index
    %get3A_28 = arith.constant 0 : index
    %get3A_29 = vector.load %arg5[%get3A_27, %get3A_28] : memref<1x128xf32, #tpu.memory_space<vmem>>, vector<1x128xf32>
    %add3A_30 = vector.broadcast %get3A_29 : vector<1x128xf32> to vector<2000x128xf32>
    %add3A_31 = arith.addf %add3A_26, %add3A_30 : vector<2000x128xf32>
    %get3A_32 = arith.constant 0 : index
    %get3A_33 = arith.constant 0 : index
    %get3A_34 = vector.load %arg6[%get3A_32, %get3A_33] : memref<128x128xf32, #tpu.memory_space<vmem>>, vector<128x128xf32>
    %dot_general3A_35 = arith.constant dense<0.000000e+00> : vector<2000x128xf32>
    %dot_general3A_36 = tpu.matmul %get3A_21, %get3A_34, %dot_general3A_35 {dimension_numbers = #tpu.dot_dimension_numbers<[1], [0], [0], [1], [0, 0, 1, 1], [], []>, transpose_lhs_hint = false} : vector<2000x128xf32>, vector<128x128xf32>, vector<2000x128xf32> -> vector<2000x128xf32>
    %get3A_37 = arith.constant 0 : index
    %get3A_38 = arith.constant 0 : index
    %get3A_39 = vector.load %arg7[%get3A_37, %get3A_38] : memref<1x128xf32, #tpu.memory_space<vmem>>, vector<1x128xf32>
    %add3A_40 = vector.broadcast %get3A_39 : vector<1x128xf32> to vector<2000x128xf32>
    %add3A_41 = arith.addf %dot_general3A_36, %add3A_40 : vector<2000x128xf32>
    %max3A_42 = arith.constant 0.000000e+00 : f32
    %max3A_43 = vector.broadcast %max3A_42 : f32 to vector<2000x128xf32>
    %max3A_44 = arith.maximumf %add3A_41, %max3A_43 : vector<2000x128xf32>
    %add3A_45 = arith.addf %add3A_31, %max3A_44 : vector<2000x128xf32>
    %swap3A = arith.constant 0 : index
    %swap3A_46 = arith.constant 0 : index
    %swap3A_47 = vector.load %arg8[%swap3A, %swap3A_46] : memref<2000x128xf32, #tpu.memory_space<vmem>>, vector<2000x128xf32>
    tpu.vector_store %arg8[%swap3A, %swap3A_46], %add3A_45 {strides = array<i32>} : memref<2000x128xf32, #tpu.memory_space<vmem>>, vector<2000x128xf32>,
    return
  }
  func.func @transform_0(%arg0: i32) -> (i32, i32, i32) {
    %c0_i32 = arith.constant 0 : i32
    %c0_i32_0 = arith.constant 0 : i32
    %c0_i32_1 = arith.constant 0 : i32
    return %c0_i32, %arg0, %c0_i32_0 : i32, i32, i32
  }
  func.func @transform_1(%arg0: i32) -> (i32, i32) {
    %c0_i32 = arith.constant 0 : i32
    %c0_i32_0 = arith.constant 0 : i32
    return %arg0, %c0_i32 : i32, i32
  }
  func.func @transform_2(%arg0: i32) -> (i32, i32) {
    %c0_i32 = arith.constant 0 : i32
    %c0_i32_0 = arith.constant 0 : i32
    return %arg0, %c0_i32 : i32, i32
  }
  func.func @transform_3(%arg0: i32) -> (i32, i32) {
    %c0_i32 = arith.constant 0 : i32
    %c0_i32_0 = arith.constant 0 : i32
    %c0_i32_1 = arith.constant 0 : i32
    return %c0_i32, %c0_i32_0 : i32, i32
  }
  func.func @transform_4(%arg0: i32) -> (i32, i32) {
    %c0_i32 = arith.constant 0 : i32
    %c0_i32_0 = arith.constant 0 : i32
    %c0_i32_1 = arith.constant 0 : i32
    return %c0_i32, %c0_i32_0 : i32, i32
  }
  func.func @transform_5(%arg0: i32) -> (i32, i32) {
    %c0_i32 = arith.constant 0 : i32
    %c0_i32_0 = arith.constant 0 : i32
    %c0_i32_1 = arith.constant 0 : i32
    return %c0_i32, %c0_i32_0 : i32, i32
  }
  func.func @transform_6(%arg0: i32) -> (i32, i32) {
    %c0_i32 = arith.constant 0 : i32
    %c0_i32_0 = arith.constant 0 : i32
    %c0_i32_1 = arith.constant 0 : i32
    return %c0_i32, %c0_i32_0 : i32, i32
  }
  func.func @transform_7(%arg0: i32) -> (i32, i32) {
    %c0_i32 = arith.constant 0 : i32
    %c0_i32_0 = arith.constant 0 : i32
    return %arg0, %c0_i32 : i32, i32
  }
}

</mosaic_0001>

<sc_bundles>
// kernel: kernel.6.cloned.1.call-start
scs
__scs_entry_jumppad:
0x0: {  	(pc) =	sbr.rel $0x88, $3  }
0x1: {  	(tag) =	ssettag $0x0;
	lr =	simm.s32 $0x1  }
0x2: {  	[smem:$0x3F97] =	sst lr;
	_ =	strace $0xD0000000  }
0x3: {  	_ = 	snop  }
0x4: {  	_ = 	snop  }
0x5: {  	_ = 	snop  }
0x6: {  	_ = 	snop  }
0x7: {  	_ = 	snop  }
__scs_overlays_trampoline_lowered:
0x8: {  	[smem:$0x3FA6] =	sst s0  }
0x9: {  	[smem:$0x3FA7] =	sst s1  }
0xa: {  	[smem:$0x3FA8] =	sst s2  }
0xb: {  	[smem:$0x3FA9] =	sst s3  }
0xc: {  	[smem:$0x3FAA] =	sst s4  }
0xd: {  	[smem:$0x3FAB] =	sst s5  }
0xe: {  	[smem:$0x3FAC] =	sst s6  }
0xf: {  	[smem:$0x3FAD] =	sst s7  }
0x10: {  	[smem:$0x3FAE] =	sst s8  }
0x11: {  	[smem:$0x3FAF] =	sst s9;
	s0 =	simm.s32 @!p0 $0x0  }
0x12: {  	s1 =	sld [smem:$0x3F95];
	s0 =	simm.s32 @p0 $0x1  }
0x13: {  	[smem:$0x3FB0] =	sst s0;
	s0 =	simm.s32 @!p1 $0x0  }
0x14: {  	s2 =	sld [smem:$0x3F94];
	s0 =	simm.s32 @p1 $0x1  }
0x15: {  	[smem:$0x3FB1] =	sst s0;
	s0 =	simm.s32 @!p2 $0x0  }
0x16: {  	s3 =	sld [smem:$0x3FDB];
	s0 =	simm.s32 @p2 $0x1  }
0x17: {  	s4 =	simm.s32 $0x1BF5;
	[smem:$0x3FB3] =	sst s0  }
0x18: {  	s0 =	sld [smem:$0x3F96];
	_ =	swait.ge [sflag:s4], $0x0  }
0x19: {  	s7 =	sld [smem:$0x3F97]  }
0x1a: {  	s8 =	sadd.s32 $0xFFFFE003, lr  }
0x1b: {  	s9 =	sadd.s32 $0xFFFFFEF7, lr;
	s5 =	simm.s32 $0xFFFFFFFF;
	p2 =	slt.u32 s8, $0xFFFFF086  }
0x1c: {  	p1 =	slt.u32 s9, $0xF7A;
	s5 =	simm.s32 @!p2 $0x0  }
0x1d: {  	s5 =	simm.s32 @p1 $0x1;
	p0 =	seq.s32 s7, s2  }
0x1e: {  	s7 =	smul.u32 @!p0 $0xF7A, s2;
	p2 =	seq.s32 @!p0 s5, $0x0  }
0x1f: {  	s9 =	smul.u32 $0xF7A, s1;
	s8 =	simm.s32 @!p0 $0x1BF5;
	p2 =	por !p2, p0  }
0x20: {  	[sflag:s8] =	ssyncset.s32 @!p0 $0xFFFFF086;
	s6 =	sadd.s32 @!p0 s3, s7;
	s7 =	simm.s32 @!p0 $0x108  }
0x21: {  	s3 =	sadd.s32 s3, s9;
	s6 =	sadd.s32 @!p0 $0x88, s6;
	s7 =	simm.s32 @p2 $0x1082  }
0x22: {  	[simem:s7], [sflag:s8] =	dma.local @!p0 [hbm:s6], $0xF7A  }
0x23: {  	s9 =	sor.u32 $0xD0000000, s2;
	s6 =	simm.s32 $0x108;
	_ =	swait.ge @!p0 [sflag:s8], $0x0  }
0x24: {  	s3 =	sadd.s32 $0x88, s3;
	s6 =	simm.s32 @!p1 $0x1082;
	[sflag:s4] =	ssyncset.s32 $0xFFFFF086  }
0x25: {  	[simem:s6], [sflag:s4] =	dma.local [hbm:s3], $0xF7A  }
0x26: {  	[smem:$0x3F97] =	sst s1;
	(tag) =	ssettag s2;
	_ =	strace s9  }
0x27: {  	s1 =	sld [smem:$0x3FA7]  }
0x28: {  	s2 =	sld [smem:$0x3FA8]  }
0x29: {  	s4 =	sld [smem:$0x3FAA]  }
0x2a: {  	p0 =	seq.s32 s5, $0x0;
	s5 =	sld [smem:$0x3FAB]  }
0x2b: {  	s6 =	sld [smem:$0x3FAC]  }
0x2c: {  	s7 =	sld [smem:$0x3FAD]  }
0x2d: {  	s3 =	simm.s32 $0x108;
	s8 =	sld [smem:$0x3FAE]  }
0x2e: {  	s3 =	simm.s32 @!p0 $0x1082;
	s9 =	sld [smem:$0x3FAF]  }
0x2f: {  	lr =	sadd.s32 s0, s3;
	s0 =	sld [smem:$0x3FA6]  }
0x30: {  	s3 =	sld [smem:$0x3FA9]  }
0x31: {  	[smem:$0x3FB2] =	sst s10  }
0x32: {  	s10 =	sld [smem:$0x3FB0];
	_ =	sdelay $0x3  }
0x33: {  	p0 =	seq.s32 s10, $0x1;
	s10 =	sld [smem:$0x3FB2];
	_ =	sdelay $0x3  }
0x34: {  	[smem:$0x3FB2] =	sst s10  }
0x35: {  	s10 =	sld [smem:$0x3FB1];
	_ =	sdelay $0x3  }
0x36: {  	p1 =	seq.s32 s10, $0x1;
	s10 =	sld [smem:$0x3FB2];
	_ =	sdelay $0x3  }
0x37: {  	[smem:$0x3FB2] =	sst s10  }
0x38: {  	s10 =	sld [smem:$0x3FB3]  }
0x39: {  	_ = 	snop;
	(pc) =	sbr.ind lr, $3  }
0x3a: {  	_ = 	snop  }
0x3b: {  	_ = 	snop  }
0x3c: {  	p2 =	seq.s32 s10, $0x1;
	s10 =	sld [smem:$0x3FB2]  }
0x3d: {  	_ =	shalt  }
0x3e: {  	_ =	shalt  }
0x3f: {  	_ =	shalt  }
0x40: {  	_ =	shalt  }
0x41: {  	_ =	shalt  }
0x42: {  	_ =	shalt  }
0x43: {  	_ =	shalt  }
0x44: {  	_ =	shalt  }
0x45: {  	_ =	shalt  }
0x46: {  	_ =	shalt  }
0x47: {  	_ =	shalt  }
0x48: {  	_ =	shalt  }
0x49: {  	_ =	shalt  }
0x4a: {  	_ =	shalt  }
0x4b: {  	_ =	shalt  }
0x4c: {  	_ =	shalt  }
0x4d: {  	_ =	shalt  }
0x4e: {  	_ =	shalt  }
0x4f: {  	_ =	shalt  }
0x50: {  	_ =	shalt  }
0x51: {  	_ =	shalt  }
0x52: {  	_ =	shalt  }
0x53: {  	_ =	shalt  }
0x54: {  	_ =	shalt  }
0x55: {  	_ =	shalt  }
0x56: {  	_ =	shalt  }
0x57: {  	_ =	shalt  }
0x58: {  	_ =	shalt  }
0x59: {  	_ =	shalt  }
0x5a: {  	_ =	shalt  }
0x5b: {  	_ =	shalt  }
0x5c: {  	_ =	shalt  }
0x5d: {  	_ =	shalt  }
0x5e: {  	_ =	shalt  }
0x5f: {  	_ =	shalt  }
0x60: {  	_ =	shalt  }
0x61: {  	_ =	shalt  }
0x62: {  	_ =	shalt  }
0x63: {  	_ =	shalt  }
0x64: {  	_ =	shalt  }
0x65: {  	_ =	shalt  }
0x66: {  	_ =	shalt  }
0x67: {  	_ =	shalt  }
0x68: {  	_ =	shalt  }
0x69: {  	_ =	shalt  }
0x6a: {  	_ =	shalt  }
0x6b: {  	_ =	shalt  }
0x6c: {  	_ =	shalt  }
0x6d: {  	_ =	shalt  }
0x6e: {  	_ =	shalt  }
0x6f: {  	_ =	shalt  }
0x70: {  	_ =	shalt  }
0x71: {  	_ =	shalt  }
0x72: {  	_ =	shalt  }
0x73: {  	_ =	shalt  }
0x74: {  	_ =	shalt  }
0x75: {  	_ =	shalt  }
0x76: {  	_ =	shalt  }
0x77: {  	_ =	shalt  }
0x78: {  	_ =	shalt  }
0x79: {  	_ =	shalt  }
0x7a: {  	_ =	shalt  }
0x7b: {  	_ =	shalt  }
0x7c: {  	_ =	shalt  }
0x7d: {  	_ =	shalt  }
0x7e: {  	_ =	shalt  }
0x7f: {  	_ =	shalt  }
0x80: {  	_ =	shalt  }
0x81: {  	_ =	shalt  }
0x82: {  	_ =	shalt  }
0x83: {  	_ =	shalt  }
0x84: {  	_ =	shalt  }
0x85: {  	_ =	shalt  }
0x86: {  	_ =	shalt  }
0x87: {  	_ =	shalt  }
.Lfunc_end0:
.L_simem_size_0:
called_computation_lowered:
.L_overlay_start_0:
0x88: {  	s2 =	sld [smem:$0x3FD9]  }
0x89: {  	s3 =	sld [smem:$0x3FFE];
	_ =	sdelay $0x1  }
0x8a: {  	s1 =	srdreg.scid  }
0x8b: {  	s0 =	sand.u32 $0x1, s1  }
0x8c: {  	s17 =	sshll.u32 s0, $0xA;
	s2 =	sadd.s32 s3, s2  }
0x8d: {  	s2 =	sadd.s32 s2, s17  }
0x8e: {  	[smem:$0x3FBE] =	sst s2  }
0x8f: {  	_ = 	snop  }
0x90: {  	s2 =	sld [smem:$0x3FC7]  }
0x91: {  	s18 =	sld [smem:$0x3FD0];
	(tm) =	ssettm $0x1  }
0x92: {  	s4 =	sld [smem:$0x3FFB];
	_ =	sdelay $0x3  }
0x93: {  	_ =	strace s4  }
0x94: {  	s4 =	sld [smem:$0x3FFC];
	_ =	sdelay $0x3  }
0x95: {  	_ =	strace s4  }
0x96: {  	s4 =	sld [smem:$0x3FFD];
	_ =	sdelay $0x3  }
0x97: {  	_ =	strace s4  }
0x98: {  	_ =	strace $0x8FFFFFFF  }
0x99: {  	s19 =	sld [smem:$0x3FDB];
	_ =	sdelay $0x1  }
0x9a: {  	s5 =	simm.s32 $_scs_section_size  }
0x9b: {  	s6 =	simm.s32 $_size__tile_overlayer_lowered;
	s7 =	simm.s32 $_tile_overlayer_lowered  }
0x9c: {  	s22 =	simm.s32 $0x1BFF;
	s21 =	sshll.u32 s7, $0x1;
	s4 =	sadd.s32 s5, s19  }
0x9d: {  	s8 =	simm.s32 $0x0;
	s20 =	sshll.u32 s6, $0x1;
	s6 =	sadd.s32 s21, s4  }
0x9e: {  	[timem:s8], [sflag:s22] =	dma.local [hbm:s6], s20  }
0x9f: {  	_ =	swait.ge [sflag:s22], s20  }
0xa0: {  	s5 =	ssub.s32 $0x0, s20;
	[sflag:s22] =	ssyncset.done $0x0  }
0xa1: {  	[sflag:s22] =	ssyncadd.s32 s5;
	_ =	sdelay $0x1  }
0xa2: {  	s23 =	simm.s32 $0x1B8B  }
0xa3: {  	_ =	swait.ge [sflag:s23], $0x1  }
0xa4: {  	[sflag:s23] =	ssyncset.done $0x0  }
0xa5: {  	s25 =	simm.s32 $0x1B8E;
	s24 =	sld [smem:$0x3FFE];
	[sflag:s23] =	ssyncadd.s32 $0xFFFFFFFF  }
0xa6: {  	s26 =	simm.s32 $execute0_lowered;
	[smem:$0x3FD2] =	sst s25  }
0xa7: {  	s6 =	sshll.u32 s26, $0x1;
	_ =	strace $0x80000046;
	[dreg:$0x1] =	wrdreg $0xFFFFFFFF  }
0xa8: {  	s28 =	simm.s32 $_size_execute0_lowered;
	s4 =	sadd.s32 s4, s6;
	[dreg:$0x0] =	wrdreg $0x0  }
0xa9: {  	s6 =	sshll.u32 s28, $0x1;
	[dreg:$0x2] =	wrdreg s4  }
0xaa: {  	[dreg:$0x3] =	wrdreg s6  }
0xab: {  	[dreg:$0x4] =	wrdreg $0xC0  }
0xac: {  	_ =	task [dreg:s8], $0x5FFFF  }
0xad: {  	[dreg:$0x1] =	wrdreg $0xFFFFFFFF  }
0xae: {  	[dreg:$0x0] =	wrdreg $0x60  }
0xaf: {  	[dreg:$0x2] =	wrdreg s18  }
0xb0: {  	[dreg:$0x3] =	wrdreg s24  }
0xb1: {  	[dreg:$0x4] =	wrdreg s2  }
0xb2: {  	[dreg:$0x5] =	wrdreg $0xBD800  }
0xb3: {  	[dreg:$0x6] =	wrdreg $0x9  }
0xb4: {  	_ =	task.clear_ibuf [dreg:s8], $0x7FFFF;
	_ =	strace $0x90000046  }
0xb5: {  	s29 =	simm.s32 $0x9;
	_ =	strace $0x80000048  }
0xb6: {  	_ =	swait.ge [sflag:s29], $0x1  }
0xb7: {  	[sflag:s29] =	ssyncadd.s32 $0xFFFFFFFF  }
0xb8: {  	_ =	strace $0x90000048  }
0xb9: {  	_ =	sfence  }
0xba: {  	s30 =	sld [smem:$0x0];
	_ =	sdelay $0x2  }
0xbb: {  	s31 =	sshll.u32 s1, $0xD;
	s1 =	sshrl.u32 s1, $0x2  }
0xbc: {  	s3 =	sand.u32 $0x4000, s31;
	s1 =	sadd.s32 s1, s30  }
0xbd: {  	s0 =	sor.u32 s3, s0;
	s1 =	sshll.u32 s1, $0x11  }
0xbe: {  	s0 =	sor.u32 s1, s0  }
0xbf: {  	s0 =	sadd.s32 $0x8F2B, s0  }
0xc0: {  	[sflag:s0] =	ssyncadd.remote.s32 $0x1  }
0xc1: {  	_ =	sfence.sel $0xFFFF  }
0xc2: {  	[dreg:$0x0] =	wrdreg $0xFFFFFFFF;
	(pc) =	sbr.abs _section_cstart, $3  }
0xc3: {  	[dreg:$0x1] =	wrdreg $0xFFFFFFFF  }
0xc4: {  	_ =	task.clear_ibuf [dreg:s8], $0x2FFFF;
	_ =	strace $0x9FFFFFFF  }
0xc5: {  	(tm) =	ssettm $0x7FFFFFFF  }
tec
execute0_lowered:
.L_overlay_start_1:
0x0: {  	(tag) =	ssettag $0x1  }
0x1: {  	s1 =	rddreg [dreg:$0x0];
	s0 =	srdreg.scid  }
0x2: {  	s24 =	stileid.u32;
	s6 =	rddreg [dreg:$0x1]  }
0x3: {  	s3 =	rddreg [dreg:$0x2];
	s0 =	sand.u32 $0x1, s0;
	s10 =	smul.u32 $0x2800, s24  }
0x4: {  	s4 =	rddreg [dreg:$0x3];
	s9 =	sor.u32 $0x10, s24;
	s8 =	smul.u32 $0x138800, s0  }
0x5: {  	s5 =	simm.s32 $0x0;
	s11 =	sor.u32 $0x20, s24;
	s12 =	smul.u32 $0x2800, s9  }
0x6: {  	s28 =	simm.s32 $0x1;
	s13 =	sor.u32 $0x30, s24;
	s14 =	smul.u32 $0x2800, s11  }
0x7: {  	s29 =	simm.s32 $0x20;
	s18 =	sor.u32 $0x40, s24;
	s16 =	smul.u32 $0x2800, s13  }
0x8: {  	s2 =	sshll.u32 s24, $0x1;
	s19 =	sor.u32 $0x50, s24;
	s30 =	smul.u32 $0x2800, s18  }
0x9: {  	[smem:$0x7FF] =	sst s5;
	s20 =	sor.u32 $0x60, s24;
	s17 =	smul.u32 $0x2800, s19  }
0xa: {  	s21 =	sor.u32 $0x70, s24;
	p0 =	sgt.u32 s24, $0xC;
	s22 =	smul.u32 $0x2800, s20  }
0xb: {  	s2 =	sor.u32 s0, s2;
	s0 =	ssub.s32 $0x2, s0;
	s23 =	smul.u32 $0x2800, s21  }
0xc: {  	_ =	strace $0x80000047;
	s7 =	smul.u32 $0x2800, s2;
	s15 =	sshrl.u32 s0, $0x1  }
0xd: {  	s0 =	ssub.s32 s0, s15;
	s10 =	sadd.s32 s10, s8;
	s12 =	sadd.s32 s8, s12  }
0xe: {  	s14 =	sadd.s32 s8, s14;
	s16 =	sadd.s32 s8, s16;
	s15 =	sadd.s32 s8, s30  }
0xf: {  	s17 =	sadd.s32 s8, s17;
	s22 =	sadd.s32 s8, s22;
	s8 =	sadd.s32 s8, s23  }
0x10: {  	s23 =	sadd.s32 $0x529600, s6;
	s10 =	sshrl.u32 s10, $0x3;
	s7 =	sshrl.u32 s7, $0x3  }
0x11: {  	s25 =	sshrl.u32 s12, $0x3;
	s26 =	sshrl.u32 s14, $0x3;
	s30 =	sshrl.u32 s16, $0x3  }
0x12: {  	s16 =	sshrl.u32 s15, $0x3;
	s8 =	sshrl.u32 s8, $0x3;
	s15 =	sadd.s32 $0x15E00, s6  }
0x13: {  	s12 =	smul.u32 $0xA000, s9;
	s0 =	smax.u32 s0, $0x1;
	s10 =	sadd.s32 s23, s10  }
0x14: {  	s14 =	sadd.s32 s23, s30;
	[dreg:$0x5] =	wrdreg s10;
	s10 =	sadd.s32 s23, s25  }
0x15: {  	s8 =	sadd.s32 s23, s8;
	s7 =	sadd.s32 s7, s6;
	[dreg:$0x6] =	wrdreg s10  }
0x16: {  	s10 =	sadd.s32 s23, s26;
	s26 =	sshrl.u32 s22, $0x3;
	s22 =	smul.u32 $0xA000, s11  }
0x17: {  	[smem:$0x7FD] =	sst s0;
	s0 =	simm.s32 $0x200;
	s11 =	smul.u32 $0xA000, s19  }
0x18: {  	[dreg:$0x8] =	wrdreg s14;
	s25 =	sshrl.u32 s17, $0x3;
	s19 =	smul.u32 $0xA000, s21  }
0x19: {  	[dreg:$0xc] =	wrdreg s8;
	s14 =	sadd.s32 $0x4F7E00, s6;
	s21 =	smul.u32 $0x2710, s2  }
0x1a: {  	s17 =	sadd.s32 $0x2200, s6;
	s2 =	smul.u32 $0x27100, s2;
	[dreg:$0x7] =	wrdreg s10  }
0x1b: {  	s10 =	sadd.s32 s23, s16;
	s30 =	sadd.s32 s23, s26;
	s16 =	sadd.s32 $0xC000, s6  }
0x1c: {  	s6 =	sadd.s32 $0x51F000, s6;
	s26 =	smul.u32 $0xA000, s13;
	[dreg:$0x9] =	wrdreg s10  }
0x1d: {  	s13 =	smul.u32 $0xA000, s20;
	s10 =	sadd.s32 s23, s25;
	[dreg:$0xb] =	wrdreg s30  }
0x1e: {  	[dreg:$0xd] =	wrdreg s6;
	s25 =	sshll.u32 s24, $0x6;
	s6 =	sshrl.u32 s12, $0x2  }
0x1f: {  	s9 =	sshrl.u32 s22, $0x2;
	s30 =	smul.u32 $0xA000, s18;
	s31 =	sadd.s32 $0x20, s21  }
0x20: {  	s2 =	sadd.s32 s15, s2;
	[dreg:$0xa] =	wrdreg s10;
	s10 =	smul.u32 $0xA000, s24  }
0x21: {  	s23 =	sor.u32 $0x1C04, s25;
	s6 =	sadd.s32 s6, s4;
	[dreg:$0x1a] =	wrdreg s2  }
0x22: {  	s9 =	sadd.s32 s9, s4;
	s20 =	sshrl.u32 s13, $0x2;
	[dreg:$0x10] =	wrdreg s6  }
0x23: {  	s25 =	sshrl.u32 s19, $0x2;
	s24 =	simm.s32 $0x3;
	[dreg:$0x11] =	wrdreg s9  }
0x24: {  	s12 =	sshrl.u32 s30, $0x2;
	s22 =	sadd.s32 s20, s4;
	[dreg:$0xf] =	wrdreg s23  }
0x25: {  	s6 =	sshrl.u32 s11, $0x2;
	s18 =	sadd.s32 s12, s4;
	[dreg:$0x15] =	wrdreg s22  }
0x26: {  	s8 =	sshrl.u32 s10, $0x2;
	s6 =	sadd.s32 s6, s4;
	[dreg:$0x13] =	wrdreg s18  }
0x27: {  	s11 =	sadd.s32 $0x80, s21;
	s8 =	sadd.s32 s8, s4;
	[dreg:$0x14] =	wrdreg s6  }
0x28: {  	s10 =	sshrl.u32 s31, $0x3;
	s6 =	sadd.s32 s25, s4;
	[dreg:$0xe] =	wrdreg s8  }
0x29: {  	s12 =	sadd.s32 s16, s10;
	s13 =	sadd.s32 s17, s10;
	[dreg:$0x16] =	wrdreg s6  }
0x2a: {  	s18 =	sadd.s32 $0x2700, s21;
	s2 =	sadd.s32 s3, s10;
	[dreg:$0x1b] =	wrdreg s12  }
0x2b: {  	s10 =	sadd.s32 $0x60, s21;
	s25 =	sadd.s32 $0x51F600, s7;
	[dreg:$0x1c] =	wrdreg s13  }
0x2c: {  	s8 =	sshrl.u32 s26, $0x2;
	s26 =	sshrl.u32 s21, $0x3;
	[dreg:$0x1d] =	wrdreg s2  }
0x2d: {  	s19 =	sshrl.u32 s18, $0x3;
	[smem:$0x7FA] =	sst s25;
	s8 =	sadd.s32 s8, s4  }
0x2e: {  	s22 =	sshll.u32 s18, $0x4;
	s30 =	sadd.s32 s16, s26;
	[dreg:$0x12] =	wrdreg s8  }
0x2f: {  	s25 =	simm.s32 $0x2480;
	s9 =	sadd.s32 s17, s26;
	[dreg:$0x17] =	wrdreg s30  }
0x30: {  	s12 =	simm.s32 $0x0;
	s6 =	sadd.s32 s3, s26;
	[dreg:$0x18] =	wrdreg s9  }
0x31: {  	s20 =	sadd.s32 s16, s19;
	s2 =	sadd.s32 s3, s19;
	[dreg:$0x19] =	wrdreg s6  }
0x32: {  	s26 =	sadd.s32 $0x51F800, s7;
	s9 =	sadd.s32 $0x40, s21;
	[dreg:$0x1e] =	wrdreg s20  }
0x33: {  	s21 =	sadd.s32 s17, s19;
	[smem:$0x7F8] =	sst s2;
	s2 =	sadd.s32 s15, s22  }
0x34: {  	[smem:$0x7FB] =	sst s26;
	s30 =	sadd.s32 $0x51FA00, s7;
	s26 =	simm.s32 $0x4  }
0x35: {  	s7 =	simm.s32 $0x2;
	s8 =	simm.s32 $0x1480;
	[dreg:$0x1f] =	wrdreg s21  }
0x36: {  	s19 =	simm.s32 $0x9580;
	s22 =	simm.s32 $0x280;
	[smem:$0x7F9] =	sst s2  }
0x37: {  	v0 =	vimm.f32 $0.0e+00;
	[smem:$0x7FC] =	sst s30;
	s2 =	simm.s32 $0x80;
	s21 =	simm.s32 $0x100  }
.LBB2_1:
0x38: {  	[smem:$0x7EF] =	sst s12  }
0x39: {  	s6 =	rddreg [dreg:$0xe]  }
0x3a: {  	s18 =	sshrl.u32 s6, $0x3;
	s6 =	rddreg [dreg:$0xd]  }
0x3b: {  	[smem:$0x7F0] =	sst s18  }
0x3c: {  	[spmem:s18], [sflag:s23] =	dma.local [hbm:s6], $0x500  }
0x3d: {  	_ =	swait.ge [sflag:s26], $0x500  }
0x3e: {  	s20 =	rddreg [dreg:$0x10]  }
0x3f: {  	[sflag:s26] =	ssyncset.done $0x0;
	s12 =	sshrl.u32 s20, $0x3  }
0x40: {  	[sflag:s26] =	ssyncadd.s32 $0xFFFFFB00;
	[smem:$0x7F1] =	sst s12  }
0x41: {  	[spmem:s12], [sflag:s23] =	dma.local [hbm:s6], $0x500  }
0x42: {  	_ =	swait.ge [sflag:s26], $0x500  }
0x43: {  	s30 =	rddreg [dreg:$0x11]  }
0x44: {  	[sflag:s26] =	ssyncset.done $0x0;
	s12 =	sshrl.u32 s30, $0x3  }
0x45: {  	[sflag:s26] =	ssyncadd.s32 $0xFFFFFB00;
	[smem:$0x7F2] =	sst s12  }
0x46: {  	[spmem:s12], [sflag:s23] =	dma.local [hbm:s6], $0x500  }
0x47: {  	_ =	swait.ge [sflag:s26], $0x500  }
0x48: {  	s13 =	rddreg [dreg:$0x12]  }
0x49: {  	[sflag:s26] =	ssyncset.done $0x0;
	s12 =	sshrl.u32 s13, $0x3  }
0x4a: {  	[sflag:s26] =	ssyncadd.s32 $0xFFFFFB00;
	[smem:$0x7F3] =	sst s12  }
0x4b: {  	[spmem:s12], [sflag:s23] =	dma.local [hbm:s6], $0x500  }
0x4c: {  	_ =	swait.ge [sflag:s26], $0x500  }
0x4d: {  	s18 =	rddreg [dreg:$0x13]  }
0x4e: {  	[sflag:s26] =	ssyncset.done $0x0;
	s12 =	sshrl.u32 s18, $0x3  }
0x4f: {  	[sflag:s26] =	ssyncadd.s32 $0xFFFFFB00;
	[smem:$0x7F4] =	sst s12  }
0x50: {  	[spmem:s12], [sflag:s23] =	dma.local [hbm:s6], $0x500  }
0x51: {  	_ =	swait.ge [sflag:s26], $0x500  }
0x52: {  	s20 =	rddreg [dreg:$0x14]  }
0x53: {  	[sflag:s26] =	ssyncset.done $0x0;
	s12 =	sshrl.u32 s20, $0x3  }
0x54: {  	[sflag:s26] =	ssyncadd.s32 $0xFFFFFB00;
	[smem:$0x7F5] =	sst s12  }
0x55: {  	[spmem:s12], [sflag:s23] =	dma.local [hbm:s6], $0x500  }
0x56: {  	_ =	swait.ge [sflag:s26], $0x500  }
0x57: {  	s30 =	rddreg [dreg:$0x15]  }
0x58: {  	[sflag:s26] =	ssyncset.done $0x0;
	s12 =	sshrl.u32 s30, $0x3  }
0x59: {  	[sflag:s26] =	ssyncadd.s32 $0xFFFFFB00;
	[smem:$0x7F6] =	sst s12  }
0x5a: {  	[spmem:s12], [sflag:s23] =	dma.local [hbm:s6], $0x500  }
0x5b: {  	_ =	swait.ge [sflag:s26], $0x500  }
0x5c: {  	s12 =	rddreg [dreg:$0x16]  }
0x5d: {  	[sflag:s26] =	ssyncset.done $0x0;
	s12 =	sshrl.u32 @!p0 s12, $0x3  }
0x5e: {  	[sflag:s26] =	ssyncadd.s32 $0xFFFFFB00;
	[smem:$0x7F7] =	sst s12  }
0x5f: {  	[spmem:s12], [sflag:s23] =	dma.local @!p0 [hbm:s6], $0x500  }
0x60: {  	s6 =	simm.s32 @!p0 $0x4  }
0x61: {  	_ =	swait.ge @!p0 [sflag:s6], $0x500  }
0x62: {  	[sflag:s6] =	ssyncset.done @!p0 $0x0  }
0x63: {  	s12 =	simm.s32 $0x0;
	[sflag:s6] =	ssyncadd.s32 @!p0 $0xFFFFFB00;
	s6 =	simm.s32 $0x40  }
.LBB2_2:
0x64: {  	p1 =	sne.s32 s6, $0x9FC0;
	[tilespmem:s12+$0x9580] =	vst v0;
	s12 =	smov.u32 s6;
	s6 =	sadd.s32 $0x40, s6  }
.Ltmp0:
0x65: {  	(pc) =	sbr.rel @p1 .LBB2_2-.Ltmp0, $2  }
0x66: {  	_ =	sdelay $0x2  }
0x67: {  	s12 =	sshra.s32 s12, $0x2  }
0x68: {  	[tilespmem:s12+$0x9580] =	vst v0  }
0x69: {  	[bflag:$0x0] =	sbarrier.arrive $0xFFFF  }
0x6a: {  	s18 =	simm.s32 $0x0;
	s6 =	rddreg [dreg:$0x17]  }
0x6b: {  	[tilespmem:s18], [sflag:$0x1] =	stream.linear.gather [hbm4b:s6+s18], $0x20, $0x38;
	[tilespmem:$0x1F600] =	vst v63  }
0x6c: {  	s23 =	simm.s32 $0x180;
	s20 =	rddreg [dreg:$0x18]  }
0x6d: {  	[tilespmem:s23], [sflag:$0x1] =	stream.linear.gather [hbm4b:s20+s18], $0x20, $0x38;
	[tilespmem:$0x1F600] =	vst v63  }
0x6e: {  	s13 =	simm.s32 $0x300;
	s30 =	rddreg [dreg:$0x19]  }
0x6f: {  	[tilespmem:s13], [sflag:$0x1] =	stream.linear.gather [hbm4b:s30+s18], $0x20, $0x38;
	[tilespmem:$0x1F600] =	vst v63  }
0x70: {  	_ =	swait.ge [sflag:s28], $0x20  }
0x71: {  	[sflag:s28] =	ssyncset.done $0x0  }
0x72: {  	[sflag:s28] =	ssyncadd.s32 $0xFFFFFFE0  }
0x73: {  	_ =	swait.ge [sflag:s28], $0x20  }
0x74: {  	[sflag:s28] =	ssyncset.done $0x0  }
0x75: {  	[sflag:s28] =	ssyncadd.s32 $0xFFFFFFE0  }
0x76: {  	_ =	swait.ge [sflag:s28], $0x20  }
0x77: {  	[sflag:s28] =	ssyncset.done $0x0  }
0x78: {  	s13 =	simm.s32 $0x480;
	[sflag:s28] =	ssyncadd.s32 $0xFFFFFFE0  }
0x79: {  	[tilespmem:s13], [sflag:$0x2] =	stream.indirect.gather [hbm4b:s1+s29], $0x80, s18, s29, $0xb8;
	[tilespmem:$0x1F600] =	vst v63  }
0x7a: {  	s20 =	simm.s32 $0x3480  }
0x7b: {  	[tilespmem:s20], [sflag:$0x2] =	stream.indirect.gather [hbm4b:s14+s29], $0x80, s23, s29, $0xb8;
	[tilespmem:$0x1F600] =	vst v63  }
0x7c: {  	s30 =	simm.s32 $0x6480;
	s23 =	rddreg [dreg:$0x1a]  }
0x7d: {  	[tilespmem:s30], [sflag:$0x2] =	stream.linear.gather [hbm4b:s23+s18], $0x1000, $0x38;
	[tilespmem:$0x1F600] =	vst v63  }
0x7e: {  	s13 =	rddreg [dreg:$0x1b]  }
0x7f: {  	[tilespmem:s2], [sflag:$0x1] =	stream.linear.gather [hbm4b:s13+s18], $0x20, $0x38;
	[tilespmem:$0x1F600] =	vst v63  }
0x80: {  	s20 =	rddreg [dreg:$0x1c]  }
0x81: {  	[tilespmem:s0], [sflag:$0x1] =	stream.linear.gather [hbm4b:s20+s18], $0x20, $0x38;
	[tilespmem:$0x1F600] =	vst v63  }
0x82: {  	s23 =	rddreg [dreg:$0x1d];
	s30 =	simm.s32 $0x380  }
0x83: {  	[tilespmem:s30], [sflag:$0x1] =	stream.linear.gather [hbm4b:s23+s18], $0x20, $0x38;
	[tilespmem:$0x1F600] =	vst v63  }
0x84: {  	s23 =	simm.s32 $0x0  }
.LBB2_4:
0x85: {  	_ =	swait.ge [sflag:s7], $0x1000  }
0x86: {  	[sflag:s7] =	ssyncset.done $0x0  }
0x87: {  	[sflag:s7] =	ssyncadd.s32 $0xFFFFF000  }
0x88: {  	_ =	swait.ge [sflag:s7], $0x1000  }
0x89: {  	[sflag:s7] =	ssyncset.done $0x0  }
0x8a: {  	[sflag:s7] =	ssyncadd.s32 $0xFFFFF000  }
0x8b: {  	_ =	swait.ge [sflag:s7], $0x1000  }
0x8c: {  	p1 =	seq.s32 s23, $0x0;
	[sflag:s7] =	ssyncset.done $0x0  }
0x8d: {  	s12 =	simm.s32 @!p1 $0x3;
	[sflag:s7] =	ssyncadd.s32 $0xFFFFF000  }
0x8e: {  	_ =	swait.ge @!p1 [sflag:s12], $0x1000  }
0x8f: {  	[sflag:s12] =	ssyncset.done @!p1 $0x0  }
0x90: {  	[sflag:s12] =	ssyncadd.s32 @!p1 $0xFFFFF000  }
0x91: {  	_ =	swait.ge [sflag:s28], $0x20  }
0x92: {  	[sflag:s28] =	ssyncset.done $0x0  }
0x93: {  	[sflag:s28] =	ssyncadd.s32 $0xFFFFFFE0  }
0x94: {  	_ =	swait.ge [sflag:s28], $0x20  }
0x95: {  	[sflag:s28] =	ssyncset.done $0x0  }
0x96: {  	[sflag:s28] =	ssyncadd.s32 $0xFFFFFFE0  }
0x97: {  	s18 =	smul.u32 $0x60, s23;
	_ =	swait.ge [sflag:s28], $0x20  }
0x98: {  	[sflag:s28] =	ssyncset.done $0x0  }
0x99: {  	s20 =	sadd.s32 s18, s31;
	[sflag:s28] =	ssyncadd.s32 $0xFFFFFFE0  }
0x9a: {  	[tilespmem:s8], [sflag:$0x2] =	stream.indirect.gather [hbm4b:s1+s29], $0x80, s2, s29, $0xb8;
	[tilespmem:$0x1F600] =	vst v63  }
0x9b: {  	s6 =	simm.s32 $0x4480;
	s12 =	sshll.u32 s20, $0x4  }
0x9c: {  	[tilespmem:s6], [sflag:$0x2] =	stream.indirect.gather [hbm4b:s14+s29], $0x80, s0, s29, $0xb8;
	[tilespmem:$0x1F600] =	vst v63  }
0x9d: {  	s30 =	simm.s32 $0x7480;
	s13 =	simm.s32 $0x0;
	s12 =	sadd.s32 s15, s12  }
0x9e: {  	[tilespmem:s30], [sflag:$0x2] =	stream.linear.gather [hbm4b:s12+s13], $0x1000, $0x38;
	[tilespmem:$0x1F600] =	vst v63  }
0x9f: {  	v2 =	vld [tilespmem:$0x0];
	_ =	sdelay $0x6  }
0xa0: {  	v0 =	vimm.f32 $1.000000000e+00  }
0xa1: {  	[tilespmem:v2+s19+$0x0] =	vst.idx.add.f32.msk $0xffff, v0  }
0xa2: {  	v2 =	vld [tilespmem:$0x10];
	_ =	sdelay $0x7  }
0xa3: {  	s20 =	simm.s32 $0x0;
	[tilespmem:v2+s19+$0x0] =	vst.idx.add.f32.msk $0xffff, v0  }
0xa4: {  	v3 =	vld [tilespmem:s20+$0x64A0]  }
0xa5: {  	v2 =	vld [tilespmem:s20+$0x64B0]  }
0xa6: {  	v4 =	vld [tilespmem:s20+$0x64C0]  }
0xa7: {  	v5 =	vld [tilespmem:s20+$0x64D0]  }
0xa8: {  	s12 =	simm.s32 $0x300;
	v0 =	vld [tilespmem:s20+$0x64E0]  }
0xa9: {  	v11 =	vld [tilespmem:s12+$0x0]  }
0xaa: {  	v20 =	vld [tilespmem:s20+$0x6550]  }
0xab: {  	v22 =	vld [tilespmem:s20+$0x6560]  }
0xac: {  	v24 =	vld [tilespmem:s20+$0x6570]  }
0xad: {  	v26 =	vld [tilespmem:s20+$0x6580]  }
0xae: {  	v27 =	vld [tilespmem:s20+$0x6590]  }
0xaf: {  	v18 =	vld [tilespmem:s20+$0x65A0]  }
0xb0: {  	v29 =	vld [tilespmem:s20+$0x65B0]  }
0xb1: {  	v30 =	vld [tilespmem:s20+$0x65C0]  }
0xb2: {  	v31 =	vld [tilespmem:s20+$0x65D0]  }
0xb3: {  	v32 =	vld [tilespmem:s20+$0x65E0]  }
0xb4: {  	v33 =	vld [tilespmem:s20+$0x65F0]  }
0xb5: {  	v34 =	vld [tilespmem:s20+$0x6600]  }
0xb6: {  	v35 =	vld [tilespmem:s20+$0x6610]  }
0xb7: {  	v36 =	vld [tilespmem:s20+$0x6620]  }
0xb8: {  	v37 =	vld [tilespmem:s20+$0x6630]  }
0xb9: {  	v38 =	vld [tilespmem:s20+$0x6640]  }
0xba: {  	v39 =	vld [tilespmem:s20+$0x6650]  }
0xbb: {  	v40 =	vld [tilespmem:s20+$0x6660]  }
0xbc: {  	v41 =	vld [tilespmem:s20+$0x6670]  }
0xbd: {  	v6 =	vld [tilespmem:s20+$0x3480]  }
0xbe: {  	v7 =	vld [tilespmem:s20+$0x3490]  }
0xbf: {  	v8 =	vld [tilespmem:s20+$0x34A0]  }
0xc0: {  	v9 =	vld [tilespmem:s20+$0x34B0]  }
0xc1: {  	v19 =	vld [tilespmem:s20+$0x34E0]  }
0xc2: {  	v21 =	vld [tilespmem:s20+$0x34F0]  }
0xc3: {  	v23 =	vld [tilespmem:s20+$0x3500]  }
0xc4: {  	v25 =	vld [tilespmem:s20+$0x3510]  }
0xc5: {  	v28 =	vld [tilespmem:s20+$0x3540]  }
0xc6: {  	[tilespmem:$0x1FFF0] =	vst v0;
	v0 =	vld [tilespmem:s20+$0x64F0]  }
0xc7: {  	v42 =	vld [tilespmem:s20+$0x3550]  }
0xc8: {  	v44 =	vld [tilespmem:s20+$0x3570]  }
0xc9: {  	v45 =	vld [tilespmem:s20+$0x35A0]  }
0xca: {  	v47 =	vld [tilespmem:s20+$0x35C0]  }
0xcb: {  	[tilespmem:$0x1FFE0] =	vst v0;
	v0 =	vld [tilespmem:s20+$0x6500]  }
0xcc: {  	v48 =	vld [tilespmem:s20+$0x35D0]  }
0xcd: {  	v49 =	vld [tilespmem:s20+$0x3600]  }
0xce: {  	v50 =	vld [tilespmem:s20+$0x3610]  }
0xcf: {  	v51 =	vld [tilespmem:s20+$0x3620]  }
0xd0: {  	[tilespmem:$0x1FFD0] =	vst v0;
	v0 =	vld [tilespmem:s20+$0x6510]  }
0xd1: {  	v52 =	vld [tilespmem:s20+$0x3630]  }
0xd2: {  	v53 =	vld [tilespmem:s20+$0x3660]  }
0xd3: {  	v54 =	vld [tilespmem:s20+$0x3670]  }
0xd4: {  	v55 =	vld [tilespmem:s20+$0x670]  }
0xd5: {  	[tilespmem:$0x1FFC0] =	vst v0;
	v0 =	vld [tilespmem:s20+$0x6520]  }
0xd6: {  	v56 =	vld [tilespmem:s20+$0x660]  }
0xd7: {  	v57 =	vld [tilespmem:s20+$0x3650]  }
0xd8: {  	v58 =	vld [tilespmem:s20+$0x650]  }
0xd9: {  	v59 =	vld [tilespmem:s20+$0x3640]  }
0xda: {  	[tilespmem:$0x1FFB0] =	vst v0;
	v0 =	vld [tilespmem:s20+$0x6530]  }
0xdb: {  	v60 =	vld [tilespmem:s20+$0x640]  }
0xdc: {  	v61 =	vld [tilespmem:s20+$0x630]  }
0xdd: {  	v62 =	vld [tilespmem:s20+$0x620]  }
0xde: {  	v63 =	vld [tilespmem:s20+$0x610]  }
0xdf: {  	[tilespmem:$0x1FFA0] =	vst v0;
	v0 =	vld [tilespmem:s20+$0x6540]  }
0xe0: {  	v1 =	vld [tilespmem:s20+$0x600]  }
0xe1: {  	v10 =	vld [tilespmem:s20+$0x35F0]  }
0xe2: {  	v13 =	vld [tilespmem:s20+$0x35E0]  }
0xe3: {  	v12 =	vld [tilespmem:s20+$0x5E0]  }
0xe4: {  	v59 =	vadd.f32 v59, v60;
	v60 =	vadd.f32 v52, v61;
	[tilespmem:$0x1FF90] =	vst v0;
	v0 =	vld [tilespmem:s20+$0x5F0]  }
0xe5: {  	v16 =	vld [tilespmem:s20+$0x5A0];
	v61 =	vadd.f32 v51, v62;
	v62 =	vadd.f32 v50, v63  }
0xe6: {  	v14 =	vld [tilespmem:s20+$0x5D0];
	v53 =	vadd.f32 v53, v56  }
0xe7: {  	v57 =	vadd.f32 v57, v58;
	v58 =	vld [tilespmem:s20+$0x580];
	v35 =	vadd.f32 v35, v62  }
0xe8: {  	v54 =	vadd.f32 v54, v55;
	v56 =	vbroadcast v11, $0x3;
	v40 =	vadd.f32 v40, v53;
	v53 =	vld [tilespmem:s20+$0x3580]  }
0xe9: {  	v15 =	vld [tilespmem:s20+$0x5C0];
	v1 =	vadd.f32 v49, v1;
	v0 =	vadd.f32 v10, v0;
	v10 =	vmax.f32 v35, $0.0e+00  }
0xea: {  	v17 =	vld [tilespmem:s20+$0x590];
	v12 =	vadd.f32 v13, v12;
	v16 =	vadd.f32 v45, v16;
	v10 =	vmul.f32 v10, v56  }
0xeb: {  	v13 =	vld [tilespmem:s20+$0x3520];
	v41 =	vadd.f32 v41, v54;
	v39 =	vadd.f32 v39, v57  }
0xec: {  	v1 =	vadd.f32 v34, v1;
	[tilespmem:s20+$0x610] =	vst v10;
	v10 =	vadd.f32 v48, v14;
	v14 =	vld [tilespmem:s20+$0x520]  }
0xed: {  	v49 =	vld [tilespmem:s20+$0x3530];
	v51 =	vbroadcast v11, $0x2;
	v16 =	vadd.f32 v18, v16;
	v18 =	vadd.f32 v53, v58  }
0xee: {  	v50 =	vld [tilespmem:s20+$0x530];
	v38 =	vadd.f32 v38, v59;
	v37 =	vadd.f32 v37, v60;
	v1 =	vmax.f32 v1, $0.0e+00  }
0xef: {  	v54 =	vld [tilespmem:s20+$0x3590];
	v16 =	vmax.f32 v16, $0.0e+00;
	v1 =	vmul.f32 v1, v56;
	v18 =	vadd.f32 v26, v18  }
0xf0: {  	v46 =	vld [tilespmem:s20+$0x35B0];
	v36 =	vadd.f32 v36, v61;
	v12 =	vadd.f32 v32, v12;
	v16 =	vmul.f32 v16, v51  }
0xf1: {  	v41 =	vmax.f32 v41, $0.0e+00;
	[tilespmem:s20+$0x600] =	vst v1;
	v18 =	vmax.f32 v18, $0.0e+00;
	v13 =	vadd.f32 v13, v14;
	v14 =	vld [tilespmem:$0x1FFA0]  }
0xf2: {  	v63 =	vld [tilespmem:s20+$0x540];
	v1 =	vadd.f32 v47, v15;
	[tilespmem:s20+$0x5A0] =	vst v16;
	v16 =	vmul.f32 v18, v51;
	v10 =	vadd.f32 v31, v10  }
0xf3: {  	v57 =	vld [tilespmem:s20+$0x570];
	v40 =	vmax.f32 v40, $0.0e+00;
	v12 =	vmax.f32 v12, $0.0e+00;
	v62 =	vadd.f32 v49, v50  }
0xf4: {  	v17 =	vadd.f32 v54, v17;
	v1 =	vadd.f32 v30, v1;
	[tilespmem:s20+$0x580] =	vst v16;
	v16 =	vld [tilespmem:$0x1FFB0];
	v10 =	vmax.f32 v10, $0.0e+00  }
0xf5: {  	v55 =	vld [tilespmem:s20+$0x5B0];
	v12 =	vmul.f32 v12, v51;
	v0 =	vadd.f32 v33, v0;
	v10 =	vmul.f32 v10, v51  }
0xf6: {  	v17 =	vadd.f32 v27, v17;
	v1 =	vmax.f32 v1, $0.0e+00;
	v18 =	vld [tilespmem:$0x1FF90];
	v14 =	vadd.f32 v14, v62  }
0xf7: {  	v59 =	vld [tilespmem:s20+$0x500];
	v1 =	vmul.f32 v1, v51;
	v0 =	vmax.f32 v0, $0.0e+00;
	[tilespmem:s20+$0x5D0] =	vst v10;
	v10 =	vbroadcast v11, $0x1  }
0xf8: {  	v43 =	vld [tilespmem:s20+$0x3560];
	v26 =	vadd.f32 v28, v63;
	v0 =	vmul.f32 v0, v51;
	v14 =	vmax.f32 v14, $0.0e+00  }
0xf9: {  	[tilespmem:s20+$0x5C0] =	vst v1;
	v1 =	vadd.f32 v44, v57;
	v13 =	vadd.f32 v16, v13;
	v16 =	vmul.f32 v14, v10;
	v14 =	vld [tilespmem:$0x1FFD0]  }
0xfa: {  	v52 =	vld [tilespmem:s20+$0x560];
	v41 =	vmul.f32 v41, v56;
	v17 =	vmax.f32 v17, $0.0e+00;
	[tilespmem:s20+$0x5F0] =	vst v0;
	v0 =	vadd.f32 v46, v55  }
0xfb: {  	[tilespmem:s20+$0x5E0] =	vst v12;
	v12 =	vld [tilespmem:s20+$0x4F0];
	v17 =	vmul.f32 v17, v51;
	v1 =	vadd.f32 v24, v1;
	v26 =	vadd.f32 v18, v26  }
0xfc: {  	v39 =	vmax.f32 v39, $0.0e+00;
	[tilespmem:s20+$0x670] =	vst v41;
	v41 =	vld [tilespmem:s20+$0x550];
	v23 =	vadd.f32 v23, v59;
	v0 =	vadd.f32 v29, v0  }
0xfd: {  	v38 =	vmax.f32 v38, $0.0e+00;
	v15 =	vld [tilespmem:s20+$0x510];
	[tilespmem:s20+$0x590] =	vst v17;
	v1 =	vmax.f32 v1, $0.0e+00;
	v17 =	vmax.f32 v26, $0.0e+00  }
0xfe: {  	v0 =	vmax.f32 v0, $0.0e+00;
	v1 =	vmul.f32 v1, v10;
	v26 =	vadd.f32 v14, v23;
	v14 =	vld [tilespmem:$0x1FFE0]  }
0xff: {  	v60 =	vld [tilespmem:s20+$0x4E0];
	v37 =	vmax.f32 v37, $0.0e+00;
	v61 =	vadd.f32 v43, v52;
	v0 =	vmul.f32 v0, v51  }
0x100: {  	v36 =	vmax.f32 v36, $0.0e+00;
	v40 =	vmul.f32 v40, v56;
	[tilespmem:s20+$0x570] =	vst v1;
	v1 =	vadd.f32 v21, v12;
	v12 =	vld [tilespmem:$0x1FFC0]  }
0x101: {  	v39 =	vmul.f32 v39, v56;
	v22 =	vadd.f32 v22, v61;
	v27 =	vld [tilespmem:s20+$0x34D0];
	[tilespmem:s20+$0x5B0] =	vst v0;
	v0 =	vadd.f32 v42, v41  }
0x102: {  	v38 =	vmul.f32 v38, v56;
	v37 =	vmul.f32 v37, v56;
	[tilespmem:s20+$0x660] =	vst v40;
	v15 =	vadd.f32 v25, v15;
	v24 =	vld [tilespmem:s20+$0x4D0]  }
0x103: {  	[tilespmem:s20+$0x650] =	vst v39;
	v18 =	vmax.f32 v22, $0.0e+00;
	v0 =	vadd.f32 v20, v0;
	v23 =	vadd.f32 v14, v1;
	v1 =	vld [tilespmem:$0x1FFF0]  }
0x104: {  	v36 =	vmul.f32 v36, v56;
	[tilespmem:s20+$0x640] =	vst v38;
	v63 =	vmul.f32 v18, v10;
	v18 =	vld [tilespmem:s20+$0x4C0]  }
0x105: {  	[tilespmem:s20+$0x630] =	vst v37;
	v11 =	vbroadcast v11, $0x0;
	v20 =	vld [tilespmem:s20+$0x34C0];
	v0 =	vmax.f32 v0, $0.0e+00;
	v12 =	vadd.f32 v12, v15  }
0x106: {  	[tilespmem:s20+$0x620] =	vst v36;
	v25 =	vadd.f32 v19, v60;
	v22 =	vmul.f32 v17, v10;
	v17 =	vld [tilespmem:s20+$0x4B0];
	v0 =	vmul.f32 v0, v10  }
0x107: {  	v13 =	vmax.f32 v13, $0.0e+00;
	[tilespmem:s20+$0x560] =	vst v63;
	v21 =	vadd.f32 v27, v24;
	v15 =	vld [tilespmem:s20+$0x4A0];
	v19 =	vmax.f32 v12, $0.0e+00  }
0x108: {  	s13 =	simm.s32 $0x800;
	[tilespmem:s20+$0x550] =	vst v0;
	v24 =	vmax.f32 v26, $0.0e+00;
	v14 =	vmul.f32 v13, v10;
	v13 =	vld [tilespmem:s20+$0x490];
	v12 =	vadd.f32 v1, v25  }
.LBB2_5:
0x109: {  	p1 =	sne.s32 s13, $0x3800;
	v0 =	vld [tilespmem:s20+$0x480];
	v1 =	vmax.f32 v23, $0.0e+00;
	v23 =	vmul.f32 v24, v10;
	v10 =	vmul.f32 v19, v10;
	[tilespmem:s20+$0x540] =	vst v22  }
0x10a: {  	v19 =	vld [tilespmem:s20+$0x6490];
	v18 =	vadd.f32 v20, v18;
	v5 =	vadd.f32 v5, v21;
	v12 =	vmax.f32 v12, $0.0e+00;
	[tilespmem:s20+$0x530] =	vst v16  }
0x10b: {  	s30 =	sshra.s32 s13, $0x2;
	v1 =	vmul.f32 v1, v11;
	v16 =	vld [tilespmem:s20+$0x6480];
	v9 =	vadd.f32 v9, v17;
	v12 =	vmul.f32 v12, v11;
	[tilespmem:s20+$0x520] =	vst v14  }
0x10c: {  	v14 =	vld [tilespmem:s30+$0x64A0];
	v8 =	vadd.f32 v8, v15;
	v15 =	vadd.f32 v4, v18;
	v4 =	vmax.f32 v5, $0.0e+00;
	[tilespmem:s20+$0x510] =	vst v10  }
0x10d: {  	v7 =	vadd.f32 v7, v13;
	v9 =	vadd.f32 v2, v9;
	v2 =	vld [tilespmem:s30+$0x64B0];
	v10 =	vmul.f32 v4, v11;
	[tilespmem:s20+$0x500] =	vst v23  }
0x10e: {  	v4 =	vld [tilespmem:s30+$0x64C0];
	v0 =	vadd.f32 v6, v0;
	v17 =	vadd.f32 v3, v8;
	v6 =	vmax.f32 v15, $0.0e+00;
	[tilespmem:s20+$0x4F0] =	vst v1  }
0x10f: {  	v5 =	vld [tilespmem:s30+$0x64D0];
	v1 =	vadd.f32 v19, v7;
	v7 =	vmax.f32 v9, $0.0e+00;
	v6 =	vmul.f32 v6, v11;
	[tilespmem:s20+$0x4E0] =	vst v12  }
0x110: {  	v12 =	vld [tilespmem:s30+$0x64E0];
	v0 =	vadd.f32 v16, v0;
	v9 =	vmax.f32 v17, $0.0e+00;
	v7 =	vmul.f32 v7, v11;
	[tilespmem:s20+$0x4D0] =	vst v10  }
0x111: {  	v13 =	vld [tilespmem:s30+$0x64F0];
	v1 =	vmax.f32 v1, $0.0e+00;
	v8 =	vmul.f32 v9, v11;
	[tilespmem:s20+$0x4C0] =	vst v6;
	v3 =	vmov v14  }
0x112: {  	v14 =	vld [tilespmem:s30+$0x6500];
	v0 =	vmax.f32 v0, $0.0e+00;
	v1 =	vmul.f32 v1, v11;
	[tilespmem:s20+$0x4B0] =	vst v7  }
0x113: {  	v15 =	vld [tilespmem:s30+$0x6510];
	v0 =	vmul.f32 v0, v11;
	[tilespmem:s20+$0x4A0] =	vst v8  }
0x114: {  	v16 =	vld [tilespmem:s30+$0x6520];
	[tilespmem:s20+$0x490] =	vst v1  }
0x115: {  	s12 =	sadd.s32 $0x4, s12;
	v17 =	vld [tilespmem:s30+$0x6530];
	[tilespmem:s20+$0x480] =	vst v0;
	s20 =	smov.u32 s30  }
0x116: {  	v0 =	vld [tilespmem:s12+$0x0]  }
0x117: {  	v18 =	vld [tilespmem:s20+$0x6540]  }
0x118: {  	v19 =	vld [tilespmem:s20+$0x6550]  }
0x119: {  	v22 =	vld [tilespmem:s20+$0x6560]  }
0x11a: {  	v24 =	vld [tilespmem:s20+$0x6570]  }
0x11b: {  	v10 =	vbroadcast v0, $0x1;
	v26 =	vld [tilespmem:s20+$0x6580];
	v20 =	vbroadcast v0, $0x2  }
0x11c: {  	v35 =	vbroadcast v0, $0x3;
	v28 =	vld [tilespmem:s20+$0x6590]  }
0x11d: {  	v29 =	vld [tilespmem:s20+$0x65A0]  }
0x11e: {  	v31 =	vld [tilespmem:s20+$0x65B0]  }
0x11f: {  	v32 =	vld [tilespmem:s20+$0x65C0]  }
0x120: {  	v34 =	vld [tilespmem:s20+$0x65D0]  }
0x121: {  	v37 =	vld [tilespmem:s20+$0x65E0]  }
0x122: {  	v39 =	vld [tilespmem:s20+$0x65F0]  }
0x123: {  	v1 =	vld [tilespmem:s20+$0x6600]  }
0x124: {  	v40 =	vld [tilespmem:s20+$0x6610]  }
0x125: {  	v41 =	vld [tilespmem:s20+$0x6620]  }
0x126: {  	v42 =	vld [tilespmem:s20+$0x6630]  }
0x127: {  	v43 =	vld [tilespmem:s20+$0x6640]  }
0x128: {  	v44 =	vld [tilespmem:s20+$0x6650]  }
0x129: {  	v11 =	vld [tilespmem:s20+$0x6660]  }
0x12a: {  	v45 =	vld [tilespmem:s20+$0x6670]  }
0x12b: {  	v6 =	vld [tilespmem:s20+$0x3480]  }
0x12c: {  	v7 =	vld [tilespmem:s20+$0x3490]  }
0x12d: {  	v8 =	vld [tilespmem:s20+$0x34A0]  }
0x12e: {  	v9 =	vld [tilespmem:s20+$0x34B0]  }
0x12f: {  	v21 =	vld [tilespmem:s20+$0x34E0]  }
0x130: {  	v23 =	vld [tilespmem:s20+$0x34F0]  }
0x131: {  	v25 =	vld [tilespmem:s20+$0x3500]  }
0x132: {  	v27 =	vld [tilespmem:s20+$0x3510]  }
0x133: {  	v30 =	vld [tilespmem:s20+$0x3540]  }
0x134: {  	v33 =	vld [tilespmem:s20+$0x3550]  }
0x135: {  	v36 =	vld [tilespmem:s20+$0x3560]  }
0x136: {  	v38 =	vld [tilespmem:s20+$0x3570]  }
0x137: {  	v46 =	vld [tilespmem:s20+$0x35A0]  }
0x138: {  	v47 =	vld [tilespmem:s20+$0x35B0]  }
0x139: {  	v48 =	vld [tilespmem:s20+$0x35C0]  }
0x13a: {  	v49 =	vld [tilespmem:s20+$0x35D0]  }
0x13b: {  	v50 =	vld [tilespmem:s20+$0x3600]  }
0x13c: {  	v51 =	vld [tilespmem:s20+$0x3610]  }
0x13d: {  	v52 =	vld [tilespmem:s20+$0x3620]  }
0x13e: {  	v53 =	vld [tilespmem:s20+$0x3630]  }
0x13f: {  	v54 =	vld [tilespmem:s20+$0x3660]  }
0x140: {  	v55 =	vld [tilespmem:s20+$0x3670]  }
0x141: {  	v56 =	vld [tilespmem:s20+$0x670]  }
0x142: {  	v57 =	vld [tilespmem:s20+$0x660]  }
0x143: {  	v58 =	vld [tilespmem:s20+$0x3650]  }
0x144: {  	v59 =	vld [tilespmem:s20+$0x650]  }
0x145: {  	v60 =	vld [tilespmem:s20+$0x3640]  }
0x146: {  	v61 =	vld [tilespmem:s20+$0x640];
	v55 =	vadd.f32 v55, v56  }
0x147: {  	v56 =	vld [tilespmem:s20+$0x630];
	v54 =	vadd.f32 v54, v57  }
0x148: {  	v57 =	vld [tilespmem:s20+$0x620];
	v45 =	vadd.f32 v45, v55  }
0x149: {  	v55 =	vld [tilespmem:s20+$0x610];
	v58 =	vadd.f32 v58, v59;
	v54 =	vadd.f32 v11, v54  }
0x14a: {  	v11 =	vbroadcast v0, $0x0;
	v0 =	vld [tilespmem:s20+$0x600];
	v45 =	vmax.f32 v45, $0.0e+00  }
0x14b: {  	v59 =	vld [tilespmem:s20+$0x35F0];
	v60 =	vadd.f32 v60, v61;
	v44 =	vadd.f32 v44, v58;
	v54 =	vmax.f32 v54, $0.0e+00  }
0x14c: {  	v45 =	vmul.f32 v45, v35;
	v58 =	vld [tilespmem:s20+$0x5F0];
	v53 =	vadd.f32 v53, v56;
	v54 =	vmul.f32 v54, v35  }
0x14d: {  	v56 =	vld [tilespmem:s20+$0x35E0];
	v52 =	vadd.f32 v52, v57;
	v43 =	vadd.f32 v43, v60;
	v44 =	vmax.f32 v44, $0.0e+00  }
0x14e: {  	v57 =	vld [tilespmem:s20+$0x5E0];
	v51 =	vadd.f32 v51, v55;
	v42 =	vadd.f32 v42, v53;
	v44 =	vmul.f32 v44, v35  }
0x14f: {  	v53 =	vld [tilespmem:s20+$0x5D0];
	v0 =	vadd.f32 v50, v0;
	v41 =	vadd.f32 v41, v52;
	v43 =	vmax.f32 v43, $0.0e+00  }
0x150: {  	v50 =	vld [tilespmem:s20+$0x5C0];
	v40 =	vadd.f32 v40, v51;
	v42 =	vmax.f32 v42, $0.0e+00;
	v43 =	vmul.f32 v43, v35  }
0x151: {  	v51 =	vld [tilespmem:s20+$0x5B0];
	v52 =	vadd.f32 v59, v58;
	v0 =	vadd.f32 v1, v0;
	v1 =	vmax.f32 v41, $0.0e+00  }
0x152: {  	v42 =	vmul.f32 v42, v35;
	v41 =	vld [tilespmem:s20+$0x5A0];
	v40 =	vmax.f32 v40, $0.0e+00;
	v1 =	vmul.f32 v1, v35  }
0x153: {  	v55 =	vld [tilespmem:s20+$0x3590];
	v56 =	vadd.f32 v56, v57;
	v39 =	vadd.f32 v39, v52;
	v0 =	vmax.f32 v0, $0.0e+00  }
0x154: {  	v52 =	vld [tilespmem:s20+$0x590];
	v49 =	vadd.f32 v49, v53;
	v0 =	vmul.f32 v0, v35;
	v35 =	vmul.f32 v40, v35  }
0x155: {  	v40 =	vld [tilespmem:s20+$0x3580];
	v48 =	vadd.f32 v48, v50;
	v37 =	vadd.f32 v37, v56;
	v39 =	vmax.f32 v39, $0.0e+00  }
0x156: {  	v50 =	vld [tilespmem:s20+$0x580];
	v47 =	vadd.f32 v47, v51;
	v34 =	vadd.f32 v34, v49;
	v39 =	vmul.f32 v39, v20  }
0x157: {  	v49 =	vld [tilespmem:s20+$0x570];
	v41 =	vadd.f32 v46, v41;
	v32 =	vadd.f32 v32, v48;
	v37 =	vmax.f32 v37, $0.0e+00;
	[tilespmem:s20+$0x670] =	vst v45  }
0x158: {  	v45 =	vld [tilespmem:s20+$0x560];
	v31 =	vadd.f32 v31, v47;
	v34 =	vmax.f32 v34, $0.0e+00;
	v37 =	vmul.f32 v37, v20;
	[tilespmem:s20+$0x660] =	vst v54  }
0x159: {  	v46 =	vld [tilespmem:s20+$0x550];
	v47 =	vadd.f32 v55, v52;
	v29 =	vadd.f32 v29, v41;
	v32 =	vmax.f32 v32, $0.0e+00;
	[tilespmem:s20+$0x650] =	vst v44  }
0x15a: {  	v34 =	vmul.f32 v34, v20;
	v41 =	vld [tilespmem:s20+$0x540];
	v31 =	vmax.f32 v31, $0.0e+00;
	v32 =	vmul.f32 v32, v20;
	[tilespmem:s20+$0x640] =	vst v43  }
0x15b: {  	v43 =	vld [tilespmem:s20+$0x3530];
	v40 =	vadd.f32 v40, v50;
	v28 =	vadd.f32 v28, v47;
	v29 =	vmax.f32 v29, $0.0e+00;
	[tilespmem:s20+$0x630] =	vst v42  }
0x15c: {  	v31 =	vmul.f32 v31, v20;
	v42 =	vld [tilespmem:s20+$0x530];
	v38 =	vadd.f32 v38, v49;
	v29 =	vmul.f32 v29, v20;
	[tilespmem:s20+$0x620] =	vst v1  }
0x15d: {  	v1 =	vld [tilespmem:s20+$0x3520];
	v36 =	vadd.f32 v36, v45;
	v26 =	vadd.f32 v26, v40;
	v28 =	vmax.f32 v28, $0.0e+00;
	[tilespmem:s20+$0x610] =	vst v35  }
0x15e: {  	v35 =	vld [tilespmem:s20+$0x520];
	v33 =	vadd.f32 v33, v46;
	v24 =	vadd.f32 v24, v38;
	v28 =	vmul.f32 v28, v20;
	[tilespmem:s20+$0x600] =	vst v0  }
0x15f: {  	v0 =	vld [tilespmem:s20+$0x510];
	v30 =	vadd.f32 v30, v41;
	v22 =	vadd.f32 v22, v36;
	v26 =	vmax.f32 v26, $0.0e+00;
	[tilespmem:s20+$0x5F0] =	vst v39  }
0x160: {  	v36 =	vld [tilespmem:s20+$0x500];
	v19 =	vadd.f32 v19, v33;
	v24 =	vmax.f32 v24, $0.0e+00;
	v26 =	vmul.f32 v26, v20;
	[tilespmem:s20+$0x5E0] =	vst v37  }
0x161: {  	v33 =	vld [tilespmem:s20+$0x4F0];
	v20 =	vadd.f32 v43, v42;
	v18 =	vadd.f32 v18, v30;
	v22 =	vmax.f32 v22, $0.0e+00;
	[tilespmem:s20+$0x5D0] =	vst v34  }
0x162: {  	v24 =	vmul.f32 v24, v10;
	v30 =	vld [tilespmem:s20+$0x4E0];
	v19 =	vmax.f32 v19, $0.0e+00;
	v34 =	vmul.f32 v22, v10;
	[tilespmem:s20+$0x5C0] =	vst v32  }
0x163: {  	v32 =	vld [tilespmem:s20+$0x34D0];
	v1 =	vadd.f32 v1, v35;
	v17 =	vadd.f32 v17, v20;
	v18 =	vmax.f32 v18, $0.0e+00;
	[tilespmem:s20+$0x5B0] =	vst v31  }
0x164: {  	v31 =	vld [tilespmem:s20+$0x4D0];
	v0 =	vadd.f32 v27, v0;
	v22 =	vmul.f32 v18, v10;
	v27 =	vmul.f32 v19, v10;
	[tilespmem:s20+$0x5A0] =	vst v29  }
.Ltmp1:
0x165: {  	v20 =	vld [tilespmem:s20+$0x34C0];
	v19 =	vadd.f32 v25, v36;
	v1 =	vadd.f32 v16, v1;
	v16 =	vmax.f32 v17, $0.0e+00;
	[tilespmem:s20+$0x590] =	vst v28;
	(pc) =	sbr.rel @p1 .LBB2_5-.Ltmp1, $4  }
0x166: {  	v18 =	vld [tilespmem:s20+$0x4C0];
	v23 =	vadd.f32 v23, v33;
	v0 =	vadd.f32 v15, v0;
	v16 =	vmul.f32 v16, v10;
	[tilespmem:s20+$0x580] =	vst v26  }
0x167: {  	v17 =	vld [tilespmem:s20+$0x4B0];
	v25 =	vadd.f32 v21, v30;
	v26 =	vadd.f32 v14, v19;
	v1 =	vmax.f32 v1, $0.0e+00;
	[tilespmem:s20+$0x570] =	vst v24  }
0x168: {  	v15 =	vld [tilespmem:s20+$0x4A0];
	v23 =	vadd.f32 v13, v23;
	v19 =	vmax.f32 v0, $0.0e+00;
	v14 =	vmul.f32 v1, v10;
	[tilespmem:s20+$0x560] =	vst v34  }
0x169: {  	s13 =	sadd.s32 $0x800, s13;
	v13 =	vld [tilespmem:s20+$0x490];
	v21 =	vadd.f32 v32, v31;
	v12 =	vadd.f32 v12, v25;
	v24 =	vmax.f32 v26, $0.0e+00;
	[tilespmem:s20+$0x550] =	vst v27  }
0x16a: {  	v0 =	vld [tilespmem:s20+$0x480];
	[tilespmem:s20+$0x540] =	vst v22;
	v22 =	vmax.f32 v23, $0.0e+00;
	v23 =	vmul.f32 v24, v10;
	v10 =	vmul.f32 v19, v10  }
0x16b: {  	v1 =	vld [tilespmem:s20+$0x6490];
	[tilespmem:s20+$0x530] =	vst v16;
	v16 =	vadd.f32 v20, v18;
	v5 =	vadd.f32 v5, v21;
	v12 =	vmax.f32 v12, $0.0e+00  }
0x16c: {  	[tilespmem:s20+$0x520] =	vst v14;
	v18 =	vld [tilespmem:s20+$0x6480];
	v9 =	vadd.f32 v9, v17;
	v12 =	vmul.f32 v12, v11;
	v17 =	vmul.f32 v22, v11  }
0x16d: {  	[tilespmem:s20+$0x510] =	vst v10;
	v8 =	vadd.f32 v8, v15;
	v4 =	vadd.f32 v4, v16;
	v5 =	vmax.f32 v5, $0.0e+00  }
0x16e: {  	[tilespmem:s20+$0x500] =	vst v23;
	v7 =	vadd.f32 v7, v13;
	v2 =	vadd.f32 v2, v9;
	v5 =	vmul.f32 v5, v11  }
0x16f: {  	[tilespmem:s20+$0x4F0] =	vst v17;
	v0 =	vadd.f32 v6, v0;
	v3 =	vadd.f32 v3, v8;
	v4 =	vmax.f32 v4, $0.0e+00  }
0x170: {  	[tilespmem:s20+$0x4E0] =	vst v12;
	v1 =	vadd.f32 v1, v7;
	v2 =	vmax.f32 v2, $0.0e+00;
	v4 =	vmul.f32 v4, v11  }
0x171: {  	[tilespmem:s20+$0x4D0] =	vst v5;
	v0 =	vadd.f32 v18, v0;
	v3 =	vmax.f32 v3, $0.0e+00;
	v2 =	vmul.f32 v2, v11  }
0x172: {  	v1 =	vmax.f32 v1, $0.0e+00;
	v3 =	vmul.f32 v3, v11;
	[tilespmem:s20+$0x4C0] =	vst v4  }
0x173: {  	v0 =	vmax.f32 v0, $0.0e+00;
	v1 =	vmul.f32 v1, v11;
	[tilespmem:s20+$0x4B0] =	vst v2  }
0x174: {  	v0 =	vmul.f32 v0, v11;
	[tilespmem:s20+$0x4A0] =	vst v3  }
0x175: {  	s13 =	sadd.s32 s18, s9;
	[tilespmem:s20+$0x490] =	vst v1  }
0x176: {  	s12 =	simm.s32 $0x0;
	s6 =	simm.s32 $0x480;
	[tilespmem:s20+$0x480] =	vst v0;
	s20 =	sshrl.u32 s13, $0x3  }
0x177: {  	[spmem:s4] =	stream.indirect.scatter.add.f32 [tilespmem:s6], [sflag:$0x3], $0x80, s12, s29, $0xb8;
	[tilespmem:$0x1F600] =	vst v63  }
0x178: {  	s30 =	sadd.s32 s16, s20  }
0x179: {  	[tilespmem:s21], [sflag:$0x1] =	stream.linear.gather [hbm4b:s30+s12], $0x20, $0x38;
	[tilespmem:$0x1F600] =	vst v63  }
0x17a: {  	s6 =	sadd.s32 s17, s20  }
0x17b: {  	[tilespmem:s22], [sflag:$0x1] =	stream.linear.gather [hbm4b:s6+s12], $0x20, $0x38;
	[tilespmem:$0x1F600] =	vst v63  }
0x17c: {  	s20 =	sadd.s32 s3, s20;
	s30 =	simm.s32 $0x400  }
0x17d: {  	[tilespmem:s30], [sflag:$0x1] =	stream.linear.gather [hbm4b:s20+s12], $0x20, $0x38;
	[tilespmem:$0x1F600] =	vst v63  }
0x17e: {  	_ =	swait.ge [sflag:s7], $0x1000  }
0x17f: {  	[sflag:s7] =	ssyncset.done $0x0  }
0x180: {  	[sflag:s7] =	ssyncadd.s32 $0xFFFFF000  }
0x181: {  	_ =	swait.ge [sflag:s7], $0x1000  }
0x182: {  	[sflag:s7] =	ssyncset.done $0x0  }
0x183: {  	[sflag:s7] =	ssyncadd.s32 $0xFFFFF000  }
0x184: {  	_ =	swait.ge [sflag:s7], $0x1000  }
0x185: {  	[sflag:s7] =	ssyncset.done $0x0  }
0x186: {  	[sflag:s7] =	ssyncadd.s32 $0xFFFFF000  }
0x187: {  	_ =	swait.ge [sflag:s24], $0x1000  }
0x188: {  	[sflag:s24] =	ssyncset.done $0x0  }
0x189: {  	[sflag:s24] =	ssyncadd.s32 $0xFFFFF000  }
0x18a: {  	_ =	swait.ge [sflag:s28], $0x20  }
0x18b: {  	[sflag:s28] =	ssyncset.done $0x0  }
0x18c: {  	[sflag:s28] =	ssyncadd.s32 $0xFFFFFFE0  }
0x18d: {  	_ =	swait.ge [sflag:s28], $0x20  }
0x18e: {  	[sflag:s28] =	ssyncset.done $0x0  }
0x18f: {  	[sflag:s28] =	ssyncadd.s32 $0xFFFFFFE0  }
0x190: {  	_ =	swait.ge [sflag:s28], $0x20  }
0x191: {  	[sflag:s28] =	ssyncset.done $0x0  }
0x192: {  	[sflag:s28] =	ssyncadd.s32 $0xFFFFFFE0  }
0x193: {  	[tilespmem:s25], [sflag:$0x2] =	stream.indirect.gather [hbm4b:s1+s29], $0x80, s21, s29, $0xb8;
	[tilespmem:$0x1F600] =	vst v63  }
0x194: {  	s13 =	sshll.u32 s13, $0x4;
	s20 =	simm.s32 $0x5480  }
0x195: {  	[tilespmem:s20], [sflag:$0x2] =	stream.indirect.gather [hbm4b:s14+s29], $0x80, s22, s29, $0xb8;
	[tilespmem:$0x1F600] =	vst v63  }
0x196: {  	s13 =	sadd.s32 s15, s13;
	s30 =	simm.s32 $0x8480  }
0x197: {  	[tilespmem:s30], [sflag:$0x2] =	stream.linear.gather [hbm4b:s13+s12], $0x1000, $0x38;
	[tilespmem:$0x1F600] =	vst v63  }
0x198: {  	v0 =	vld [tilespmem:$0x80];
	_ =	sdelay $0x6  }
0x199: {  	v1 =	vimm.f32 $1.000000000e+00  }
0x19a: {  	[tilespmem:v0+s19+$0x0] =	vst.idx.add.f32.msk $0xffff, v1  }
0x19b: {  	v0 =	vld [tilespmem:$0x90];
	_ =	sdelay $0x7  }
0x19c: {  	s20 =	simm.s32 $0x0;
	[tilespmem:v0+s19+$0x0] =	vst.idx.add.f32.msk $0xffff, v1  }
0x19d: {  	v3 =	vld [tilespmem:s20+$0x74A0]  }
0x19e: {  	v2 =	vld [tilespmem:s20+$0x74B0]  }
0x19f: {  	v4 =	vld [tilespmem:s20+$0x74C0]  }
0x1a0: {  	v5 =	vld [tilespmem:s20+$0x74D0]  }
0x1a1: {  	s12 =	simm.s32 $0x380;
	v0 =	vld [tilespmem:s20+$0x74E0]  }
0x1a2: {  	v11 =	vld [tilespmem:s12+$0x0]  }
0x1a3: {  	v20 =	vld [tilespmem:s20+$0x7550]  }
0x1a4: {  	v22 =	vld [tilespmem:s20+$0x7560]  }
0x1a5: {  	v24 =	vld [tilespmem:s20+$0x7570]  }
0x1a6: {  	v26 =	vld [tilespmem:s20+$0x7580]  }
0x1a7: {  	v27 =	vld [tilespmem:s20+$0x7590]  }
0x1a8: {  	v18 =	vld [tilespmem:s20+$0x75A0]  }
0x1a9: {  	v17 =	vld [tilespmem:s20+$0x75B0]  }
0x1aa: {  	v16 =	vld [tilespmem:s20+$0x75C0]  }
0x1ab: {  	v29 =	vld [tilespmem:s20+$0x75D0]  }
0x1ac: {  	v30 =	vld [tilespmem:s20+$0x75E0]  }
0x1ad: {  	v31 =	vld [tilespmem:s20+$0x75F0]  }
0x1ae: {  	v32 =	vld [tilespmem:s20+$0x7600]  }
0x1af: {  	v33 =	vld [tilespmem:s20+$0x7610]  }
0x1b0: {  	v34 =	vld [tilespmem:s20+$0x7620]  }
0x1b1: {  	v35 =	vld [tilespmem:s20+$0x7630]  }
0x1b2: {  	v36 =	vld [tilespmem:s20+$0x7640]  }
0x1b3: {  	v37 =	vld [tilespmem:s20+$0x7650]  }
0x1b4: {  	v38 =	vld [tilespmem:s20+$0x7660]  }
0x1b5: {  	v39 =	vld [tilespmem:s20+$0x7670]  }
0x1b6: {  	v6 =	vld [tilespmem:s20+$0x4480]  }
0x1b7: {  	v7 =	vld [tilespmem:s20+$0x4490]  }
0x1b8: {  	v8 =	vld [tilespmem:s20+$0x44A0]  }
0x1b9: {  	[tilespmem:$0x1FF80] =	vst v0;
	v0 =	vld [tilespmem:s20+$0x74F0]  }
0x1ba: {  	v9 =	vld [tilespmem:s20+$0x44B0]  }
0x1bb: {  	v19 =	vld [tilespmem:s20+$0x44E0]  }
0x1bc: {  	v23 =	vld [tilespmem:s20+$0x4500]  }
0x1bd: {  	v41 =	vld [tilespmem:s20+$0x4560]  }
0x1be: {  	[tilespmem:$0x1FF70] =	vst v0;
	v0 =	vld [tilespmem:s20+$0x7500]  }
0x1bf: {  	v43 =	vld [tilespmem:s20+$0x45A0]  }
0x1c0: {  	v44 =	vld [tilespmem:s20+$0x45B0]  }
0x1c1: {  	v45 =	vld [tilespmem:s20+$0x45C0]  }
0x1c2: {  	v46 =	vld [tilespmem:s20+$0x45D0]  }
0x1c3: {  	[tilespmem:$0x1FF60] =	vst v0;
	v0 =	vld [tilespmem:s20+$0x7510]  }
0x1c4: {  	v47 =	vld [tilespmem:s20+$0x4600]  }
0x1c5: {  	v48 =	vld [tilespmem:s20+$0x4610]  }
0x1c6: {  	v49 =	vld [tilespmem:s20+$0x4620]  }
0x1c7: {  	v50 =	vld [tilespmem:s20+$0x4630]  }
0x1c8: {  	[tilespmem:$0x1FF50] =	vst v0;
	v0 =	vld [tilespmem:s20+$0x7520]  }
0x1c9: {  	v51 =	vld [tilespmem:s20+$0x4660]  }
0x1ca: {  	v52 =	vld [tilespmem:s20+$0x4670]  }
0x1cb: {  	v53 =	vld [tilespmem:s20+$0x1670]  }
0x1cc: {  	v54 =	vld [tilespmem:s20+$0x1660]  }
0x1cd: {  	[tilespmem:$0x1FF40] =	vst v0;
	v0 =	vld [tilespmem:s20+$0x7530]  }
0x1ce: {  	v55 =	vld [tilespmem:s20+$0x4650]  }
0x1cf: {  	v56 =	vld [tilespmem:s20+$0x1650]  }
0x1d0: {  	v57 =	vld [tilespmem:s20+$0x4640]  }
0x1d1: {  	v58 =	vld [tilespmem:s20+$0x1640]  }
0x1d2: {  	[tilespmem:$0x1FF30] =	vst v0;
	v0 =	vld [tilespmem:s20+$0x7540]  }
0x1d3: {  	v59 =	vld [tilespmem:s20+$0x1630]  }
0x1d4: {  	v60 =	vld [tilespmem:s20+$0x1620]  }
0x1d5: {  	v61 =	vld [tilespmem:s20+$0x1610]  }
0x1d6: {  	v63 =	vld [tilespmem:s20+$0x45F0]  }
0x1d7: {  	[tilespmem:$0x1FF20] =	vst v0;
	v0 =	vld [tilespmem:s20+$0x15F0]  }
0x1d8: {  	v62 =	vld [tilespmem:s20+$0x1600]  }
0x1d9: {  	v12 =	vld [tilespmem:s20+$0x15D0];
	v52 =	vadd.f32 v52, v53  }
0x1da: {  	v10 =	vld [tilespmem:s20+$0x45E0];
	v51 =	vadd.f32 v51, v54;
	v55 =	vadd.f32 v55, v56  }
0x1db: {  	v1 =	vld [tilespmem:s20+$0x15E0];
	v57 =	vadd.f32 v57, v58;
	v59 =	vadd.f32 v50, v59  }
0x1dc: {  	v13 =	vld [tilespmem:s20+$0x15C0];
	v60 =	vadd.f32 v49, v60;
	v0 =	vadd.f32 v63, v0  }
0x1dd: {  	v14 =	vld [tilespmem:s20+$0x15A0];
	v61 =	vadd.f32 v48, v61;
	v48 =	vadd.f32 v47, v62  }
0x1de: {  	v53 =	vld [tilespmem:s20+$0x15B0];
	v54 =	vbroadcast v11, $0x3;
	v12 =	vadd.f32 v46, v12;
	v0 =	vadd.f32 v31, v0  }
0x1df: {  	v56 =	vld [tilespmem:s20+$0x1580];
	v35 =	vadd.f32 v35, v59;
	v32 =	vadd.f32 v32, v48;
	v59 =	vbroadcast v11, $0x2  }
0x1e0: {  	v50 =	vld [tilespmem:s20+$0x1560];
	v1 =	vadd.f32 v10, v1;
	v38 =	vadd.f32 v38, v51;
	v0 =	vmax.f32 v0, $0.0e+00  }
0x1e1: {  	v51 =	vld [tilespmem:s20+$0x4580];
	v12 =	vadd.f32 v29, v12;
	v10 =	vmax.f32 v32, $0.0e+00;
	v0 =	vmul.f32 v0, v59  }
0x1e2: {  	v25 =	vld [tilespmem:s20+$0x4510];
	v14 =	vadd.f32 v43, v14;
	v39 =	vadd.f32 v39, v52;
	v10 =	vmul.f32 v10, v54  }
0x1e3: {  	v15 =	vld [tilespmem:s20+$0x1590];
	v1 =	vadd.f32 v30, v1;
	v12 =	vmax.f32 v12, $0.0e+00;
	[tilespmem:s20+$0x15F0] =	vst v0;
	v0 =	vadd.f32 v44, v53  }
0x1e4: {  	v52 =	vld [tilespmem:s20+$0x4590];
	v36 =	vadd.f32 v36, v57;
	v12 =	vmul.f32 v12, v59;
	[tilespmem:s20+$0x1600] =	vst v10;
	v10 =	vadd.f32 v45, v13  }
0x1e5: {  	v49 =	vld [tilespmem:s20+$0x4530];
	v1 =	vmax.f32 v1, $0.0e+00;
	v0 =	vadd.f32 v17, v0;
	v17 =	vadd.f32 v41, v50  }
0x1e6: {  	v57 =	vld [tilespmem:s20+$0x1530];
	v1 =	vmul.f32 v1, v59;
	[tilespmem:s20+$0x15D0] =	vst v12;
	v12 =	vadd.f32 v51, v56;
	v10 =	vadd.f32 v16, v10  }
0x1e7: {  	v14 =	vadd.f32 v18, v14;
	v13 =	vld [tilespmem:s20+$0x1510];
	v17 =	vadd.f32 v22, v17  }
0x1e8: {  	[tilespmem:s20+$0x15E0] =	vst v1;
	v16 =	vld [tilespmem:s20+$0x1500];
	v12 =	vadd.f32 v26, v12;
	v1 =	vmax.f32 v10, $0.0e+00;
	v10 =	vbroadcast v11, $0x1  }
0x1e9: {  	v58 =	vld [tilespmem:s20+$0x4520];
	v14 =	vmax.f32 v14, $0.0e+00;
	v15 =	vadd.f32 v52, v15;
	v17 =	vmax.f32 v17, $0.0e+00  }
0x1ea: {  	v14 =	vmul.f32 v14, v59;
	v12 =	vmax.f32 v12, $0.0e+00;
	v26 =	vmul.f32 v17, v10;
	v17 =	vld [tilespmem:$0x1FF30]  }
0x1eb: {  	v34 =	vadd.f32 v34, v60;
	v60 =	vld [tilespmem:s20+$0x1520];
	v15 =	vadd.f32 v27, v15;
	v12 =	vmul.f32 v12, v59  }
0x1ec: {  	v42 =	vld [tilespmem:s20+$0x4570];
	[tilespmem:s20+$0x15A0] =	vst v14;
	v14 =	vadd.f32 v49, v57  }
0x1ed: {  	v15 =	vmax.f32 v15, $0.0e+00;
	[tilespmem:s20+$0x1580] =	vst v12;
	v12 =	vadd.f32 v25, v13;
	v13 =	vadd.f32 v23, v16;
	v16 =	vld [tilespmem:$0x1FF40]  }
0x1ee: {  	v37 =	vadd.f32 v37, v55;
	v55 =	vld [tilespmem:s20+$0x1570];
	v15 =	vmul.f32 v15, v59  }
0x1ef: {  	v21 =	vld [tilespmem:s20+$0x44F0];
	v14 =	vadd.f32 v17, v14  }
0x1f0: {  	v28 =	vld [tilespmem:s20+$0x4540];
	v39 =	vmax.f32 v39, $0.0e+00;
	[tilespmem:s20+$0x1590] =	vst v15;
	v15 =	vadd.f32 v58, v60  }
0x1f1: {  	v40 =	vld [tilespmem:s20+$0x4550];
	v38 =	vmax.f32 v38, $0.0e+00;
	v1 =	vmul.f32 v1, v59;
	v14 =	vmax.f32 v14, $0.0e+00  }
0x1f2: {  	v39 =	vmul.f32 v39, v54;
	v23 =	vadd.f32 v16, v15;
	v16 =	vmul.f32 v14, v10;
	v14 =	vld [tilespmem:$0x1FF60]  }
0x1f3: {  	v33 =	vadd.f32 v33, v61;
	v61 =	vld [tilespmem:s20+$0x14F0];
	v38 =	vmul.f32 v38, v54;
	[tilespmem:s20+$0x15C0] =	vst v1;
	v1 =	vadd.f32 v42, v55  }
0x1f4: {  	[tilespmem:s20+$0x1670] =	vst v39;
	v39 =	vld [tilespmem:s20+$0x1550]  }
0x1f5: {  	[tilespmem:s20+$0x1660] =	vst v38;
	v38 =	vld [tilespmem:s20+$0x1540];
	v1 =	vadd.f32 v24, v1  }
0x1f6: {  	v37 =	vmax.f32 v37, $0.0e+00;
	v36 =	vmax.f32 v36, $0.0e+00;
	v0 =	vmax.f32 v0, $0.0e+00;
	v22 =	vld [tilespmem:$0x1FF20]  }
0x1f7: {  	v1 =	vmax.f32 v1, $0.0e+00;
	v0 =	vmul.f32 v0, v59;
	v63 =	vadd.f32 v14, v13;
	v14 =	vld [tilespmem:$0x1FF70]  }
0x1f8: {  	v62 =	vld [tilespmem:s20+$0x14E0];
	v35 =	vmax.f32 v35, $0.0e+00;
	v34 =	vmax.f32 v34, $0.0e+00;
	v1 =	vmul.f32 v1, v10  }
0x1f9: {  	v33 =	vmax.f32 v33, $0.0e+00;
	v37 =	vmul.f32 v37, v54;
	v15 =	vld [tilespmem:$0x1FF50];
	[tilespmem:s20+$0x15B0] =	vst v0;
	v0 =	vadd.f32 v40, v39  }
0x1fa: {  	v36 =	vmul.f32 v36, v54;
	v27 =	vld [tilespmem:s20+$0x44D0];
	v18 =	vadd.f32 v28, v38;
	[tilespmem:s20+$0x1570] =	vst v1;
	v1 =	vadd.f32 v21, v61  }
0x1fb: {  	v35 =	vmul.f32 v35, v54;
	v34 =	vmul.f32 v34, v54;
	[tilespmem:s20+$0x1650] =	vst v37;
	v24 =	vld [tilespmem:s20+$0x14D0];
	v0 =	vadd.f32 v20, v0  }
0x1fc: {  	[tilespmem:s20+$0x1640] =	vst v36;
	v22 =	vadd.f32 v22, v18;
	v13 =	vmax.f32 v23, $0.0e+00;
	v23 =	vadd.f32 v14, v1;
	v1 =	vld [tilespmem:$0x1FF80]  }
0x1fd: {  	v33 =	vmul.f32 v33, v54;
	[tilespmem:s20+$0x1630] =	vst v35;
	v20 =	vld [tilespmem:s20+$0x44C0]  }
0x1fe: {  	[tilespmem:s20+$0x1620] =	vst v34;
	v12 =	vadd.f32 v15, v12;
	v18 =	vld [tilespmem:s20+$0x14C0];
	v0 =	vmax.f32 v0, $0.0e+00;
	v17 =	vmax.f32 v22, $0.0e+00  }
0x1ff: {  	[tilespmem:s20+$0x1610] =	vst v33;
	v25 =	vadd.f32 v19, v62;
	v0 =	vmul.f32 v0, v10;
	v22 =	vmul.f32 v17, v10;
	v17 =	vld [tilespmem:s20+$0x14B0]  }
0x200: {  	v11 =	vbroadcast v11, $0x0;
	v21 =	vadd.f32 v27, v24;
	v15 =	vld [tilespmem:s20+$0x14A0];
	v19 =	vmax.f32 v12, $0.0e+00;
	[tilespmem:s20+$0x1560] =	vst v26  }
0x201: {  	s13 =	simm.s32 $0x800;
	[tilespmem:s20+$0x1550] =	vst v0;
	v24 =	vmax.f32 v63, $0.0e+00;
	v14 =	vmul.f32 v13, v10;
	v13 =	vld [tilespmem:s20+$0x1490];
	v12 =	vadd.f32 v1, v25  }
.LBB2_7:
0x202: {  	p1 =	sne.s32 s13, $0x3800;
	v0 =	vld [tilespmem:s20+$0x1480];
	v1 =	vmax.f32 v23, $0.0e+00;
	v23 =	vmul.f32 v24, v10;
	v10 =	vmul.f32 v19, v10;
	[tilespmem:s20+$0x1540] =	vst v22  }
0x203: {  	v19 =	vld [tilespmem:s20+$0x7490];
	v18 =	vadd.f32 v20, v18;
	v5 =	vadd.f32 v5, v21;
	v12 =	vmax.f32 v12, $0.0e+00;
	[tilespmem:s20+$0x1530] =	vst v16  }
0x204: {  	s30 =	sshra.s32 s13, $0x2;
	v1 =	vmul.f32 v1, v11;
	v16 =	vld [tilespmem:s20+$0x7480];
	v9 =	vadd.f32 v9, v17;
	v12 =	vmul.f32 v12, v11;
	[tilespmem:s20+$0x1520] =	vst v14  }
0x205: {  	v14 =	vld [tilespmem:s30+$0x74A0];
	v8 =	vadd.f32 v8, v15;
	v15 =	vadd.f32 v4, v18;
	v4 =	vmax.f32 v5, $0.0e+00;
	[tilespmem:s20+$0x1510] =	vst v10  }
0x206: {  	v7 =	vadd.f32 v7, v13;
	v9 =	vadd.f32 v2, v9;
	v2 =	vld [tilespmem:s30+$0x74B0];
	v10 =	vmul.f32 v4, v11;
	[tilespmem:s20+$0x1500] =	vst v23  }
0x207: {  	v4 =	vld [tilespmem:s30+$0x74C0];
	v0 =	vadd.f32 v6, v0;
	v17 =	vadd.f32 v3, v8;
	v6 =	vmax.f32 v15, $0.0e+00;
	[tilespmem:s20+$0x14F0] =	vst v1  }
0x208: {  	v5 =	vld [tilespmem:s30+$0x74D0];
	v1 =	vadd.f32 v19, v7;
	v7 =	vmax.f32 v9, $0.0e+00;
	v6 =	vmul.f32 v6, v11;
	[tilespmem:s20+$0x14E0] =	vst v12  }
0x209: {  	v12 =	vld [tilespmem:s30+$0x74E0];
	v0 =	vadd.f32 v16, v0;
	v9 =	vmax.f32 v17, $0.0e+00;
	v7 =	vmul.f32 v7, v11;
	[tilespmem:s20+$0x14D0] =	vst v10  }
0x20a: {  	v13 =	vld [tilespmem:s30+$0x74F0];
	v1 =	vmax.f32 v1, $0.0e+00;
	v8 =	vmul.f32 v9, v11;
	[tilespmem:s20+$0x14C0] =	vst v6;
	v3 =	vmov v14  }
0x20b: {  	v14 =	vld [tilespmem:s30+$0x7500];
	v0 =	vmax.f32 v0, $0.0e+00;
	v1 =	vmul.f32 v1, v11;
	[tilespmem:s20+$0x14B0] =	vst v7  }
0x20c: {  	v15 =	vld [tilespmem:s30+$0x7510];
	v0 =	vmul.f32 v0, v11;
	[tilespmem:s20+$0x14A0] =	vst v8  }
0x20d: {  	v16 =	vld [tilespmem:s30+$0x7520];
	[tilespmem:s20+$0x1490] =	vst v1  }
0x20e: {  	s12 =	sadd.s32 $0x4, s12;
	v17 =	vld [tilespmem:s30+$0x7530];
	[tilespmem:s20+$0x1480] =	vst v0;
	s20 =	smov.u32 s30  }
0x20f: {  	v0 =	vld [tilespmem:s12+$0x0]  }
0x210: {  	v18 =	vld [tilespmem:s20+$0x7540]  }
0x211: {  	v19 =	vld [tilespmem:s20+$0x7550]  }
0x212: {  	v22 =	vld [tilespmem:s20+$0x7560]  }
0x213: {  	v24 =	vld [tilespmem:s20+$0x7570]  }
0x214: {  	v10 =	vbroadcast v0, $0x1;
	v26 =	vld [tilespmem:s20+$0x7580];
	v20 =	vbroadcast v0, $0x2  }
0x215: {  	v35 =	vbroadcast v0, $0x3;
	v28 =	vld [tilespmem:s20+$0x7590]  }
0x216: {  	v29 =	vld [tilespmem:s20+$0x75A0]  }
0x217: {  	v31 =	vld [tilespmem:s20+$0x75B0]  }
0x218: {  	v32 =	vld [tilespmem:s20+$0x75C0]  }
0x219: {  	v34 =	vld [tilespmem:s20+$0x75D0]  }
0x21a: {  	v37 =	vld [tilespmem:s20+$0x75E0]  }
0x21b: {  	v39 =	vld [tilespmem:s20+$0x75F0]  }
0x21c: {  	v1 =	vld [tilespmem:s20+$0x7600]  }
0x21d: {  	v40 =	vld [tilespmem:s20+$0x7610]  }
0x21e: {  	v41 =	vld [tilespmem:s20+$0x7620]  }
0x21f: {  	v42 =	vld [tilespmem:s20+$0x7630]  }
0x220: {  	v43 =	vld [tilespmem:s20+$0x7640]  }
0x221: {  	v44 =	vld [tilespmem:s20+$0x7650]  }
0x222: {  	v11 =	vld [tilespmem:s20+$0x7660]  }
0x223: {  	v45 =	vld [tilespmem:s20+$0x7670]  }
0x224: {  	v6 =	vld [tilespmem:s20+$0x4480]  }
0x225: {  	v7 =	vld [tilespmem:s20+$0x4490]  }
0x226: {  	v8 =	vld [tilespmem:s20+$0x44A0]  }
0x227: {  	v9 =	vld [tilespmem:s20+$0x44B0]  }
0x228: {  	v21 =	vld [tilespmem:s20+$0x44E0]  }
0x229: {  	v23 =	vld [tilespmem:s20+$0x44F0]  }
0x22a: {  	v25 =	vld [tilespmem:s20+$0x4500]  }
0x22b: {  	v27 =	vld [tilespmem:s20+$0x4510]  }
0x22c: {  	v30 =	vld [tilespmem:s20+$0x4540]  }
0x22d: {  	v33 =	vld [tilespmem:s20+$0x4550]  }
0x22e: {  	v36 =	vld [tilespmem:s20+$0x4560]  }
0x22f: {  	v38 =	vld [tilespmem:s20+$0x4570]  }
0x230: {  	v46 =	vld [tilespmem:s20+$0x45A0]  }
0x231: {  	v47 =	vld [tilespmem:s20+$0x45B0]  }
0x232: {  	v48 =	vld [tilespmem:s20+$0x45C0]  }
0x233: {  	v49 =	vld [tilespmem:s20+$0x45D0]  }
0x234: {  	v50 =	vld [tilespmem:s20+$0x4600]  }
0x235: {  	v51 =	vld [tilespmem:s20+$0x4610]  }
0x236: {  	v52 =	vld [tilespmem:s20+$0x4620]  }
0x237: {  	v53 =	vld [tilespmem:s20+$0x4630]  }
0x238: {  	v54 =	vld [tilespmem:s20+$0x4660]  }
0x239: {  	v55 =	vld [tilespmem:s20+$0x4670]  }
0x23a: {  	v56 =	vld [tilespmem:s20+$0x1670]  }
0x23b: {  	v57 =	vld [tilespmem:s20+$0x1660]  }
0x23c: {  	v58 =	vld [tilespmem:s20+$0x4650]  }
0x23d: {  	v59 =	vld [tilespmem:s20+$0x1650]  }
0x23e: {  	v60 =	vld [tilespmem:s20+$0x4640]  }
0x23f: {  	v61 =	vld [tilespmem:s20+$0x1640];
	v55 =	vadd.f32 v55, v56  }
0x240: {  	v56 =	vld [tilespmem:s20+$0x1630];
	v54 =	vadd.f32 v54, v57  }
0x241: {  	v57 =	vld [tilespmem:s20+$0x1620];
	v45 =	vadd.f32 v45, v55  }
0x242: {  	v55 =	vld [tilespmem:s20+$0x1610];
	v58 =	vadd.f32 v58, v59;
	v54 =	vadd.f32 v11, v54  }
0x243: {  	v11 =	vbroadcast v0, $0x0;
	v0 =	vld [tilespmem:s20+$0x1600];
	v45 =	vmax.f32 v45, $0.0e+00  }
0x244: {  	v59 =	vld [tilespmem:s20+$0x45F0];
	v60 =	vadd.f32 v60, v61;
	v44 =	vadd.f32 v44, v58;
	v54 =	vmax.f32 v54, $0.0e+00  }
0x245: {  	v45 =	vmul.f32 v45, v35;
	v58 =	vld [tilespmem:s20+$0x15F0];
	v53 =	vadd.f32 v53, v56;
	v54 =	vmul.f32 v54, v35  }
0x246: {  	v56 =	vld [tilespmem:s20+$0x45E0];
	v52 =	vadd.f32 v52, v57;
	v43 =	vadd.f32 v43, v60;
	v44 =	vmax.f32 v44, $0.0e+00  }
0x247: {  	v57 =	vld [tilespmem:s20+$0x15E0];
	v51 =	vadd.f32 v51, v55;
	v42 =	vadd.f32 v42, v53;
	v44 =	vmul.f32 v44, v35  }
0x248: {  	v53 =	vld [tilespmem:s20+$0x15D0];
	v0 =	vadd.f32 v50, v0;
	v41 =	vadd.f32 v41, v52;
	v43 =	vmax.f32 v43, $0.0e+00  }
0x249: {  	v50 =	vld [tilespmem:s20+$0x15C0];
	v40 =	vadd.f32 v40, v51;
	v42 =	vmax.f32 v42, $0.0e+00;
	v43 =	vmul.f32 v43, v35  }
0x24a: {  	v51 =	vld [tilespmem:s20+$0x15B0];
	v52 =	vadd.f32 v59, v58;
	v0 =	vadd.f32 v1, v0;
	v1 =	vmax.f32 v41, $0.0e+00  }
0x24b: {  	v42 =	vmul.f32 v42, v35;
	v41 =	vld [tilespmem:s20+$0x15A0];
	v40 =	vmax.f32 v40, $0.0e+00;
	v1 =	vmul.f32 v1, v35  }
0x24c: {  	v55 =	vld [tilespmem:s20+$0x4590];
	v56 =	vadd.f32 v56, v57;
	v39 =	vadd.f32 v39, v52;
	v0 =	vmax.f32 v0, $0.0e+00  }
0x24d: {  	v52 =	vld [tilespmem:s20+$0x1590];
	v49 =	vadd.f32 v49, v53;
	v0 =	vmul.f32 v0, v35;
	v35 =	vmul.f32 v40, v35  }
0x24e: {  	v40 =	vld [tilespmem:s20+$0x4580];
	v48 =	vadd.f32 v48, v50;
	v37 =	vadd.f32 v37, v56;
	v39 =	vmax.f32 v39, $0.0e+00  }
0x24f: {  	v50 =	vld [tilespmem:s20+$0x1580];
	v47 =	vadd.f32 v47, v51;
	v34 =	vadd.f32 v34, v49;
	v39 =	vmul.f32 v39, v20  }
0x250: {  	v49 =	vld [tilespmem:s20+$0x1570];
	v41 =	vadd.f32 v46, v41;
	v32 =	vadd.f32 v32, v48;
	v37 =	vmax.f32 v37, $0.0e+00;
	[tilespmem:s20+$0x1670] =	vst v45  }
0x251: {  	v45 =	vld [tilespmem:s20+$0x1560];
	v31 =	vadd.f32 v31, v47;
	v34 =	vmax.f32 v34, $0.0e+00;
	v37 =	vmul.f32 v37, v20;
	[tilespmem:s20+$0x1660] =	vst v54  }
0x252: {  	v46 =	vld [tilespmem:s20+$0x1550];
	v47 =	vadd.f32 v55, v52;
	v29 =	vadd.f32 v29, v41;
	v32 =	vmax.f32 v32, $0.0e+00;
	[tilespmem:s20+$0x1650] =	vst v44  }
0x253: {  	v34 =	vmul.f32 v34, v20;
	v41 =	vld [tilespmem:s20+$0x1540];
	v31 =	vmax.f32 v31, $0.0e+00;
	v32 =	vmul.f32 v32, v20;
	[tilespmem:s20+$0x1640] =	vst v43  }
0x254: {  	v43 =	vld [tilespmem:s20+$0x4530];
	v40 =	vadd.f32 v40, v50;
	v28 =	vadd.f32 v28, v47;
	v29 =	vmax.f32 v29, $0.0e+00;
	[tilespmem:s20+$0x1630] =	vst v42  }
0x255: {  	v31 =	vmul.f32 v31, v20;
	v42 =	vld [tilespmem:s20+$0x1530];
	v38 =	vadd.f32 v38, v49;
	v29 =	vmul.f32 v29, v20;
	[tilespmem:s20+$0x1620] =	vst v1  }
0x256: {  	v1 =	vld [tilespmem:s20+$0x4520];
	v36 =	vadd.f32 v36, v45;
	v26 =	vadd.f32 v26, v40;
	v28 =	vmax.f32 v28, $0.0e+00;
	[tilespmem:s20+$0x1610] =	vst v35  }
0x257: {  	v35 =	vld [tilespmem:s20+$0x1520];
	v33 =	vadd.f32 v33, v46;
	v24 =	vadd.f32 v24, v38;
	v28 =	vmul.f32 v28, v20;
	[tilespmem:s20+$0x1600] =	vst v0  }
0x258: {  	v0 =	vld [tilespmem:s20+$0x1510];
	v30 =	vadd.f32 v30, v41;
	v22 =	vadd.f32 v22, v36;
	v26 =	vmax.f32 v26, $0.0e+00;
	[tilespmem:s20+$0x15F0] =	vst v39  }
0x259: {  	v36 =	vld [tilespmem:s20+$0x1500];
	v19 =	vadd.f32 v19, v33;
	v24 =	vmax.f32 v24, $0.0e+00;
	v26 =	vmul.f32 v26, v20;
	[tilespmem:s20+$0x15E0] =	vst v37  }
0x25a: {  	v33 =	vld [tilespmem:s20+$0x14F0];
	v20 =	vadd.f32 v43, v42;
	v18 =	vadd.f32 v18, v30;
	v22 =	vmax.f32 v22, $0.0e+00;
	[tilespmem:s20+$0x15D0] =	vst v34  }
0x25b: {  	v24 =	vmul.f32 v24, v10;
	v30 =	vld [tilespmem:s20+$0x14E0];
	v19 =	vmax.f32 v19, $0.0e+00;
	v34 =	vmul.f32 v22, v10;
	[tilespmem:s20+$0x15C0] =	vst v32  }
0x25c: {  	v32 =	vld [tilespmem:s20+$0x44D0];
	v1 =	vadd.f32 v1, v35;
	v17 =	vadd.f32 v17, v20;
	v18 =	vmax.f32 v18, $0.0e+00;
	[tilespmem:s20+$0x15B0] =	vst v31  }
0x25d: {  	v31 =	vld [tilespmem:s20+$0x14D0];
	v0 =	vadd.f32 v27, v0;
	v22 =	vmul.f32 v18, v10;
	v27 =	vmul.f32 v19, v10;
	[tilespmem:s20+$0x15A0] =	vst v29  }
.Ltmp2:
0x25e: {  	v20 =	vld [tilespmem:s20+$0x44C0];
	v19 =	vadd.f32 v25, v36;
	v1 =	vadd.f32 v16, v1;
	v16 =	vmax.f32 v17, $0.0e+00;
	[tilespmem:s20+$0x1590] =	vst v28;
	(pc) =	sbr.rel @p1 .LBB2_7-.Ltmp2, $4  }
0x25f: {  	v18 =	vld [tilespmem:s20+$0x14C0];
	v23 =	vadd.f32 v23, v33;
	v0 =	vadd.f32 v15, v0;
	v16 =	vmul.f32 v16, v10;
	[tilespmem:s20+$0x1580] =	vst v26  }
0x260: {  	v17 =	vld [tilespmem:s20+$0x14B0];
	v25 =	vadd.f32 v21, v30;
	v26 =	vadd.f32 v14, v19;
	v1 =	vmax.f32 v1, $0.0e+00;
	[tilespmem:s20+$0x1570] =	vst v24  }
0x261: {  	v15 =	vld [tilespmem:s20+$0x14A0];
	v23 =	vadd.f32 v13, v23;
	v19 =	vmax.f32 v0, $0.0e+00;
	v14 =	vmul.f32 v1, v10;
	[tilespmem:s20+$0x1560] =	vst v34  }
0x262: {  	s13 =	sadd.s32 $0x800, s13;
	v13 =	vld [tilespmem:s20+$0x1490];
	v21 =	vadd.f32 v32, v31;
	v12 =	vadd.f32 v12, v25;
	v24 =	vmax.f32 v26, $0.0e+00;
	[tilespmem:s20+$0x1550] =	vst v27  }
0x263: {  	v0 =	vld [tilespmem:s20+$0x1480];
	[tilespmem:s20+$0x1540] =	vst v22;
	v22 =	vmax.f32 v23, $0.0e+00;
	v23 =	vmul.f32 v24, v10;
	v10 =	vmul.f32 v19, v10  }
0x264: {  	v1 =	vld [tilespmem:s20+$0x7490];
	[tilespmem:s20+$0x1530] =	vst v16;
	v16 =	vadd.f32 v20, v18;
	v5 =	vadd.f32 v5, v21;
	v12 =	vmax.f32 v12, $0.0e+00  }
0x265: {  	[tilespmem:s20+$0x1520] =	vst v14;
	v18 =	vld [tilespmem:s20+$0x7480];
	v9 =	vadd.f32 v9, v17;
	v12 =	vmul.f32 v12, v11;
	v17 =	vmul.f32 v22, v11  }
0x266: {  	[tilespmem:s20+$0x1510] =	vst v10;
	v8 =	vadd.f32 v8, v15;
	v4 =	vadd.f32 v4, v16;
	v5 =	vmax.f32 v5, $0.0e+00  }
0x267: {  	[tilespmem:s20+$0x1500] =	vst v23;
	v7 =	vadd.f32 v7, v13;
	v2 =	vadd.f32 v2, v9;
	v5 =	vmul.f32 v5, v11  }
0x268: {  	[tilespmem:s20+$0x14F0] =	vst v17;
	v0 =	vadd.f32 v6, v0;
	v3 =	vadd.f32 v3, v8;
	v4 =	vmax.f32 v4, $0.0e+00  }
0x269: {  	[tilespmem:s20+$0x14E0] =	vst v12;
	v1 =	vadd.f32 v1, v7;
	v2 =	vmax.f32 v2, $0.0e+00;
	v4 =	vmul.f32 v4, v11  }
0x26a: {  	[tilespmem:s20+$0x14D0] =	vst v5;
	v0 =	vadd.f32 v18, v0;
	v3 =	vmax.f32 v3, $0.0e+00;
	v2 =	vmul.f32 v2, v11  }
0x26b: {  	v1 =	vmax.f32 v1, $0.0e+00;
	v3 =	vmul.f32 v3, v11;
	[tilespmem:s20+$0x14C0] =	vst v4  }
0x26c: {  	v0 =	vmax.f32 v0, $0.0e+00;
	v1 =	vmul.f32 v1, v11;
	[tilespmem:s20+$0x14B0] =	vst v2  }
0x26d: {  	p1 =	seq.s32 s23, $0x67;
	v0 =	vmul.f32 v0, v11;
	[tilespmem:s20+$0x14A0] =	vst v3  }
0x26e: {  	s12 =	sadd.s32 @!p1 s18, s10;
	[tilespmem:s20+$0x1490] =	vst v1  }
0x26f: {  	s13 =	sshrl.u32 @!p1 s12, $0x3;
	[tilespmem:s20+$0x1480] =	vst v0  }
0x270: {  	[spmem:s4] =	stream.indirect.scatter.add.f32 [tilespmem:s8], [sflag:$0x3], $0x80, s2, s29, $0xb8;
	[tilespmem:$0x1F600] =	vst v63  }
0x271: {  	s30 =	simm.s32 @!p1 $0x0;
	s20 =	sadd.s32 @!p1 s16, s13  }
0x272: {  	[tilespmem:s30], [sflag:$0x1] =	stream.linear.gather @!p1 [hbm4b:s20+s30], $0x20, $0x38;
	[tilespmem:$0x1F600] =	vst v63  }
0x273: {  	s6 =	simm.s32 @!p1 $0x180;
	s20 =	sadd.s32 @!p1 s17, s13  }
0x274: {  	[tilespmem:s6], [sflag:$0x1] =	stream.linear.gather @!p1 [hbm4b:s20+s30], $0x20, $0x38;
	[tilespmem:$0x1F600] =	vst v63  }
0x275: {  	s13 =	sadd.s32 @!p1 s3, s13;
	s20 =	simm.s32 @!p1 $0x300  }
0x276: {  	[tilespmem:s20], [sflag:$0x1] =	stream.linear.gather @!p1 [hbm4b:s13+s30], $0x20, $0x38;
	[tilespmem:$0x1F600] =	vst v63  }
0x277: {  	_ =	swait.ge [sflag:s7], $0x1000  }
0x278: {  	[sflag:s7] =	ssyncset.done $0x0  }
0x279: {  	[sflag:s7] =	ssyncadd.s32 $0xFFFFF000  }
0x27a: {  	_ =	swait.ge [sflag:s7], $0x1000  }
0x27b: {  	[sflag:s7] =	ssyncset.done $0x0  }
0x27c: {  	[sflag:s7] =	ssyncadd.s32 $0xFFFFF000  }
0x27d: {  	_ =	swait.ge [sflag:s7], $0x1000  }
0x27e: {  	[sflag:s7] =	ssyncset.done $0x0  }
0x27f: {  	[sflag:s7] =	ssyncadd.s32 $0xFFFFF000  }
0x280: {  	_ =	swait.ge [sflag:s24], $0x1000  }
0x281: {  	[sflag:s24] =	ssyncset.done $0x0  }
0x282: {  	s13 =	simm.s32 @!p1 $0x1;
	[sflag:s24] =	ssyncadd.s32 $0xFFFFF000  }
0x283: {  	_ =	swait.ge @!p1 [sflag:s13], $0x20  }
0x284: {  	[sflag:s13] =	ssyncset.done @!p1 $0x0  }
0x285: {  	[sflag:s13] =	ssyncadd.s32 @!p1 $0xFFFFFFE0  }
0x286: {  	_ =	swait.ge @!p1 [sflag:s13], $0x20  }
0x287: {  	[sflag:s13] =	ssyncset.done @!p1 $0x0  }
0x288: {  	[sflag:s13] =	ssyncadd.s32 @!p1 $0xFFFFFFE0  }
0x289: {  	_ =	swait.ge @!p1 [sflag:s13], $0x20  }
0x28a: {  	[sflag:s13] =	ssyncset.done @!p1 $0x0  }
0x28b: {  	s20 =	simm.s32 @!p1 $0x480;
	[sflag:s13] =	ssyncadd.s32 @!p1 $0xFFFFFFE0;
	s13 =	simm.s32 @!p1 $0x20  }
0x28c: {  	[tilespmem:s20], [sflag:$0x2] =	stream.indirect.gather @!p1 [hbm4b:s1+s13], $0x80, s30, s13, $0xb8;
	[tilespmem:$0x1F600] =	vst v63  }
0x28d: {  	s20 =	simm.s32 @!p1 $0x3480  }
0x28e: {  	[tilespmem:s20], [sflag:$0x2] =	stream.indirect.gather @!p1 [hbm4b:s14+s13], $0x80, s6, s13, $0xb8;
	[tilespmem:$0x1F600] =	vst v63  }
0x28f: {  	s6 =	sshll.u32 @!p1 s12, $0x4  }
0x290: {  	s12 =	simm.s32 @!p1 $0x6480;
	s6 =	sadd.s32 @!p1 s15, s6  }
0x291: {  	[tilespmem:s12], [sflag:$0x2] =	stream.linear.gather @!p1 [hbm4b:s6+s30], $0x1000, $0x38;
	[tilespmem:$0x1F600] =	vst v63  }
0x292: {  	v0 =	vld [tilespmem:$0x100];
	_ =	sdelay $0x6  }
0x293: {  	v1 =	vimm.f32 $1.000000000e+00  }
0x294: {  	[tilespmem:v0+s19+$0x0] =	vst.idx.add.f32.msk $0xffff, v1  }
0x295: {  	v0 =	vld [tilespmem:$0x110];
	_ =	sdelay $0x7  }
0x296: {  	s20 =	simm.s32 $0x0;
	[tilespmem:v0+s19+$0x0] =	vst.idx.add.f32.msk $0xffff, v1  }
0x297: {  	v3 =	vld [tilespmem:s20+$0x84A0]  }
0x298: {  	v2 =	vld [tilespmem:s20+$0x84B0]  }
0x299: {  	v4 =	vld [tilespmem:s20+$0x84C0]  }
0x29a: {  	v5 =	vld [tilespmem:s20+$0x84D0]  }
0x29b: {  	s12 =	simm.s32 $0x400;
	v0 =	vld [tilespmem:s20+$0x84E0]  }
0x29c: {  	v11 =	vld [tilespmem:s12+$0x0]  }
0x29d: {  	v20 =	vld [tilespmem:s20+$0x8550]  }
0x29e: {  	v22 =	vld [tilespmem:s20+$0x8560]  }
0x29f: {  	v24 =	vld [tilespmem:s20+$0x8570]  }
0x2a0: {  	v26 =	vld [tilespmem:s20+$0x8580]  }
0x2a1: {  	v27 =	vld [tilespmem:s20+$0x8590]  }
0x2a2: {  	v18 =	vld [tilespmem:s20+$0x85A0]  }
0x2a3: {  	v17 =	vld [tilespmem:s20+$0x85B0]  }
0x2a4: {  	v16 =	vld [tilespmem:s20+$0x85C0]  }
0x2a5: {  	v29 =	vld [tilespmem:s20+$0x85D0]  }
0x2a6: {  	v30 =	vld [tilespmem:s20+$0x85E0]  }
0x2a7: {  	v31 =	vld [tilespmem:s20+$0x85F0]  }
0x2a8: {  	v32 =	vld [tilespmem:s20+$0x8600]  }
0x2a9: {  	v33 =	vld [tilespmem:s20+$0x8610]  }
0x2aa: {  	v34 =	vld [tilespmem:s20+$0x8620]  }
0x2ab: {  	v35 =	vld [tilespmem:s20+$0x8630]  }
0x2ac: {  	v36 =	vld [tilespmem:s20+$0x8640]  }
0x2ad: {  	v37 =	vld [tilespmem:s20+$0x8650]  }
0x2ae: {  	v38 =	vld [tilespmem:s20+$0x8660]  }
0x2af: {  	v39 =	vld [tilespmem:s20+$0x8670]  }
0x2b0: {  	v6 =	vld [tilespmem:s20+$0x5480]  }
0x2b1: {  	v7 =	vld [tilespmem:s20+$0x5490]  }
0x2b2: {  	v8 =	vld [tilespmem:s20+$0x54A0]  }
0x2b3: {  	[tilespmem:$0x1FF10] =	vst v0;
	v0 =	vld [tilespmem:s20+$0x84F0]  }
0x2b4: {  	v9 =	vld [tilespmem:s20+$0x54B0]  }
0x2b5: {  	v19 =	vld [tilespmem:s20+$0x54E0]  }
0x2b6: {  	v23 =	vld [tilespmem:s20+$0x5500]  }
0x2b7: {  	v41 =	vld [tilespmem:s20+$0x5560]  }
0x2b8: {  	[tilespmem:$0x1FF00] =	vst v0;
	v0 =	vld [tilespmem:s20+$0x8500]  }
0x2b9: {  	v43 =	vld [tilespmem:s20+$0x55A0]  }
0x2ba: {  	v44 =	vld [tilespmem:s20+$0x55B0]  }
0x2bb: {  	v45 =	vld [tilespmem:s20+$0x55C0]  }
0x2bc: {  	v46 =	vld [tilespmem:s20+$0x55D0]  }
0x2bd: {  	[tilespmem:$0x1FEF0] =	vst v0;
	v0 =	vld [tilespmem:s20+$0x8510]  }
0x2be: {  	v47 =	vld [tilespmem:s20+$0x5600]  }
0x2bf: {  	v48 =	vld [tilespmem:s20+$0x5610]  }
0x2c0: {  	v49 =	vld [tilespmem:s20+$0x5620]  }
0x2c1: {  	v50 =	vld [tilespmem:s20+$0x5630]  }
0x2c2: {  	[tilespmem:$0x1FEE0] =	vst v0;
	v0 =	vld [tilespmem:s20+$0x8520]  }
0x2c3: {  	v51 =	vld [tilespmem:s20+$0x5660]  }
0x2c4: {  	v52 =	vld [tilespmem:s20+$0x5670]  }
0x2c5: {  	v53 =	vld [tilespmem:s20+$0x2670]  }
0x2c6: {  	v54 =	vld [tilespmem:s20+$0x2660]  }
0x2c7: {  	[tilespmem:$0x1FED0] =	vst v0;
	v0 =	vld [tilespmem:s20+$0x8530]  }
0x2c8: {  	v55 =	vld [tilespmem:s20+$0x5650]  }
0x2c9: {  	v56 =	vld [tilespmem:s20+$0x2650]  }
0x2ca: {  	v57 =	vld [tilespmem:s20+$0x5640]  }
0x2cb: {  	v58 =	vld [tilespmem:s20+$0x2640]  }
0x2cc: {  	[tilespmem:$0x1FEC0] =	vst v0;
	v0 =	vld [tilespmem:s20+$0x8540]  }
0x2cd: {  	v59 =	vld [tilespmem:s20+$0x2630]  }
0x2ce: {  	v60 =	vld [tilespmem:s20+$0x2620]  }
0x2cf: {  	v61 =	vld [tilespmem:s20+$0x2610]  }
0x2d0: {  	v63 =	vld [tilespmem:s20+$0x55F0]  }
0x2d1: {  	[tilespmem:$0x1FEB0] =	vst v0;
	v0 =	vld [tilespmem:s20+$0x25F0]  }
0x2d2: {  	v62 =	vld [tilespmem:s20+$0x2600]  }
0x2d3: {  	v12 =	vld [tilespmem:s20+$0x25D0];
	v52 =	vadd.f32 v52, v53  }
0x2d4: {  	v10 =	vld [tilespmem:s20+$0x55E0];
	v51 =	vadd.f32 v51, v54;
	v55 =	vadd.f32 v55, v56  }
0x2d5: {  	v1 =	vld [tilespmem:s20+$0x25E0];
	v57 =	vadd.f32 v57, v58;
	v59 =	vadd.f32 v50, v59  }
0x2d6: {  	v13 =	vld [tilespmem:s20+$0x25C0];
	v60 =	vadd.f32 v49, v60;
	v0 =	vadd.f32 v63, v0  }
0x2d7: {  	v14 =	vld [tilespmem:s20+$0x25A0];
	v61 =	vadd.f32 v48, v61;
	v48 =	vadd.f32 v47, v62  }
0x2d8: {  	v53 =	vld [tilespmem:s20+$0x25B0];
	v54 =	vbroadcast v11, $0x3;
	v12 =	vadd.f32 v46, v12;
	v0 =	vadd.f32 v31, v0  }
0x2d9: {  	v56 =	vld [tilespmem:s20+$0x2580];
	v35 =	vadd.f32 v35, v59;
	v32 =	vadd.f32 v32, v48;
	v59 =	vbroadcast v11, $0x2  }
0x2da: {  	v50 =	vld [tilespmem:s20+$0x2560];
	v1 =	vadd.f32 v10, v1;
	v38 =	vadd.f32 v38, v51;
	v0 =	vmax.f32 v0, $0.0e+00  }
0x2db: {  	v51 =	vld [tilespmem:s20+$0x5580];
	v12 =	vadd.f32 v29, v12;
	v10 =	vmax.f32 v32, $0.0e+00;
	v0 =	vmul.f32 v0, v59  }
0x2dc: {  	v25 =	vld [tilespmem:s20+$0x5510];
	v14 =	vadd.f32 v43, v14;
	v39 =	vadd.f32 v39, v52;
	v10 =	vmul.f32 v10, v54  }
0x2dd: {  	v15 =	vld [tilespmem:s20+$0x2590];
	v1 =	vadd.f32 v30, v1;
	v12 =	vmax.f32 v12, $0.0e+00;
	[tilespmem:s20+$0x25F0] =	vst v0;
	v0 =	vadd.f32 v44, v53  }
0x2de: {  	v52 =	vld [tilespmem:s20+$0x5590];
	v36 =	vadd.f32 v36, v57;
	v12 =	vmul.f32 v12, v59;
	[tilespmem:s20+$0x2600] =	vst v10;
	v10 =	vadd.f32 v45, v13  }
0x2df: {  	v49 =	vld [tilespmem:s20+$0x5530];
	v1 =	vmax.f32 v1, $0.0e+00;
	v0 =	vadd.f32 v17, v0;
	v17 =	vadd.f32 v41, v50  }
0x2e0: {  	v57 =	vld [tilespmem:s20+$0x2530];
	v1 =	vmul.f32 v1, v59;
	[tilespmem:s20+$0x25D0] =	vst v12;
	v12 =	vadd.f32 v51, v56;
	v10 =	vadd.f32 v16, v10  }
0x2e1: {  	v14 =	vadd.f32 v18, v14;
	v13 =	vld [tilespmem:s20+$0x2510];
	v17 =	vadd.f32 v22, v17  }
0x2e2: {  	[tilespmem:s20+$0x25E0] =	vst v1;
	v16 =	vld [tilespmem:s20+$0x2500];
	v12 =	vadd.f32 v26, v12;
	v1 =	vmax.f32 v10, $0.0e+00;
	v10 =	vbroadcast v11, $0x1  }
0x2e3: {  	v58 =	vld [tilespmem:s20+$0x5520];
	v14 =	vmax.f32 v14, $0.0e+00;
	v15 =	vadd.f32 v52, v15;
	v17 =	vmax.f32 v17, $0.0e+00  }
0x2e4: {  	v14 =	vmul.f32 v14, v59;
	v12 =	vmax.f32 v12, $0.0e+00;
	v26 =	vmul.f32 v17, v10;
	v17 =	vld [tilespmem:$0x1FEC0]  }
0x2e5: {  	v34 =	vadd.f32 v34, v60;
	v60 =	vld [tilespmem:s20+$0x2520];
	v15 =	vadd.f32 v27, v15;
	v12 =	vmul.f32 v12, v59  }
0x2e6: {  	v42 =	vld [tilespmem:s20+$0x5570];
	[tilespmem:s20+$0x25A0] =	vst v14;
	v14 =	vadd.f32 v49, v57  }
0x2e7: {  	v15 =	vmax.f32 v15, $0.0e+00;
	[tilespmem:s20+$0x2580] =	vst v12;
	v12 =	vadd.f32 v25, v13;
	v13 =	vadd.f32 v23, v16;
	v16 =	vld [tilespmem:$0x1FED0]  }
0x2e8: {  	v37 =	vadd.f32 v37, v55;
	v55 =	vld [tilespmem:s20+$0x2570];
	v15 =	vmul.f32 v15, v59  }
0x2e9: {  	v21 =	vld [tilespmem:s20+$0x54F0];
	v14 =	vadd.f32 v17, v14  }
0x2ea: {  	v28 =	vld [tilespmem:s20+$0x5540];
	v39 =	vmax.f32 v39, $0.0e+00;
	[tilespmem:s20+$0x2590] =	vst v15;
	v15 =	vadd.f32 v58, v60  }
0x2eb: {  	v40 =	vld [tilespmem:s20+$0x5550];
	v38 =	vmax.f32 v38, $0.0e+00;
	v1 =	vmul.f32 v1, v59;
	v14 =	vmax.f32 v14, $0.0e+00  }
0x2ec: {  	v39 =	vmul.f32 v39, v54;
	v23 =	vadd.f32 v16, v15;
	v16 =	vmul.f32 v14, v10;
	v14 =	vld [tilespmem:$0x1FEF0]  }
0x2ed: {  	v33 =	vadd.f32 v33, v61;
	v61 =	vld [tilespmem:s20+$0x24F0];
	v38 =	vmul.f32 v38, v54;
	[tilespmem:s20+$0x25C0] =	vst v1;
	v1 =	vadd.f32 v42, v55  }
0x2ee: {  	[tilespmem:s20+$0x2670] =	vst v39;
	v39 =	vld [tilespmem:s20+$0x2550]  }
0x2ef: {  	[tilespmem:s20+$0x2660] =	vst v38;
	v38 =	vld [tilespmem:s20+$0x2540];
	v1 =	vadd.f32 v24, v1  }
0x2f0: {  	v37 =	vmax.f32 v37, $0.0e+00;
	v36 =	vmax.f32 v36, $0.0e+00;
	v0 =	vmax.f32 v0, $0.0e+00;
	v22 =	vld [tilespmem:$0x1FEB0]  }
0x2f1: {  	v1 =	vmax.f32 v1, $0.0e+00;
	v0 =	vmul.f32 v0, v59;
	v63 =	vadd.f32 v14, v13;
	v14 =	vld [tilespmem:$0x1FF00]  }
0x2f2: {  	v62 =	vld [tilespmem:s20+$0x24E0];
	v35 =	vmax.f32 v35, $0.0e+00;
	v34 =	vmax.f32 v34, $0.0e+00;
	v1 =	vmul.f32 v1, v10  }
0x2f3: {  	v33 =	vmax.f32 v33, $0.0e+00;
	v37 =	vmul.f32 v37, v54;
	v15 =	vld [tilespmem:$0x1FEE0];
	[tilespmem:s20+$0x25B0] =	vst v0;
	v0 =	vadd.f32 v40, v39  }
0x2f4: {  	v36 =	vmul.f32 v36, v54;
	v27 =	vld [tilespmem:s20+$0x54D0];
	v18 =	vadd.f32 v28, v38;
	[tilespmem:s20+$0x2570] =	vst v1;
	v1 =	vadd.f32 v21, v61  }
0x2f5: {  	v35 =	vmul.f32 v35, v54;
	v34 =	vmul.f32 v34, v54;
	[tilespmem:s20+$0x2650] =	vst v37;
	v24 =	vld [tilespmem:s20+$0x24D0];
	v0 =	vadd.f32 v20, v0  }
0x2f6: {  	[tilespmem:s20+$0x2640] =	vst v36;
	v22 =	vadd.f32 v22, v18;
	v13 =	vmax.f32 v23, $0.0e+00;
	v23 =	vadd.f32 v14, v1;
	v1 =	vld [tilespmem:$0x1FF10]  }
0x2f7: {  	v33 =	vmul.f32 v33, v54;
	[tilespmem:s20+$0x2630] =	vst v35;
	v20 =	vld [tilespmem:s20+$0x54C0]  }
0x2f8: {  	[tilespmem:s20+$0x2620] =	vst v34;
	v12 =	vadd.f32 v15, v12;
	v18 =	vld [tilespmem:s20+$0x24C0];
	v0 =	vmax.f32 v0, $0.0e+00;
	v17 =	vmax.f32 v22, $0.0e+00  }
0x2f9: {  	[tilespmem:s20+$0x2610] =	vst v33;
	v25 =	vadd.f32 v19, v62;
	v0 =	vmul.f32 v0, v10;
	v22 =	vmul.f32 v17, v10;
	v17 =	vld [tilespmem:s20+$0x24B0]  }
0x2fa: {  	v11 =	vbroadcast v11, $0x0;
	v21 =	vadd.f32 v27, v24;
	v15 =	vld [tilespmem:s20+$0x24A0];
	v19 =	vmax.f32 v12, $0.0e+00;
	[tilespmem:s20+$0x2560] =	vst v26  }
0x2fb: {  	s13 =	simm.s32 $0x800;
	[tilespmem:s20+$0x2550] =	vst v0;
	v24 =	vmax.f32 v63, $0.0e+00;
	v14 =	vmul.f32 v13, v10;
	v13 =	vld [tilespmem:s20+$0x2490];
	v12 =	vadd.f32 v1, v25  }
.LBB2_9:
0x2fc: {  	p2 =	sne.s32 s13, $0x3800;
	v0 =	vld [tilespmem:s20+$0x2480];
	v1 =	vmax.f32 v23, $0.0e+00;
	v23 =	vmul.f32 v24, v10;
	v10 =	vmul.f32 v19, v10;
	[tilespmem:s20+$0x2540] =	vst v22  }
0x2fd: {  	v19 =	vld [tilespmem:s20+$0x8490];
	v18 =	vadd.f32 v20, v18;
	v5 =	vadd.f32 v5, v21;
	v12 =	vmax.f32 v12, $0.0e+00;
	[tilespmem:s20+$0x2530] =	vst v16  }
0x2fe: {  	s6 =	sshra.s32 s13, $0x2;
	v1 =	vmul.f32 v1, v11;
	v16 =	vld [tilespmem:s20+$0x8480];
	v9 =	vadd.f32 v9, v17;
	v12 =	vmul.f32 v12, v11;
	[tilespmem:s20+$0x2520] =	vst v14  }
0x2ff: {  	v14 =	vld [tilespmem:s6+$0x84A0];
	v8 =	vadd.f32 v8, v15;
	v15 =	vadd.f32 v4, v18;
	v4 =	vmax.f32 v5, $0.0e+00;
	[tilespmem:s20+$0x2510] =	vst v10  }
0x300: {  	v7 =	vadd.f32 v7, v13;
	v9 =	vadd.f32 v2, v9;
	v2 =	vld [tilespmem:s6+$0x84B0];
	v10 =	vmul.f32 v4, v11;
	[tilespmem:s20+$0x2500] =	vst v23  }
0x301: {  	v4 =	vld [tilespmem:s6+$0x84C0];
	v0 =	vadd.f32 v6, v0;
	v17 =	vadd.f32 v3, v8;
	v6 =	vmax.f32 v15, $0.0e+00;
	[tilespmem:s20+$0x24F0] =	vst v1  }
0x302: {  	v5 =	vld [tilespmem:s6+$0x84D0];
	v1 =	vadd.f32 v19, v7;
	v7 =	vmax.f32 v9, $0.0e+00;
	v6 =	vmul.f32 v6, v11;
	[tilespmem:s20+$0x24E0] =	vst v12  }
0x303: {  	v12 =	vld [tilespmem:s6+$0x84E0];
	v0 =	vadd.f32 v16, v0;
	v9 =	vmax.f32 v17, $0.0e+00;
	v7 =	vmul.f32 v7, v11;
	[tilespmem:s20+$0x24D0] =	vst v10  }
0x304: {  	v13 =	vld [tilespmem:s6+$0x84F0];
	v1 =	vmax.f32 v1, $0.0e+00;
	v8 =	vmul.f32 v9, v11;
	[tilespmem:s20+$0x24C0] =	vst v6;
	v3 =	vmov v14  }
0x305: {  	v14 =	vld [tilespmem:s6+$0x8500];
	v0 =	vmax.f32 v0, $0.0e+00;
	v1 =	vmul.f32 v1, v11;
	[tilespmem:s20+$0x24B0] =	vst v7  }
0x306: {  	v15 =	vld [tilespmem:s6+$0x8510];
	v0 =	vmul.f32 v0, v11;
	[tilespmem:s20+$0x24A0] =	vst v8  }
0x307: {  	v16 =	vld [tilespmem:s6+$0x8520];
	[tilespmem:s20+$0x2490] =	vst v1  }
0x308: {  	s12 =	sadd.s32 $0x4, s12;
	v17 =	vld [tilespmem:s6+$0x8530];
	[tilespmem:s20+$0x2480] =	vst v0;
	s20 =	smov.u32 s6  }
0x309: {  	v0 =	vld [tilespmem:s12+$0x0]  }
0x30a: {  	v18 =	vld [tilespmem:s20+$0x8540]  }
0x30b: {  	v19 =	vld [tilespmem:s20+$0x8550]  }
0x30c: {  	v22 =	vld [tilespmem:s20+$0x8560]  }
0x30d: {  	v24 =	vld [tilespmem:s20+$0x8570]  }
0x30e: {  	v10 =	vbroadcast v0, $0x1;
	v26 =	vld [tilespmem:s20+$0x8580];
	v20 =	vbroadcast v0, $0x2  }
0x30f: {  	v35 =	vbroadcast v0, $0x3;
	v28 =	vld [tilespmem:s20+$0x8590]  }
0x310: {  	v29 =	vld [tilespmem:s20+$0x85A0]  }
0x311: {  	v31 =	vld [tilespmem:s20+$0x85B0]  }
0x312: {  	v32 =	vld [tilespmem:s20+$0x85C0]  }
0x313: {  	v34 =	vld [tilespmem:s20+$0x85D0]  }
0x314: {  	v37 =	vld [tilespmem:s20+$0x85E0]  }
0x315: {  	v39 =	vld [tilespmem:s20+$0x85F0]  }
0x316: {  	v1 =	vld [tilespmem:s20+$0x8600]  }
0x317: {  	v40 =	vld [tilespmem:s20+$0x8610]  }
0x318: {  	v41 =	vld [tilespmem:s20+$0x8620]  }
0x319: {  	v42 =	vld [tilespmem:s20+$0x8630]  }
0x31a: {  	v43 =	vld [tilespmem:s20+$0x8640]  }
0x31b: {  	v44 =	vld [tilespmem:s20+$0x8650]  }
0x31c: {  	v11 =	vld [tilespmem:s20+$0x8660]  }
0x31d: {  	v45 =	vld [tilespmem:s20+$0x8670]  }
0x31e: {  	v6 =	vld [tilespmem:s20+$0x5480]  }
0x31f: {  	v7 =	vld [tilespmem:s20+$0x5490]  }
0x320: {  	v8 =	vld [tilespmem:s20+$0x54A0]  }
0x321: {  	v9 =	vld [tilespmem:s20+$0x54B0]  }
0x322: {  	v21 =	vld [tilespmem:s20+$0x54E0]  }
0x323: {  	v23 =	vld [tilespmem:s20+$0x54F0]  }
0x324: {  	v25 =	vld [tilespmem:s20+$0x5500]  }
0x325: {  	v27 =	vld [tilespmem:s20+$0x5510]  }
0x326: {  	v30 =	vld [tilespmem:s20+$0x5540]  }
0x327: {  	v33 =	vld [tilespmem:s20+$0x5550]  }
0x328: {  	v36 =	vld [tilespmem:s20+$0x5560]  }
0x329: {  	v38 =	vld [tilespmem:s20+$0x5570]  }
0x32a: {  	v46 =	vld [tilespmem:s20+$0x55A0]  }
0x32b: {  	v47 =	vld [tilespmem:s20+$0x55B0]  }
0x32c: {  	v48 =	vld [tilespmem:s20+$0x55C0]  }
0x32d: {  	v49 =	vld [tilespmem:s20+$0x55D0]  }
0x32e: {  	v50 =	vld [tilespmem:s20+$0x5600]  }
0x32f: {  	v51 =	vld [tilespmem:s20+$0x5610]  }
0x330: {  	v52 =	vld [tilespmem:s20+$0x5620]  }
0x331: {  	v53 =	vld [tilespmem:s20+$0x5630]  }
0x332: {  	v54 =	vld [tilespmem:s20+$0x5660]  }
0x333: {  	v55 =	vld [tilespmem:s20+$0x5670]  }
0x334: {  	v56 =	vld [tilespmem:s20+$0x2670]  }
0x335: {  	v57 =	vld [tilespmem:s20+$0x2660]  }
0x336: {  	v58 =	vld [tilespmem:s20+$0x5650]  }
0x337: {  	v59 =	vld [tilespmem:s20+$0x2650]  }
0x338: {  	v60 =	vld [tilespmem:s20+$0x5640]  }
0x339: {  	v61 =	vld [tilespmem:s20+$0x2640];
	v55 =	vadd.f32 v55, v56  }
0x33a: {  	v56 =	vld [tilespmem:s20+$0x2630];
	v54 =	vadd.f32 v54, v57  }
0x33b: {  	v57 =	vld [tilespmem:s20+$0x2620];
	v45 =	vadd.f32 v45, v55  }
0x33c: {  	v55 =	vld [tilespmem:s20+$0x2610];
	v58 =	vadd.f32 v58, v59;
	v54 =	vadd.f32 v11, v54  }
0x33d: {  	v11 =	vbroadcast v0, $0x0;
	v0 =	vld [tilespmem:s20+$0x2600];
	v45 =	vmax.f32 v45, $0.0e+00  }
0x33e: {  	v59 =	vld [tilespmem:s20+$0x55F0];
	v60 =	vadd.f32 v60, v61;
	v44 =	vadd.f32 v44, v58;
	v54 =	vmax.f32 v54, $0.0e+00  }
0x33f: {  	v45 =	vmul.f32 v45, v35;
	v58 =	vld [tilespmem:s20+$0x25F0];
	v53 =	vadd.f32 v53, v56;
	v54 =	vmul.f32 v54, v35  }
0x340: {  	v56 =	vld [tilespmem:s20+$0x55E0];
	v52 =	vadd.f32 v52, v57;
	v43 =	vadd.f32 v43, v60;
	v44 =	vmax.f32 v44, $0.0e+00  }
0x341: {  	v57 =	vld [tilespmem:s20+$0x25E0];
	v51 =	vadd.f32 v51, v55;
	v42 =	vadd.f32 v42, v53;
	v44 =	vmul.f32 v44, v35  }
0x342: {  	v53 =	vld [tilespmem:s20+$0x25D0];
	v0 =	vadd.f32 v50, v0;
	v41 =	vadd.f32 v41, v52;
	v43 =	vmax.f32 v43, $0.0e+00  }
0x343: {  	v50 =	vld [tilespmem:s20+$0x25C0];
	v40 =	vadd.f32 v40, v51;
	v42 =	vmax.f32 v42, $0.0e+00;
	v43 =	vmul.f32 v43, v35  }
0x344: {  	v51 =	vld [tilespmem:s20+$0x25B0];
	v52 =	vadd.f32 v59, v58;
	v0 =	vadd.f32 v1, v0;
	v1 =	vmax.f32 v41, $0.0e+00  }
0x345: {  	v42 =	vmul.f32 v42, v35;
	v41 =	vld [tilespmem:s20+$0x25A0];
	v40 =	vmax.f32 v40, $0.0e+00;
	v1 =	vmul.f32 v1, v35  }
0x346: {  	v55 =	vld [tilespmem:s20+$0x5590];
	v56 =	vadd.f32 v56, v57;
	v39 =	vadd.f32 v39, v52;
	v0 =	vmax.f32 v0, $0.0e+00  }
0x347: {  	v52 =	vld [tilespmem:s20+$0x2590];
	v49 =	vadd.f32 v49, v53;
	v0 =	vmul.f32 v0, v35;
	v35 =	vmul.f32 v40, v35  }
0x348: {  	v40 =	vld [tilespmem:s20+$0x5580];
	v48 =	vadd.f32 v48, v50;
	v37 =	vadd.f32 v37, v56;
	v39 =	vmax.f32 v39, $0.0e+00  }
0x349: {  	v50 =	vld [tilespmem:s20+$0x2580];
	v47 =	vadd.f32 v47, v51;
	v34 =	vadd.f32 v34, v49;
	v39 =	vmul.f32 v39, v20  }
0x34a: {  	v49 =	vld [tilespmem:s20+$0x2570];
	v41 =	vadd.f32 v46, v41;
	v32 =	vadd.f32 v32, v48;
	v37 =	vmax.f32 v37, $0.0e+00;
	[tilespmem:s20+$0x2670] =	vst v45  }
0x34b: {  	v45 =	vld [tilespmem:s20+$0x2560];
	v31 =	vadd.f32 v31, v47;
	v34 =	vmax.f32 v34, $0.0e+00;
	v37 =	vmul.f32 v37, v20;
	[tilespmem:s20+$0x2660] =	vst v54  }
0x34c: {  	v46 =	vld [tilespmem:s20+$0x2550];
	v47 =	vadd.f32 v55, v52;
	v29 =	vadd.f32 v29, v41;
	v32 =	vmax.f32 v32, $0.0e+00;
	[tilespmem:s20+$0x2650] =	vst v44  }
0x34d: {  	v34 =	vmul.f32 v34, v20;
	v41 =	vld [tilespmem:s20+$0x2540];
	v31 =	vmax.f32 v31, $0.0e+00;
	v32 =	vmul.f32 v32, v20;
	[tilespmem:s20+$0x2640] =	vst v43  }
0x34e: {  	v43 =	vld [tilespmem:s20+$0x5530];
	v40 =	vadd.f32 v40, v50;
	v28 =	vadd.f32 v28, v47;
	v29 =	vmax.f32 v29, $0.0e+00;
	[tilespmem:s20+$0x2630] =	vst v42  }
0x34f: {  	v31 =	vmul.f32 v31, v20;
	v42 =	vld [tilespmem:s20+$0x2530];
	v38 =	vadd.f32 v38, v49;
	v29 =	vmul.f32 v29, v20;
	[tilespmem:s20+$0x2620] =	vst v1  }
0x350: {  	v1 =	vld [tilespmem:s20+$0x5520];
	v36 =	vadd.f32 v36, v45;
	v26 =	vadd.f32 v26, v40;
	v28 =	vmax.f32 v28, $0.0e+00;
	[tilespmem:s20+$0x2610] =	vst v35  }
0x351: {  	v35 =	vld [tilespmem:s20+$0x2520];
	v33 =	vadd.f32 v33, v46;
	v24 =	vadd.f32 v24, v38;
	v28 =	vmul.f32 v28, v20;
	[tilespmem:s20+$0x2600] =	vst v0  }
0x352: {  	v0 =	vld [tilespmem:s20+$0x2510];
	v30 =	vadd.f32 v30, v41;
	v22 =	vadd.f32 v22, v36;
	v26 =	vmax.f32 v26, $0.0e+00;
	[tilespmem:s20+$0x25F0] =	vst v39  }
0x353: {  	v36 =	vld [tilespmem:s20+$0x2500];
	v19 =	vadd.f32 v19, v33;
	v24 =	vmax.f32 v24, $0.0e+00;
	v26 =	vmul.f32 v26, v20;
	[tilespmem:s20+$0x25E0] =	vst v37  }
0x354: {  	v33 =	vld [tilespmem:s20+$0x24F0];
	v20 =	vadd.f32 v43, v42;
	v18 =	vadd.f32 v18, v30;
	v22 =	vmax.f32 v22, $0.0e+00;
	[tilespmem:s20+$0x25D0] =	vst v34  }
0x355: {  	v24 =	vmul.f32 v24, v10;
	v30 =	vld [tilespmem:s20+$0x24E0];
	v19 =	vmax.f32 v19, $0.0e+00;
	v34 =	vmul.f32 v22, v10;
	[tilespmem:s20+$0x25C0] =	vst v32  }
0x356: {  	v32 =	vld [tilespmem:s20+$0x54D0];
	v1 =	vadd.f32 v1, v35;
	v17 =	vadd.f32 v17, v20;
	v18 =	vmax.f32 v18, $0.0e+00;
	[tilespmem:s20+$0x25B0] =	vst v31  }
0x357: {  	v31 =	vld [tilespmem:s20+$0x24D0];
	v0 =	vadd.f32 v27, v0;
	v22 =	vmul.f32 v18, v10;
	v27 =	vmul.f32 v19, v10;
	[tilespmem:s20+$0x25A0] =	vst v29  }
.Ltmp3:
0x358: {  	v20 =	vld [tilespmem:s20+$0x54C0];
	v19 =	vadd.f32 v25, v36;
	v1 =	vadd.f32 v16, v1;
	v16 =	vmax.f32 v17, $0.0e+00;
	[tilespmem:s20+$0x2590] =	vst v28;
	(pc) =	sbr.rel @p2 .LBB2_9-.Ltmp3, $4  }
0x359: {  	v18 =	vld [tilespmem:s20+$0x24C0];
	v23 =	vadd.f32 v23, v33;
	v0 =	vadd.f32 v15, v0;
	v16 =	vmul.f32 v16, v10;
	[tilespmem:s20+$0x2580] =	vst v26  }
0x35a: {  	v17 =	vld [tilespmem:s20+$0x24B0];
	v25 =	vadd.f32 v21, v30;
	v26 =	vadd.f32 v14, v19;
	v1 =	vmax.f32 v1, $0.0e+00;
	[tilespmem:s20+$0x2570] =	vst v24  }
0x35b: {  	v15 =	vld [tilespmem:s20+$0x24A0];
	v23 =	vadd.f32 v13, v23;
	v19 =	vmax.f32 v0, $0.0e+00;
	v14 =	vmul.f32 v1, v10;
	[tilespmem:s20+$0x2560] =	vst v34  }
0x35c: {  	s13 =	sadd.s32 $0x800, s13;
	v13 =	vld [tilespmem:s20+$0x2490];
	v21 =	vadd.f32 v32, v31;
	v12 =	vadd.f32 v12, v25;
	v24 =	vmax.f32 v26, $0.0e+00;
	[tilespmem:s20+$0x2550] =	vst v27  }
0x35d: {  	v0 =	vld [tilespmem:s20+$0x2480];
	[tilespmem:s20+$0x2540] =	vst v22;
	v58 =	vmax.f32 v23, $0.0e+00;
	v59 =	vmul.f32 v24, v10;
	v60 =	vmul.f32 v19, v10  }
0x35e: {  	v1 =	vld [tilespmem:s20+$0x8490];
	[tilespmem:s20+$0x2530] =	vst v16;
	v61 =	vadd.f32 v20, v18;
	v5 =	vadd.f32 v5, v21;
	v12 =	vmax.f32 v12, $0.0e+00  }
0x35f: {  	v62 =	vld [tilespmem:s20+$0x8480];
	[tilespmem:s20+$0x2520] =	vst v14;
	v63 =	vmul.f32 v58, v11;
	v9 =	vadd.f32 v9, v17;
	v12 =	vmul.f32 v12, v11  }
0x360: {  	[tilespmem:s20+$0x2510] =	vst v60;
	v8 =	vadd.f32 v8, v15;
	v4 =	vadd.f32 v4, v61;
	v5 =	vmax.f32 v5, $0.0e+00  }
0x361: {  	[tilespmem:s20+$0x2500] =	vst v59;
	v7 =	vadd.f32 v7, v13;
	v2 =	vadd.f32 v2, v9;
	v5 =	vmul.f32 v5, v11  }
0x362: {  	[tilespmem:s20+$0x24F0] =	vst v63;
	v0 =	vadd.f32 v6, v0;
	v3 =	vadd.f32 v3, v8;
	v4 =	vmax.f32 v4, $0.0e+00  }
0x363: {  	[tilespmem:s20+$0x24E0] =	vst v12;
	v1 =	vadd.f32 v1, v7;
	v2 =	vmax.f32 v2, $0.0e+00;
	v4 =	vmul.f32 v4, v11  }
0x364: {  	[tilespmem:s20+$0x24D0] =	vst v5;
	v0 =	vadd.f32 v62, v0;
	v3 =	vmax.f32 v3, $0.0e+00;
	v2 =	vmul.f32 v2, v11  }
0x365: {  	v1 =	vmax.f32 v1, $0.0e+00;
	v3 =	vmul.f32 v3, v11;
	[tilespmem:s20+$0x24C0] =	vst v4  }
.Ltmp4:
0x366: {  	v0 =	vmax.f32 v0, $0.0e+00;
	v1 =	vmul.f32 v1, v11;
	[tilespmem:s20+$0x24B0] =	vst v2;
	(pc) =	sbr.rel @p1 .LBB2_12-.Ltmp4, $4  }
0x367: {  	v0 =	vmul.f32 v0, v11;
	[tilespmem:s20+$0x24A0] =	vst v3  }
0x368: {  	[tilespmem:s20+$0x2490] =	vst v1  }
0x369: {  	[tilespmem:s20+$0x2480] =	vst v0  }
0x36a: {  	[spmem:s4] =	stream.indirect.scatter.add.f32 [tilespmem:s25], [sflag:$0x3], $0x80, s21, s29, $0xb8;
	[tilespmem:$0x1F600] =	vst v63  }
0x36b: {  	s6 =	sadd.s32 s18, s11  }
0x36c: {  	s6 =	sshrl.u32 s6, $0x3  }
0x36d: {  	s12 =	sadd.s32 s16, s6  }
0x36e: {  	[tilespmem:s2], [sflag:$0x1] =	stream.linear.gather [hbm4b:s12+s5], $0x20, $0x38;
	[tilespmem:$0x1F600] =	vst v63  }
.Ltmp5:
0x36f: {  	_ = 	snop;
	(pc) =	sbr.rel .LBB2_4-.Ltmp5, $4  }
0x370: {  	s20 =	sadd.s32 s17, s6  }
0x371: {  	[tilespmem:s0], [sflag:$0x1] =	stream.linear.gather [hbm4b:s20+s5], $0x20, $0x38;
	[tilespmem:$0x1F600] =	vst v63  }
0x372: {  	s30 =	simm.s32 $0x380;
	s23 =	sadd.s32 $0x1, s23;
	s6 =	sadd.s32 s3, s6  }
0x373: {  	[tilespmem:s30], [sflag:$0x1] =	stream.linear.gather [hbm4b:s6+s5], $0x20, $0x38;
	[tilespmem:$0x1F600] =	vst v63  }
.LBB2_12:
0x374: {  	_ =	swait.ge [sflag:s24], $0x1000  }
0x375: {  	s6 =	simm.s32 $0x0;
	[sflag:s24] =	ssyncset.done $0x0  }
0x376: {  	s20 =	simm.s32 $0x9480;
	s12 =	rddreg [dreg:$0x1e];
	[sflag:s24] =	ssyncadd.s32 $0xFFFFF000  }
0x377: {  	[tilespmem:s20], [sflag:$0x4] =	stream.linear.gather [hbm4b:s12+s6], $0x10, $0x38;
	[tilespmem:$0x1F600] =	vst v63  }
0x378: {  	_ =	swait.ge [sflag:s26], $0x10  }
0x379: {  	[sflag:s26] =	ssyncset.done $0x0  }
0x37a: {  	s13 =	simm.s32 $0x9500;
	s23 =	rddreg [dreg:$0x1f];
	[sflag:s26] =	ssyncadd.s32 $0xFFFFFFF0  }
0x37b: {  	[tilespmem:s13], [sflag:$0x4] =	stream.linear.gather [hbm4b:s23+s6], $0x10, $0x38;
	[tilespmem:$0x1F600] =	vst v63  }
0x37c: {  	_ =	swait.ge [sflag:s26], $0x10  }
0x37d: {  	s30 =	sld [smem:$0x7F8]  }
0x37e: {  	[sflag:s26] =	ssyncset.done $0x0  }
0x37f: {  	s18 =	simm.s32 $0x380;
	[sflag:s26] =	ssyncadd.s32 $0xFFFFFFF0  }
0x380: {  	[tilespmem:s18], [sflag:$0x4] =	stream.linear.gather [hbm4b:s30+s6], $0x10, $0x38;
	[tilespmem:$0x1F600] =	vst v63  }
0x381: {  	_ =	swait.ge [sflag:s26], $0x10  }
0x382: {  	[sflag:s26] =	ssyncset.done $0x0  }
0x383: {  	s30 =	simm.s32 $0x10;
	[sflag:s26] =	ssyncadd.s32 $0xFFFFFFF0  }
0x384: {  	[tilespmem:s8], [sflag:$0x4] =	stream.indirect.gather [hbm4b:s1+s30], $0x80, s20, s30, $0xb8;
	[tilespmem:$0x1F600] =	vst v63  }
0x385: {  	_ =	swait.ge [sflag:s26], $0x800  }
0x386: {  	[sflag:s26] =	ssyncset.done $0x0  }
0x387: {  	s12 =	simm.s32 $0x4480;
	[sflag:s26] =	ssyncadd.s32 $0xFFFFF800  }
0x388: {  	[tilespmem:s12], [sflag:$0x4] =	stream.indirect.gather [hbm4b:s14+s30], $0x80, s13, s30, $0xb8;
	[tilespmem:$0x1F600] =	vst v63  }
0x389: {  	_ =	swait.ge [sflag:s26], $0x800  }
0x38a: {  	s13 =	sld [smem:$0x7F9]  }
0x38b: {  	[sflag:s26] =	ssyncset.done $0x0  }
0x38c: {  	s30 =	simm.s32 $0x7480;
	[sflag:s26] =	ssyncadd.s32 $0xFFFFF800  }
0x38d: {  	[tilespmem:s30], [sflag:$0x4] =	stream.linear.gather [hbm4b:s13+s6], $0x800, $0x38;
	[tilespmem:$0x1F600] =	vst v63  }
0x38e: {  	_ =	swait.ge [sflag:s26], $0x800  }
0x38f: {  	[sflag:s26] =	ssyncset.done $0x0  }
0x390: {  	[sflag:s26] =	ssyncadd.s32 $0xFFFFF800  }
0x391: {  	v0 =	vld [tilespmem:$0x9480];
	_ =	sdelay $0x6  }
0x392: {  	v1 =	vimm.f32 $1.000000000e+00  }
0x393: {  	s6 =	simm.s32 $0x0;
	[tilespmem:v0+s19+$0x0] =	vst.idx.add.f32.msk $0xffff, v1  }
0x394: {  	v3 =	vld [tilespmem:s6+$0x74A0]  }
0x395: {  	v2 =	vld [tilespmem:s6+$0x74B0]  }
0x396: {  	v4 =	vld [tilespmem:s6+$0x74C0]  }
0x397: {  	v5 =	vld [tilespmem:s6+$0x74D0]  }
0x398: {  	v0 =	vld [tilespmem:s6+$0x74E0]  }
0x399: {  	v11 =	vld [tilespmem:s18+$0x0]  }
0x39a: {  	v20 =	vld [tilespmem:s6+$0x7550]  }
0x39b: {  	v22 =	vld [tilespmem:s6+$0x7560]  }
0x39c: {  	v24 =	vld [tilespmem:s6+$0x7570]  }
0x39d: {  	v26 =	vld [tilespmem:s6+$0x7580]  }
0x39e: {  	v27 =	vld [tilespmem:s6+$0x7590]  }
0x39f: {  	v18 =	vld [tilespmem:s6+$0x75A0]  }
0x3a0: {  	v17 =	vld [tilespmem:s6+$0x75B0]  }
0x3a1: {  	v16 =	vld [tilespmem:s6+$0x75C0]  }
0x3a2: {  	v29 =	vld [tilespmem:s6+$0x75D0]  }
0x3a3: {  	v30 =	vld [tilespmem:s6+$0x75E0]  }
0x3a4: {  	v31 =	vld [tilespmem:s6+$0x75F0]  }
0x3a5: {  	v32 =	vld [tilespmem:s6+$0x7600]  }
0x3a6: {  	v33 =	vld [tilespmem:s6+$0x7610]  }
0x3a7: {  	v34 =	vld [tilespmem:s6+$0x7620]  }
0x3a8: {  	v35 =	vld [tilespmem:s6+$0x7630]  }
0x3a9: {  	v36 =	vld [tilespmem:s6+$0x7640]  }
0x3aa: {  	v37 =	vld [tilespmem:s6+$0x7650]  }
0x3ab: {  	v38 =	vld [tilespmem:s6+$0x7660]  }
0x3ac: {  	v39 =	vld [tilespmem:s6+$0x7670]  }
0x3ad: {  	v6 =	vld [tilespmem:s6+$0x4480]  }
0x3ae: {  	v7 =	vld [tilespmem:s6+$0x4490]  }
0x3af: {  	v8 =	vld [tilespmem:s6+$0x44A0]  }
0x3b0: {  	[tilespmem:$0x1FEA0] =	vst v0;
	v0 =	vld [tilespmem:s6+$0x74F0]  }
0x3b1: {  	v9 =	vld [tilespmem:s6+$0x44B0]  }
0x3b2: {  	v19 =	vld [tilespmem:s6+$0x44E0]  }
0x3b3: {  	v23 =	vld [tilespmem:s6+$0x4500]  }
0x3b4: {  	v41 =	vld [tilespmem:s6+$0x4560]  }
0x3b5: {  	[tilespmem:$0x1FE90] =	vst v0;
	v0 =	vld [tilespmem:s6+$0x7500]  }
0x3b6: {  	v43 =	vld [tilespmem:s6+$0x45A0]  }
0x3b7: {  	v44 =	vld [tilespmem:s6+$0x45B0]  }
0x3b8: {  	v45 =	vld [tilespmem:s6+$0x45C0]  }
0x3b9: {  	v46 =	vld [tilespmem:s6+$0x45D0]  }
0x3ba: {  	[tilespmem:$0x1FE80] =	vst v0;
	v0 =	vld [tilespmem:s6+$0x7510]  }
0x3bb: {  	v47 =	vld [tilespmem:s6+$0x4600]  }
0x3bc: {  	v48 =	vld [tilespmem:s6+$0x4610]  }
0x3bd: {  	v49 =	vld [tilespmem:s6+$0x4620]  }
0x3be: {  	v50 =	vld [tilespmem:s6+$0x4630]  }
0x3bf: {  	[tilespmem:$0x1FE70] =	vst v0;
	v0 =	vld [tilespmem:s6+$0x7520]  }
0x3c0: {  	v51 =	vld [tilespmem:s6+$0x4660]  }
0x3c1: {  	v52 =	vld [tilespmem:s6+$0x4670]  }
0x3c2: {  	v53 =	vld [tilespmem:s6+$0x1670]  }
0x3c3: {  	v54 =	vld [tilespmem:s6+$0x1660]  }
0x3c4: {  	[tilespmem:$0x1FE60] =	vst v0;
	v0 =	vld [tilespmem:s6+$0x7530]  }
0x3c5: {  	v55 =	vld [tilespmem:s6+$0x4650]  }
0x3c6: {  	v56 =	vld [tilespmem:s6+$0x1650]  }
0x3c7: {  	v57 =	vld [tilespmem:s6+$0x4640]  }
0x3c8: {  	v58 =	vld [tilespmem:s6+$0x1640]  }
0x3c9: {  	[tilespmem:$0x1FE50] =	vst v0;
	v0 =	vld [tilespmem:s6+$0x7540]  }
0x3ca: {  	v59 =	vld [tilespmem:s6+$0x1630]  }
0x3cb: {  	v60 =	vld [tilespmem:s6+$0x1620]  }
0x3cc: {  	v61 =	vld [tilespmem:s6+$0x1610]  }
0x3cd: {  	v63 =	vld [tilespmem:s6+$0x45F0]  }
0x3ce: {  	[tilespmem:$0x1FE40] =	vst v0;
	v0 =	vld [tilespmem:s6+$0x15F0]  }
0x3cf: {  	v62 =	vld [tilespmem:s6+$0x1600]  }
0x3d0: {  	v12 =	vld [tilespmem:s6+$0x15D0];
	v52 =	vadd.f32 v52, v53  }
0x3d1: {  	v10 =	vld [tilespmem:s6+$0x45E0];
	v51 =	vadd.f32 v51, v54;
	v55 =	vadd.f32 v55, v56  }
0x3d2: {  	v1 =	vld [tilespmem:s6+$0x15E0];
	v57 =	vadd.f32 v57, v58;
	v59 =	vadd.f32 v50, v59  }
0x3d3: {  	v13 =	vld [tilespmem:s6+$0x15C0];
	v60 =	vadd.f32 v49, v60;
	v0 =	vadd.f32 v63, v0  }
0x3d4: {  	v14 =	vld [tilespmem:s6+$0x15A0];
	v61 =	vadd.f32 v48, v61;
	v48 =	vadd.f32 v47, v62  }
0x3d5: {  	v53 =	vld [tilespmem:s6+$0x15B0];
	v54 =	vbroadcast v11, $0x3;
	v12 =	vadd.f32 v46, v12;
	v0 =	vadd.f32 v31, v0  }
0x3d6: {  	v56 =	vld [tilespmem:s6+$0x1580];
	v35 =	vadd.f32 v35, v59;
	v32 =	vadd.f32 v32, v48;
	v59 =	vbroadcast v11, $0x2  }
0x3d7: {  	v50 =	vld [tilespmem:s6+$0x1560];
	v1 =	vadd.f32 v10, v1;
	v38 =	vadd.f32 v38, v51;
	v0 =	vmax.f32 v0, $0.0e+00  }
0x3d8: {  	v51 =	vld [tilespmem:s6+$0x4580];
	v12 =	vadd.f32 v29, v12;
	v10 =	vmax.f32 v32, $0.0e+00;
	v0 =	vmul.f32 v0, v59  }
0x3d9: {  	v25 =	vld [tilespmem:s6+$0x4510];
	v14 =	vadd.f32 v43, v14;
	v39 =	vadd.f32 v39, v52;
	v10 =	vmul.f32 v10, v54  }
0x3da: {  	v15 =	vld [tilespmem:s6+$0x1590];
	v1 =	vadd.f32 v30, v1;
	v12 =	vmax.f32 v12, $0.0e+00;
	[tilespmem:s6+$0x15F0] =	vst v0;
	v0 =	vadd.f32 v44, v53  }
0x3db: {  	v52 =	vld [tilespmem:s6+$0x4590];
	v36 =	vadd.f32 v36, v57;
	v12 =	vmul.f32 v12, v59;
	[tilespmem:s6+$0x1600] =	vst v10;
	v10 =	vadd.f32 v45, v13  }
0x3dc: {  	v49 =	vld [tilespmem:s6+$0x4530];
	v1 =	vmax.f32 v1, $0.0e+00;
	v0 =	vadd.f32 v17, v0;
	v17 =	vadd.f32 v41, v50  }
0x3dd: {  	v57 =	vld [tilespmem:s6+$0x1530];
	v1 =	vmul.f32 v1, v59;
	[tilespmem:s6+$0x15D0] =	vst v12;
	v12 =	vadd.f32 v51, v56;
	v10 =	vadd.f32 v16, v10  }
0x3de: {  	v14 =	vadd.f32 v18, v14;
	v13 =	vld [tilespmem:s6+$0x1510];
	v17 =	vadd.f32 v22, v17  }
0x3df: {  	[tilespmem:s6+$0x15E0] =	vst v1;
	v16 =	vld [tilespmem:s6+$0x1500];
	v12 =	vadd.f32 v26, v12;
	v1 =	vmax.f32 v10, $0.0e+00;
	v10 =	vbroadcast v11, $0x1  }
0x3e0: {  	v58 =	vld [tilespmem:s6+$0x4520];
	v14 =	vmax.f32 v14, $0.0e+00;
	v15 =	vadd.f32 v52, v15;
	v17 =	vmax.f32 v17, $0.0e+00  }
0x3e1: {  	v14 =	vmul.f32 v14, v59;
	v12 =	vmax.f32 v12, $0.0e+00;
	v26 =	vmul.f32 v17, v10;
	v17 =	vld [tilespmem:$0x1FE50]  }
0x3e2: {  	v34 =	vadd.f32 v34, v60;
	v60 =	vld [tilespmem:s6+$0x1520];
	v15 =	vadd.f32 v27, v15;
	v12 =	vmul.f32 v12, v59  }
0x3e3: {  	v42 =	vld [tilespmem:s6+$0x4570];
	[tilespmem:s6+$0x15A0] =	vst v14;
	v14 =	vadd.f32 v49, v57  }
0x3e4: {  	v15 =	vmax.f32 v15, $0.0e+00;
	[tilespmem:s6+$0x1580] =	vst v12;
	v12 =	vadd.f32 v25, v13;
	v13 =	vadd.f32 v23, v16;
	v16 =	vld [tilespmem:$0x1FE60]  }
0x3e5: {  	v37 =	vadd.f32 v37, v55;
	v55 =	vld [tilespmem:s6+$0x1570];
	v15 =	vmul.f32 v15, v59  }
0x3e6: {  	v21 =	vld [tilespmem:s6+$0x44F0];
	v14 =	vadd.f32 v17, v14  }
0x3e7: {  	v28 =	vld [tilespmem:s6+$0x4540];
	v39 =	vmax.f32 v39, $0.0e+00;
	[tilespmem:s6+$0x1590] =	vst v15;
	v15 =	vadd.f32 v58, v60  }
0x3e8: {  	v40 =	vld [tilespmem:s6+$0x4550];
	v38 =	vmax.f32 v38, $0.0e+00;
	v1 =	vmul.f32 v1, v59;
	v14 =	vmax.f32 v14, $0.0e+00  }
0x3e9: {  	v39 =	vmul.f32 v39, v54;
	v23 =	vadd.f32 v16, v15;
	v16 =	vmul.f32 v14, v10;
	v14 =	vld [tilespmem:$0x1FE80]  }
0x3ea: {  	v33 =	vadd.f32 v33, v61;
	v61 =	vld [tilespmem:s6+$0x14F0];
	v38 =	vmul.f32 v38, v54;
	[tilespmem:s6+$0x15C0] =	vst v1;
	v1 =	vadd.f32 v42, v55  }
0x3eb: {  	[tilespmem:s6+$0x1670] =	vst v39;
	v39 =	vld [tilespmem:s6+$0x1550]  }
0x3ec: {  	[tilespmem:s6+$0x1660] =	vst v38;
	v38 =	vld [tilespmem:s6+$0x1540];
	v1 =	vadd.f32 v24, v1  }
0x3ed: {  	v37 =	vmax.f32 v37, $0.0e+00;
	v36 =	vmax.f32 v36, $0.0e+00;
	v0 =	vmax.f32 v0, $0.0e+00;
	v22 =	vld [tilespmem:$0x1FE40]  }
0x3ee: {  	v1 =	vmax.f32 v1, $0.0e+00;
	v0 =	vmul.f32 v0, v59;
	v63 =	vadd.f32 v14, v13;
	v14 =	vld [tilespmem:$0x1FE90]  }
0x3ef: {  	v62 =	vld [tilespmem:s6+$0x14E0];
	v35 =	vmax.f32 v35, $0.0e+00;
	v34 =	vmax.f32 v34, $0.0e+00;
	v1 =	vmul.f32 v1, v10  }
0x3f0: {  	v33 =	vmax.f32 v33, $0.0e+00;
	v37 =	vmul.f32 v37, v54;
	v15 =	vld [tilespmem:$0x1FE70];
	[tilespmem:s6+$0x15B0] =	vst v0;
	v0 =	vadd.f32 v40, v39  }
0x3f1: {  	v36 =	vmul.f32 v36, v54;
	v27 =	vld [tilespmem:s6+$0x44D0];
	v18 =	vadd.f32 v28, v38;
	[tilespmem:s6+$0x1570] =	vst v1;
	v1 =	vadd.f32 v21, v61  }
0x3f2: {  	v35 =	vmul.f32 v35, v54;
	v34 =	vmul.f32 v34, v54;
	[tilespmem:s6+$0x1650] =	vst v37;
	v24 =	vld [tilespmem:s6+$0x14D0];
	v0 =	vadd.f32 v20, v0  }
0x3f3: {  	[tilespmem:s6+$0x1640] =	vst v36;
	v22 =	vadd.f32 v22, v18;
	v13 =	vmax.f32 v23, $0.0e+00;
	v23 =	vadd.f32 v14, v1;
	v1 =	vld [tilespmem:$0x1FEA0]  }
0x3f4: {  	v33 =	vmul.f32 v33, v54;
	[tilespmem:s6+$0x1630] =	vst v35;
	v20 =	vld [tilespmem:s6+$0x44C0]  }
0x3f5: {  	[tilespmem:s6+$0x1620] =	vst v34;
	v12 =	vadd.f32 v15, v12;
	v18 =	vld [tilespmem:s6+$0x14C0];
	v0 =	vmax.f32 v0, $0.0e+00;
	v17 =	vmax.f32 v22, $0.0e+00  }
0x3f6: {  	[tilespmem:s6+$0x1610] =	vst v33;
	v25 =	vadd.f32 v19, v62;
	v0 =	vmul.f32 v0, v10;
	v22 =	vmul.f32 v17, v10;
	v17 =	vld [tilespmem:s6+$0x14B0]  }
0x3f7: {  	v11 =	vbroadcast v11, $0x0;
	v21 =	vadd.f32 v27, v24;
	v15 =	vld [tilespmem:s6+$0x14A0];
	v19 =	vmax.f32 v12, $0.0e+00;
	[tilespmem:s6+$0x1560] =	vst v26  }
0x3f8: {  	s23 =	simm.s32 $0x10;
	s12 =	simm.s32 $0x800;
	[tilespmem:s6+$0x1550] =	vst v0;
	v24 =	vmax.f32 v63, $0.0e+00;
	v14 =	vmul.f32 v13, v10;
	v13 =	vld [tilespmem:s6+$0x1490];
	v12 =	vadd.f32 v1, v25  }
.LBB2_13:
0x3f9: {  	p1 =	sne.s32 s12, $0x1800;
	v0 =	vld [tilespmem:s6+$0x1480];
	v1 =	vmax.f32 v23, $0.0e+00;
	v23 =	vmul.f32 v24, v10;
	v10 =	vmul.f32 v19, v10;
	[tilespmem:s6+$0x1540] =	vst v22  }
0x3fa: {  	v19 =	vld [tilespmem:s6+$0x7490];
	v18 =	vadd.f32 v20, v18;
	v5 =	vadd.f32 v5, v21;
	v12 =	vmax.f32 v12, $0.0e+00;
	[tilespmem:s6+$0x1530] =	vst v16  }
0x3fb: {  	s13 =	sshra.s32 s12, $0x2;
	v1 =	vmul.f32 v1, v11;
	v16 =	vld [tilespmem:s6+$0x7480];
	v9 =	vadd.f32 v9, v17;
	v12 =	vmul.f32 v12, v11;
	[tilespmem:s6+$0x1520] =	vst v14  }
0x3fc: {  	v14 =	vld [tilespmem:s13+$0x74A0];
	v8 =	vadd.f32 v8, v15;
	v15 =	vadd.f32 v4, v18;
	v4 =	vmax.f32 v5, $0.0e+00;
	[tilespmem:s6+$0x1510] =	vst v10  }
0x3fd: {  	v7 =	vadd.f32 v7, v13;
	v9 =	vadd.f32 v2, v9;
	v2 =	vld [tilespmem:s13+$0x74B0];
	v10 =	vmul.f32 v4, v11;
	[tilespmem:s6+$0x1500] =	vst v23  }
0x3fe: {  	v4 =	vld [tilespmem:s13+$0x74C0];
	v0 =	vadd.f32 v6, v0;
	v17 =	vadd.f32 v3, v8;
	v6 =	vmax.f32 v15, $0.0e+00;
	[tilespmem:s6+$0x14F0] =	vst v1  }
0x3ff: {  	v5 =	vld [tilespmem:s13+$0x74D0];
	v1 =	vadd.f32 v19, v7;
	v7 =	vmax.f32 v9, $0.0e+00;
	v6 =	vmul.f32 v6, v11;
	[tilespmem:s6+$0x14E0] =	vst v12  }
0x400: {  	v12 =	vld [tilespmem:s13+$0x74E0];
	v0 =	vadd.f32 v16, v0;
	v9 =	vmax.f32 v17, $0.0e+00;
	v7 =	vmul.f32 v7, v11;
	[tilespmem:s6+$0x14D0] =	vst v10  }
0x401: {  	v13 =	vld [tilespmem:s13+$0x74F0];
	v1 =	vmax.f32 v1, $0.0e+00;
	v8 =	vmul.f32 v9, v11;
	[tilespmem:s6+$0x14C0] =	vst v6;
	v3 =	vmov v14  }
0x402: {  	v14 =	vld [tilespmem:s13+$0x7500];
	v0 =	vmax.f32 v0, $0.0e+00;
	v1 =	vmul.f32 v1, v11;
	[tilespmem:s6+$0x14B0] =	vst v7  }
0x403: {  	v15 =	vld [tilespmem:s13+$0x7510];
	v0 =	vmul.f32 v0, v11;
	[tilespmem:s6+$0x14A0] =	vst v8  }
0x404: {  	v16 =	vld [tilespmem:s13+$0x7520];
	[tilespmem:s6+$0x1490] =	vst v1  }
0x405: {  	s18 =	sadd.s32 $0x4, s18;
	v17 =	vld [tilespmem:s13+$0x7530];
	[tilespmem:s6+$0x1480] =	vst v0;
	s6 =	smov.u32 s13  }
0x406: {  	v0 =	vld [tilespmem:s18+$0x0]  }
0x407: {  	v18 =	vld [tilespmem:s6+$0x7540]  }
0x408: {  	v19 =	vld [tilespmem:s6+$0x7550]  }
0x409: {  	v22 =	vld [tilespmem:s6+$0x7560]  }
0x40a: {  	v24 =	vld [tilespmem:s6+$0x7570]  }
0x40b: {  	v10 =	vbroadcast v0, $0x1;
	v26 =	vld [tilespmem:s6+$0x7580];
	v20 =	vbroadcast v0, $0x2  }
0x40c: {  	v35 =	vbroadcast v0, $0x3;
	v28 =	vld [tilespmem:s6+$0x7590]  }
0x40d: {  	v29 =	vld [tilespmem:s6+$0x75A0]  }
0x40e: {  	v31 =	vld [tilespmem:s6+$0x75B0]  }
0x40f: {  	v32 =	vld [tilespmem:s6+$0x75C0]  }
0x410: {  	v34 =	vld [tilespmem:s6+$0x75D0]  }
0x411: {  	v37 =	vld [tilespmem:s6+$0x75E0]  }
0x412: {  	v39 =	vld [tilespmem:s6+$0x75F0]  }
0x413: {  	v1 =	vld [tilespmem:s6+$0x7600]  }
0x414: {  	v40 =	vld [tilespmem:s6+$0x7610]  }
0x415: {  	v41 =	vld [tilespmem:s6+$0x7620]  }
0x416: {  	v42 =	vld [tilespmem:s6+$0x7630]  }
0x417: {  	v43 =	vld [tilespmem:s6+$0x7640]  }
0x418: {  	v44 =	vld [tilespmem:s6+$0x7650]  }
0x419: {  	v11 =	vld [tilespmem:s6+$0x7660]  }
0x41a: {  	v45 =	vld [tilespmem:s6+$0x7670]  }
0x41b: {  	v6 =	vld [tilespmem:s6+$0x4480]  }
0x41c: {  	v7 =	vld [tilespmem:s6+$0x4490]  }
0x41d: {  	v8 =	vld [tilespmem:s6+$0x44A0]  }
0x41e: {  	v9 =	vld [tilespmem:s6+$0x44B0]  }
0x41f: {  	v21 =	vld [tilespmem:s6+$0x44E0]  }
0x420: {  	v23 =	vld [tilespmem:s6+$0x44F0]  }
0x421: {  	v25 =	vld [tilespmem:s6+$0x4500]  }
0x422: {  	v27 =	vld [tilespmem:s6+$0x4510]  }
0x423: {  	v30 =	vld [tilespmem:s6+$0x4540]  }
0x424: {  	v33 =	vld [tilespmem:s6+$0x4550]  }
0x425: {  	v36 =	vld [tilespmem:s6+$0x4560]  }
0x426: {  	v38 =	vld [tilespmem:s6+$0x4570]  }
0x427: {  	v46 =	vld [tilespmem:s6+$0x45A0]  }
0x428: {  	v47 =	vld [tilespmem:s6+$0x45B0]  }
0x429: {  	v48 =	vld [tilespmem:s6+$0x45C0]  }
0x42a: {  	v49 =	vld [tilespmem:s6+$0x45D0]  }
0x42b: {  	v50 =	vld [tilespmem:s6+$0x4600]  }
0x42c: {  	v51 =	vld [tilespmem:s6+$0x4610]  }
0x42d: {  	v52 =	vld [tilespmem:s6+$0x4620]  }
0x42e: {  	v53 =	vld [tilespmem:s6+$0x4630]  }
0x42f: {  	v54 =	vld [tilespmem:s6+$0x4660]  }
0x430: {  	v55 =	vld [tilespmem:s6+$0x4670]  }
0x431: {  	v56 =	vld [tilespmem:s6+$0x1670]  }
0x432: {  	v57 =	vld [tilespmem:s6+$0x1660]  }
0x433: {  	v58 =	vld [tilespmem:s6+$0x4650]  }
0x434: {  	v59 =	vld [tilespmem:s6+$0x1650]  }
0x435: {  	v60 =	vld [tilespmem:s6+$0x4640]  }
0x436: {  	v61 =	vld [tilespmem:s6+$0x1640];
	v55 =	vadd.f32 v55, v56  }
0x437: {  	v56 =	vld [tilespmem:s6+$0x1630];
	v54 =	vadd.f32 v54, v57  }
0x438: {  	v57 =	vld [tilespmem:s6+$0x1620];
	v45 =	vadd.f32 v45, v55  }
0x439: {  	v55 =	vld [tilespmem:s6+$0x1610];
	v58 =	vadd.f32 v58, v59;
	v54 =	vadd.f32 v11, v54  }
0x43a: {  	v11 =	vbroadcast v0, $0x0;
	v0 =	vld [tilespmem:s6+$0x1600];
	v45 =	vmax.f32 v45, $0.0e+00  }
0x43b: {  	v59 =	vld [tilespmem:s6+$0x45F0];
	v60 =	vadd.f32 v60, v61;
	v44 =	vadd.f32 v44, v58;
	v54 =	vmax.f32 v54, $0.0e+00  }
0x43c: {  	v45 =	vmul.f32 v45, v35;
	v58 =	vld [tilespmem:s6+$0x15F0];
	v53 =	vadd.f32 v53, v56;
	v54 =	vmul.f32 v54, v35  }
0x43d: {  	v56 =	vld [tilespmem:s6+$0x45E0];
	v52 =	vadd.f32 v52, v57;
	v43 =	vadd.f32 v43, v60;
	v44 =	vmax.f32 v44, $0.0e+00  }
0x43e: {  	v57 =	vld [tilespmem:s6+$0x15E0];
	v51 =	vadd.f32 v51, v55;
	v42 =	vadd.f32 v42, v53;
	v44 =	vmul.f32 v44, v35  }
0x43f: {  	v53 =	vld [tilespmem:s6+$0x15D0];
	v0 =	vadd.f32 v50, v0;
	v41 =	vadd.f32 v41, v52;
	v43 =	vmax.f32 v43, $0.0e+00  }
0x440: {  	v50 =	vld [tilespmem:s6+$0x15C0];
	v40 =	vadd.f32 v40, v51;
	v42 =	vmax.f32 v42, $0.0e+00;
	v43 =	vmul.f32 v43, v35  }
0x441: {  	v51 =	vld [tilespmem:s6+$0x15B0];
	v52 =	vadd.f32 v59, v58;
	v0 =	vadd.f32 v1, v0;
	v1 =	vmax.f32 v41, $0.0e+00  }
0x442: {  	v42 =	vmul.f32 v42, v35;
	v41 =	vld [tilespmem:s6+$0x15A0];
	v40 =	vmax.f32 v40, $0.0e+00;
	v1 =	vmul.f32 v1, v35  }
0x443: {  	v55 =	vld [tilespmem:s6+$0x4590];
	v56 =	vadd.f32 v56, v57;
	v39 =	vadd.f32 v39, v52;
	v0 =	vmax.f32 v0, $0.0e+00  }
0x444: {  	v52 =	vld [tilespmem:s6+$0x1590];
	v49 =	vadd.f32 v49, v53;
	v0 =	vmul.f32 v0, v35;
	v35 =	vmul.f32 v40, v35  }
0x445: {  	v40 =	vld [tilespmem:s6+$0x4580];
	v48 =	vadd.f32 v48, v50;
	v37 =	vadd.f32 v37, v56;
	v39 =	vmax.f32 v39, $0.0e+00  }
0x446: {  	v50 =	vld [tilespmem:s6+$0x1580];
	v47 =	vadd.f32 v47, v51;
	v34 =	vadd.f32 v34, v49;
	v39 =	vmul.f32 v39, v20  }
0x447: {  	v49 =	vld [tilespmem:s6+$0x1570];
	v41 =	vadd.f32 v46, v41;
	v32 =	vadd.f32 v32, v48;
	v37 =	vmax.f32 v37, $0.0e+00;
	[tilespmem:s6+$0x1670] =	vst v45  }
0x448: {  	v45 =	vld [tilespmem:s6+$0x1560];
	v31 =	vadd.f32 v31, v47;
	v34 =	vmax.f32 v34, $0.0e+00;
	v37 =	vmul.f32 v37, v20;
	[tilespmem:s6+$0x1660] =	vst v54  }
0x449: {  	v46 =	vld [tilespmem:s6+$0x1550];
	v47 =	vadd.f32 v55, v52;
	v29 =	vadd.f32 v29, v41;
	v32 =	vmax.f32 v32, $0.0e+00;
	[tilespmem:s6+$0x1650] =	vst v44  }
0x44a: {  	v34 =	vmul.f32 v34, v20;
	v41 =	vld [tilespmem:s6+$0x1540];
	v31 =	vmax.f32 v31, $0.0e+00;
	v32 =	vmul.f32 v32, v20;
	[tilespmem:s6+$0x1640] =	vst v43  }
0x44b: {  	v43 =	vld [tilespmem:s6+$0x4530];
	v40 =	vadd.f32 v40, v50;
	v28 =	vadd.f32 v28, v47;
	v29 =	vmax.f32 v29, $0.0e+00;
	[tilespmem:s6+$0x1630] =	vst v42  }
0x44c: {  	v31 =	vmul.f32 v31, v20;
	v42 =	vld [tilespmem:s6+$0x1530];
	v38 =	vadd.f32 v38, v49;
	v29 =	vmul.f32 v29, v20;
	[tilespmem:s6+$0x1620] =	vst v1  }
0x44d: {  	v1 =	vld [tilespmem:s6+$0x4520];
	v36 =	vadd.f32 v36, v45;
	v26 =	vadd.f32 v26, v40;
	v28 =	vmax.f32 v28, $0.0e+00;
	[tilespmem:s6+$0x1610] =	vst v35  }
0x44e: {  	v35 =	vld [tilespmem:s6+$0x1520];
	v33 =	vadd.f32 v33, v46;
	v24 =	vadd.f32 v24, v38;
	v28 =	vmul.f32 v28, v20;
	[tilespmem:s6+$0x1600] =	vst v0  }
0x44f: {  	v0 =	vld [tilespmem:s6+$0x1510];
	v30 =	vadd.f32 v30, v41;
	v22 =	vadd.f32 v22, v36;
	v26 =	vmax.f32 v26, $0.0e+00;
	[tilespmem:s6+$0x15F0] =	vst v39  }
0x450: {  	v36 =	vld [tilespmem:s6+$0x1500];
	v19 =	vadd.f32 v19, v33;
	v24 =	vmax.f32 v24, $0.0e+00;
	v26 =	vmul.f32 v26, v20;
	[tilespmem:s6+$0x15E0] =	vst v37  }
0x451: {  	v33 =	vld [tilespmem:s6+$0x14F0];
	v20 =	vadd.f32 v43, v42;
	v18 =	vadd.f32 v18, v30;
	v22 =	vmax.f32 v22, $0.0e+00;
	[tilespmem:s6+$0x15D0] =	vst v34  }
0x452: {  	v24 =	vmul.f32 v24, v10;
	v30 =	vld [tilespmem:s6+$0x14E0];
	v19 =	vmax.f32 v19, $0.0e+00;
	v34 =	vmul.f32 v22, v10;
	[tilespmem:s6+$0x15C0] =	vst v32  }
0x453: {  	v32 =	vld [tilespmem:s6+$0x44D0];
	v1 =	vadd.f32 v1, v35;
	v17 =	vadd.f32 v17, v20;
	v18 =	vmax.f32 v18, $0.0e+00;
	[tilespmem:s6+$0x15B0] =	vst v31  }
0x454: {  	v31 =	vld [tilespmem:s6+$0x14D0];
	v0 =	vadd.f32 v27, v0;
	v22 =	vmul.f32 v18, v10;
	v27 =	vmul.f32 v19, v10;
	[tilespmem:s6+$0x15A0] =	vst v29  }
.Ltmp6:
0x455: {  	v20 =	vld [tilespmem:s6+$0x44C0];
	v19 =	vadd.f32 v25, v36;
	v1 =	vadd.f32 v16, v1;
	v16 =	vmax.f32 v17, $0.0e+00;
	[tilespmem:s6+$0x1590] =	vst v28;
	(pc) =	sbr.rel @p1 .LBB2_13-.Ltmp6, $4  }
0x456: {  	v18 =	vld [tilespmem:s6+$0x14C0];
	v23 =	vadd.f32 v23, v33;
	v0 =	vadd.f32 v15, v0;
	v16 =	vmul.f32 v16, v10;
	[tilespmem:s6+$0x1580] =	vst v26  }
0x457: {  	v17 =	vld [tilespmem:s6+$0x14B0];
	v25 =	vadd.f32 v21, v30;
	v26 =	vadd.f32 v14, v19;
	v1 =	vmax.f32 v1, $0.0e+00;
	[tilespmem:s6+$0x1570] =	vst v24  }
0x458: {  	v15 =	vld [tilespmem:s6+$0x14A0];
	v23 =	vadd.f32 v13, v23;
	v19 =	vmax.f32 v0, $0.0e+00;
	v14 =	vmul.f32 v1, v10;
	[tilespmem:s6+$0x1560] =	vst v34  }
0x459: {  	s12 =	sadd.s32 $0x800, s12;
	v13 =	vld [tilespmem:s6+$0x1490];
	v21 =	vadd.f32 v32, v31;
	v12 =	vadd.f32 v12, v25;
	v24 =	vmax.f32 v26, $0.0e+00;
	[tilespmem:s6+$0x1550] =	vst v27  }
0x45a: {  	v0 =	vld [tilespmem:s6+$0x1480];
	[tilespmem:s6+$0x1540] =	vst v22;
	v58 =	vmax.f32 v23, $0.0e+00;
	v59 =	vmul.f32 v24, v10;
	v60 =	vmul.f32 v19, v10  }
0x45b: {  	v1 =	vld [tilespmem:s6+$0x7490];
	[tilespmem:s6+$0x1530] =	vst v16;
	v61 =	vadd.f32 v20, v18;
	v5 =	vadd.f32 v5, v21;
	v12 =	vmax.f32 v12, $0.0e+00  }
0x45c: {  	v62 =	vld [tilespmem:s6+$0x7480];
	[tilespmem:s6+$0x1520] =	vst v14;
	v63 =	vmul.f32 v58, v11;
	v9 =	vadd.f32 v9, v17;
	v12 =	vmul.f32 v12, v11  }
0x45d: {  	[tilespmem:s6+$0x1510] =	vst v60;
	v8 =	vadd.f32 v8, v15;
	v4 =	vadd.f32 v4, v61;
	v5 =	vmax.f32 v5, $0.0e+00  }
0x45e: {  	[tilespmem:s6+$0x1500] =	vst v59;
	v7 =	vadd.f32 v7, v13;
	v2 =	vadd.f32 v2, v9;
	v5 =	vmul.f32 v5, v11  }
0x45f: {  	[tilespmem:s6+$0x14F0] =	vst v63;
	v0 =	vadd.f32 v6, v0;
	v3 =	vadd.f32 v3, v8;
	v4 =	vmax.f32 v4, $0.0e+00  }
0x460: {  	[tilespmem:s6+$0x14E0] =	vst v12;
	v1 =	vadd.f32 v1, v7;
	v2 =	vmax.f32 v2, $0.0e+00;
	v4 =	vmul.f32 v4, v11  }
0x461: {  	[tilespmem:s6+$0x14D0] =	vst v5;
	v0 =	vadd.f32 v62, v0;
	v3 =	vmax.f32 v3, $0.0e+00;
	v2 =	vmul.f32 v2, v11  }
0x462: {  	v1 =	vmax.f32 v1, $0.0e+00;
	v3 =	vmul.f32 v3, v11;
	[tilespmem:s6+$0x14C0] =	vst v4  }
0x463: {  	v0 =	vmax.f32 v0, $0.0e+00;
	v1 =	vmul.f32 v1, v11;
	[tilespmem:s6+$0x14B0] =	vst v2  }
0x464: {  	v0 =	vmul.f32 v0, v11;
	[tilespmem:s6+$0x14A0] =	vst v3  }
0x465: {  	[tilespmem:s6+$0x1490] =	vst v1  }
0x466: {  	[tilespmem:s6+$0x1480] =	vst v0  }
0x467: {  	[spmem:s4] =	stream.indirect.scatter.add.f32 [tilespmem:s8], [sflag:$0x4], $0x80, s20, s23, $0xb8;
	[tilespmem:$0x1F600] =	vst v63  }
0x468: {  	_ =	swait.ge [sflag:s26], $0x800  }
0x469: {  	[sflag:s26] =	ssyncset.done $0x0  }
0x46a: {  	[sflag:s26] =	ssyncadd.s32 $0xFFFFF800  }
0x46b: {  	[bflag:$0x0] =	sbarrier.arrive $0xFFFF  }
0x46c: {  	s12 =	sld [smem:$0x7F0]  }
0x46d: {  	s30 =	rddreg [dreg:$0x5]  }
0x46e: {  	s23 =	rddreg [dreg:$0xf]  }
0x46f: {  	[hbm:s30], [sflag:s23] =	dma.local [spmem:s12], $0x500  }
0x470: {  	_ =	swait.ge [sflag:s26], $0x500  }
0x471: {  	s18 =	sld [smem:$0x7F1]  }
0x472: {  	[sflag:s26] =	ssyncset.done $0x0  }
0x473: {  	s13 =	rddreg [dreg:$0x6];
	[sflag:s26] =	ssyncadd.s32 $0xFFFFFB00  }
0x474: {  	[hbm:s13], [sflag:s23] =	dma.local [spmem:s18], $0x500  }
0x475: {  	_ =	swait.ge [sflag:s26], $0x500  }
0x476: {  	s30 =	sld [smem:$0x7F2]  }
0x477: {  	[sflag:s26] =	ssyncset.done $0x0  }
0x478: {  	s20 =	rddreg [dreg:$0x7];
	[sflag:s26] =	ssyncadd.s32 $0xFFFFFB00  }
0x479: {  	[hbm:s20], [sflag:s23] =	dma.local [spmem:s30], $0x500  }
0x47a: {  	_ =	swait.ge [sflag:s26], $0x500  }
0x47b: {  	s18 =	sld [smem:$0x7F3]  }
0x47c: {  	[sflag:s26] =	ssyncset.done $0x0  }
0x47d: {  	s13 =	rddreg [dreg:$0x8];
	[sflag:s26] =	ssyncadd.s32 $0xFFFFFB00  }
0x47e: {  	[hbm:s13], [sflag:s23] =	dma.local [spmem:s18], $0x500  }
0x47f: {  	_ =	swait.ge [sflag:s26], $0x500  }
0x480: {  	s30 =	sld [smem:$0x7F4]  }
0x481: {  	[sflag:s26] =	ssyncset.done $0x0  }
0x482: {  	s20 =	rddreg [dreg:$0x9];
	[sflag:s26] =	ssyncadd.s32 $0xFFFFFB00  }
0x483: {  	[hbm:s20], [sflag:s23] =	dma.local [spmem:s30], $0x500  }
0x484: {  	_ =	swait.ge [sflag:s26], $0x500  }
0x485: {  	s18 =	sld [smem:$0x7F5]  }
0x486: {  	[sflag:s26] =	ssyncset.done $0x0  }
0x487: {  	s13 =	rddreg [dreg:$0xa];
	[sflag:s26] =	ssyncadd.s32 $0xFFFFFB00  }
0x488: {  	[hbm:s13], [sflag:s23] =	dma.local [spmem:s18], $0x500  }
0x489: {  	_ =	swait.ge [sflag:s26], $0x500  }
0x48a: {  	s30 =	sld [smem:$0x7F6]  }
0x48b: {  	[sflag:s26] =	ssyncset.done $0x0  }
0x48c: {  	s20 =	rddreg [dreg:$0xb];
	[sflag:s26] =	ssyncadd.s32 $0xFFFFFB00  }
0x48d: {  	[hbm:s20], [sflag:s23] =	dma.local [spmem:s30], $0x500  }
0x48e: {  	_ =	swait.ge [sflag:s26], $0x500  }
0x48f: {  	s12 =	sld [smem:$0x7F7]  }
0x490: {  	[sflag:s26] =	ssyncset.done $0x0  }
0x491: {  	s6 =	rddreg [dreg:$0xc];
	[sflag:s26] =	ssyncadd.s32 $0xFFFFFB00  }
0x492: {  	[hbm:s6], [sflag:s23] =	dma.local @!p0 [spmem:s12], $0x500  }
0x493: {  	s6 =	simm.s32 @!p0 $0x4  }
0x494: {  	_ =	swait.ge @!p0 [sflag:s6], $0x500  }
0x495: {  	[sflag:s6] =	ssyncset.done @!p0 $0x0  }
0x496: {  	[sflag:s6] =	ssyncadd.s32 @!p0 $0xFFFFFB00;
	s6 =	simm.s32 $0x0  }
0x497: {  	v0 =	vld [tilespmem:s6+$0x95F0]  }
0x498: {  	v1 =	vld [tilespmem:s6+$0x9580]  }
0x499: {  	v6 =	vld [tilespmem:s6+$0x9590]  }
0x49a: {  	v4 =	vld [tilespmem:s6+$0x95A0]  }
0x49b: {  	v2 =	vld [tilespmem:s6+$0x95B0]  }
0x49c: {  	v3 =	vld [tilespmem:s6+$0x95C0];
	[tilespmem:s6+$0x4F0] =	vst v0  }
0x49d: {  	v5 =	vld [tilespmem:s6+$0x95D0];
	[tilespmem:s6+$0x480] =	vst v1  }
0x49e: {  	s13 =	simm.s32 $0x400;
	s12 =	simm.s32 $0x80;
	[tilespmem:s6+$0x490] =	vst v6;
	v6 =	vld [tilespmem:s6+$0x95E0]  }
.LBB2_15:
0x49f: {  	p1 =	sne.s32 s13, $0x3E00;
	v0 =	vld [tilespmem:s12+$0x95F0];
	[tilespmem:s6+$0x4A0] =	vst v4  }
0x4a0: {  	v1 =	vld [tilespmem:s12+$0x9580];
	[tilespmem:s6+$0x4B0] =	vst v2  }
0x4a1: {  	v7 =	vld [tilespmem:s12+$0x9590];
	[tilespmem:s6+$0x4C0] =	vst v3  }
.Ltmp7:
0x4a2: {  	v4 =	vld [tilespmem:s12+$0x95A0];
	[tilespmem:s6+$0x4D0] =	vst v5;
	(pc) =	sbr.rel @p1 .LBB2_15-.Ltmp7, $4  }
0x4a3: {  	v2 =	vld [tilespmem:s12+$0x95B0];
	[tilespmem:s6+$0x4E0] =	vst v6;
	s6 =	smov.u32 s12  }
0x4a4: {  	v3 =	vld [tilespmem:s6+$0x95C0];
	[tilespmem:s6+$0x4F0] =	vst v0  }
0x4a5: {  	[tilespmem:s6+$0x480] =	vst v1;
	v5 =	vld [tilespmem:s6+$0x95D0]  }
0x4a6: {  	s12 =	sshra.s32 s13, $0x2;
	s13 =	sadd.s32 $0x200, s13;
	[tilespmem:s6+$0x490] =	vst v7;
	v6 =	vld [tilespmem:s6+$0x95E0]  }
0x4a7: {  	v0 =	vld [tilespmem:s12+$0x95F0];
	[tilespmem:s6+$0x4A0] =	vst v4  }
0x4a8: {  	v1 =	vld [tilespmem:s12+$0x9580];
	[tilespmem:s6+$0x4B0] =	vst v2  }
0x4a9: {  	v2 =	vld [tilespmem:s12+$0x9590];
	[tilespmem:s6+$0x4C0] =	vst v3  }
0x4aa: {  	v3 =	vld [tilespmem:s12+$0x95A0];
	[tilespmem:s6+$0x4D0] =	vst v5  }
0x4ab: {  	v4 =	vld [tilespmem:s12+$0x95B0];
	[tilespmem:s6+$0x4E0] =	vst v6  }
0x4ac: {  	v5 =	vld [tilespmem:s12+$0x95C0];
	[tilespmem:s12+$0x4F0] =	vst v0  }
0x4ad: {  	v0 =	vld [tilespmem:s12+$0x95D0];
	[tilespmem:s12+$0x480] =	vst v1  }
0x4ae: {  	v1 =	vld [tilespmem:s12+$0x95E0];
	[tilespmem:s12+$0x490] =	vst v2  }
0x4af: {  	[tilespmem:s12+$0x4A0] =	vst v3  }
0x4b0: {  	[tilespmem:s12+$0x4B0] =	vst v4  }
0x4b1: {  	s30 =	sld [smem:$0x7FA];
	[tilespmem:s12+$0x4C0] =	vst v5  }
0x4b2: {  	[tilespmem:s12+$0x4D0] =	vst v0  }
0x4b3: {  	s20 =	simm.s32 $0x0;
	s13 =	simm.s32 $0x480;
	[tilespmem:s12+$0x4E0] =	vst v1  }
0x4b4: {  	[hbm4b:s30+s20] =	stream.linear.scatter [tilespmem:s13], [sflag:$0x4], $0x1000, $0x38;
	[tilespmem:$0x1F600] =	vst v63  }
0x4b5: {  	_ =	swait.ge [sflag:s26], $0x1000  }
0x4b6: {  	[sflag:s26] =	ssyncset.done $0x0  }
0x4b7: {  	s6 =	simm.s32 $0x0;
	[sflag:s26] =	ssyncadd.s32 $0xFFFFF000  }
0x4b8: {  	v0 =	vld [tilespmem:s6+$0xA5F0]  }
0x4b9: {  	v1 =	vld [tilespmem:s6+$0xA580]  }
0x4ba: {  	v6 =	vld [tilespmem:s6+$0xA590]  }
0x4bb: {  	v4 =	vld [tilespmem:s6+$0xA5A0]  }
0x4bc: {  	v2 =	vld [tilespmem:s6+$0xA5B0]  }
0x4bd: {  	v3 =	vld [tilespmem:s6+$0xA5C0];
	[tilespmem:s6+$0x4F0] =	vst v0  }
0x4be: {  	v5 =	vld [tilespmem:s6+$0xA5D0];
	[tilespmem:s6+$0x480] =	vst v1  }
0x4bf: {  	s12 =	simm.s32 $0x80;
	s13 =	simm.s32 $0x400;
	[tilespmem:s6+$0x490] =	vst v6;
	v6 =	vld [tilespmem:s6+$0xA5E0]  }
.LBB2_17:
0x4c0: {  	p1 =	sne.s32 s13, $0x3E00;
	v0 =	vld [tilespmem:s12+$0xA5F0];
	[tilespmem:s6+$0x4A0] =	vst v4  }
0x4c1: {  	v1 =	vld [tilespmem:s12+$0xA580];
	[tilespmem:s6+$0x4B0] =	vst v2  }
0x4c2: {  	v7 =	vld [tilespmem:s12+$0xA590];
	[tilespmem:s6+$0x4C0] =	vst v3  }
.Ltmp8:
0x4c3: {  	v4 =	vld [tilespmem:s12+$0xA5A0];
	[tilespmem:s6+$0x4D0] =	vst v5;
	(pc) =	sbr.rel @p1 .LBB2_17-.Ltmp8, $4  }
0x4c4: {  	v2 =	vld [tilespmem:s12+$0xA5B0];
	[tilespmem:s6+$0x4E0] =	vst v6;
	s6 =	smov.u32 s12  }
0x4c5: {  	v3 =	vld [tilespmem:s6+$0xA5C0];
	[tilespmem:s6+$0x4F0] =	vst v0  }
0x4c6: {  	[tilespmem:s6+$0x480] =	vst v1;
	v5 =	vld [tilespmem:s6+$0xA5D0]  }
0x4c7: {  	s12 =	sshra.s32 s13, $0x2;
	s13 =	sadd.s32 $0x200, s13;
	[tilespmem:s6+$0x490] =	vst v7;
	v6 =	vld [tilespmem:s6+$0xA5E0]  }
0x4c8: {  	v0 =	vld [tilespmem:s12+$0xA5F0];
	[tilespmem:s6+$0x4A0] =	vst v4  }
0x4c9: {  	v1 =	vld [tilespmem:s12+$0xA580];
	[tilespmem:s6+$0x4B0] =	vst v2  }
0x4ca: {  	v2 =	vld [tilespmem:s12+$0xA590];
	[tilespmem:s6+$0x4C0] =	vst v3  }
0x4cb: {  	v3 =	vld [tilespmem:s12+$0xA5A0];
	[tilespmem:s6+$0x4D0] =	vst v5  }
0x4cc: {  	v4 =	vld [tilespmem:s12+$0xA5B0];
	[tilespmem:s6+$0x4E0] =	vst v6  }
0x4cd: {  	v5 =	vld [tilespmem:s12+$0xA5C0];
	[tilespmem:s12+$0x4F0] =	vst v0  }
0x4ce: {  	v0 =	vld [tilespmem:s12+$0xA5D0];
	[tilespmem:s12+$0x480] =	vst v1  }
0x4cf: {  	v1 =	vld [tilespmem:s12+$0xA5E0];
	[tilespmem:s12+$0x490] =	vst v2  }
0x4d0: {  	[tilespmem:s12+$0x4A0] =	vst v3  }
0x4d1: {  	[tilespmem:s12+$0x4B0] =	vst v4  }
0x4d2: {  	s30 =	sld [smem:$0x7FB];
	[tilespmem:s12+$0x4C0] =	vst v5  }
0x4d3: {  	[tilespmem:s12+$0x4D0] =	vst v0  }
0x4d4: {  	s20 =	simm.s32 $0x0;
	s13 =	simm.s32 $0x480;
	[tilespmem:s12+$0x4E0] =	vst v1  }
0x4d5: {  	[hbm4b:s30+s20] =	stream.linear.scatter [tilespmem:s13], [sflag:$0x4], $0x1000, $0x38;
	[tilespmem:$0x1F600] =	vst v63  }
0x4d6: {  	_ =	swait.ge [sflag:s26], $0x1000  }
0x4d7: {  	[sflag:s26] =	ssyncset.done $0x0  }
0x4d8: {  	s6 =	simm.s32 $0x0;
	[sflag:s26] =	ssyncadd.s32 $0xFFFFF000  }
0x4d9: {  	v0 =	vld [tilespmem:s6+$0xB5F0]  }
0x4da: {  	v1 =	vld [tilespmem:s6+$0xB580]  }
0x4db: {  	v6 =	vld [tilespmem:s6+$0xB590]  }
0x4dc: {  	v4 =	vld [tilespmem:s6+$0xB5A0]  }
0x4dd: {  	v2 =	vld [tilespmem:s6+$0xB5B0]  }
0x4de: {  	v3 =	vld [tilespmem:s6+$0xB5C0];
	[tilespmem:s6+$0x4F0] =	vst v0  }
0x4df: {  	v5 =	vld [tilespmem:s6+$0xB5D0];
	[tilespmem:s6+$0x480] =	vst v1  }
0x4e0: {  	s12 =	simm.s32 $0x80;
	s13 =	simm.s32 $0x400;
	[tilespmem:s6+$0x490] =	vst v6;
	v6 =	vld [tilespmem:s6+$0xB5E0]  }
.LBB2_19:
0x4e1: {  	p1 =	sne.s32 s13, $0x1E00;
	v0 =	vld [tilespmem:s12+$0xB5F0];
	[tilespmem:s6+$0x4A0] =	vst v4  }
0x4e2: {  	v1 =	vld [tilespmem:s12+$0xB580];
	[tilespmem:s6+$0x4B0] =	vst v2  }
0x4e3: {  	v7 =	vld [tilespmem:s12+$0xB590];
	[tilespmem:s6+$0x4C0] =	vst v3  }
.Ltmp9:
0x4e4: {  	v4 =	vld [tilespmem:s12+$0xB5A0];
	[tilespmem:s6+$0x4D0] =	vst v5;
	(pc) =	sbr.rel @p1 .LBB2_19-.Ltmp9, $4  }
0x4e5: {  	v2 =	vld [tilespmem:s12+$0xB5B0];
	[tilespmem:s6+$0x4E0] =	vst v6;
	s6 =	smov.u32 s12  }
0x4e6: {  	v3 =	vld [tilespmem:s6+$0xB5C0];
	[tilespmem:s6+$0x4F0] =	vst v0  }
0x4e7: {  	[tilespmem:s6+$0x480] =	vst v1;
	v5 =	vld [tilespmem:s6+$0xB5D0]  }
0x4e8: {  	s12 =	sshra.s32 s13, $0x2;
	s13 =	sadd.s32 $0x200, s13;
	[tilespmem:s6+$0x490] =	vst v7;
	v6 =	vld [tilespmem:s6+$0xB5E0]  }
0x4e9: {  	v0 =	vld [tilespmem:s12+$0xB5F0];
	[tilespmem:s6+$0x4A0] =	vst v4  }
0x4ea: {  	v1 =	vld [tilespmem:s12+$0xB580];
	[tilespmem:s6+$0x4B0] =	vst v2  }
0x4eb: {  	v2 =	vld [tilespmem:s12+$0xB590];
	[tilespmem:s6+$0x4C0] =	vst v3  }
0x4ec: {  	v3 =	vld [tilespmem:s12+$0xB5A0];
	[tilespmem:s6+$0x4D0] =	vst v5  }
0x4ed: {  	v4 =	vld [tilespmem:s12+$0xB5B0];
	[tilespmem:s6+$0x4E0] =	vst v6  }
0x4ee: {  	v5 =	vld [tilespmem:s12+$0xB5C0];
	[tilespmem:s12+$0x4F0] =	vst v0  }
0x4ef: {  	v0 =	vld [tilespmem:s12+$0xB5D0];
	[tilespmem:s12+$0x480] =	vst v1  }
0x4f0: {  	v1 =	vld [tilespmem:s12+$0xB5E0];
	[tilespmem:s12+$0x490] =	vst v2  }
0x4f1: {  	[tilespmem:s12+$0x4A0] =	vst v3  }
0x4f2: {  	[tilespmem:s12+$0x4B0] =	vst v4  }
0x4f3: {  	s13 =	sld [smem:$0x7FC];
	[tilespmem:s12+$0x4C0] =	vst v5  }
0x4f4: {  	[tilespmem:s12+$0x4D0] =	vst v0  }
0x4f5: {  	s18 =	simm.s32 $0x480;
	[tilespmem:s12+$0x4E0] =	vst v1  }
0x4f6: {  	[hbm4b:s13+s5] =	stream.linear.scatter [tilespmem:s18], [sflag:$0x4], $0x800, $0x38;
	[tilespmem:$0x1F600] =	vst v63  }
0x4f7: {  	_ =	swait.ge [sflag:s26], $0x800  }
0x4f8: {  	s20 =	sld [smem:$0x7EF]  }
0x4f9: {  	s30 =	sld [smem:$0x7FD];
	_ =	sdelay $0x1  }
0x4fa: {  	s12 =	sadd.s32 $0x1, s20  }
0x4fb: {  	p1 =	sne.s32 s12, s30  }
.Ltmp10:
0x4fc: {  	_ = 	snop;
	(pc) =	sbr.rel @p1 .LBB2_1-.Ltmp10, $3  }
0x4fd: {  	_ =	sdelay $0x1  }
0x4fe: {  	[sflag:s26] =	ssyncset.done $0x0  }
0x4ff: {  	v0 =	vimm.f32 $0.0e+00;
	[sflag:s26] =	ssyncadd.s32 $0xFFFFF800  }
0x500: {  	_ =	sfence.sel $0x180000  }
0x501: {  	[bflag:$0x0] =	sbarrier.arrive $0xFFFF  }
0x502: {  	_ =	strace $0x90000047  }
0x503: {  	s0 =	stileid.u32;
	[bflag:$0x2] =	sbarrier.arrive $0xFFFF  }
0x504: {  	p0 =	sne.s32 s0, $0x0;
	s0 =	rddreg [dreg:$0x4]  }
0x505: {  	s0 =	sadd.s32 @!p0 $0x100000, s0  }
0x506: {  	[sflag:s0] =	ssyncadd.tile.s32 @!p0 $0x1;
	_ =	shalt  }
.Lfunc_end2:
_tile_overlayer_lowered:
.L_overlay_start_2:
0x507: {  	(tag) =	ssettag $0x2  }
0x508: {  	s0 =	rddreg [dreg:$0x0];
	s2 =	stileid.u32  }
0x509: {  	s1 =	rddreg [dreg:$0x1];
	p0 =	sne.s32 s2, $0x0  }
0x50a: {  	s3 =	rddreg [dreg:$0x2];
	[bflag:$0x3] =	sbarrier.arrive $0xFFFF;
	s2 =	simm.s32 @!p0 $0x1C04  }
0x50b: {  	[timem:s3], [sflag:s2] =	dma.local @!p0 [hbm:s0], s1  }
0x50c: {  	s0 =	simm.s32 @!p0 $0x4  }
0x50d: {  	_ =	swait.ge @!p0 [sflag:s0], s1  }
0x50e: {  	s1 =	ssub.s32 @!p0 $0x0, s1;
	[sflag:s0] =	ssyncset.done @!p0 $0x0  }
0x50f: {  	[sflag:s0] =	ssyncadd.s32 @!p0 s1  }
0x510: {  	[bflag:$0x3] =	sbarrier.arrive $0xFFFF  }
0x511: {  	_ =	shalt  }

</sc_bundles>
